<compile_context>
chip_gen: v7x
topology: tpu7x:2x2x1
jax: 0.10.2.dev20260603
libtpu: 0.0.44.dev20260713+nightly
codegen_flags: <defaults>
</compile_context>

<pallas_src>
import functools

import jax
import jax.numpy as jnp
from jax import lax
from jax.experimental import pallas as pl
from jax.experimental.pallas import tpu as pltpu
from jax.experimental.pallas import tpu_sc as plsc

N = 10000
E = 320000
NP = 10240
NC = 2
NS = 16
NW = NC * NS
K = 80
EPW = 10000
C = E // (NW * K)
DG = 5
CG = C // DG
RPT = NP // NS

_MESH = plsc.VectorSubcoreMesh(core_axis_name="c", subcore_axis_name="s")


def _zero_rows(ref, nrows, ncols):
  z16 = jnp.zeros((16,), jnp.float32)

  def body(r, carry):
    for cc in range(ncols // 16):
      ref[r, pl.ds(cc * 16, 16)] = z16
    return carry

  lax.fori_loop(0, nrows, body, 0)


def _deg_kernel(dst_hbm, degp_hbm, ones_v, dst_v, zb_v, shared):
  c = lax.axis_index("c")
  s = lax.axis_index("s")
  wid = c * NS + s

  one16 = jnp.ones((16,), jnp.float32)
  z16 = jnp.zeros((16,), jnp.float32)
  for i in range(K // 16):
    ones_v[pl.ds(16 * i, 16)] = one16
  if K % 16:
    ones_v[pl.ds(K - 16, 16)] = one16
  for i in range(RPT // 16):
    zb_v[pl.ds(16 * i, 16)] = z16

  pltpu.sync_copy(zb_v, shared.at[pl.ds(s * RPT, RPT)])
  plsc.subcore_barrier()

  pltpu.sync_copy(dst_hbm.at[wid], dst_v)

  def body(j, carry):
    pltpu.sync_copy(ones_v, shared.at[dst_v.at[j]], add=True)
    return carry

  lax.fori_loop(0, C, body, 0)
  plsc.subcore_barrier()

  pltpu.sync_copy(shared.at[pl.ds(s * RPT, RPT)],
                  degp_hbm.at[c, pl.ds(s * RPT, RPT)])


def _make_deg():
  return functools.partial(
      pl.kernel,
      out_type=jax.ShapeDtypeStruct((NC, NP), jnp.float32),
      mesh=_MESH,
      scratch_types=[
          pltpu.VMEM((K,), jnp.float32),
          pltpu.VMEM((C, K), jnp.int32),
          pltpu.VMEM((RPT,), jnp.float32),
          pltpu.VMEM_SHARED((NP,), jnp.float32),
      ],
  )(_deg_kernel)


def _agg_kernel(d, src_hbm, dst_hbm, xs_hbm, out_hbm,
                src_v, dst_g, rows_a, rows_b, rows_c, shared,
                sem_a, sem_b, sem_c, sem_d):
  c = lax.axis_index("c")
  s = lax.axis_index("s")
  wid = c * NS + s

  _zero_rows(rows_a, K, d)
  for t in range(RPT // K):
    pltpu.sync_copy(rows_a, shared.at[pl.ds(s * RPT + t * K, K)])
  plsc.subcore_barrier()

  pltpu.sync_copy(src_hbm.at[wid], src_v)

  def gather(j, buf, sem):
    pltpu.async_copy(xs_hbm.at[src_v.at[pl.ds(j * K, K)]], buf, sem)

  def wait(j, buf, sem):
    pltpu.make_async_copy(xs_hbm.at[src_v.at[pl.ds(j * K, K)]], buf,
                          sem).wait()

  pltpu.sync_copy(dst_hbm.at[wid, 0], dst_g.at[0])
  pltpu.async_copy(dst_hbm.at[wid, 1], dst_g.at[1], sem_d)

  for g in range(DG):
    if g > 0:
      pltpu.make_async_copy(dst_hbm.at[wid, g], dst_g.at[g % 2],
                            sem_d).wait()
      if g + 1 < DG:
        pltpu.async_copy(dst_hbm.at[wid, g + 1], dst_g.at[(g + 1) % 2],
                         sem_d)
    jb = g * CG
    gslot = g % 2

    def scatter(lj, buf, gslot=gslot):
      pltpu.sync_copy(buf, shared.at[dst_g.at[gslot, lj]], add=True)

    gather(jb, rows_a, sem_a)
    gather(jb + 1, rows_b, sem_b)

    def triple(t, carry, jb=jb, scatter=scatter):
      lj = 3 * t
      j = jb + lj

      @pl.when(lj + 2 < CG)
      def _():
        gather(j + 2, rows_c, sem_c)

      wait(j, rows_a, sem_a)
      scatter(lj, rows_a)

      @pl.when(lj + 3 < CG)
      def _():
        gather(j + 3, rows_a, sem_a)

      @pl.when(lj + 1 < CG)
      def _():
        wait(j + 1, rows_b, sem_b)
        scatter(lj + 1, rows_b)

      @pl.when(lj + 4 < CG)
      def _():
        gather(j + 4, rows_b, sem_b)

      @pl.when(lj + 2 < CG)
      def _():
        wait(j + 2, rows_c, sem_c)
        scatter(lj + 2, rows_c)

      return carry

    lax.fori_loop(0, (CG + 2) // 3, triple, 0)

  plsc.subcore_barrier()

  pltpu.sync_copy(shared.at[pl.ds(s * RPT, RPT)],
                  out_hbm.at[c, pl.ds(s * RPT, RPT)])


def _make_agg(d):
  return functools.partial(
      pl.kernel,
      out_type=jax.ShapeDtypeStruct((NC, NP, d), jnp.float32),
      mesh=_MESH,
      scratch_types=[
          pltpu.VMEM((EPW,), jnp.int32),
          pltpu.VMEM((2, CG, K), jnp.int32),
          pltpu.VMEM((K, d), jnp.float32),
          pltpu.VMEM((K, d), jnp.float32),
          pltpu.VMEM((K, d), jnp.float32),
          pltpu.VMEM_SHARED((NP, d), jnp.float32),
          pltpu.SemaphoreType.DMA,
          pltpu.SemaphoreType.DMA,
          pltpu.SemaphoreType.DMA,
          pltpu.SemaphoreType.DMA,
      ],
  )(functools.partial(_agg_kernel, d))



_R = 400


def _dinv_block(degp_ref):
  blk = degp_ref[...]
  deg = blk[:, 0] + blk[:, 1] + 1.0
  return lax.rsqrt(deg)[:, None]


def _tc1_kernel(x_ref, w1_ref, degp_ref, xs_ref):
  h1 = jnp.dot(x_ref[...], w1_ref[...], preferred_element_type=jnp.float32)
  xs_ref[...] = _dinv_block(degp_ref) * h1


def _tc2_kernel(p_ref, xs_ref, degp_ref, w2_ref, b1_ref, ys_ref):
  dinv = _dinv_block(degp_ref)
  acc = p_ref[0] + p_ref[1] + xs_ref[...]
  h = jnp.maximum(dinv * acc + b1_ref[...], 0.0)
  h2 = jnp.dot(h, w2_ref[...], preferred_element_type=jnp.float32)
  ys_ref[...] = dinv * h2


def _tc3_kernel(d_out, q_ref, ys_ref, degp_ref, b2_ref, z_ref):
  dinv = _dinv_block(degp_ref)
  acc = q_ref[0] + q_ref[1] + ys_ref[...]
  z = jnp.maximum(dinv * acc + b2_ref[...], 0.0)
  z_ref[...] = z[:, :d_out]


def _row_blocked(d):
  return pl.BlockSpec((_R, d), lambda i: (i, 0))


def _degp_spec():
  return pl.BlockSpec((_R, 2), lambda i: (i, 0))


def _full(shape):
  return pl.BlockSpec(shape, lambda i: tuple(0 for _ in shape))


def kernel(x, edge_index, W1, b1, W2, b2):
  d_in = x.shape[1]
  d_hid = W1.shape[1]
  d_out = W2.shape[1]

  W2p = jnp.pad(W2, ((0, 0), (0, d_hid - d_out)))
  b2p = jnp.pad(b2, (0, d_hid - d_out))

  src = edge_index[0].reshape(NW, EPW)
  dst3 = edge_index[1].reshape(NW, C, K)
  dst = edge_index[1].reshape(NW, DG, CG, K)

  degp = _make_deg()(dst3)
  degp_t = degp.T

  xs = pl.pallas_call(
      _tc1_kernel,
      grid=(N // _R,),
      in_specs=[_row_blocked(d_in), _full((d_in, d_hid)), _degp_spec()],
      out_specs=_row_blocked(d_hid),
      out_shape=jax.ShapeDtypeStruct((N, d_hid), jnp.float32),
  )(x, W1, degp_t)

  p = _make_agg(d_hid)(src, dst, xs)

  ys = pl.pallas_call(
      _tc2_kernel,
      grid=(N // _R,),
      in_specs=[
          pl.BlockSpec((2, _R, d_hid), lambda i: (0, i, 0)),
          _row_blocked(d_hid),
          _degp_spec(),
          _full((d_hid, d_hid)),
          _full((1, d_hid)),
      ],
      out_specs=_row_blocked(d_hid),
      out_shape=jax.ShapeDtypeStruct((N, d_hid), jnp.float32),
  )(p, xs, degp_t, W2p, b1.reshape(1, d_hid))

  q = _make_agg(d_hid)(src, dst, ys)

  z = pl.pallas_call(
      functools.partial(_tc3_kernel, d_out),
      grid=(N // _R,),
      in_specs=[
          pl.BlockSpec((2, _R, d_hid), lambda i: (0, i, 0)),
          _row_blocked(d_hid),
          _degp_spec(),
          _full((1, d_hid)),
      ],
      out_specs=_row_blocked(d_out),
      out_shape=jax.ShapeDtypeStruct((N, d_out), jnp.float32),
  )(q, ys, degp_t, b2p.reshape(1, d_hid))

  return z

# --- scband reference (transcript-rebuilt; emitter-appended) ---
"""Pipeline reference for scband-encoder-23871428231490 (READ-ONLY COPY).

The authoritative reference and input builder live on the scoring server;
editing this copy changes nothing except your own understanding.
"""

import jax, jax.numpy as jnp
import numpy as np

N = 10000
E = 320000
D_IN = 128
D_HID = 128
D_OUT = 64


def _glorot(key, shape):
    fan_in, fan_out = shape[0], shape[1]
    limit = np.sqrt(6.0 / (fan_in + fan_out))
    return jax.random.uniform(key, shape, dtype=jnp.float32, minval=-limit, maxval=limit)


def setup_inputs(seed: int = 0) -> dict:
    key = jax.random.key(seed)
    k1, k2, k3, k4 = jax.random.split(key, 4)
    x = jax.random.normal(k1, (N, D_IN), dtype=jnp.float32)
    edge_index = jax.random.randint(k2, (2, E), 0, N, dtype=jnp.int32)
    W1 = _glorot(k3, (D_IN, D_HID))
    b1 = jnp.zeros((D_HID,), dtype=jnp.float32)
    W2 = _glorot(k4, (D_HID, D_OUT))
    b2 = jnp.zeros((D_OUT,), dtype=jnp.float32)
    return {"x": x, "edge_index": edge_index, "W1": W1, "b1": b1, "W2": W2, "b2": b2}


def _gcn_conv(x, src, dst, W, b):
    # PyG GCNConv semantics: linear transform, add self-loops, symmetric norm, scatter-add, bias.
    x = x @ W
    loop = jnp.arange(N, dtype=src.dtype)
    src_f = jnp.concatenate([src, loop])
    dst_f = jnp.concatenate([dst, loop])
    ones = jnp.ones(src_f.shape[0], dtype=x.dtype)
    deg = jax.ops.segment_sum(ones, dst_f, num_segments=N)
    dinv = jnp.where(deg > 0, jax.lax.rsqrt(deg), 0.0)
    norm = dinv[src_f] * dinv[dst_f]
    msgs = x[src_f] * norm[:, None]
    out = jax.ops.segment_sum(msgs, dst_f, num_segments=N)
    return out + b


def reference(x, edge_index, W1, b1, W2, b2):
    src, dst = edge_index[0], edge_index[1]
    h = jax.nn.relu(_gcn_conv(x, src, dst, W1, b1))
    z = jax.nn.relu(_gcn_conv(h, src, dst, W2, b2))
    return z

if __name__ == "__main__":
    import jax
    _d = setup_inputs()
    print(jax.jit(kernel)(*tuple(_d.values())))

</pallas_src>

<mosaic_0001>
#map = affine_map<(d0, d1) -> (0, 0)>
#map1 = affine_map<(d0, d1) -> (0, 0, 0, 0)>
#map2 = affine_map<(d0, d1) -> (0, 0, 0)>
module attributes {stable_mosaic.version = 14 : i64} {
  func.func @_agg_kernel(%arg0: i32, %arg1: i32, %arg2: memref<32x10000xi32, #tpu.memory_space<hbm>>, %arg3: memref<32x5x25x80xi32, #tpu.memory_space<hbm>>, %arg4: memref<10000x128xf32, #tpu.memory_space<hbm>>, %arg5: memref<2x10240x128xf32, #tpu.memory_space<hbm>>, %arg6: memref<10000xi32, #tpu.memory_space<vmem>>, %arg7: memref<2x25x80xi32, #tpu.memory_space<vmem>>, %arg8: memref<80x128xf32, #tpu.memory_space<vmem>>, %arg9: memref<80x128xf32, #tpu.memory_space<vmem>>, %arg10: memref<80x128xf32, #tpu.memory_space<vmem>>, %arg11: memref<10240x128xf32, #tpu.memory_space<vmem_shared>>, %arg12: memref<!tpu.dma_semaphore, #tpu.memory_space<semaphore_mem>>, %arg13: memref<!tpu.dma_semaphore, #tpu.memory_space<semaphore_mem>>, %arg14: memref<!tpu.dma_semaphore, #tpu.memory_space<semaphore_mem>>, %arg15: memref<!tpu.dma_semaphore, #tpu.memory_space<semaphore_mem>>) attributes {dimension_semantics = [#tpu.dimension_semantics<core_parallel>, #tpu.dimension_semantics<subcore_parallel>], iteration_bounds = array<i64: 2, 16>, scalar_prefetch = 0 : i64, scratch_operands = 10 : i64, tpu.core_type = #tpu.core_type<sc_vector_subcore>, window_params = [{transform_indices = #map}, {transform_indices = #map1}, {transform_indices = #map}, {transform_indices = #map2}]} {
    %mul3A = arith.constant 16 : i32
    %mul3A_0 = arith.muli %arg0, %mul3A : i32
    %add3A = arith.addi %mul3A_0, %arg1 : i32
    %broadcast_in_dim3A = arith.constant 0.000000e+00 : f32
    %broadcast_in_dim3A_1 = vector.broadcast %broadcast_in_dim3A : f32 to vector<16xf32>
    %scan3A = arith.constant 0 : i32
    %scan3A_2 = arith.constant 0 : i32
    %scan3A_3 = arith.constant 80 : i32
    %scan3A_4 = arith.addi %scan3A_2, %scan3A_3 : i32
    %scan3A_5 = arith.constant 1 : i32
    scf.for %scan3A_267 = %scan3A_2 to %scan3A_4 step %scan3A_5  : i32 {
      %swap3A = arith.index_cast %scan3A_267 : i32 to index
      %swap3A_268 = arith.constant 0 : index
      %swap3A_269 = tpu.vector_load %arg8[%swap3A, %swap3A_268] {strides = array<i32>} : memref<80x128xf32, #tpu.memory_space<vmem>>, vector<1x16xf32>,
      %swap3A_270 = vector.shape_cast %swap3A_269 : vector<1x16xf32> to vector<16xf32>
      %swap3A_271 = vector.shape_cast %broadcast_in_dim3A_1 : vector<16xf32> to vector<1x16xf32>
      tpu.vector_store %arg8[%swap3A, %swap3A_268], %swap3A_271 {strides = array<i32>} : memref<80x128xf32, #tpu.memory_space<vmem>>, vector<1x16xf32>,
      %swap3A_272 = arith.index_cast %scan3A_267 : i32 to index
      %swap3A_273 = arith.constant 16 : index
      %swap3A_274 = tpu.vector_load %arg8[%swap3A_272, %swap3A_273] {strides = array<i32>} : memref<80x128xf32, #tpu.memory_space<vmem>>, vector<1x16xf32>,
      %swap3A_275 = vector.shape_cast %swap3A_274 : vector<1x16xf32> to vector<16xf32>
      %swap3A_276 = vector.shape_cast %broadcast_in_dim3A_1 : vector<16xf32> to vector<1x16xf32>
      tpu.vector_store %arg8[%swap3A_272, %swap3A_273], %swap3A_276 {strides = array<i32>} : memref<80x128xf32, #tpu.memory_space<vmem>>, vector<1x16xf32>,
      %swap3A_277 = arith.index_cast %scan3A_267 : i32 to index
      %swap3A_278 = arith.constant 32 : index
      %swap3A_279 = tpu.vector_load %arg8[%swap3A_277, %swap3A_278] {strides = array<i32>} : memref<80x128xf32, #tpu.memory_space<vmem>>, vector<1x16xf32>,
      %swap3A_280 = vector.shape_cast %swap3A_279 : vector<1x16xf32> to vector<16xf32>
      %swap3A_281 = vector.shape_cast %broadcast_in_dim3A_1 : vector<16xf32> to vector<1x16xf32>
      tpu.vector_store %arg8[%swap3A_277, %swap3A_278], %swap3A_281 {strides = array<i32>} : memref<80x128xf32, #tpu.memory_space<vmem>>, vector<1x16xf32>,
      %swap3A_282 = arith.index_cast %scan3A_267 : i32 to index
      %swap3A_283 = arith.constant 48 : index
      %swap3A_284 = tpu.vector_load %arg8[%swap3A_282, %swap3A_283] {strides = array<i32>} : memref<80x128xf32, #tpu.memory_space<vmem>>, vector<1x16xf32>,
      %swap3A_285 = vector.shape_cast %swap3A_284 : vector<1x16xf32> to vector<16xf32>
      %swap3A_286 = vector.shape_cast %broadcast_in_dim3A_1 : vector<16xf32> to vector<1x16xf32>
      tpu.vector_store %arg8[%swap3A_282, %swap3A_283], %swap3A_286 {strides = array<i32>} : memref<80x128xf32, #tpu.memory_space<vmem>>, vector<1x16xf32>,
      %swap3A_287 = arith.index_cast %scan3A_267 : i32 to index
      %swap3A_288 = arith.constant 64 : index
      %swap3A_289 = tpu.vector_load %arg8[%swap3A_287, %swap3A_288] {strides = array<i32>} : memref<80x128xf32, #tpu.memory_space<vmem>>, vector<1x16xf32>,
      %swap3A_290 = vector.shape_cast %swap3A_289 : vector<1x16xf32> to vector<16xf32>
      %swap3A_291 = vector.shape_cast %broadcast_in_dim3A_1 : vector<16xf32> to vector<1x16xf32>
      tpu.vector_store %arg8[%swap3A_287, %swap3A_288], %swap3A_291 {strides = array<i32>} : memref<80x128xf32, #tpu.memory_space<vmem>>, vector<1x16xf32>,
      %swap3A_292 = arith.index_cast %scan3A_267 : i32 to index
      %swap3A_293 = arith.constant 80 : index
      %swap3A_294 = tpu.vector_load %arg8[%swap3A_292, %swap3A_293] {strides = array<i32>} : memref<80x128xf32, #tpu.memory_space<vmem>>, vector<1x16xf32>,
      %swap3A_295 = vector.shape_cast %swap3A_294 : vector<1x16xf32> to vector<16xf32>
      %swap3A_296 = vector.shape_cast %broadcast_in_dim3A_1 : vector<16xf32> to vector<1x16xf32>
      tpu.vector_store %arg8[%swap3A_292, %swap3A_293], %swap3A_296 {strides = array<i32>} : memref<80x128xf32, #tpu.memory_space<vmem>>, vector<1x16xf32>,
      %swap3A_297 = arith.index_cast %scan3A_267 : i32 to index
      %swap3A_298 = arith.constant 96 : index
      %swap3A_299 = tpu.vector_load %arg8[%swap3A_297, %swap3A_298] {strides = array<i32>} : memref<80x128xf32, #tpu.memory_space<vmem>>, vector<1x16xf32>,
      %swap3A_300 = vector.shape_cast %swap3A_299 : vector<1x16xf32> to vector<16xf32>
      %swap3A_301 = vector.shape_cast %broadcast_in_dim3A_1 : vector<16xf32> to vector<1x16xf32>
      tpu.vector_store %arg8[%swap3A_297, %swap3A_298], %swap3A_301 {strides = array<i32>} : memref<80x128xf32, #tpu.memory_space<vmem>>, vector<1x16xf32>,
      %swap3A_302 = arith.index_cast %scan3A_267 : i32 to index
      %swap3A_303 = arith.constant 112 : index
      %swap3A_304 = tpu.vector_load %arg8[%swap3A_302, %swap3A_303] {strides = array<i32>} : memref<80x128xf32, #tpu.memory_space<vmem>>, vector<1x16xf32>,
      %swap3A_305 = vector.shape_cast %swap3A_304 : vector<1x16xf32> to vector<16xf32>
      %swap3A_306 = vector.shape_cast %broadcast_in_dim3A_1 : vector<16xf32> to vector<1x16xf32>
      tpu.vector_store %arg8[%swap3A_302, %swap3A_303], %swap3A_306 {strides = array<i32>} : memref<80x128xf32, #tpu.memory_space<vmem>>, vector<1x16xf32>,
    }
    %scan3A_6 = arith.constant 80 : i32
    %mul3A_7 = arith.constant 640 : i32
    %mul3A_8 = arith.muli %arg1, %mul3A_7 : i32
    %add3A_9 = arith.constant 0 : i32
    %add3A_10 = arith.addi %mul3A_8, %add3A_9 : i32
    "tpu.region"() ({
      %run_scoped3A_267 = tpu.sem_alloc : memref<!tpu.dma_semaphore, #tpu.memory_space<semaphore_mem>>
      %dma_start3A_268 = arith.constant 0 : i32
      %dma_start3A_269 = tpu.memref_slice %arg11[%add3A_10, %dma_start3A_268] : memref<10240x128xf32, #tpu.memory_space<vmem_shared>> -> memref<80x128xf32, #tpu.memory_space<vmem_shared>>
      %dma_start3A_270 = arith.constant 0 : i32
      %dma_start3A_271 = tpu.memref_slice %arg11[%add3A_10, %dma_start3A_270] : memref<10240x128xf32, #tpu.memory_space<vmem_shared>> -> memref<80x128xf32, #tpu.memory_space<vmem_shared>>
      tpu.enqueue_dma source(%arg8 : memref<80x128xf32, #tpu.memory_space<vmem>>) target(%dma_start3A_271 : memref<80x128xf32, #tpu.memory_space<vmem_shared>>) target_semaphore(%run_scoped3A_267 : memref<!tpu.dma_semaphore, #tpu.memory_space<semaphore_mem>>)
      %dma_wait3A_272 = arith.constant 0 : i32
      %dma_wait3A_273 = tpu.memref_slice %arg11[%add3A_10, %dma_wait3A_272] : memref<10240x128xf32, #tpu.memory_space<vmem_shared>> -> memref<80x128xf32, #tpu.memory_space<vmem_shared>>
      %dma_wait3A_274 = arith.constant 0 : i32
      %dma_wait3A_275 = tpu.memref_slice %arg11[%add3A_10, %dma_wait3A_274] : memref<10240x128xf32, #tpu.memory_space<vmem_shared>> -> memref<80x128xf32, #tpu.memory_space<vmem_shared>>
      tpu.wait_dma2 semaphore(%run_scoped3A_267 : memref<!tpu.dma_semaphore, #tpu.memory_space<semaphore_mem>>) src(%arg8 : memref<80x128xf32, #tpu.memory_space<vmem>>) dst(%dma_wait3A_275 : memref<80x128xf32, #tpu.memory_space<vmem_shared>>)
      tpu.yield
    }) : () -> ()
    %mul3A_11 = arith.constant 640 : i32
    %mul3A_12 = arith.muli %arg1, %mul3A_11 : i32
    %add3A_13 = arith.constant 80 : i32
    %add3A_14 = arith.addi %mul3A_12, %add3A_13 : i32
    "tpu.region"() ({
      %run_scoped3A_267 = tpu.sem_alloc : memref<!tpu.dma_semaphore, #tpu.memory_space<semaphore_mem>>
      %dma_start3A_268 = arith.constant 0 : i32
      %dma_start3A_269 = tpu.memref_slice %arg11[%add3A_14, %dma_start3A_268] : memref<10240x128xf32, #tpu.memory_space<vmem_shared>> -> memref<80x128xf32, #tpu.memory_space<vmem_shared>>
      %dma_start3A_270 = arith.constant 0 : i32
      %dma_start3A_271 = tpu.memref_slice %arg11[%add3A_14, %dma_start3A_270] : memref<10240x128xf32, #tpu.memory_space<vmem_shared>> -> memref<80x128xf32, #tpu.memory_space<vmem_shared>>
      tpu.enqueue_dma source(%arg8 : memref<80x128xf32, #tpu.memory_space<vmem>>) target(%dma_start3A_271 : memref<80x128xf32, #tpu.memory_space<vmem_shared>>) target_semaphore(%run_scoped3A_267 : memref<!tpu.dma_semaphore, #tpu.memory_space<semaphore_mem>>)
      %dma_wait3A_272 = arith.constant 0 : i32
      %dma_wait3A_273 = tpu.memref_slice %arg11[%add3A_14, %dma_wait3A_272] : memref<10240x128xf32, #tpu.memory_space<vmem_shared>> -> memref<80x128xf32, #tpu.memory_space<vmem_shared>>
      %dma_wait3A_274 = arith.constant 0 : i32
      %dma_wait3A_275 = tpu.memref_slice %arg11[%add3A_14, %dma_wait3A_274] : memref<10240x128xf32, #tpu.memory_space<vmem_shared>> -> memref<80x128xf32, #tpu.memory_space<vmem_shared>>
      tpu.wait_dma2 semaphore(%run_scoped3A_267 : memref<!tpu.dma_semaphore, #tpu.memory_space<semaphore_mem>>) src(%arg8 : memref<80x128xf32, #tpu.memory_space<vmem>>) dst(%dma_wait3A_275 : memref<80x128xf32, #tpu.memory_space<vmem_shared>>)
      tpu.yield
    }) : () -> ()
    %mul3A_15 = arith.constant 640 : i32
    %mul3A_16 = arith.muli %arg1, %mul3A_15 : i32
    %add3A_17 = arith.constant 160 : i32
    %add3A_18 = arith.addi %mul3A_16, %add3A_17 : i32
    "tpu.region"() ({
      %run_scoped3A_267 = tpu.sem_alloc : memref<!tpu.dma_semaphore, #tpu.memory_space<semaphore_mem>>
      %dma_start3A_268 = arith.constant 0 : i32
      %dma_start3A_269 = tpu.memref_slice %arg11[%add3A_18, %dma_start3A_268] : memref<10240x128xf32, #tpu.memory_space<vmem_shared>> -> memref<80x128xf32, #tpu.memory_space<vmem_shared>>
      %dma_start3A_270 = arith.constant 0 : i32
      %dma_start3A_271 = tpu.memref_slice %arg11[%add3A_18, %dma_start3A_270] : memref<10240x128xf32, #tpu.memory_space<vmem_shared>> -> memref<80x128xf32, #tpu.memory_space<vmem_shared>>
      tpu.enqueue_dma source(%arg8 : memref<80x128xf32, #tpu.memory_space<vmem>>) target(%dma_start3A_271 : memref<80x128xf32, #tpu.memory_space<vmem_shared>>) target_semaphore(%run_scoped3A_267 : memref<!tpu.dma_semaphore, #tpu.memory_space<semaphore_mem>>)
      %dma_wait3A_272 = arith.constant 0 : i32
      %dma_wait3A_273 = tpu.memref_slice %arg11[%add3A_18, %dma_wait3A_272] : memref<10240x128xf32, #tpu.memory_space<vmem_shared>> -> memref<80x128xf32, #tpu.memory_space<vmem_shared>>
      %dma_wait3A_274 = arith.constant 0 : i32
      %dma_wait3A_275 = tpu.memref_slice %arg11[%add3A_18, %dma_wait3A_274] : memref<10240x128xf32, #tpu.memory_space<vmem_shared>> -> memref<80x128xf32, #tpu.memory_space<vmem_shared>>
      tpu.wait_dma2 semaphore(%run_scoped3A_267 : memref<!tpu.dma_semaphore, #tpu.memory_space<semaphore_mem>>) src(%arg8 : memref<80x128xf32, #tpu.memory_space<vmem>>) dst(%dma_wait3A_275 : memref<80x128xf32, #tpu.memory_space<vmem_shared>>)
      tpu.yield
    }) : () -> ()
    %mul3A_19 = arith.constant 640 : i32
    %mul3A_20 = arith.muli %arg1, %mul3A_19 : i32
    %add3A_21 = arith.constant 240 : i32
    %add3A_22 = arith.addi %mul3A_20, %add3A_21 : i32
    "tpu.region"() ({
      %run_scoped3A_267 = tpu.sem_alloc : memref<!tpu.dma_semaphore, #tpu.memory_space<semaphore_mem>>
      %dma_start3A_268 = arith.constant 0 : i32
      %dma_start3A_269 = tpu.memref_slice %arg11[%add3A_22, %dma_start3A_268] : memref<10240x128xf32, #tpu.memory_space<vmem_shared>> -> memref<80x128xf32, #tpu.memory_space<vmem_shared>>
      %dma_start3A_270 = arith.constant 0 : i32
      %dma_start3A_271 = tpu.memref_slice %arg11[%add3A_22, %dma_start3A_270] : memref<10240x128xf32, #tpu.memory_space<vmem_shared>> -> memref<80x128xf32, #tpu.memory_space<vmem_shared>>
      tpu.enqueue_dma source(%arg8 : memref<80x128xf32, #tpu.memory_space<vmem>>) target(%dma_start3A_271 : memref<80x128xf32, #tpu.memory_space<vmem_shared>>) target_semaphore(%run_scoped3A_267 : memref<!tpu.dma_semaphore, #tpu.memory_space<semaphore_mem>>)
      %dma_wait3A_272 = arith.constant 0 : i32
      %dma_wait3A_273 = tpu.memref_slice %arg11[%add3A_22, %dma_wait3A_272] : memref<10240x128xf32, #tpu.memory_space<vmem_shared>> -> memref<80x128xf32, #tpu.memory_space<vmem_shared>>
      %dma_wait3A_274 = arith.constant 0 : i32
      %dma_wait3A_275 = tpu.memref_slice %arg11[%add3A_22, %dma_wait3A_274] : memref<10240x128xf32, #tpu.memory_space<vmem_shared>> -> memref<80x128xf32, #tpu.memory_space<vmem_shared>>
      tpu.wait_dma2 semaphore(%run_scoped3A_267 : memref<!tpu.dma_semaphore, #tpu.memory_space<semaphore_mem>>) src(%arg8 : memref<80x128xf32, #tpu.memory_space<vmem>>) dst(%dma_wait3A_275 : memref<80x128xf32, #tpu.memory_space<vmem_shared>>)
      tpu.yield
    }) : () -> ()
    %mul3A_23 = arith.constant 640 : i32
    %mul3A_24 = arith.muli %arg1, %mul3A_23 : i32
    %add3A_25 = arith.constant 320 : i32
    %add3A_26 = arith.addi %mul3A_24, %add3A_25 : i32
    "tpu.region"() ({
      %run_scoped3A_267 = tpu.sem_alloc : memref<!tpu.dma_semaphore, #tpu.memory_space<semaphore_mem>>
      %dma_start3A_268 = arith.constant 0 : i32
      %dma_start3A_269 = tpu.memref_slice %arg11[%add3A_26, %dma_start3A_268] : memref<10240x128xf32, #tpu.memory_space<vmem_shared>> -> memref<80x128xf32, #tpu.memory_space<vmem_shared>>
      %dma_start3A_270 = arith.constant 0 : i32
      %dma_start3A_271 = tpu.memref_slice %arg11[%add3A_26, %dma_start3A_270] : memref<10240x128xf32, #tpu.memory_space<vmem_shared>> -> memref<80x128xf32, #tpu.memory_space<vmem_shared>>
      tpu.enqueue_dma source(%arg8 : memref<80x128xf32, #tpu.memory_space<vmem>>) target(%dma_start3A_271 : memref<80x128xf32, #tpu.memory_space<vmem_shared>>) target_semaphore(%run_scoped3A_267 : memref<!tpu.dma_semaphore, #tpu.memory_space<semaphore_mem>>)
      %dma_wait3A_272 = arith.constant 0 : i32
      %dma_wait3A_273 = tpu.memref_slice %arg11[%add3A_26, %dma_wait3A_272] : memref<10240x128xf32, #tpu.memory_space<vmem_shared>> -> memref<80x128xf32, #tpu.memory_space<vmem_shared>>
      %dma_wait3A_274 = arith.constant 0 : i32
      %dma_wait3A_275 = tpu.memref_slice %arg11[%add3A_26, %dma_wait3A_274] : memref<10240x128xf32, #tpu.memory_space<vmem_shared>> -> memref<80x128xf32, #tpu.memory_space<vmem_shared>>
      tpu.wait_dma2 semaphore(%run_scoped3A_267 : memref<!tpu.dma_semaphore, #tpu.memory_space<semaphore_mem>>) src(%arg8 : memref<80x128xf32, #tpu.memory_space<vmem>>) dst(%dma_wait3A_275 : memref<80x128xf32, #tpu.memory_space<vmem_shared>>)
      tpu.yield
    }) : () -> ()
    %mul3A_27 = arith.constant 640 : i32
    %mul3A_28 = arith.muli %arg1, %mul3A_27 : i32
    %add3A_29 = arith.constant 400 : i32
    %add3A_30 = arith.addi %mul3A_28, %add3A_29 : i32
    "tpu.region"() ({
      %run_scoped3A_267 = tpu.sem_alloc : memref<!tpu.dma_semaphore, #tpu.memory_space<semaphore_mem>>
      %dma_start3A_268 = arith.constant 0 : i32
      %dma_start3A_269 = tpu.memref_slice %arg11[%add3A_30, %dma_start3A_268] : memref<10240x128xf32, #tpu.memory_space<vmem_shared>> -> memref<80x128xf32, #tpu.memory_space<vmem_shared>>
      %dma_start3A_270 = arith.constant 0 : i32
      %dma_start3A_271 = tpu.memref_slice %arg11[%add3A_30, %dma_start3A_270] : memref<10240x128xf32, #tpu.memory_space<vmem_shared>> -> memref<80x128xf32, #tpu.memory_space<vmem_shared>>
      tpu.enqueue_dma source(%arg8 : memref<80x128xf32, #tpu.memory_space<vmem>>) target(%dma_start3A_271 : memref<80x128xf32, #tpu.memory_space<vmem_shared>>) target_semaphore(%run_scoped3A_267 : memref<!tpu.dma_semaphore, #tpu.memory_space<semaphore_mem>>)
      %dma_wait3A_272 = arith.constant 0 : i32
      %dma_wait3A_273 = tpu.memref_slice %arg11[%add3A_30, %dma_wait3A_272] : memref<10240x128xf32, #tpu.memory_space<vmem_shared>> -> memref<80x128xf32, #tpu.memory_space<vmem_shared>>
      %dma_wait3A_274 = arith.constant 0 : i32
      %dma_wait3A_275 = tpu.memref_slice %arg11[%add3A_30, %dma_wait3A_274] : memref<10240x128xf32, #tpu.memory_space<vmem_shared>> -> memref<80x128xf32, #tpu.memory_space<vmem_shared>>
      tpu.wait_dma2 semaphore(%run_scoped3A_267 : memref<!tpu.dma_semaphore, #tpu.memory_space<semaphore_mem>>) src(%arg8 : memref<80x128xf32, #tpu.memory_space<vmem>>) dst(%dma_wait3A_275 : memref<80x128xf32, #tpu.memory_space<vmem_shared>>)
      tpu.yield
    }) : () -> ()
    %mul3A_31 = arith.constant 640 : i32
    %mul3A_32 = arith.muli %arg1, %mul3A_31 : i32
    %add3A_33 = arith.constant 480 : i32
    %add3A_34 = arith.addi %mul3A_32, %add3A_33 : i32
    "tpu.region"() ({
      %run_scoped3A_267 = tpu.sem_alloc : memref<!tpu.dma_semaphore, #tpu.memory_space<semaphore_mem>>
      %dma_start3A_268 = arith.constant 0 : i32
      %dma_start3A_269 = tpu.memref_slice %arg11[%add3A_34, %dma_start3A_268] : memref<10240x128xf32, #tpu.memory_space<vmem_shared>> -> memref<80x128xf32, #tpu.memory_space<vmem_shared>>
      %dma_start3A_270 = arith.constant 0 : i32
      %dma_start3A_271 = tpu.memref_slice %arg11[%add3A_34, %dma_start3A_270] : memref<10240x128xf32, #tpu.memory_space<vmem_shared>> -> memref<80x128xf32, #tpu.memory_space<vmem_shared>>
      tpu.enqueue_dma source(%arg8 : memref<80x128xf32, #tpu.memory_space<vmem>>) target(%dma_start3A_271 : memref<80x128xf32, #tpu.memory_space<vmem_shared>>) target_semaphore(%run_scoped3A_267 : memref<!tpu.dma_semaphore, #tpu.memory_space<semaphore_mem>>)
      %dma_wait3A_272 = arith.constant 0 : i32
      %dma_wait3A_273 = tpu.memref_slice %arg11[%add3A_34, %dma_wait3A_272] : memref<10240x128xf32, #tpu.memory_space<vmem_shared>> -> memref<80x128xf32, #tpu.memory_space<vmem_shared>>
      %dma_wait3A_274 = arith.constant 0 : i32
      %dma_wait3A_275 = tpu.memref_slice %arg11[%add3A_34, %dma_wait3A_274] : memref<10240x128xf32, #tpu.memory_space<vmem_shared>> -> memref<80x128xf32, #tpu.memory_space<vmem_shared>>
      tpu.wait_dma2 semaphore(%run_scoped3A_267 : memref<!tpu.dma_semaphore, #tpu.memory_space<semaphore_mem>>) src(%arg8 : memref<80x128xf32, #tpu.memory_space<vmem>>) dst(%dma_wait3A_275 : memref<80x128xf32, #tpu.memory_space<vmem_shared>>)
      tpu.yield
    }) : () -> ()
    %mul3A_35 = arith.constant 640 : i32
    %mul3A_36 = arith.muli %arg1, %mul3A_35 : i32
    %add3A_37 = arith.constant 560 : i32
    %add3A_38 = arith.addi %mul3A_36, %add3A_37 : i32
    "tpu.region"() ({
      %run_scoped3A_267 = tpu.sem_alloc : memref<!tpu.dma_semaphore, #tpu.memory_space<semaphore_mem>>
      %dma_start3A_268 = arith.constant 0 : i32
      %dma_start3A_269 = tpu.memref_slice %arg11[%add3A_38, %dma_start3A_268] : memref<10240x128xf32, #tpu.memory_space<vmem_shared>> -> memref<80x128xf32, #tpu.memory_space<vmem_shared>>
      %dma_start3A_270 = arith.constant 0 : i32
      %dma_start3A_271 = tpu.memref_slice %arg11[%add3A_38, %dma_start3A_270] : memref<10240x128xf32, #tpu.memory_space<vmem_shared>> -> memref<80x128xf32, #tpu.memory_space<vmem_shared>>
      tpu.enqueue_dma source(%arg8 : memref<80x128xf32, #tpu.memory_space<vmem>>) target(%dma_start3A_271 : memref<80x128xf32, #tpu.memory_space<vmem_shared>>) target_semaphore(%run_scoped3A_267 : memref<!tpu.dma_semaphore, #tpu.memory_space<semaphore_mem>>)
      %dma_wait3A_272 = arith.constant 0 : i32
      %dma_wait3A_273 = tpu.memref_slice %arg11[%add3A_38, %dma_wait3A_272] : memref<10240x128xf32, #tpu.memory_space<vmem_shared>> -> memref<80x128xf32, #tpu.memory_space<vmem_shared>>
      %dma_wait3A_274 = arith.constant 0 : i32
      %dma_wait3A_275 = tpu.memref_slice %arg11[%add3A_38, %dma_wait3A_274] : memref<10240x128xf32, #tpu.memory_space<vmem_shared>> -> memref<80x128xf32, #tpu.memory_space<vmem_shared>>
      tpu.wait_dma2 semaphore(%run_scoped3A_267 : memref<!tpu.dma_semaphore, #tpu.memory_space<semaphore_mem>>) src(%arg8 : memref<80x128xf32, #tpu.memory_space<vmem>>) dst(%dma_wait3A_275 : memref<80x128xf32, #tpu.memory_space<vmem_shared>>)
      tpu.yield
    }) : () -> ()
    %barrier3A = arith.constant 0 : index
    tpu.barrier barrier_id(%barrier3A)
    "tpu.region"() ({
      %run_scoped3A_267 = tpu.sem_alloc : memref<!tpu.dma_semaphore, #tpu.memory_space<semaphore_mem>>
      %dma_start3A_268 = arith.constant 0 : i32
      %dma_start3A_269 = tpu.memref_slice %arg2[%add3A, %dma_start3A_268] : memref<32x10000xi32, #tpu.memory_space<hbm>> -> memref<1x10000xi32, #tpu.memory_space<hbm>>
      %dma_start3A_270 = tpu.memref_squeeze %dma_start3A_269 : memref<1x10000xi32, #tpu.memory_space<hbm>> -> memref<10000xi32, #tpu.memory_space<hbm>>
      %dma_start3A_271 = arith.constant 0 : i32
      %dma_start3A_272 = tpu.memref_slice %arg2[%add3A, %dma_start3A_271] : memref<32x10000xi32, #tpu.memory_space<hbm>> -> memref<1x10000xi32, #tpu.memory_space<hbm>>
      %dma_start3A_273 = tpu.memref_squeeze %dma_start3A_272 : memref<1x10000xi32, #tpu.memory_space<hbm>> -> memref<10000xi32, #tpu.memory_space<hbm>>
      tpu.enqueue_dma source(%dma_start3A_273 : memref<10000xi32, #tpu.memory_space<hbm>>) target(%arg6 : memref<10000xi32, #tpu.memory_space<vmem>>) target_semaphore(%run_scoped3A_267 : memref<!tpu.dma_semaphore, #tpu.memory_space<semaphore_mem>>)
      %dma_wait3A_274 = arith.constant 0 : i32
      %dma_wait3A_275 = tpu.memref_slice %arg2[%add3A, %dma_wait3A_274] : memref<32x10000xi32, #tpu.memory_space<hbm>> -> memref<1x10000xi32, #tpu.memory_space<hbm>>
      %dma_wait3A_276 = tpu.memref_squeeze %dma_wait3A_275 : memref<1x10000xi32, #tpu.memory_space<hbm>> -> memref<10000xi32, #tpu.memory_space<hbm>>
      %dma_wait3A_277 = arith.constant 0 : i32
      %dma_wait3A_278 = tpu.memref_slice %arg2[%add3A, %dma_wait3A_277] : memref<32x10000xi32, #tpu.memory_space<hbm>> -> memref<1x10000xi32, #tpu.memory_space<hbm>>
      %dma_wait3A_279 = tpu.memref_squeeze %dma_wait3A_278 : memref<1x10000xi32, #tpu.memory_space<hbm>> -> memref<10000xi32, #tpu.memory_space<hbm>>
      tpu.wait_dma2 semaphore(%run_scoped3A_267 : memref<!tpu.dma_semaphore, #tpu.memory_space<semaphore_mem>>) src(%dma_wait3A_279 : memref<10000xi32, #tpu.memory_space<hbm>>) dst(%arg6 : memref<10000xi32, #tpu.memory_space<vmem>>)
      tpu.yield
    }) : () -> ()
    %run_scoped3A = arith.constant 0 : i32
    %run_scoped3A_39 = arith.constant 0 : i32
    "tpu.region"() ({
      %run_scoped3A_267 = tpu.sem_alloc : memref<!tpu.dma_semaphore, #tpu.memory_space<semaphore_mem>>
      %dma_start3A_268 = arith.constant 0 : i32
      %dma_start3A_269 = arith.constant 0 : i32
      %dma_start3A_270 = tpu.memref_slice %arg7[%run_scoped3A_39, %dma_start3A_268, %dma_start3A_269] : memref<2x25x80xi32, #tpu.memory_space<vmem>> -> memref<1x25x80xi32, #tpu.memory_space<vmem>>
      %dma_start3A_271 = tpu.memref_squeeze %dma_start3A_270 : memref<1x25x80xi32, #tpu.memory_space<vmem>> -> memref<25x80xi32, #tpu.memory_space<vmem>>
      %dma_start3A_272 = arith.constant 0 : i32
      %dma_start3A_273 = arith.constant 0 : i32
      %dma_start3A_274 = tpu.memref_slice %arg3[%add3A, %run_scoped3A, %dma_start3A_272, %dma_start3A_273] : memref<32x5x25x80xi32, #tpu.memory_space<hbm>> -> memref<1x1x25x80xi32, #tpu.memory_space<hbm>>
      %dma_start3A_275 = tpu.memref_squeeze %dma_start3A_274 : memref<1x1x25x80xi32, #tpu.memory_space<hbm>> -> memref<25x80xi32, #tpu.memory_space<hbm>>
      %dma_start3A_276 = arith.constant 0 : i32
      %dma_start3A_277 = arith.constant 0 : i32
      %dma_start3A_278 = tpu.memref_slice %arg7[%run_scoped3A_39, %dma_start3A_276, %dma_start3A_277] : memref<2x25x80xi32, #tpu.memory_space<vmem>> -> memref<1x25x80xi32, #tpu.memory_space<vmem>>
      %dma_start3A_279 = tpu.memref_squeeze %dma_start3A_278 : memref<1x25x80xi32, #tpu.memory_space<vmem>> -> memref<25x80xi32, #tpu.memory_space<vmem>>
      %dma_start3A_280 = arith.constant 0 : i32
      %dma_start3A_281 = arith.constant 0 : i32
      %dma_start3A_282 = tpu.memref_slice %arg3[%add3A, %run_scoped3A, %dma_start3A_280, %dma_start3A_281] : memref<32x5x25x80xi32, #tpu.memory_space<hbm>> -> memref<1x1x25x80xi32, #tpu.memory_space<hbm>>
      %dma_start3A_283 = tpu.memref_squeeze %dma_start3A_282 : memref<1x1x25x80xi32, #tpu.memory_space<hbm>> -> memref<25x80xi32, #tpu.memory_space<hbm>>
      tpu.enqueue_dma source(%dma_start3A_283 : memref<25x80xi32, #tpu.memory_space<hbm>>) target(%dma_start3A_279 : memref<25x80xi32, #tpu.memory_space<vmem>>) target_semaphore(%run_scoped3A_267 : memref<!tpu.dma_semaphore, #tpu.memory_space<semaphore_mem>>)
      %dma_wait3A_284 = arith.constant 0 : i32
      %dma_wait3A_285 = arith.constant 0 : i32
      %dma_wait3A_286 = tpu.memref_slice %arg7[%run_scoped3A_39, %dma_wait3A_284, %dma_wait3A_285] : memref<2x25x80xi32, #tpu.memory_space<vmem>> -> memref<1x25x80xi32, #tpu.memory_space<vmem>>
      %dma_wait3A_287 = tpu.memref_squeeze %dma_wait3A_286 : memref<1x25x80xi32, #tpu.memory_space<vmem>> -> memref<25x80xi32, #tpu.memory_space<vmem>>
      %dma_wait3A_288 = arith.constant 0 : i32
      %dma_wait3A_289 = arith.constant 0 : i32
      %dma_wait3A_290 = tpu.memref_slice %arg3[%add3A, %run_scoped3A, %dma_wait3A_288, %dma_wait3A_289] : memref<32x5x25x80xi32, #tpu.memory_space<hbm>> -> memref<1x1x25x80xi32, #tpu.memory_space<hbm>>
      %dma_wait3A_291 = tpu.memref_squeeze %dma_wait3A_290 : memref<1x1x25x80xi32, #tpu.memory_space<hbm>> -> memref<25x80xi32, #tpu.memory_space<hbm>>
      %dma_wait3A_292 = arith.constant 0 : i32
      %dma_wait3A_293 = arith.constant 0 : i32
      %dma_wait3A_294 = tpu.memref_slice %arg7[%run_scoped3A_39, %dma_wait3A_292, %dma_wait3A_293] : memref<2x25x80xi32, #tpu.memory_space<vmem>> -> memref<1x25x80xi32, #tpu.memory_space<vmem>>
      %dma_wait3A_295 = tpu.memref_squeeze %dma_wait3A_294 : memref<1x25x80xi32, #tpu.memory_space<vmem>> -> memref<25x80xi32, #tpu.memory_space<vmem>>
      %dma_wait3A_296 = arith.constant 0 : i32
      %dma_wait3A_297 = arith.constant 0 : i32
      %dma_wait3A_298 = tpu.memref_slice %arg3[%add3A, %run_scoped3A, %dma_wait3A_296, %dma_wait3A_297] : memref<32x5x25x80xi32, #tpu.memory_space<hbm>> -> memref<1x1x25x80xi32, #tpu.memory_space<hbm>>
      %dma_wait3A_299 = tpu.memref_squeeze %dma_wait3A_298 : memref<1x1x25x80xi32, #tpu.memory_space<hbm>> -> memref<25x80xi32, #tpu.memory_space<hbm>>
      tpu.wait_dma2 semaphore(%run_scoped3A_267 : memref<!tpu.dma_semaphore, #tpu.memory_space<semaphore_mem>>) src(%dma_wait3A_299 : memref<25x80xi32, #tpu.memory_space<hbm>>) dst(%dma_wait3A_295 : memref<25x80xi32, #tpu.memory_space<vmem>>)
      tpu.yield
    }) : () -> ()
    %dma_start3A = arith.constant 1 : i32
    %dma_start3A_40 = arith.constant 1 : i32
    %dma_start3A_41 = arith.constant 0 : i32
    %dma_start3A_42 = arith.constant 0 : i32
    %dma_start3A_43 = tpu.memref_slice %arg7[%dma_start3A_40, %dma_start3A_41, %dma_start3A_42] : memref<2x25x80xi32, #tpu.memory_space<vmem>> -> memref<1x25x80xi32, #tpu.memory_space<vmem>>
    %dma_start3A_44 = tpu.memref_squeeze %dma_start3A_43 : memref<1x25x80xi32, #tpu.memory_space<vmem>> -> memref<25x80xi32, #tpu.memory_space<vmem>>
    %dma_start3A_45 = arith.constant 0 : i32
    %dma_start3A_46 = arith.constant 0 : i32
    %dma_start3A_47 = tpu.memref_slice %arg3[%add3A, %dma_start3A, %dma_start3A_45, %dma_start3A_46] : memref<32x5x25x80xi32, #tpu.memory_space<hbm>> -> memref<1x1x25x80xi32, #tpu.memory_space<hbm>>
    %dma_start3A_48 = tpu.memref_squeeze %dma_start3A_47 : memref<1x1x25x80xi32, #tpu.memory_space<hbm>> -> memref<25x80xi32, #tpu.memory_space<hbm>>
    %dma_start3A_49 = arith.constant 0 : i32
    %dma_start3A_50 = arith.constant 0 : i32
    %dma_start3A_51 = tpu.memref_slice %arg7[%dma_start3A_40, %dma_start3A_49, %dma_start3A_50] : memref<2x25x80xi32, #tpu.memory_space<vmem>> -> memref<1x25x80xi32, #tpu.memory_space<vmem>>
    %dma_start3A_52 = tpu.memref_squeeze %dma_start3A_51 : memref<1x25x80xi32, #tpu.memory_space<vmem>> -> memref<25x80xi32, #tpu.memory_space<vmem>>
    %dma_start3A_53 = arith.constant 0 : i32
    %dma_start3A_54 = arith.constant 0 : i32
    %dma_start3A_55 = tpu.memref_slice %arg3[%add3A, %dma_start3A, %dma_start3A_53, %dma_start3A_54] : memref<32x5x25x80xi32, #tpu.memory_space<hbm>> -> memref<1x1x25x80xi32, #tpu.memory_space<hbm>>
    %dma_start3A_56 = tpu.memref_squeeze %dma_start3A_55 : memref<1x1x25x80xi32, #tpu.memory_space<hbm>> -> memref<25x80xi32, #tpu.memory_space<hbm>>
    tpu.enqueue_dma source(%dma_start3A_56 : memref<25x80xi32, #tpu.memory_space<hbm>>) target(%dma_start3A_52 : memref<25x80xi32, #tpu.memory_space<vmem>>) target_semaphore(%arg15 : memref<!tpu.dma_semaphore, #tpu.memory_space<semaphore_mem>>)
    %dma_start3A_57 = arith.constant 0 : i32
    %dma_start3A_58 = tpu.memref_slice %arg6[%dma_start3A_57] : memref<10000xi32, #tpu.memory_space<vmem>> -> memref<80xi32, #tpu.memory_space<vmem>>
    %dma_start3A_59 = arith.constant 0 : i32
    %dma_start3A_60 = arith.constant 0 : i32
    %dma_start3A_61 = tpu.memref_slice %arg4[%dma_start3A_59, %dma_start3A_60] : memref<10000x128xf32, #tpu.memory_space<hbm>> -> memref<10000x128xf32, #tpu.memory_space<hbm>>
    tpu.enqueue_indirect_dma source(%dma_start3A_61 : memref<10000x128xf32, #tpu.memory_space<hbm>>) target(%arg8 : memref<80x128xf32, #tpu.memory_space<vmem>>) offsets(%dma_start3A_58 : memref<80xi32, #tpu.memory_space<vmem>>) semaphore(%arg12 : memref<!tpu.dma_semaphore, #tpu.memory_space<semaphore_mem>>)
    %dma_start3A_62 = arith.constant 80 : i32
    %dma_start3A_63 = tpu.memref_slice %arg6[%dma_start3A_62] : memref<10000xi32, #tpu.memory_space<vmem>> -> memref<80xi32, #tpu.memory_space<vmem>>
    %dma_start3A_64 = arith.constant 0 : i32
    %dma_start3A_65 = arith.constant 0 : i32
    %dma_start3A_66 = tpu.memref_slice %arg4[%dma_start3A_64, %dma_start3A_65] : memref<10000x128xf32, #tpu.memory_space<hbm>> -> memref<10000x128xf32, #tpu.memory_space<hbm>>
    tpu.enqueue_indirect_dma source(%dma_start3A_66 : memref<10000x128xf32, #tpu.memory_space<hbm>>) target(%arg9 : memref<80x128xf32, #tpu.memory_space<vmem>>) offsets(%dma_start3A_63 : memref<80xi32, #tpu.memory_space<vmem>>) semaphore(%arg13 : memref<!tpu.dma_semaphore, #tpu.memory_space<semaphore_mem>>)
    %scan3A_67 = arith.constant 0 : i32
    %scan3A_68 = arith.constant 0 : i32
    %scan3A_69 = arith.constant 9 : i32
    %scan3A_70 = arith.addi %scan3A_68, %scan3A_69 : i32
    %scan3A_71 = arith.constant 1 : i32
    scf.for %scan3A_267 = %scan3A_68 to %scan3A_70 step %scan3A_71  : i32 {
      %mul3A_268 = arith.constant 3 : i32
      %mul3A_269 = arith.muli %mul3A_268, %scan3A_267 : i32
      %add3A_270 = arith.constant 0 : i32
      %add3A_271 = arith.addi %add3A_270, %mul3A_269 : i32
      %add3A_272 = arith.constant 2 : i32
      %add3A_273 = arith.addi %mul3A_269, %add3A_272 : i32
      %lt3A = arith.constant 25 : i32
      %lt3A_274 = arith.cmpi slt, %add3A_273, %lt3A : i32
      %convert_element_type3A = arith.extui %lt3A_274 : i1 to i32
      %cond3A = arith.constant 0 : i32
      %cond3A_275 = arith.cmpi ne, %convert_element_type3A, %cond3A : i32
      scf.if %cond3A_275 {
        %add3A_311 = arith.constant 2 : i32
        %add3A_312 = arith.addi %add3A_271, %add3A_311 : i32
        %mul3A_313 = arith.constant 80 : i32
        %mul3A_314 = arith.muli %add3A_312, %mul3A_313 : i32
        %dma_start3A_315 = tpu.memref_slice %arg6[%mul3A_314] : memref<10000xi32, #tpu.memory_space<vmem>> -> memref<80xi32, #tpu.memory_space<vmem>>
        %dma_start3A_316 = arith.constant 0 : i32
        %dma_start3A_317 = arith.constant 0 : i32
        %dma_start3A_318 = tpu.memref_slice %arg4[%dma_start3A_316, %dma_start3A_317] : memref<10000x128xf32, #tpu.memory_space<hbm>> -> memref<10000x128xf32, #tpu.memory_space<hbm>>
        tpu.enqueue_indirect_dma source(%dma_start3A_318 : memref<10000x128xf32, #tpu.memory_space<hbm>>) target(%arg10 : memref<80x128xf32, #tpu.memory_space<vmem>>) offsets(%dma_start3A_315 : memref<80xi32, #tpu.memory_space<vmem>>) semaphore(%arg14 : memref<!tpu.dma_semaphore, #tpu.memory_space<semaphore_mem>>)
      } else {
      }
      %mul3A_276 = arith.constant 80 : i32
      %mul3A_277 = arith.muli %add3A_271, %mul3A_276 : i32
      %dma_wait3A_278 = tpu.memref_slice %arg6[%mul3A_277] : memref<10000xi32, #tpu.memory_space<vmem>> -> memref<80xi32, #tpu.memory_space<vmem>>
      %dma_wait3A_279 = arith.constant 0 : i32
      %dma_wait3A_280 = arith.constant 0 : i32
      %dma_wait3A_281 = tpu.memref_slice %arg4[%dma_wait3A_279, %dma_wait3A_280] : memref<10000x128xf32, #tpu.memory_space<hbm>> -> memref<10000x128xf32, #tpu.memory_space<hbm>>
      tpu.wait_indirect_dma semaphore(%arg12 : memref<!tpu.dma_semaphore, #tpu.memory_space<semaphore_mem>>) src(%dma_wait3A_281 : memref<10000x128xf32, #tpu.memory_space<hbm>>) dst(%arg8 : memref<80x128xf32, #tpu.memory_space<vmem>>)
      %run_scoped3A_282 = arith.constant 0 : i32
      "tpu.region"() ({
        %run_scoped3A_311 = tpu.sem_alloc : memref<!tpu.dma_semaphore, #tpu.memory_space<semaphore_mem>>
        %dma_start3A_312 = arith.constant 0 : i32
        %dma_start3A_313 = tpu.memref_slice %arg7[%run_scoped3A_282, %mul3A_269, %dma_start3A_312] : memref<2x25x80xi32, #tpu.memory_space<vmem>> -> memref<1x1x80xi32, #tpu.memory_space<vmem>>
        %dma_start3A_314 = tpu.memref_squeeze %dma_start3A_313 : memref<1x1x80xi32, #tpu.memory_space<vmem>> -> memref<80xi32, #tpu.memory_space<vmem>>
        %dma_start3A_315 = arith.constant 0 : i32
        %dma_start3A_316 = arith.constant 0 : i32
        %dma_start3A_317 = tpu.memref_slice %arg11[%dma_start3A_315, %dma_start3A_316] : memref<10240x128xf32, #tpu.memory_space<vmem_shared>> -> memref<10240x128xf32, #tpu.memory_space<vmem_shared>>
        tpu.enqueue_indirect_dma source(%arg8 : memref<80x128xf32, #tpu.memory_space<vmem>>) target(%dma_start3A_317 : memref<10240x128xf32, #tpu.memory_space<vmem_shared>>) offsets(%dma_start3A_314 : memref<80xi32, #tpu.memory_space<vmem>>) semaphore(%run_scoped3A_311 : memref<!tpu.dma_semaphore, #tpu.memory_space<semaphore_mem>>) {add = true}
        %dma_wait3A_318 = arith.constant 0 : i32
        %dma_wait3A_319 = tpu.memref_slice %arg7[%run_scoped3A_282, %mul3A_269, %dma_wait3A_318] : memref<2x25x80xi32, #tpu.memory_space<vmem>> -> memref<1x1x80xi32, #tpu.memory_space<vmem>>
        %dma_wait3A_320 = tpu.memref_squeeze %dma_wait3A_319 : memref<1x1x80xi32, #tpu.memory_space<vmem>> -> memref<80xi32, #tpu.memory_space<vmem>>
        %dma_wait3A_321 = arith.constant 0 : i32
        %dma_wait3A_322 = arith.constant 0 : i32
        %dma_wait3A_323 = tpu.memref_slice %arg11[%dma_wait3A_321, %dma_wait3A_322] : memref<10240x128xf32, #tpu.memory_space<vmem_shared>> -> memref<10240x128xf32, #tpu.memory_space<vmem_shared>>
        tpu.wait_indirect_dma semaphore(%run_scoped3A_311 : memref<!tpu.dma_semaphore, #tpu.memory_space<semaphore_mem>>) src(%arg8 : memref<80x128xf32, #tpu.memory_space<vmem>>) dst(%dma_wait3A_323 : memref<10240x128xf32, #tpu.memory_space<vmem_shared>>)
        tpu.yield
      }) : () -> ()
      %add3A_283 = arith.constant 3 : i32
      %add3A_284 = arith.addi %mul3A_269, %add3A_283 : i32
      %lt3A_285 = arith.constant 25 : i32
      %lt3A_286 = arith.cmpi slt, %add3A_284, %lt3A_285 : i32
      %convert_element_type3A_287 = arith.extui %lt3A_286 : i1 to i32
      %cond3A_288 = arith.constant 0 : i32
      %cond3A_289 = arith.cmpi ne, %convert_element_type3A_287, %cond3A_288 : i32
      scf.if %cond3A_289 {
        %add3A_311 = arith.constant 3 : i32
        %add3A_312 = arith.addi %add3A_271, %add3A_311 : i32
        %mul3A_313 = arith.constant 80 : i32
        %mul3A_314 = arith.muli %add3A_312, %mul3A_313 : i32
        %dma_start3A_315 = tpu.memref_slice %arg6[%mul3A_314] : memref<10000xi32, #tpu.memory_space<vmem>> -> memref<80xi32, #tpu.memory_space<vmem>>
        %dma_start3A_316 = arith.constant 0 : i32
        %dma_start3A_317 = arith.constant 0 : i32
        %dma_start3A_318 = tpu.memref_slice %arg4[%dma_start3A_316, %dma_start3A_317] : memref<10000x128xf32, #tpu.memory_space<hbm>> -> memref<10000x128xf32, #tpu.memory_space<hbm>>
        tpu.enqueue_indirect_dma source(%dma_start3A_318 : memref<10000x128xf32, #tpu.memory_space<hbm>>) target(%arg8 : memref<80x128xf32, #tpu.memory_space<vmem>>) offsets(%dma_start3A_315 : memref<80xi32, #tpu.memory_space<vmem>>) semaphore(%arg12 : memref<!tpu.dma_semaphore, #tpu.memory_space<semaphore_mem>>)
      } else {
      }
      %add3A_290 = arith.constant 1 : i32
      %add3A_291 = arith.addi %mul3A_269, %add3A_290 : i32
      %lt3A_292 = arith.constant 25 : i32
      %lt3A_293 = arith.cmpi slt, %add3A_291, %lt3A_292 : i32
      %convert_element_type3A_294 = arith.extui %lt3A_293 : i1 to i32
      %cond3A_295 = arith.constant 0 : i32
      %cond3A_296 = arith.cmpi ne, %convert_element_type3A_294, %cond3A_295 : i32
      scf.if %cond3A_296 {
        %add3A_311 = arith.constant 1 : i32
        %add3A_312 = arith.addi %add3A_271, %add3A_311 : i32
        %mul3A_313 = arith.constant 80 : i32
        %mul3A_314 = arith.muli %add3A_312, %mul3A_313 : i32
        %dma_wait3A_315 = tpu.memref_slice %arg6[%mul3A_314] : memref<10000xi32, #tpu.memory_space<vmem>> -> memref<80xi32, #tpu.memory_space<vmem>>
        %dma_wait3A_316 = arith.constant 0 : i32
        %dma_wait3A_317 = arith.constant 0 : i32
        %dma_wait3A_318 = tpu.memref_slice %arg4[%dma_wait3A_316, %dma_wait3A_317] : memref<10000x128xf32, #tpu.memory_space<hbm>> -> memref<10000x128xf32, #tpu.memory_space<hbm>>
        tpu.wait_indirect_dma semaphore(%arg13 : memref<!tpu.dma_semaphore, #tpu.memory_space<semaphore_mem>>) src(%dma_wait3A_318 : memref<10000x128xf32, #tpu.memory_space<hbm>>) dst(%arg9 : memref<80x128xf32, #tpu.memory_space<vmem>>)
        %add3A_319 = arith.constant 1 : i32
        %add3A_320 = arith.addi %mul3A_269, %add3A_319 : i32
        %run_scoped3A_321 = arith.constant 0 : i32
        "tpu.region"() ({
          %run_scoped3A_322 = tpu.sem_alloc : memref<!tpu.dma_semaphore, #tpu.memory_space<semaphore_mem>>
          %dma_start3A_323 = arith.constant 0 : i32
          %dma_start3A_324 = tpu.memref_slice %arg7[%run_scoped3A_321, %add3A_320, %dma_start3A_323] : memref<2x25x80xi32, #tpu.memory_space<vmem>> -> memref<1x1x80xi32, #tpu.memory_space<vmem>>
          %dma_start3A_325 = tpu.memref_squeeze %dma_start3A_324 : memref<1x1x80xi32, #tpu.memory_space<vmem>> -> memref<80xi32, #tpu.memory_space<vmem>>
          %dma_start3A_326 = arith.constant 0 : i32
          %dma_start3A_327 = arith.constant 0 : i32
          %dma_start3A_328 = tpu.memref_slice %arg11[%dma_start3A_326, %dma_start3A_327] : memref<10240x128xf32, #tpu.memory_space<vmem_shared>> -> memref<10240x128xf32, #tpu.memory_space<vmem_shared>>
          tpu.enqueue_indirect_dma source(%arg9 : memref<80x128xf32, #tpu.memory_space<vmem>>) target(%dma_start3A_328 : memref<10240x128xf32, #tpu.memory_space<vmem_shared>>) offsets(%dma_start3A_325 : memref<80xi32, #tpu.memory_space<vmem>>) semaphore(%run_scoped3A_322 : memref<!tpu.dma_semaphore, #tpu.memory_space<semaphore_mem>>) {add = true}
          %dma_wait3A_329 = arith.constant 0 : i32
          %dma_wait3A_330 = tpu.memref_slice %arg7[%run_scoped3A_321, %add3A_320, %dma_wait3A_329] : memref<2x25x80xi32, #tpu.memory_space<vmem>> -> memref<1x1x80xi32, #tpu.memory_space<vmem>>
          %dma_wait3A_331 = tpu.memref_squeeze %dma_wait3A_330 : memref<1x1x80xi32, #tpu.memory_space<vmem>> -> memref<80xi32, #tpu.memory_space<vmem>>
          %dma_wait3A_332 = arith.constant 0 : i32
          %dma_wait3A_333 = arith.constant 0 : i32
          %dma_wait3A_334 = tpu.memref_slice %arg11[%dma_wait3A_332, %dma_wait3A_333] : memref<10240x128xf32, #tpu.memory_space<vmem_shared>> -> memref<10240x128xf32, #tpu.memory_space<vmem_shared>>
          tpu.wait_indirect_dma semaphore(%run_scoped3A_322 : memref<!tpu.dma_semaphore, #tpu.memory_space<semaphore_mem>>) src(%arg9 : memref<80x128xf32, #tpu.memory_space<vmem>>) dst(%dma_wait3A_334 : memref<10240x128xf32, #tpu.memory_space<vmem_shared>>)
          tpu.yield
        }) : () -> ()
      } else {
      }
      %add3A_297 = arith.constant 4 : i32
      %add3A_298 = arith.addi %mul3A_269, %add3A_297 : i32
      %lt3A_299 = arith.constant 25 : i32
      %lt3A_300 = arith.cmpi slt, %add3A_298, %lt3A_299 : i32
      %convert_element_type3A_301 = arith.extui %lt3A_300 : i1 to i32
      %cond3A_302 = arith.constant 0 : i32
      %cond3A_303 = arith.cmpi ne, %convert_element_type3A_301, %cond3A_302 : i32
      scf.if %cond3A_303 {
        %add3A_311 = arith.constant 4 : i32
        %add3A_312 = arith.addi %add3A_271, %add3A_311 : i32
        %mul3A_313 = arith.constant 80 : i32
        %mul3A_314 = arith.muli %add3A_312, %mul3A_313 : i32
        %dma_start3A_315 = tpu.memref_slice %arg6[%mul3A_314] : memref<10000xi32, #tpu.memory_space<vmem>> -> memref<80xi32, #tpu.memory_space<vmem>>
        %dma_start3A_316 = arith.constant 0 : i32
        %dma_start3A_317 = arith.constant 0 : i32
        %dma_start3A_318 = tpu.memref_slice %arg4[%dma_start3A_316, %dma_start3A_317] : memref<10000x128xf32, #tpu.memory_space<hbm>> -> memref<10000x128xf32, #tpu.memory_space<hbm>>
        tpu.enqueue_indirect_dma source(%dma_start3A_318 : memref<10000x128xf32, #tpu.memory_space<hbm>>) target(%arg9 : memref<80x128xf32, #tpu.memory_space<vmem>>) offsets(%dma_start3A_315 : memref<80xi32, #tpu.memory_space<vmem>>) semaphore(%arg13 : memref<!tpu.dma_semaphore, #tpu.memory_space<semaphore_mem>>)
      } else {
      }
      %add3A_304 = arith.constant 2 : i32
      %add3A_305 = arith.addi %mul3A_269, %add3A_304 : i32
      %lt3A_306 = arith.constant 25 : i32
      %lt3A_307 = arith.cmpi slt, %add3A_305, %lt3A_306 : i32
      %convert_element_type3A_308 = arith.extui %lt3A_307 : i1 to i32
      %cond3A_309 = arith.constant 0 : i32
      %cond3A_310 = arith.cmpi ne, %convert_element_type3A_308, %cond3A_309 : i32
      scf.if %cond3A_310 {
        %add3A_311 = arith.constant 2 : i32
        %add3A_312 = arith.addi %add3A_271, %add3A_311 : i32
        %mul3A_313 = arith.constant 80 : i32
        %mul3A_314 = arith.muli %add3A_312, %mul3A_313 : i32
        %dma_wait3A_315 = tpu.memref_slice %arg6[%mul3A_314] : memref<10000xi32, #tpu.memory_space<vmem>> -> memref<80xi32, #tpu.memory_space<vmem>>
        %dma_wait3A_316 = arith.constant 0 : i32
        %dma_wait3A_317 = arith.constant 0 : i32
        %dma_wait3A_318 = tpu.memref_slice %arg4[%dma_wait3A_316, %dma_wait3A_317] : memref<10000x128xf32, #tpu.memory_space<hbm>> -> memref<10000x128xf32, #tpu.memory_space<hbm>>
        tpu.wait_indirect_dma semaphore(%arg14 : memref<!tpu.dma_semaphore, #tpu.memory_space<semaphore_mem>>) src(%dma_wait3A_318 : memref<10000x128xf32, #tpu.memory_space<hbm>>) dst(%arg10 : memref<80x128xf32, #tpu.memory_space<vmem>>)
        %add3A_319 = arith.constant 2 : i32
        %add3A_320 = arith.addi %mul3A_269, %add3A_319 : i32
        %run_scoped3A_321 = arith.constant 0 : i32
        "tpu.region"() ({
          %run_scoped3A_322 = tpu.sem_alloc : memref<!tpu.dma_semaphore, #tpu.memory_space<semaphore_mem>>
          %dma_start3A_323 = arith.constant 0 : i32
          %dma_start3A_324 = tpu.memref_slice %arg7[%run_scoped3A_321, %add3A_320, %dma_start3A_323] : memref<2x25x80xi32, #tpu.memory_space<vmem>> -> memref<1x1x80xi32, #tpu.memory_space<vmem>>
          %dma_start3A_325 = tpu.memref_squeeze %dma_start3A_324 : memref<1x1x80xi32, #tpu.memory_space<vmem>> -> memref<80xi32, #tpu.memory_space<vmem>>
          %dma_start3A_326 = arith.constant 0 : i32
          %dma_start3A_327 = arith.constant 0 : i32
          %dma_start3A_328 = tpu.memref_slice %arg11[%dma_start3A_326, %dma_start3A_327] : memref<10240x128xf32, #tpu.memory_space<vmem_shared>> -> memref<10240x128xf32, #tpu.memory_space<vmem_shared>>
          tpu.enqueue_indirect_dma source(%arg10 : memref<80x128xf32, #tpu.memory_space<vmem>>) target(%dma_start3A_328 : memref<10240x128xf32, #tpu.memory_space<vmem_shared>>) offsets(%dma_start3A_325 : memref<80xi32, #tpu.memory_space<vmem>>) semaphore(%run_scoped3A_322 : memref<!tpu.dma_semaphore, #tpu.memory_space<semaphore_mem>>) {add = true}
          %dma_wait3A_329 = arith.constant 0 : i32
          %dma_wait3A_330 = tpu.memref_slice %arg7[%run_scoped3A_321, %add3A_320, %dma_wait3A_329] : memref<2x25x80xi32, #tpu.memory_space<vmem>> -> memref<1x1x80xi32, #tpu.memory_space<vmem>>
          %dma_wait3A_331 = tpu.memref_squeeze %dma_wait3A_330 : memref<1x1x80xi32, #tpu.memory_space<vmem>> -> memref<80xi32, #tpu.memory_space<vmem>>
          %dma_wait3A_332 = arith.constant 0 : i32
          %dma_wait3A_333 = arith.constant 0 : i32
          %dma_wait3A_334 = tpu.memref_slice %arg11[%dma_wait3A_332, %dma_wait3A_333] : memref<10240x128xf32, #tpu.memory_space<vmem_shared>> -> memref<10240x128xf32, #tpu.memory_space<vmem_shared>>
          tpu.wait_indirect_dma semaphore(%run_scoped3A_322 : memref<!tpu.dma_semaphore, #tpu.memory_space<semaphore_mem>>) src(%arg10 : memref<80x128xf32, #tpu.memory_space<vmem>>) dst(%dma_wait3A_334 : memref<10240x128xf32, #tpu.memory_space<vmem_shared>>)
          tpu.yield
        }) : () -> ()
      } else {
      }
    }
    %scan3A_72 = arith.constant 9 : i32
    %dma_wait3A = arith.constant 1 : i32
    %dma_wait3A_73 = arith.constant 1 : i32
    %dma_wait3A_74 = arith.constant 0 : i32
    %dma_wait3A_75 = arith.constant 0 : i32
    %dma_wait3A_76 = tpu.memref_slice %arg7[%dma_wait3A_73, %dma_wait3A_74, %dma_wait3A_75] : memref<2x25x80xi32, #tpu.memory_space<vmem>> -> memref<1x25x80xi32, #tpu.memory_space<vmem>>
    %dma_wait3A_77 = tpu.memref_squeeze %dma_wait3A_76 : memref<1x25x80xi32, #tpu.memory_space<vmem>> -> memref<25x80xi32, #tpu.memory_space<vmem>>
    %dma_wait3A_78 = arith.constant 0 : i32
    %dma_wait3A_79 = arith.constant 0 : i32
    %dma_wait3A_80 = tpu.memref_slice %arg3[%add3A, %dma_wait3A, %dma_wait3A_78, %dma_wait3A_79] : memref<32x5x25x80xi32, #tpu.memory_space<hbm>> -> memref<1x1x25x80xi32, #tpu.memory_space<hbm>>
    %dma_wait3A_81 = tpu.memref_squeeze %dma_wait3A_80 : memref<1x1x25x80xi32, #tpu.memory_space<hbm>> -> memref<25x80xi32, #tpu.memory_space<hbm>>
    %dma_wait3A_82 = arith.constant 0 : i32
    %dma_wait3A_83 = arith.constant 0 : i32
    %dma_wait3A_84 = tpu.memref_slice %arg7[%dma_wait3A_73, %dma_wait3A_82, %dma_wait3A_83] : memref<2x25x80xi32, #tpu.memory_space<vmem>> -> memref<1x25x80xi32, #tpu.memory_space<vmem>>
    %dma_wait3A_85 = tpu.memref_squeeze %dma_wait3A_84 : memref<1x25x80xi32, #tpu.memory_space<vmem>> -> memref<25x80xi32, #tpu.memory_space<vmem>>
    %dma_wait3A_86 = arith.constant 0 : i32
    %dma_wait3A_87 = arith.constant 0 : i32
    %dma_wait3A_88 = tpu.memref_slice %arg3[%add3A, %dma_wait3A, %dma_wait3A_86, %dma_wait3A_87] : memref<32x5x25x80xi32, #tpu.memory_space<hbm>> -> memref<1x1x25x80xi32, #tpu.memory_space<hbm>>
    %dma_wait3A_89 = tpu.memref_squeeze %dma_wait3A_88 : memref<1x1x25x80xi32, #tpu.memory_space<hbm>> -> memref<25x80xi32, #tpu.memory_space<hbm>>
    tpu.wait_dma2 semaphore(%arg15 : memref<!tpu.dma_semaphore, #tpu.memory_space<semaphore_mem>>) src(%dma_wait3A_89 : memref<25x80xi32, #tpu.memory_space<hbm>>) dst(%dma_wait3A_85 : memref<25x80xi32, #tpu.memory_space<vmem>>)
    %dma_start3A_90 = arith.constant 2 : i32
    %dma_start3A_91 = arith.constant 0 : i32
    %dma_start3A_92 = arith.constant 0 : i32
    %dma_start3A_93 = arith.constant 0 : i32
    %dma_start3A_94 = tpu.memref_slice %arg7[%dma_start3A_91, %dma_start3A_92, %dma_start3A_93] : memref<2x25x80xi32, #tpu.memory_space<vmem>> -> memref<1x25x80xi32, #tpu.memory_space<vmem>>
    %dma_start3A_95 = tpu.memref_squeeze %dma_start3A_94 : memref<1x25x80xi32, #tpu.memory_space<vmem>> -> memref<25x80xi32, #tpu.memory_space<vmem>>
    %dma_start3A_96 = arith.constant 0 : i32
    %dma_start3A_97 = arith.constant 0 : i32
    %dma_start3A_98 = tpu.memref_slice %arg3[%add3A, %dma_start3A_90, %dma_start3A_96, %dma_start3A_97] : memref<32x5x25x80xi32, #tpu.memory_space<hbm>> -> memref<1x1x25x80xi32, #tpu.memory_space<hbm>>
    %dma_start3A_99 = tpu.memref_squeeze %dma_start3A_98 : memref<1x1x25x80xi32, #tpu.memory_space<hbm>> -> memref<25x80xi32, #tpu.memory_space<hbm>>
    %dma_start3A_100 = arith.constant 0 : i32
    %dma_start3A_101 = arith.constant 0 : i32
    %dma_start3A_102 = tpu.memref_slice %arg7[%dma_start3A_91, %dma_start3A_100, %dma_start3A_101] : memref<2x25x80xi32, #tpu.memory_space<vmem>> -> memref<1x25x80xi32, #tpu.memory_space<vmem>>
    %dma_start3A_103 = tpu.memref_squeeze %dma_start3A_102 : memref<1x25x80xi32, #tpu.memory_space<vmem>> -> memref<25x80xi32, #tpu.memory_space<vmem>>
    %dma_start3A_104 = arith.constant 0 : i32
    %dma_start3A_105 = arith.constant 0 : i32
    %dma_start3A_106 = tpu.memref_slice %arg3[%add3A, %dma_start3A_90, %dma_start3A_104, %dma_start3A_105] : memref<32x5x25x80xi32, #tpu.memory_space<hbm>> -> memref<1x1x25x80xi32, #tpu.memory_space<hbm>>
    %dma_start3A_107 = tpu.memref_squeeze %dma_start3A_106 : memref<1x1x25x80xi32, #tpu.memory_space<hbm>> -> memref<25x80xi32, #tpu.memory_space<hbm>>
    tpu.enqueue_dma source(%dma_start3A_107 : memref<25x80xi32, #tpu.memory_space<hbm>>) target(%dma_start3A_103 : memref<25x80xi32, #tpu.memory_space<vmem>>) target_semaphore(%arg15 : memref<!tpu.dma_semaphore, #tpu.memory_space<semaphore_mem>>)
    %dma_start3A_108 = arith.constant 2000 : i32
    %dma_start3A_109 = tpu.memref_slice %arg6[%dma_start3A_108] : memref<10000xi32, #tpu.memory_space<vmem>> -> memref<80xi32, #tpu.memory_space<vmem>>
    %dma_start3A_110 = arith.constant 0 : i32
    %dma_start3A_111 = arith.constant 0 : i32
    %dma_start3A_112 = tpu.memref_slice %arg4[%dma_start3A_110, %dma_start3A_111] : memref<10000x128xf32, #tpu.memory_space<hbm>> -> memref<10000x128xf32, #tpu.memory_space<hbm>>
    tpu.enqueue_indirect_dma source(%dma_start3A_112 : memref<10000x128xf32, #tpu.memory_space<hbm>>) target(%arg8 : memref<80x128xf32, #tpu.memory_space<vmem>>) offsets(%dma_start3A_109 : memref<80xi32, #tpu.memory_space<vmem>>) semaphore(%arg12 : memref<!tpu.dma_semaphore, #tpu.memory_space<semaphore_mem>>)
    %dma_start3A_113 = arith.constant 2080 : i32
    %dma_start3A_114 = tpu.memref_slice %arg6[%dma_start3A_113] : memref<10000xi32, #tpu.memory_space<vmem>> -> memref<80xi32, #tpu.memory_space<vmem>>
    %dma_start3A_115 = arith.constant 0 : i32
    %dma_start3A_116 = arith.constant 0 : i32
    %dma_start3A_117 = tpu.memref_slice %arg4[%dma_start3A_115, %dma_start3A_116] : memref<10000x128xf32, #tpu.memory_space<hbm>> -> memref<10000x128xf32, #tpu.memory_space<hbm>>
    tpu.enqueue_indirect_dma source(%dma_start3A_117 : memref<10000x128xf32, #tpu.memory_space<hbm>>) target(%arg9 : memref<80x128xf32, #tpu.memory_space<vmem>>) offsets(%dma_start3A_114 : memref<80xi32, #tpu.memory_space<vmem>>) semaphore(%arg13 : memref<!tpu.dma_semaphore, #tpu.memory_space<semaphore_mem>>)
    %scan3A_118 = arith.constant 0 : i32
    %scan3A_119 = arith.constant 0 : i32
    %scan3A_120 = arith.constant 9 : i32
    %scan3A_121 = arith.addi %scan3A_119, %scan3A_120 : i32
    %scan3A_122 = arith.constant 1 : i32
    scf.for %scan3A_267 = %scan3A_119 to %scan3A_121 step %scan3A_122  : i32 {
      %mul3A_268 = arith.constant 3 : i32
      %mul3A_269 = arith.muli %mul3A_268, %scan3A_267 : i32
      %add3A_270 = arith.constant 25 : i32
      %add3A_271 = arith.addi %add3A_270, %mul3A_269 : i32
      %add3A_272 = arith.constant 2 : i32
      %add3A_273 = arith.addi %mul3A_269, %add3A_272 : i32
      %lt3A = arith.constant 25 : i32
      %lt3A_274 = arith.cmpi slt, %add3A_273, %lt3A : i32
      %convert_element_type3A = arith.extui %lt3A_274 : i1 to i32
      %cond3A = arith.constant 0 : i32
      %cond3A_275 = arith.cmpi ne, %convert_element_type3A, %cond3A : i32
      scf.if %cond3A_275 {
        %add3A_311 = arith.constant 2 : i32
        %add3A_312 = arith.addi %add3A_271, %add3A_311 : i32
        %mul3A_313 = arith.constant 80 : i32
        %mul3A_314 = arith.muli %add3A_312, %mul3A_313 : i32
        %dma_start3A_315 = tpu.memref_slice %arg6[%mul3A_314] : memref<10000xi32, #tpu.memory_space<vmem>> -> memref<80xi32, #tpu.memory_space<vmem>>
        %dma_start3A_316 = arith.constant 0 : i32
        %dma_start3A_317 = arith.constant 0 : i32
        %dma_start3A_318 = tpu.memref_slice %arg4[%dma_start3A_316, %dma_start3A_317] : memref<10000x128xf32, #tpu.memory_space<hbm>> -> memref<10000x128xf32, #tpu.memory_space<hbm>>
        tpu.enqueue_indirect_dma source(%dma_start3A_318 : memref<10000x128xf32, #tpu.memory_space<hbm>>) target(%arg10 : memref<80x128xf32, #tpu.memory_space<vmem>>) offsets(%dma_start3A_315 : memref<80xi32, #tpu.memory_space<vmem>>) semaphore(%arg14 : memref<!tpu.dma_semaphore, #tpu.memory_space<semaphore_mem>>)
      } else {
      }
      %mul3A_276 = arith.constant 80 : i32
      %mul3A_277 = arith.muli %add3A_271, %mul3A_276 : i32
      %dma_wait3A_278 = tpu.memref_slice %arg6[%mul3A_277] : memref<10000xi32, #tpu.memory_space<vmem>> -> memref<80xi32, #tpu.memory_space<vmem>>
      %dma_wait3A_279 = arith.constant 0 : i32
      %dma_wait3A_280 = arith.constant 0 : i32
      %dma_wait3A_281 = tpu.memref_slice %arg4[%dma_wait3A_279, %dma_wait3A_280] : memref<10000x128xf32, #tpu.memory_space<hbm>> -> memref<10000x128xf32, #tpu.memory_space<hbm>>
      tpu.wait_indirect_dma semaphore(%arg12 : memref<!tpu.dma_semaphore, #tpu.memory_space<semaphore_mem>>) src(%dma_wait3A_281 : memref<10000x128xf32, #tpu.memory_space<hbm>>) dst(%arg8 : memref<80x128xf32, #tpu.memory_space<vmem>>)
      %run_scoped3A_282 = arith.constant 1 : i32
      "tpu.region"() ({
        %run_scoped3A_311 = tpu.sem_alloc : memref<!tpu.dma_semaphore, #tpu.memory_space<semaphore_mem>>
        %dma_start3A_312 = arith.constant 0 : i32
        %dma_start3A_313 = tpu.memref_slice %arg7[%run_scoped3A_282, %mul3A_269, %dma_start3A_312] : memref<2x25x80xi32, #tpu.memory_space<vmem>> -> memref<1x1x80xi32, #tpu.memory_space<vmem>>
        %dma_start3A_314 = tpu.memref_squeeze %dma_start3A_313 : memref<1x1x80xi32, #tpu.memory_space<vmem>> -> memref<80xi32, #tpu.memory_space<vmem>>
        %dma_start3A_315 = arith.constant 0 : i32
        %dma_start3A_316 = arith.constant 0 : i32
        %dma_start3A_317 = tpu.memref_slice %arg11[%dma_start3A_315, %dma_start3A_316] : memref<10240x128xf32, #tpu.memory_space<vmem_shared>> -> memref<10240x128xf32, #tpu.memory_space<vmem_shared>>
        tpu.enqueue_indirect_dma source(%arg8 : memref<80x128xf32, #tpu.memory_space<vmem>>) target(%dma_start3A_317 : memref<10240x128xf32, #tpu.memory_space<vmem_shared>>) offsets(%dma_start3A_314 : memref<80xi32, #tpu.memory_space<vmem>>) semaphore(%run_scoped3A_311 : memref<!tpu.dma_semaphore, #tpu.memory_space<semaphore_mem>>) {add = true}
        %dma_wait3A_318 = arith.constant 0 : i32
        %dma_wait3A_319 = tpu.memref_slice %arg7[%run_scoped3A_282, %mul3A_269, %dma_wait3A_318] : memref<2x25x80xi32, #tpu.memory_space<vmem>> -> memref<1x1x80xi32, #tpu.memory_space<vmem>>
        %dma_wait3A_320 = tpu.memref_squeeze %dma_wait3A_319 : memref<1x1x80xi32, #tpu.memory_space<vmem>> -> memref<80xi32, #tpu.memory_space<vmem>>
        %dma_wait3A_321 = arith.constant 0 : i32
        %dma_wait3A_322 = arith.constant 0 : i32
        %dma_wait3A_323 = tpu.memref_slice %arg11[%dma_wait3A_321, %dma_wait3A_322] : memref<10240x128xf32, #tpu.memory_space<vmem_shared>> -> memref<10240x128xf32, #tpu.memory_space<vmem_shared>>
        tpu.wait_indirect_dma semaphore(%run_scoped3A_311 : memref<!tpu.dma_semaphore, #tpu.memory_space<semaphore_mem>>) src(%arg8 : memref<80x128xf32, #tpu.memory_space<vmem>>) dst(%dma_wait3A_323 : memref<10240x128xf32, #tpu.memory_space<vmem_shared>>)
        tpu.yield
      }) : () -> ()
      %add3A_283 = arith.constant 3 : i32
      %add3A_284 = arith.addi %mul3A_269, %add3A_283 : i32
      %lt3A_285 = arith.constant 25 : i32
      %lt3A_286 = arith.cmpi slt, %add3A_284, %lt3A_285 : i32
      %convert_element_type3A_287 = arith.extui %lt3A_286 : i1 to i32
      %cond3A_288 = arith.constant 0 : i32
      %cond3A_289 = arith.cmpi ne, %convert_element_type3A_287, %cond3A_288 : i32
      scf.if %cond3A_289 {
        %add3A_311 = arith.constant 3 : i32
        %add3A_312 = arith.addi %add3A_271, %add3A_311 : i32
        %mul3A_313 = arith.constant 80 : i32
        %mul3A_314 = arith.muli %add3A_312, %mul3A_313 : i32
        %dma_start3A_315 = tpu.memref_slice %arg6[%mul3A_314] : memref<10000xi32, #tpu.memory_space<vmem>> -> memref<80xi32, #tpu.memory_space<vmem>>
        %dma_start3A_316 = arith.constant 0 : i32
        %dma_start3A_317 = arith.constant 0 : i32
        %dma_start3A_318 = tpu.memref_slice %arg4[%dma_start3A_316, %dma_start3A_317] : memref<10000x128xf32, #tpu.memory_space<hbm>> -> memref<10000x128xf32, #tpu.memory_space<hbm>>
        tpu.enqueue_indirect_dma source(%dma_start3A_318 : memref<10000x128xf32, #tpu.memory_space<hbm>>) target(%arg8 : memref<80x128xf32, #tpu.memory_space<vmem>>) offsets(%dma_start3A_315 : memref<80xi32, #tpu.memory_space<vmem>>) semaphore(%arg12 : memref<!tpu.dma_semaphore, #tpu.memory_space<semaphore_mem>>)
      } else {
      }
      %add3A_290 = arith.constant 1 : i32
      %add3A_291 = arith.addi %mul3A_269, %add3A_290 : i32
      %lt3A_292 = arith.constant 25 : i32
      %lt3A_293 = arith.cmpi slt, %add3A_291, %lt3A_292 : i32
      %convert_element_type3A_294 = arith.extui %lt3A_293 : i1 to i32
      %cond3A_295 = arith.constant 0 : i32
      %cond3A_296 = arith.cmpi ne, %convert_element_type3A_294, %cond3A_295 : i32
      scf.if %cond3A_296 {
        %add3A_311 = arith.constant 1 : i32
        %add3A_312 = arith.addi %add3A_271, %add3A_311 : i32
        %mul3A_313 = arith.constant 80 : i32
        %mul3A_314 = arith.muli %add3A_312, %mul3A_313 : i32
        %dma_wait3A_315 = tpu.memref_slice %arg6[%mul3A_314] : memref<10000xi32, #tpu.memory_space<vmem>> -> memref<80xi32, #tpu.memory_space<vmem>>
        %dma_wait3A_316 = arith.constant 0 : i32
        %dma_wait3A_317 = arith.constant 0 : i32
        %dma_wait3A_318 = tpu.memref_slice %arg4[%dma_wait3A_316, %dma_wait3A_317] : memref<10000x128xf32, #tpu.memory_space<hbm>> -> memref<10000x128xf32, #tpu.memory_space<hbm>>
        tpu.wait_indirect_dma semaphore(%arg13 : memref<!tpu.dma_semaphore, #tpu.memory_space<semaphore_mem>>) src(%dma_wait3A_318 : memref<10000x128xf32, #tpu.memory_space<hbm>>) dst(%arg9 : memref<80x128xf32, #tpu.memory_space<vmem>>)
        %add3A_319 = arith.constant 1 : i32
        %add3A_320 = arith.addi %mul3A_269, %add3A_319 : i32
        %run_scoped3A_321 = arith.constant 1 : i32
        "tpu.region"() ({
          %run_scoped3A_322 = tpu.sem_alloc : memref<!tpu.dma_semaphore, #tpu.memory_space<semaphore_mem>>
          %dma_start3A_323 = arith.constant 0 : i32
          %dma_start3A_324 = tpu.memref_slice %arg7[%run_scoped3A_321, %add3A_320, %dma_start3A_323] : memref<2x25x80xi32, #tpu.memory_space<vmem>> -> memref<1x1x80xi32, #tpu.memory_space<vmem>>
          %dma_start3A_325 = tpu.memref_squeeze %dma_start3A_324 : memref<1x1x80xi32, #tpu.memory_space<vmem>> -> memref<80xi32, #tpu.memory_space<vmem>>
          %dma_start3A_326 = arith.constant 0 : i32
          %dma_start3A_327 = arith.constant 0 : i32
          %dma_start3A_328 = tpu.memref_slice %arg11[%dma_start3A_326, %dma_start3A_327] : memref<10240x128xf32, #tpu.memory_space<vmem_shared>> -> memref<10240x128xf32, #tpu.memory_space<vmem_shared>>
          tpu.enqueue_indirect_dma source(%arg9 : memref<80x128xf32, #tpu.memory_space<vmem>>) target(%dma_start3A_328 : memref<10240x128xf32, #tpu.memory_space<vmem_shared>>) offsets(%dma_start3A_325 : memref<80xi32, #tpu.memory_space<vmem>>) semaphore(%run_scoped3A_322 : memref<!tpu.dma_semaphore, #tpu.memory_space<semaphore_mem>>) {add = true}
          %dma_wait3A_329 = arith.constant 0 : i32
          %dma_wait3A_330 = tpu.memref_slice %arg7[%run_scoped3A_321, %add3A_320, %dma_wait3A_329] : memref<2x25x80xi32, #tpu.memory_space<vmem>> -> memref<1x1x80xi32, #tpu.memory_space<vmem>>
          %dma_wait3A_331 = tpu.memref_squeeze %dma_wait3A_330 : memref<1x1x80xi32, #tpu.memory_space<vmem>> -> memref<80xi32, #tpu.memory_space<vmem>>
          %dma_wait3A_332 = arith.constant 0 : i32
          %dma_wait3A_333 = arith.constant 0 : i32
          %dma_wait3A_334 = tpu.memref_slice %arg11[%dma_wait3A_332, %dma_wait3A_333] : memref<10240x128xf32, #tpu.memory_space<vmem_shared>> -> memref<10240x128xf32, #tpu.memory_space<vmem_shared>>
          tpu.wait_indirect_dma semaphore(%run_scoped3A_322 : memref<!tpu.dma_semaphore, #tpu.memory_space<semaphore_mem>>) src(%arg9 : memref<80x128xf32, #tpu.memory_space<vmem>>) dst(%dma_wait3A_334 : memref<10240x128xf32, #tpu.memory_space<vmem_shared>>)
          tpu.yield
        }) : () -> ()
      } else {
      }
      %add3A_297 = arith.constant 4 : i32
      %add3A_298 = arith.addi %mul3A_269, %add3A_297 : i32
      %lt3A_299 = arith.constant 25 : i32
      %lt3A_300 = arith.cmpi slt, %add3A_298, %lt3A_299 : i32
      %convert_element_type3A_301 = arith.extui %lt3A_300 : i1 to i32
      %cond3A_302 = arith.constant 0 : i32
      %cond3A_303 = arith.cmpi ne, %convert_element_type3A_301, %cond3A_302 : i32
      scf.if %cond3A_303 {
        %add3A_311 = arith.constant 4 : i32
        %add3A_312 = arith.addi %add3A_271, %add3A_311 : i32
        %mul3A_313 = arith.constant 80 : i32
        %mul3A_314 = arith.muli %add3A_312, %mul3A_313 : i32
        %dma_start3A_315 = tpu.memref_slice %arg6[%mul3A_314] : memref<10000xi32, #tpu.memory_space<vmem>> -> memref<80xi32, #tpu.memory_space<vmem>>
        %dma_start3A_316 = arith.constant 0 : i32
        %dma_start3A_317 = arith.constant 0 : i32
        %dma_start3A_318 = tpu.memref_slice %arg4[%dma_start3A_316, %dma_start3A_317] : memref<10000x128xf32, #tpu.memory_space<hbm>> -> memref<10000x128xf32, #tpu.memory_space<hbm>>
        tpu.enqueue_indirect_dma source(%dma_start3A_318 : memref<10000x128xf32, #tpu.memory_space<hbm>>) target(%arg9 : memref<80x128xf32, #tpu.memory_space<vmem>>) offsets(%dma_start3A_315 : memref<80xi32, #tpu.memory_space<vmem>>) semaphore(%arg13 : memref<!tpu.dma_semaphore, #tpu.memory_space<semaphore_mem>>)
      } else {
      }
      %add3A_304 = arith.constant 2 : i32
      %add3A_305 = arith.addi %mul3A_269, %add3A_304 : i32
      %lt3A_306 = arith.constant 25 : i32
      %lt3A_307 = arith.cmpi slt, %add3A_305, %lt3A_306 : i32
      %convert_element_type3A_308 = arith.extui %lt3A_307 : i1 to i32
      %cond3A_309 = arith.constant 0 : i32
      %cond3A_310 = arith.cmpi ne, %convert_element_type3A_308, %cond3A_309 : i32
      scf.if %cond3A_310 {
        %add3A_311 = arith.constant 2 : i32
        %add3A_312 = arith.addi %add3A_271, %add3A_311 : i32
        %mul3A_313 = arith.constant 80 : i32
        %mul3A_314 = arith.muli %add3A_312, %mul3A_313 : i32
        %dma_wait3A_315 = tpu.memref_slice %arg6[%mul3A_314] : memref<10000xi32, #tpu.memory_space<vmem>> -> memref<80xi32, #tpu.memory_space<vmem>>
        %dma_wait3A_316 = arith.constant 0 : i32
        %dma_wait3A_317 = arith.constant 0 : i32
        %dma_wait3A_318 = tpu.memref_slice %arg4[%dma_wait3A_316, %dma_wait3A_317] : memref<10000x128xf32, #tpu.memory_space<hbm>> -> memref<10000x128xf32, #tpu.memory_space<hbm>>
        tpu.wait_indirect_dma semaphore(%arg14 : memref<!tpu.dma_semaphore, #tpu.memory_space<semaphore_mem>>) src(%dma_wait3A_318 : memref<10000x128xf32, #tpu.memory_space<hbm>>) dst(%arg10 : memref<80x128xf32, #tpu.memory_space<vmem>>)
        %add3A_319 = arith.constant 2 : i32
        %add3A_320 = arith.addi %mul3A_269, %add3A_319 : i32
        %run_scoped3A_321 = arith.constant 1 : i32
        "tpu.region"() ({
          %run_scoped3A_322 = tpu.sem_alloc : memref<!tpu.dma_semaphore, #tpu.memory_space<semaphore_mem>>
          %dma_start3A_323 = arith.constant 0 : i32
          %dma_start3A_324 = tpu.memref_slice %arg7[%run_scoped3A_321, %add3A_320, %dma_start3A_323] : memref<2x25x80xi32, #tpu.memory_space<vmem>> -> memref<1x1x80xi32, #tpu.memory_space<vmem>>
          %dma_start3A_325 = tpu.memref_squeeze %dma_start3A_324 : memref<1x1x80xi32, #tpu.memory_space<vmem>> -> memref<80xi32, #tpu.memory_space<vmem>>
          %dma_start3A_326 = arith.constant 0 : i32
          %dma_start3A_327 = arith.constant 0 : i32
          %dma_start3A_328 = tpu.memref_slice %arg11[%dma_start3A_326, %dma_start3A_327] : memref<10240x128xf32, #tpu.memory_space<vmem_shared>> -> memref<10240x128xf32, #tpu.memory_space<vmem_shared>>
          tpu.enqueue_indirect_dma source(%arg10 : memref<80x128xf32, #tpu.memory_space<vmem>>) target(%dma_start3A_328 : memref<10240x128xf32, #tpu.memory_space<vmem_shared>>) offsets(%dma_start3A_325 : memref<80xi32, #tpu.memory_space<vmem>>) semaphore(%run_scoped3A_322 : memref<!tpu.dma_semaphore, #tpu.memory_space<semaphore_mem>>) {add = true}
          %dma_wait3A_329 = arith.constant 0 : i32
          %dma_wait3A_330 = tpu.memref_slice %arg7[%run_scoped3A_321, %add3A_320, %dma_wait3A_329] : memref<2x25x80xi32, #tpu.memory_space<vmem>> -> memref<1x1x80xi32, #tpu.memory_space<vmem>>
          %dma_wait3A_331 = tpu.memref_squeeze %dma_wait3A_330 : memref<1x1x80xi32, #tpu.memory_space<vmem>> -> memref<80xi32, #tpu.memory_space<vmem>>
          %dma_wait3A_332 = arith.constant 0 : i32
          %dma_wait3A_333 = arith.constant 0 : i32
          %dma_wait3A_334 = tpu.memref_slice %arg11[%dma_wait3A_332, %dma_wait3A_333] : memref<10240x128xf32, #tpu.memory_space<vmem_shared>> -> memref<10240x128xf32, #tpu.memory_space<vmem_shared>>
          tpu.wait_indirect_dma semaphore(%run_scoped3A_322 : memref<!tpu.dma_semaphore, #tpu.memory_space<semaphore_mem>>) src(%arg10 : memref<80x128xf32, #tpu.memory_space<vmem>>) dst(%dma_wait3A_334 : memref<10240x128xf32, #tpu.memory_space<vmem_shared>>)
          tpu.yield
        }) : () -> ()
      } else {
      }
    }
    %scan3A_123 = arith.constant 9 : i32
    %dma_wait3A_124 = arith.constant 2 : i32
    %dma_wait3A_125 = arith.constant 0 : i32
    %dma_wait3A_126 = arith.constant 0 : i32
    %dma_wait3A_127 = arith.constant 0 : i32
    %dma_wait3A_128 = tpu.memref_slice %arg7[%dma_wait3A_125, %dma_wait3A_126, %dma_wait3A_127] : memref<2x25x80xi32, #tpu.memory_space<vmem>> -> memref<1x25x80xi32, #tpu.memory_space<vmem>>
    %dma_wait3A_129 = tpu.memref_squeeze %dma_wait3A_128 : memref<1x25x80xi32, #tpu.memory_space<vmem>> -> memref<25x80xi32, #tpu.memory_space<vmem>>
    %dma_wait3A_130 = arith.constant 0 : i32
    %dma_wait3A_131 = arith.constant 0 : i32
    %dma_wait3A_132 = tpu.memref_slice %arg3[%add3A, %dma_wait3A_124, %dma_wait3A_130, %dma_wait3A_131] : memref<32x5x25x80xi32, #tpu.memory_space<hbm>> -> memref<1x1x25x80xi32, #tpu.memory_space<hbm>>
    %dma_wait3A_133 = tpu.memref_squeeze %dma_wait3A_132 : memref<1x1x25x80xi32, #tpu.memory_space<hbm>> -> memref<25x80xi32, #tpu.memory_space<hbm>>
    %dma_wait3A_134 = arith.constant 0 : i32
    %dma_wait3A_135 = arith.constant 0 : i32
    %dma_wait3A_136 = tpu.memref_slice %arg7[%dma_wait3A_125, %dma_wait3A_134, %dma_wait3A_135] : memref<2x25x80xi32, #tpu.memory_space<vmem>> -> memref<1x25x80xi32, #tpu.memory_space<vmem>>
    %dma_wait3A_137 = tpu.memref_squeeze %dma_wait3A_136 : memref<1x25x80xi32, #tpu.memory_space<vmem>> -> memref<25x80xi32, #tpu.memory_space<vmem>>
    %dma_wait3A_138 = arith.constant 0 : i32
    %dma_wait3A_139 = arith.constant 0 : i32
    %dma_wait3A_140 = tpu.memref_slice %arg3[%add3A, %dma_wait3A_124, %dma_wait3A_138, %dma_wait3A_139] : memref<32x5x25x80xi32, #tpu.memory_space<hbm>> -> memref<1x1x25x80xi32, #tpu.memory_space<hbm>>
    %dma_wait3A_141 = tpu.memref_squeeze %dma_wait3A_140 : memref<1x1x25x80xi32, #tpu.memory_space<hbm>> -> memref<25x80xi32, #tpu.memory_space<hbm>>
    tpu.wait_dma2 semaphore(%arg15 : memref<!tpu.dma_semaphore, #tpu.memory_space<semaphore_mem>>) src(%dma_wait3A_141 : memref<25x80xi32, #tpu.memory_space<hbm>>) dst(%dma_wait3A_137 : memref<25x80xi32, #tpu.memory_space<vmem>>)
    %dma_start3A_142 = arith.constant 3 : i32
    %dma_start3A_143 = arith.constant 1 : i32
    %dma_start3A_144 = arith.constant 0 : i32
    %dma_start3A_145 = arith.constant 0 : i32
    %dma_start3A_146 = tpu.memref_slice %arg7[%dma_start3A_143, %dma_start3A_144, %dma_start3A_145] : memref<2x25x80xi32, #tpu.memory_space<vmem>> -> memref<1x25x80xi32, #tpu.memory_space<vmem>>
    %dma_start3A_147 = tpu.memref_squeeze %dma_start3A_146 : memref<1x25x80xi32, #tpu.memory_space<vmem>> -> memref<25x80xi32, #tpu.memory_space<vmem>>
    %dma_start3A_148 = arith.constant 0 : i32
    %dma_start3A_149 = arith.constant 0 : i32
    %dma_start3A_150 = tpu.memref_slice %arg3[%add3A, %dma_start3A_142, %dma_start3A_148, %dma_start3A_149] : memref<32x5x25x80xi32, #tpu.memory_space<hbm>> -> memref<1x1x25x80xi32, #tpu.memory_space<hbm>>
    %dma_start3A_151 = tpu.memref_squeeze %dma_start3A_150 : memref<1x1x25x80xi32, #tpu.memory_space<hbm>> -> memref<25x80xi32, #tpu.memory_space<hbm>>
    %dma_start3A_152 = arith.constant 0 : i32
    %dma_start3A_153 = arith.constant 0 : i32
    %dma_start3A_154 = tpu.memref_slice %arg7[%dma_start3A_143, %dma_start3A_152, %dma_start3A_153] : memref<2x25x80xi32, #tpu.memory_space<vmem>> -> memref<1x25x80xi32, #tpu.memory_space<vmem>>
    %dma_start3A_155 = tpu.memref_squeeze %dma_start3A_154 : memref<1x25x80xi32, #tpu.memory_space<vmem>> -> memref<25x80xi32, #tpu.memory_space<vmem>>
    %dma_start3A_156 = arith.constant 0 : i32
    %dma_start3A_157 = arith.constant 0 : i32
    %dma_start3A_158 = tpu.memref_slice %arg3[%add3A, %dma_start3A_142, %dma_start3A_156, %dma_start3A_157] : memref<32x5x25x80xi32, #tpu.memory_space<hbm>> -> memref<1x1x25x80xi32, #tpu.memory_space<hbm>>
    %dma_start3A_159 = tpu.memref_squeeze %dma_start3A_158 : memref<1x1x25x80xi32, #tpu.memory_space<hbm>> -> memref<25x80xi32, #tpu.memory_space<hbm>>
    tpu.enqueue_dma source(%dma_start3A_159 : memref<25x80xi32, #tpu.memory_space<hbm>>) target(%dma_start3A_155 : memref<25x80xi32, #tpu.memory_space<vmem>>) target_semaphore(%arg15 : memref<!tpu.dma_semaphore, #tpu.memory_space<semaphore_mem>>)
    %dma_start3A_160 = arith.constant 4000 : i32
    %dma_start3A_161 = tpu.memref_slice %arg6[%dma_start3A_160] : memref<10000xi32, #tpu.memory_space<vmem>> -> memref<80xi32, #tpu.memory_space<vmem>>
    %dma_start3A_162 = arith.constant 0 : i32
    %dma_start3A_163 = arith.constant 0 : i32
    %dma_start3A_164 = tpu.memref_slice %arg4[%dma_start3A_162, %dma_start3A_163] : memref<10000x128xf32, #tpu.memory_space<hbm>> -> memref<10000x128xf32, #tpu.memory_space<hbm>>
    tpu.enqueue_indirect_dma source(%dma_start3A_164 : memref<10000x128xf32, #tpu.memory_space<hbm>>) target(%arg8 : memref<80x128xf32, #tpu.memory_space<vmem>>) offsets(%dma_start3A_161 : memref<80xi32, #tpu.memory_space<vmem>>) semaphore(%arg12 : memref<!tpu.dma_semaphore, #tpu.memory_space<semaphore_mem>>)
    %dma_start3A_165 = arith.constant 4080 : i32
    %dma_start3A_166 = tpu.memref_slice %arg6[%dma_start3A_165] : memref<10000xi32, #tpu.memory_space<vmem>> -> memref<80xi32, #tpu.memory_space<vmem>>
    %dma_start3A_167 = arith.constant 0 : i32
    %dma_start3A_168 = arith.constant 0 : i32
    %dma_start3A_169 = tpu.memref_slice %arg4[%dma_start3A_167, %dma_start3A_168] : memref<10000x128xf32, #tpu.memory_space<hbm>> -> memref<10000x128xf32, #tpu.memory_space<hbm>>
    tpu.enqueue_indirect_dma source(%dma_start3A_169 : memref<10000x128xf32, #tpu.memory_space<hbm>>) target(%arg9 : memref<80x128xf32, #tpu.memory_space<vmem>>) offsets(%dma_start3A_166 : memref<80xi32, #tpu.memory_space<vmem>>) semaphore(%arg13 : memref<!tpu.dma_semaphore, #tpu.memory_space<semaphore_mem>>)
    %scan3A_170 = arith.constant 0 : i32
    %scan3A_171 = arith.constant 0 : i32
    %scan3A_172 = arith.constant 9 : i32
    %scan3A_173 = arith.addi %scan3A_171, %scan3A_172 : i32
    %scan3A_174 = arith.constant 1 : i32
    scf.for %scan3A_267 = %scan3A_171 to %scan3A_173 step %scan3A_174  : i32 {
      %mul3A_268 = arith.constant 3 : i32
      %mul3A_269 = arith.muli %mul3A_268, %scan3A_267 : i32
      %add3A_270 = arith.constant 50 : i32
      %add3A_271 = arith.addi %add3A_270, %mul3A_269 : i32
      %add3A_272 = arith.constant 2 : i32
      %add3A_273 = arith.addi %mul3A_269, %add3A_272 : i32
      %lt3A = arith.constant 25 : i32
      %lt3A_274 = arith.cmpi slt, %add3A_273, %lt3A : i32
      %convert_element_type3A = arith.extui %lt3A_274 : i1 to i32
      %cond3A = arith.constant 0 : i32
      %cond3A_275 = arith.cmpi ne, %convert_element_type3A, %cond3A : i32
      scf.if %cond3A_275 {
        %add3A_311 = arith.constant 2 : i32
        %add3A_312 = arith.addi %add3A_271, %add3A_311 : i32
        %mul3A_313 = arith.constant 80 : i32
        %mul3A_314 = arith.muli %add3A_312, %mul3A_313 : i32
        %dma_start3A_315 = tpu.memref_slice %arg6[%mul3A_314] : memref<10000xi32, #tpu.memory_space<vmem>> -> memref<80xi32, #tpu.memory_space<vmem>>
        %dma_start3A_316 = arith.constant 0 : i32
        %dma_start3A_317 = arith.constant 0 : i32
        %dma_start3A_318 = tpu.memref_slice %arg4[%dma_start3A_316, %dma_start3A_317] : memref<10000x128xf32, #tpu.memory_space<hbm>> -> memref<10000x128xf32, #tpu.memory_space<hbm>>
        tpu.enqueue_indirect_dma source(%dma_start3A_318 : memref<10000x128xf32, #tpu.memory_space<hbm>>) target(%arg10 : memref<80x128xf32, #tpu.memory_space<vmem>>) offsets(%dma_start3A_315 : memref<80xi32, #tpu.memory_space<vmem>>) semaphore(%arg14 : memref<!tpu.dma_semaphore, #tpu.memory_space<semaphore_mem>>)
      } else {
      }
      %mul3A_276 = arith.constant 80 : i32
      %mul3A_277 = arith.muli %add3A_271, %mul3A_276 : i32
      %dma_wait3A_278 = tpu.memref_slice %arg6[%mul3A_277] : memref<10000xi32, #tpu.memory_space<vmem>> -> memref<80xi32, #tpu.memory_space<vmem>>
      %dma_wait3A_279 = arith.constant 0 : i32
      %dma_wait3A_280 = arith.constant 0 : i32
      %dma_wait3A_281 = tpu.memref_slice %arg4[%dma_wait3A_279, %dma_wait3A_280] : memref<10000x128xf32, #tpu.memory_space<hbm>> -> memref<10000x128xf32, #tpu.memory_space<hbm>>
      tpu.wait_indirect_dma semaphore(%arg12 : memref<!tpu.dma_semaphore, #tpu.memory_space<semaphore_mem>>) src(%dma_wait3A_281 : memref<10000x128xf32, #tpu.memory_space<hbm>>) dst(%arg8 : memref<80x128xf32, #tpu.memory_space<vmem>>)
      %run_scoped3A_282 = arith.constant 0 : i32
      "tpu.region"() ({
        %run_scoped3A_311 = tpu.sem_alloc : memref<!tpu.dma_semaphore, #tpu.memory_space<semaphore_mem>>
        %dma_start3A_312 = arith.constant 0 : i32
        %dma_start3A_313 = tpu.memref_slice %arg7[%run_scoped3A_282, %mul3A_269, %dma_start3A_312] : memref<2x25x80xi32, #tpu.memory_space<vmem>> -> memref<1x1x80xi32, #tpu.memory_space<vmem>>
        %dma_start3A_314 = tpu.memref_squeeze %dma_start3A_313 : memref<1x1x80xi32, #tpu.memory_space<vmem>> -> memref<80xi32, #tpu.memory_space<vmem>>
        %dma_start3A_315 = arith.constant 0 : i32
        %dma_start3A_316 = arith.constant 0 : i32
        %dma_start3A_317 = tpu.memref_slice %arg11[%dma_start3A_315, %dma_start3A_316] : memref<10240x128xf32, #tpu.memory_space<vmem_shared>> -> memref<10240x128xf32, #tpu.memory_space<vmem_shared>>
        tpu.enqueue_indirect_dma source(%arg8 : memref<80x128xf32, #tpu.memory_space<vmem>>) target(%dma_start3A_317 : memref<10240x128xf32, #tpu.memory_space<vmem_shared>>) offsets(%dma_start3A_314 : memref<80xi32, #tpu.memory_space<vmem>>) semaphore(%run_scoped3A_311 : memref<!tpu.dma_semaphore, #tpu.memory_space<semaphore_mem>>) {add = true}
        %dma_wait3A_318 = arith.constant 0 : i32
        %dma_wait3A_319 = tpu.memref_slice %arg7[%run_scoped3A_282, %mul3A_269, %dma_wait3A_318] : memref<2x25x80xi32, #tpu.memory_space<vmem>> -> memref<1x1x80xi32, #tpu.memory_space<vmem>>
        %dma_wait3A_320 = tpu.memref_squeeze %dma_wait3A_319 : memref<1x1x80xi32, #tpu.memory_space<vmem>> -> memref<80xi32, #tpu.memory_space<vmem>>
        %dma_wait3A_321 = arith.constant 0 : i32
        %dma_wait3A_322 = arith.constant 0 : i32
        %dma_wait3A_323 = tpu.memref_slice %arg11[%dma_wait3A_321, %dma_wait3A_322] : memref<10240x128xf32, #tpu.memory_space<vmem_shared>> -> memref<10240x128xf32, #tpu.memory_space<vmem_shared>>
        tpu.wait_indirect_dma semaphore(%run_scoped3A_311 : memref<!tpu.dma_semaphore, #tpu.memory_space<semaphore_mem>>) src(%arg8 : memref<80x128xf32, #tpu.memory_space<vmem>>) dst(%dma_wait3A_323 : memref<10240x128xf32, #tpu.memory_space<vmem_shared>>)
        tpu.yield
      }) : () -> ()
      %add3A_283 = arith.constant 3 : i32
      %add3A_284 = arith.addi %mul3A_269, %add3A_283 : i32
      %lt3A_285 = arith.constant 25 : i32
      %lt3A_286 = arith.cmpi slt, %add3A_284, %lt3A_285 : i32
      %convert_element_type3A_287 = arith.extui %lt3A_286 : i1 to i32
      %cond3A_288 = arith.constant 0 : i32
      %cond3A_289 = arith.cmpi ne, %convert_element_type3A_287, %cond3A_288 : i32
      scf.if %cond3A_289 {
        %add3A_311 = arith.constant 3 : i32
        %add3A_312 = arith.addi %add3A_271, %add3A_311 : i32
        %mul3A_313 = arith.constant 80 : i32
        %mul3A_314 = arith.muli %add3A_312, %mul3A_313 : i32
        %dma_start3A_315 = tpu.memref_slice %arg6[%mul3A_314] : memref<10000xi32, #tpu.memory_space<vmem>> -> memref<80xi32, #tpu.memory_space<vmem>>
        %dma_start3A_316 = arith.constant 0 : i32
        %dma_start3A_317 = arith.constant 0 : i32
        %dma_start3A_318 = tpu.memref_slice %arg4[%dma_start3A_316, %dma_start3A_317] : memref<10000x128xf32, #tpu.memory_space<hbm>> -> memref<10000x128xf32, #tpu.memory_space<hbm>>
        tpu.enqueue_indirect_dma source(%dma_start3A_318 : memref<10000x128xf32, #tpu.memory_space<hbm>>) target(%arg8 : memref<80x128xf32, #tpu.memory_space<vmem>>) offsets(%dma_start3A_315 : memref<80xi32, #tpu.memory_space<vmem>>) semaphore(%arg12 : memref<!tpu.dma_semaphore, #tpu.memory_space<semaphore_mem>>)
      } else {
      }
      %add3A_290 = arith.constant 1 : i32
      %add3A_291 = arith.addi %mul3A_269, %add3A_290 : i32
      %lt3A_292 = arith.constant 25 : i32
      %lt3A_293 = arith.cmpi slt, %add3A_291, %lt3A_292 : i32
      %convert_element_type3A_294 = arith.extui %lt3A_293 : i1 to i32
      %cond3A_295 = arith.constant 0 : i32
      %cond3A_296 = arith.cmpi ne, %convert_element_type3A_294, %cond3A_295 : i32
      scf.if %cond3A_296 {
        %add3A_311 = arith.constant 1 : i32
        %add3A_312 = arith.addi %add3A_271, %add3A_311 : i32
        %mul3A_313 = arith.constant 80 : i32
        %mul3A_314 = arith.muli %add3A_312, %mul3A_313 : i32
        %dma_wait3A_315 = tpu.memref_slice %arg6[%mul3A_314] : memref<10000xi32, #tpu.memory_space<vmem>> -> memref<80xi32, #tpu.memory_space<vmem>>
        %dma_wait3A_316 = arith.constant 0 : i32
        %dma_wait3A_317 = arith.constant 0 : i32
        %dma_wait3A_318 = tpu.memref_slice %arg4[%dma_wait3A_316, %dma_wait3A_317] : memref<10000x128xf32, #tpu.memory_space<hbm>> -> memref<10000x128xf32, #tpu.memory_space<hbm>>
        tpu.wait_indirect_dma semaphore(%arg13 : memref<!tpu.dma_semaphore, #tpu.memory_space<semaphore_mem>>) src(%dma_wait3A_318 : memref<10000x128xf32, #tpu.memory_space<hbm>>) dst(%arg9 : memref<80x128xf32, #tpu.memory_space<vmem>>)
        %add3A_319 = arith.constant 1 : i32
        %add3A_320 = arith.addi %mul3A_269, %add3A_319 : i32
        %run_scoped3A_321 = arith.constant 0 : i32
        "tpu.region"() ({
          %run_scoped3A_322 = tpu.sem_alloc : memref<!tpu.dma_semaphore, #tpu.memory_space<semaphore_mem>>
          %dma_start3A_323 = arith.constant 0 : i32
          %dma_start3A_324 = tpu.memref_slice %arg7[%run_scoped3A_321, %add3A_320, %dma_start3A_323] : memref<2x25x80xi32, #tpu.memory_space<vmem>> -> memref<1x1x80xi32, #tpu.memory_space<vmem>>
          %dma_start3A_325 = tpu.memref_squeeze %dma_start3A_324 : memref<1x1x80xi32, #tpu.memory_space<vmem>> -> memref<80xi32, #tpu.memory_space<vmem>>
          %dma_start3A_326 = arith.constant 0 : i32
          %dma_start3A_327 = arith.constant 0 : i32
          %dma_start3A_328 = tpu.memref_slice %arg11[%dma_start3A_326, %dma_start3A_327] : memref<10240x128xf32, #tpu.memory_space<vmem_shared>> -> memref<10240x128xf32, #tpu.memory_space<vmem_shared>>
          tpu.enqueue_indirect_dma source(%arg9 : memref<80x128xf32, #tpu.memory_space<vmem>>) target(%dma_start3A_328 : memref<10240x128xf32, #tpu.memory_space<vmem_shared>>) offsets(%dma_start3A_325 : memref<80xi32, #tpu.memory_space<vmem>>) semaphore(%run_scoped3A_322 : memref<!tpu.dma_semaphore, #tpu.memory_space<semaphore_mem>>) {add = true}
          %dma_wait3A_329 = arith.constant 0 : i32
          %dma_wait3A_330 = tpu.memref_slice %arg7[%run_scoped3A_321, %add3A_320, %dma_wait3A_329] : memref<2x25x80xi32, #tpu.memory_space<vmem>> -> memref<1x1x80xi32, #tpu.memory_space<vmem>>
          %dma_wait3A_331 = tpu.memref_squeeze %dma_wait3A_330 : memref<1x1x80xi32, #tpu.memory_space<vmem>> -> memref<80xi32, #tpu.memory_space<vmem>>
          %dma_wait3A_332 = arith.constant 0 : i32
          %dma_wait3A_333 = arith.constant 0 : i32
          %dma_wait3A_334 = tpu.memref_slice %arg11[%dma_wait3A_332, %dma_wait3A_333] : memref<10240x128xf32, #tpu.memory_space<vmem_shared>> -> memref<10240x128xf32, #tpu.memory_space<vmem_shared>>
          tpu.wait_indirect_dma semaphore(%run_scoped3A_322 : memref<!tpu.dma_semaphore, #tpu.memory_space<semaphore_mem>>) src(%arg9 : memref<80x128xf32, #tpu.memory_space<vmem>>) dst(%dma_wait3A_334 : memref<10240x128xf32, #tpu.memory_space<vmem_shared>>)
          tpu.yield
        }) : () -> ()
      } else {
      }
      %add3A_297 = arith.constant 4 : i32
      %add3A_298 = arith.addi %mul3A_269, %add3A_297 : i32
      %lt3A_299 = arith.constant 25 : i32
      %lt3A_300 = arith.cmpi slt, %add3A_298, %lt3A_299 : i32
      %convert_element_type3A_301 = arith.extui %lt3A_300 : i1 to i32
      %cond3A_302 = arith.constant 0 : i32
      %cond3A_303 = arith.cmpi ne, %convert_element_type3A_301, %cond3A_302 : i32
      scf.if %cond3A_303 {
        %add3A_311 = arith.constant 4 : i32
        %add3A_312 = arith.addi %add3A_271, %add3A_311 : i32
        %mul3A_313 = arith.constant 80 : i32
        %mul3A_314 = arith.muli %add3A_312, %mul3A_313 : i32
        %dma_start3A_315 = tpu.memref_slice %arg6[%mul3A_314] : memref<10000xi32, #tpu.memory_space<vmem>> -> memref<80xi32, #tpu.memory_space<vmem>>
        %dma_start3A_316 = arith.constant 0 : i32
        %dma_start3A_317 = arith.constant 0 : i32
        %dma_start3A_318 = tpu.memref_slice %arg4[%dma_start3A_316, %dma_start3A_317] : memref<10000x128xf32, #tpu.memory_space<hbm>> -> memref<10000x128xf32, #tpu.memory_space<hbm>>
        tpu.enqueue_indirect_dma source(%dma_start3A_318 : memref<10000x128xf32, #tpu.memory_space<hbm>>) target(%arg9 : memref<80x128xf32, #tpu.memory_space<vmem>>) offsets(%dma_start3A_315 : memref<80xi32, #tpu.memory_space<vmem>>) semaphore(%arg13 : memref<!tpu.dma_semaphore, #tpu.memory_space<semaphore_mem>>)
      } else {
      }
      %add3A_304 = arith.constant 2 : i32
      %add3A_305 = arith.addi %mul3A_269, %add3A_304 : i32
      %lt3A_306 = arith.constant 25 : i32
      %lt3A_307 = arith.cmpi slt, %add3A_305, %lt3A_306 : i32
      %convert_element_type3A_308 = arith.extui %lt3A_307 : i1 to i32
      %cond3A_309 = arith.constant 0 : i32
      %cond3A_310 = arith.cmpi ne, %convert_element_type3A_308, %cond3A_309 : i32
      scf.if %cond3A_310 {
        %add3A_311 = arith.constant 2 : i32
        %add3A_312 = arith.addi %add3A_271, %add3A_311 : i32
        %mul3A_313 = arith.constant 80 : i32
        %mul3A_314 = arith.muli %add3A_312, %mul3A_313 : i32
        %dma_wait3A_315 = tpu.memref_slice %arg6[%mul3A_314] : memref<10000xi32, #tpu.memory_space<vmem>> -> memref<80xi32, #tpu.memory_space<vmem>>
        %dma_wait3A_316 = arith.constant 0 : i32
        %dma_wait3A_317 = arith.constant 0 : i32
        %dma_wait3A_318 = tpu.memref_slice %arg4[%dma_wait3A_316, %dma_wait3A_317] : memref<10000x128xf32, #tpu.memory_space<hbm>> -> memref<10000x128xf32, #tpu.memory_space<hbm>>
        tpu.wait_indirect_dma semaphore(%arg14 : memref<!tpu.dma_semaphore, #tpu.memory_space<semaphore_mem>>) src(%dma_wait3A_318 : memref<10000x128xf32, #tpu.memory_space<hbm>>) dst(%arg10 : memref<80x128xf32, #tpu.memory_space<vmem>>)
        %add3A_319 = arith.constant 2 : i32
        %add3A_320 = arith.addi %mul3A_269, %add3A_319 : i32
        %run_scoped3A_321 = arith.constant 0 : i32
        "tpu.region"() ({
          %run_scoped3A_322 = tpu.sem_alloc : memref<!tpu.dma_semaphore, #tpu.memory_space<semaphore_mem>>
          %dma_start3A_323 = arith.constant 0 : i32
          %dma_start3A_324 = tpu.memref_slice %arg7[%run_scoped3A_321, %add3A_320, %dma_start3A_323] : memref<2x25x80xi32, #tpu.memory_space<vmem>> -> memref<1x1x80xi32, #tpu.memory_space<vmem>>
          %dma_start3A_325 = tpu.memref_squeeze %dma_start3A_324 : memref<1x1x80xi32, #tpu.memory_space<vmem>> -> memref<80xi32, #tpu.memory_space<vmem>>
          %dma_start3A_326 = arith.constant 0 : i32
          %dma_start3A_327 = arith.constant 0 : i32
          %dma_start3A_328 = tpu.memref_slice %arg11[%dma_start3A_326, %dma_start3A_327] : memref<10240x128xf32, #tpu.memory_space<vmem_shared>> -> memref<10240x128xf32, #tpu.memory_space<vmem_shared>>
          tpu.enqueue_indirect_dma source(%arg10 : memref<80x128xf32, #tpu.memory_space<vmem>>) target(%dma_start3A_328 : memref<10240x128xf32, #tpu.memory_space<vmem_shared>>) offsets(%dma_start3A_325 : memref<80xi32, #tpu.memory_space<vmem>>) semaphore(%run_scoped3A_322 : memref<!tpu.dma_semaphore, #tpu.memory_space<semaphore_mem>>) {add = true}
          %dma_wait3A_329 = arith.constant 0 : i32
          %dma_wait3A_330 = tpu.memref_slice %arg7[%run_scoped3A_321, %add3A_320, %dma_wait3A_329] : memref<2x25x80xi32, #tpu.memory_space<vmem>> -> memref<1x1x80xi32, #tpu.memory_space<vmem>>
          %dma_wait3A_331 = tpu.memref_squeeze %dma_wait3A_330 : memref<1x1x80xi32, #tpu.memory_space<vmem>> -> memref<80xi32, #tpu.memory_space<vmem>>
          %dma_wait3A_332 = arith.constant 0 : i32
          %dma_wait3A_333 = arith.constant 0 : i32
          %dma_wait3A_334 = tpu.memref_slice %arg11[%dma_wait3A_332, %dma_wait3A_333] : memref<10240x128xf32, #tpu.memory_space<vmem_shared>> -> memref<10240x128xf32, #tpu.memory_space<vmem_shared>>
          tpu.wait_indirect_dma semaphore(%run_scoped3A_322 : memref<!tpu.dma_semaphore, #tpu.memory_space<semaphore_mem>>) src(%arg10 : memref<80x128xf32, #tpu.memory_space<vmem>>) dst(%dma_wait3A_334 : memref<10240x128xf32, #tpu.memory_space<vmem_shared>>)
          tpu.yield
        }) : () -> ()
      } else {
      }
    }
    %scan3A_175 = arith.constant 9 : i32
    %dma_wait3A_176 = arith.constant 3 : i32
    %dma_wait3A_177 = arith.constant 1 : i32
    %dma_wait3A_178 = arith.constant 0 : i32
    %dma_wait3A_179 = arith.constant 0 : i32
    %dma_wait3A_180 = tpu.memref_slice %arg7[%dma_wait3A_177, %dma_wait3A_178, %dma_wait3A_179] : memref<2x25x80xi32, #tpu.memory_space<vmem>> -> memref<1x25x80xi32, #tpu.memory_space<vmem>>
    %dma_wait3A_181 = tpu.memref_squeeze %dma_wait3A_180 : memref<1x25x80xi32, #tpu.memory_space<vmem>> -> memref<25x80xi32, #tpu.memory_space<vmem>>
    %dma_wait3A_182 = arith.constant 0 : i32
    %dma_wait3A_183 = arith.constant 0 : i32
    %dma_wait3A_184 = tpu.memref_slice %arg3[%add3A, %dma_wait3A_176, %dma_wait3A_182, %dma_wait3A_183] : memref<32x5x25x80xi32, #tpu.memory_space<hbm>> -> memref<1x1x25x80xi32, #tpu.memory_space<hbm>>
    %dma_wait3A_185 = tpu.memref_squeeze %dma_wait3A_184 : memref<1x1x25x80xi32, #tpu.memory_space<hbm>> -> memref<25x80xi32, #tpu.memory_space<hbm>>
    %dma_wait3A_186 = arith.constant 0 : i32
    %dma_wait3A_187 = arith.constant 0 : i32
    %dma_wait3A_188 = tpu.memref_slice %arg7[%dma_wait3A_177, %dma_wait3A_186, %dma_wait3A_187] : memref<2x25x80xi32, #tpu.memory_space<vmem>> -> memref<1x25x80xi32, #tpu.memory_space<vmem>>
    %dma_wait3A_189 = tpu.memref_squeeze %dma_wait3A_188 : memref<1x25x80xi32, #tpu.memory_space<vmem>> -> memref<25x80xi32, #tpu.memory_space<vmem>>
    %dma_wait3A_190 = arith.constant 0 : i32
    %dma_wait3A_191 = arith.constant 0 : i32
    %dma_wait3A_192 = tpu.memref_slice %arg3[%add3A, %dma_wait3A_176, %dma_wait3A_190, %dma_wait3A_191] : memref<32x5x25x80xi32, #tpu.memory_space<hbm>> -> memref<1x1x25x80xi32, #tpu.memory_space<hbm>>
    %dma_wait3A_193 = tpu.memref_squeeze %dma_wait3A_192 : memref<1x1x25x80xi32, #tpu.memory_space<hbm>> -> memref<25x80xi32, #tpu.memory_space<hbm>>
    tpu.wait_dma2 semaphore(%arg15 : memref<!tpu.dma_semaphore, #tpu.memory_space<semaphore_mem>>) src(%dma_wait3A_193 : memref<25x80xi32, #tpu.memory_space<hbm>>) dst(%dma_wait3A_189 : memref<25x80xi32, #tpu.memory_space<vmem>>)
    %dma_start3A_194 = arith.constant 4 : i32
    %dma_start3A_195 = arith.constant 0 : i32
    %dma_start3A_196 = arith.constant 0 : i32
    %dma_start3A_197 = arith.constant 0 : i32
    %dma_start3A_198 = tpu.memref_slice %arg7[%dma_start3A_195, %dma_start3A_196, %dma_start3A_197] : memref<2x25x80xi32, #tpu.memory_space<vmem>> -> memref<1x25x80xi32, #tpu.memory_space<vmem>>
    %dma_start3A_199 = tpu.memref_squeeze %dma_start3A_198 : memref<1x25x80xi32, #tpu.memory_space<vmem>> -> memref<25x80xi32, #tpu.memory_space<vmem>>
    %dma_start3A_200 = arith.constant 0 : i32
    %dma_start3A_201 = arith.constant 0 : i32
    %dma_start3A_202 = tpu.memref_slice %arg3[%add3A, %dma_start3A_194, %dma_start3A_200, %dma_start3A_201] : memref<32x5x25x80xi32, #tpu.memory_space<hbm>> -> memref<1x1x25x80xi32, #tpu.memory_space<hbm>>
    %dma_start3A_203 = tpu.memref_squeeze %dma_start3A_202 : memref<1x1x25x80xi32, #tpu.memory_space<hbm>> -> memref<25x80xi32, #tpu.memory_space<hbm>>
    %dma_start3A_204 = arith.constant 0 : i32
    %dma_start3A_205 = arith.constant 0 : i32
    %dma_start3A_206 = tpu.memref_slice %arg7[%dma_start3A_195, %dma_start3A_204, %dma_start3A_205] : memref<2x25x80xi32, #tpu.memory_space<vmem>> -> memref<1x25x80xi32, #tpu.memory_space<vmem>>
    %dma_start3A_207 = tpu.memref_squeeze %dma_start3A_206 : memref<1x25x80xi32, #tpu.memory_space<vmem>> -> memref<25x80xi32, #tpu.memory_space<vmem>>
    %dma_start3A_208 = arith.constant 0 : i32
    %dma_start3A_209 = arith.constant 0 : i32
    %dma_start3A_210 = tpu.memref_slice %arg3[%add3A, %dma_start3A_194, %dma_start3A_208, %dma_start3A_209] : memref<32x5x25x80xi32, #tpu.memory_space<hbm>> -> memref<1x1x25x80xi32, #tpu.memory_space<hbm>>
    %dma_start3A_211 = tpu.memref_squeeze %dma_start3A_210 : memref<1x1x25x80xi32, #tpu.memory_space<hbm>> -> memref<25x80xi32, #tpu.memory_space<hbm>>
    tpu.enqueue_dma source(%dma_start3A_211 : memref<25x80xi32, #tpu.memory_space<hbm>>) target(%dma_start3A_207 : memref<25x80xi32, #tpu.memory_space<vmem>>) target_semaphore(%arg15 : memref<!tpu.dma_semaphore, #tpu.memory_space<semaphore_mem>>)
    %dma_start3A_212 = arith.constant 6000 : i32
    %dma_start3A_213 = tpu.memref_slice %arg6[%dma_start3A_212] : memref<10000xi32, #tpu.memory_space<vmem>> -> memref<80xi32, #tpu.memory_space<vmem>>
    %dma_start3A_214 = arith.constant 0 : i32
    %dma_start3A_215 = arith.constant 0 : i32
    %dma_start3A_216 = tpu.memref_slice %arg4[%dma_start3A_214, %dma_start3A_215] : memref<10000x128xf32, #tpu.memory_space<hbm>> -> memref<10000x128xf32, #tpu.memory_space<hbm>>
    tpu.enqueue_indirect_dma source(%dma_start3A_216 : memref<10000x128xf32, #tpu.memory_space<hbm>>) target(%arg8 : memref<80x128xf32, #tpu.memory_space<vmem>>) offsets(%dma_start3A_213 : memref<80xi32, #tpu.memory_space<vmem>>) semaphore(%arg12 : memref<!tpu.dma_semaphore, #tpu.memory_space<semaphore_mem>>)
    %dma_start3A_217 = arith.constant 6080 : i32
    %dma_start3A_218 = tpu.memref_slice %arg6[%dma_start3A_217] : memref<10000xi32, #tpu.memory_space<vmem>> -> memref<80xi32, #tpu.memory_space<vmem>>
    %dma_start3A_219 = arith.constant 0 : i32
    %dma_start3A_220 = arith.constant 0 : i32
    %dma_start3A_221 = tpu.memref_slice %arg4[%dma_start3A_219, %dma_start3A_220] : memref<10000x128xf32, #tpu.memory_space<hbm>> -> memref<10000x128xf32, #tpu.memory_space<hbm>>
    tpu.enqueue_indirect_dma source(%dma_start3A_221 : memref<10000x128xf32, #tpu.memory_space<hbm>>) target(%arg9 : memref<80x128xf32, #tpu.memory_space<vmem>>) offsets(%dma_start3A_218 : memref<80xi32, #tpu.memory_space<vmem>>) semaphore(%arg13 : memref<!tpu.dma_semaphore, #tpu.memory_space<semaphore_mem>>)
    %scan3A_222 = arith.constant 0 : i32
    %scan3A_223 = arith.constant 0 : i32
    %scan3A_224 = arith.constant 9 : i32
    %scan3A_225 = arith.addi %scan3A_223, %scan3A_224 : i32
    %scan3A_226 = arith.constant 1 : i32
    scf.for %scan3A_267 = %scan3A_223 to %scan3A_225 step %scan3A_226  : i32 {
      %mul3A_268 = arith.constant 3 : i32
      %mul3A_269 = arith.muli %mul3A_268, %scan3A_267 : i32
      %add3A_270 = arith.constant 75 : i32
      %add3A_271 = arith.addi %add3A_270, %mul3A_269 : i32
      %add3A_272 = arith.constant 2 : i32
      %add3A_273 = arith.addi %mul3A_269, %add3A_272 : i32
      %lt3A = arith.constant 25 : i32
      %lt3A_274 = arith.cmpi slt, %add3A_273, %lt3A : i32
      %convert_element_type3A = arith.extui %lt3A_274 : i1 to i32
      %cond3A = arith.constant 0 : i32
      %cond3A_275 = arith.cmpi ne, %convert_element_type3A, %cond3A : i32
      scf.if %cond3A_275 {
        %add3A_311 = arith.constant 2 : i32
        %add3A_312 = arith.addi %add3A_271, %add3A_311 : i32
        %mul3A_313 = arith.constant 80 : i32
        %mul3A_314 = arith.muli %add3A_312, %mul3A_313 : i32
        %dma_start3A_315 = tpu.memref_slice %arg6[%mul3A_314] : memref<10000xi32, #tpu.memory_space<vmem>> -> memref<80xi32, #tpu.memory_space<vmem>>
        %dma_start3A_316 = arith.constant 0 : i32
        %dma_start3A_317 = arith.constant 0 : i32
        %dma_start3A_318 = tpu.memref_slice %arg4[%dma_start3A_316, %dma_start3A_317] : memref<10000x128xf32, #tpu.memory_space<hbm>> -> memref<10000x128xf32, #tpu.memory_space<hbm>>
        tpu.enqueue_indirect_dma source(%dma_start3A_318 : memref<10000x128xf32, #tpu.memory_space<hbm>>) target(%arg10 : memref<80x128xf32, #tpu.memory_space<vmem>>) offsets(%dma_start3A_315 : memref<80xi32, #tpu.memory_space<vmem>>) semaphore(%arg14 : memref<!tpu.dma_semaphore, #tpu.memory_space<semaphore_mem>>)
      } else {
      }
      %mul3A_276 = arith.constant 80 : i32
      %mul3A_277 = arith.muli %add3A_271, %mul3A_276 : i32
      %dma_wait3A_278 = tpu.memref_slice %arg6[%mul3A_277] : memref<10000xi32, #tpu.memory_space<vmem>> -> memref<80xi32, #tpu.memory_space<vmem>>
      %dma_wait3A_279 = arith.constant 0 : i32
      %dma_wait3A_280 = arith.constant 0 : i32
      %dma_wait3A_281 = tpu.memref_slice %arg4[%dma_wait3A_279, %dma_wait3A_280] : memref<10000x128xf32, #tpu.memory_space<hbm>> -> memref<10000x128xf32, #tpu.memory_space<hbm>>
      tpu.wait_indirect_dma semaphore(%arg12 : memref<!tpu.dma_semaphore, #tpu.memory_space<semaphore_mem>>) src(%dma_wait3A_281 : memref<10000x128xf32, #tpu.memory_space<hbm>>) dst(%arg8 : memref<80x128xf32, #tpu.memory_space<vmem>>)
      %run_scoped3A_282 = arith.constant 1 : i32
      "tpu.region"() ({
        %run_scoped3A_311 = tpu.sem_alloc : memref<!tpu.dma_semaphore, #tpu.memory_space<semaphore_mem>>
        %dma_start3A_312 = arith.constant 0 : i32
        %dma_start3A_313 = tpu.memref_slice %arg7[%run_scoped3A_282, %mul3A_269, %dma_start3A_312] : memref<2x25x80xi32, #tpu.memory_space<vmem>> -> memref<1x1x80xi32, #tpu.memory_space<vmem>>
        %dma_start3A_314 = tpu.memref_squeeze %dma_start3A_313 : memref<1x1x80xi32, #tpu.memory_space<vmem>> -> memref<80xi32, #tpu.memory_space<vmem>>
        %dma_start3A_315 = arith.constant 0 : i32
        %dma_start3A_316 = arith.constant 0 : i32
        %dma_start3A_317 = tpu.memref_slice %arg11[%dma_start3A_315, %dma_start3A_316] : memref<10240x128xf32, #tpu.memory_space<vmem_shared>> -> memref<10240x128xf32, #tpu.memory_space<vmem_shared>>
        tpu.enqueue_indirect_dma source(%arg8 : memref<80x128xf32, #tpu.memory_space<vmem>>) target(%dma_start3A_317 : memref<10240x128xf32, #tpu.memory_space<vmem_shared>>) offsets(%dma_start3A_314 : memref<80xi32, #tpu.memory_space<vmem>>) semaphore(%run_scoped3A_311 : memref<!tpu.dma_semaphore, #tpu.memory_space<semaphore_mem>>) {add = true}
        %dma_wait3A_318 = arith.constant 0 : i32
        %dma_wait3A_319 = tpu.memref_slice %arg7[%run_scoped3A_282, %mul3A_269, %dma_wait3A_318] : memref<2x25x80xi32, #tpu.memory_space<vmem>> -> memref<1x1x80xi32, #tpu.memory_space<vmem>>
        %dma_wait3A_320 = tpu.memref_squeeze %dma_wait3A_319 : memref<1x1x80xi32, #tpu.memory_space<vmem>> -> memref<80xi32, #tpu.memory_space<vmem>>
        %dma_wait3A_321 = arith.constant 0 : i32
        %dma_wait3A_322 = arith.constant 0 : i32
        %dma_wait3A_323 = tpu.memref_slice %arg11[%dma_wait3A_321, %dma_wait3A_322] : memref<10240x128xf32, #tpu.memory_space<vmem_shared>> -> memref<10240x128xf32, #tpu.memory_space<vmem_shared>>
        tpu.wait_indirect_dma semaphore(%run_scoped3A_311 : memref<!tpu.dma_semaphore, #tpu.memory_space<semaphore_mem>>) src(%arg8 : memref<80x128xf32, #tpu.memory_space<vmem>>) dst(%dma_wait3A_323 : memref<10240x128xf32, #tpu.memory_space<vmem_shared>>)
        tpu.yield
      }) : () -> ()
      %add3A_283 = arith.constant 3 : i32
      %add3A_284 = arith.addi %mul3A_269, %add3A_283 : i32
      %lt3A_285 = arith.constant 25 : i32
      %lt3A_286 = arith.cmpi slt, %add3A_284, %lt3A_285 : i32
      %convert_element_type3A_287 = arith.extui %lt3A_286 : i1 to i32
      %cond3A_288 = arith.constant 0 : i32
      %cond3A_289 = arith.cmpi ne, %convert_element_type3A_287, %cond3A_288 : i32
      scf.if %cond3A_289 {
        %add3A_311 = arith.constant 3 : i32
        %add3A_312 = arith.addi %add3A_271, %add3A_311 : i32
        %mul3A_313 = arith.constant 80 : i32
        %mul3A_314 = arith.muli %add3A_312, %mul3A_313 : i32
        %dma_start3A_315 = tpu.memref_slice %arg6[%mul3A_314] : memref<10000xi32, #tpu.memory_space<vmem>> -> memref<80xi32, #tpu.memory_space<vmem>>
        %dma_start3A_316 = arith.constant 0 : i32
        %dma_start3A_317 = arith.constant 0 : i32
        %dma_start3A_318 = tpu.memref_slice %arg4[%dma_start3A_316, %dma_start3A_317] : memref<10000x128xf32, #tpu.memory_space<hbm>> -> memref<10000x128xf32, #tpu.memory_space<hbm>>
        tpu.enqueue_indirect_dma source(%dma_start3A_318 : memref<10000x128xf32, #tpu.memory_space<hbm>>) target(%arg8 : memref<80x128xf32, #tpu.memory_space<vmem>>) offsets(%dma_start3A_315 : memref<80xi32, #tpu.memory_space<vmem>>) semaphore(%arg12 : memref<!tpu.dma_semaphore, #tpu.memory_space<semaphore_mem>>)
      } else {
      }
      %add3A_290 = arith.constant 1 : i32
      %add3A_291 = arith.addi %mul3A_269, %add3A_290 : i32
      %lt3A_292 = arith.constant 25 : i32
      %lt3A_293 = arith.cmpi slt, %add3A_291, %lt3A_292 : i32
      %convert_element_type3A_294 = arith.extui %lt3A_293 : i1 to i32
      %cond3A_295 = arith.constant 0 : i32
      %cond3A_296 = arith.cmpi ne, %convert_element_type3A_294, %cond3A_295 : i32
      scf.if %cond3A_296 {
        %add3A_311 = arith.constant 1 : i32
        %add3A_312 = arith.addi %add3A_271, %add3A_311 : i32
        %mul3A_313 = arith.constant 80 : i32
        %mul3A_314 = arith.muli %add3A_312, %mul3A_313 : i32
        %dma_wait3A_315 = tpu.memref_slice %arg6[%mul3A_314] : memref<10000xi32, #tpu.memory_space<vmem>> -> memref<80xi32, #tpu.memory_space<vmem>>
        %dma_wait3A_316 = arith.constant 0 : i32
        %dma_wait3A_317 = arith.constant 0 : i32
        %dma_wait3A_318 = tpu.memref_slice %arg4[%dma_wait3A_316, %dma_wait3A_317] : memref<10000x128xf32, #tpu.memory_space<hbm>> -> memref<10000x128xf32, #tpu.memory_space<hbm>>
        tpu.wait_indirect_dma semaphore(%arg13 : memref<!tpu.dma_semaphore, #tpu.memory_space<semaphore_mem>>) src(%dma_wait3A_318 : memref<10000x128xf32, #tpu.memory_space<hbm>>) dst(%arg9 : memref<80x128xf32, #tpu.memory_space<vmem>>)
        %add3A_319 = arith.constant 1 : i32
        %add3A_320 = arith.addi %mul3A_269, %add3A_319 : i32
        %run_scoped3A_321 = arith.constant 1 : i32
        "tpu.region"() ({
          %run_scoped3A_322 = tpu.sem_alloc : memref<!tpu.dma_semaphore, #tpu.memory_space<semaphore_mem>>
          %dma_start3A_323 = arith.constant 0 : i32
          %dma_start3A_324 = tpu.memref_slice %arg7[%run_scoped3A_321, %add3A_320, %dma_start3A_323] : memref<2x25x80xi32, #tpu.memory_space<vmem>> -> memref<1x1x80xi32, #tpu.memory_space<vmem>>
          %dma_start3A_325 = tpu.memref_squeeze %dma_start3A_324 : memref<1x1x80xi32, #tpu.memory_space<vmem>> -> memref<80xi32, #tpu.memory_space<vmem>>
          %dma_start3A_326 = arith.constant 0 : i32
          %dma_start3A_327 = arith.constant 0 : i32
          %dma_start3A_328 = tpu.memref_slice %arg11[%dma_start3A_326, %dma_start3A_327] : memref<10240x128xf32, #tpu.memory_space<vmem_shared>> -> memref<10240x128xf32, #tpu.memory_space<vmem_shared>>
          tpu.enqueue_indirect_dma source(%arg9 : memref<80x128xf32, #tpu.memory_space<vmem>>) target(%dma_start3A_328 : memref<10240x128xf32, #tpu.memory_space<vmem_shared>>) offsets(%dma_start3A_325 : memref<80xi32, #tpu.memory_space<vmem>>) semaphore(%run_scoped3A_322 : memref<!tpu.dma_semaphore, #tpu.memory_space<semaphore_mem>>) {add = true}
          %dma_wait3A_329 = arith.constant 0 : i32
          %dma_wait3A_330 = tpu.memref_slice %arg7[%run_scoped3A_321, %add3A_320, %dma_wait3A_329] : memref<2x25x80xi32, #tpu.memory_space<vmem>> -> memref<1x1x80xi32, #tpu.memory_space<vmem>>
          %dma_wait3A_331 = tpu.memref_squeeze %dma_wait3A_330 : memref<1x1x80xi32, #tpu.memory_space<vmem>> -> memref<80xi32, #tpu.memory_space<vmem>>
          %dma_wait3A_332 = arith.constant 0 : i32
          %dma_wait3A_333 = arith.constant 0 : i32
          %dma_wait3A_334 = tpu.memref_slice %arg11[%dma_wait3A_332, %dma_wait3A_333] : memref<10240x128xf32, #tpu.memory_space<vmem_shared>> -> memref<10240x128xf32, #tpu.memory_space<vmem_shared>>
          tpu.wait_indirect_dma semaphore(%run_scoped3A_322 : memref<!tpu.dma_semaphore, #tpu.memory_space<semaphore_mem>>) src(%arg9 : memref<80x128xf32, #tpu.memory_space<vmem>>) dst(%dma_wait3A_334 : memref<10240x128xf32, #tpu.memory_space<vmem_shared>>)
          tpu.yield
        }) : () -> ()
      } else {
      }
      %add3A_297 = arith.constant 4 : i32
      %add3A_298 = arith.addi %mul3A_269, %add3A_297 : i32
      %lt3A_299 = arith.constant 25 : i32
      %lt3A_300 = arith.cmpi slt, %add3A_298, %lt3A_299 : i32
      %convert_element_type3A_301 = arith.extui %lt3A_300 : i1 to i32
      %cond3A_302 = arith.constant 0 : i32
      %cond3A_303 = arith.cmpi ne, %convert_element_type3A_301, %cond3A_302 : i32
      scf.if %cond3A_303 {
        %add3A_311 = arith.constant 4 : i32
        %add3A_312 = arith.addi %add3A_271, %add3A_311 : i32
        %mul3A_313 = arith.constant 80 : i32
        %mul3A_314 = arith.muli %add3A_312, %mul3A_313 : i32
        %dma_start3A_315 = tpu.memref_slice %arg6[%mul3A_314] : memref<10000xi32, #tpu.memory_space<vmem>> -> memref<80xi32, #tpu.memory_space<vmem>>
        %dma_start3A_316 = arith.constant 0 : i32
        %dma_start3A_317 = arith.constant 0 : i32
        %dma_start3A_318 = tpu.memref_slice %arg4[%dma_start3A_316, %dma_start3A_317] : memref<10000x128xf32, #tpu.memory_space<hbm>> -> memref<10000x128xf32, #tpu.memory_space<hbm>>
        tpu.enqueue_indirect_dma source(%dma_start3A_318 : memref<10000x128xf32, #tpu.memory_space<hbm>>) target(%arg9 : memref<80x128xf32, #tpu.memory_space<vmem>>) offsets(%dma_start3A_315 : memref<80xi32, #tpu.memory_space<vmem>>) semaphore(%arg13 : memref<!tpu.dma_semaphore, #tpu.memory_space<semaphore_mem>>)
      } else {
      }
      %add3A_304 = arith.constant 2 : i32
      %add3A_305 = arith.addi %mul3A_269, %add3A_304 : i32
      %lt3A_306 = arith.constant 25 : i32
      %lt3A_307 = arith.cmpi slt, %add3A_305, %lt3A_306 : i32
      %convert_element_type3A_308 = arith.extui %lt3A_307 : i1 to i32
      %cond3A_309 = arith.constant 0 : i32
      %cond3A_310 = arith.cmpi ne, %convert_element_type3A_308, %cond3A_309 : i32
      scf.if %cond3A_310 {
        %add3A_311 = arith.constant 2 : i32
        %add3A_312 = arith.addi %add3A_271, %add3A_311 : i32
        %mul3A_313 = arith.constant 80 : i32
        %mul3A_314 = arith.muli %add3A_312, %mul3A_313 : i32
        %dma_wait3A_315 = tpu.memref_slice %arg6[%mul3A_314] : memref<10000xi32, #tpu.memory_space<vmem>> -> memref<80xi32, #tpu.memory_space<vmem>>
        %dma_wait3A_316 = arith.constant 0 : i32
        %dma_wait3A_317 = arith.constant 0 : i32
        %dma_wait3A_318 = tpu.memref_slice %arg4[%dma_wait3A_316, %dma_wait3A_317] : memref<10000x128xf32, #tpu.memory_space<hbm>> -> memref<10000x128xf32, #tpu.memory_space<hbm>>
        tpu.wait_indirect_dma semaphore(%arg14 : memref<!tpu.dma_semaphore, #tpu.memory_space<semaphore_mem>>) src(%dma_wait3A_318 : memref<10000x128xf32, #tpu.memory_space<hbm>>) dst(%arg10 : memref<80x128xf32, #tpu.memory_space<vmem>>)
        %add3A_319 = arith.constant 2 : i32
        %add3A_320 = arith.addi %mul3A_269, %add3A_319 : i32
        %run_scoped3A_321 = arith.constant 1 : i32
        "tpu.region"() ({
          %run_scoped3A_322 = tpu.sem_alloc : memref<!tpu.dma_semaphore, #tpu.memory_space<semaphore_mem>>
          %dma_start3A_323 = arith.constant 0 : i32
          %dma_start3A_324 = tpu.memref_slice %arg7[%run_scoped3A_321, %add3A_320, %dma_start3A_323] : memref<2x25x80xi32, #tpu.memory_space<vmem>> -> memref<1x1x80xi32, #tpu.memory_space<vmem>>
          %dma_start3A_325 = tpu.memref_squeeze %dma_start3A_324 : memref<1x1x80xi32, #tpu.memory_space<vmem>> -> memref<80xi32, #tpu.memory_space<vmem>>
          %dma_start3A_326 = arith.constant 0 : i32
          %dma_start3A_327 = arith.constant 0 : i32
          %dma_start3A_328 = tpu.memref_slice %arg11[%dma_start3A_326, %dma_start3A_327] : memref<10240x128xf32, #tpu.memory_space<vmem_shared>> -> memref<10240x128xf32, #tpu.memory_space<vmem_shared>>
          tpu.enqueue_indirect_dma source(%arg10 : memref<80x128xf32, #tpu.memory_space<vmem>>) target(%dma_start3A_328 : memref<10240x128xf32, #tpu.memory_space<vmem_shared>>) offsets(%dma_start3A_325 : memref<80xi32, #tpu.memory_space<vmem>>) semaphore(%run_scoped3A_322 : memref<!tpu.dma_semaphore, #tpu.memory_space<semaphore_mem>>) {add = true}
          %dma_wait3A_329 = arith.constant 0 : i32
          %dma_wait3A_330 = tpu.memref_slice %arg7[%run_scoped3A_321, %add3A_320, %dma_wait3A_329] : memref<2x25x80xi32, #tpu.memory_space<vmem>> -> memref<1x1x80xi32, #tpu.memory_space<vmem>>
          %dma_wait3A_331 = tpu.memref_squeeze %dma_wait3A_330 : memref<1x1x80xi32, #tpu.memory_space<vmem>> -> memref<80xi32, #tpu.memory_space<vmem>>
          %dma_wait3A_332 = arith.constant 0 : i32
          %dma_wait3A_333 = arith.constant 0 : i32
          %dma_wait3A_334 = tpu.memref_slice %arg11[%dma_wait3A_332, %dma_wait3A_333] : memref<10240x128xf32, #tpu.memory_space<vmem_shared>> -> memref<10240x128xf32, #tpu.memory_space<vmem_shared>>
          tpu.wait_indirect_dma semaphore(%run_scoped3A_322 : memref<!tpu.dma_semaphore, #tpu.memory_space<semaphore_mem>>) src(%arg10 : memref<80x128xf32, #tpu.memory_space<vmem>>) dst(%dma_wait3A_334 : memref<10240x128xf32, #tpu.memory_space<vmem_shared>>)
          tpu.yield
        }) : () -> ()
      } else {
      }
    }
    %scan3A_227 = arith.constant 9 : i32
    %dma_wait3A_228 = arith.constant 4 : i32
    %dma_wait3A_229 = arith.constant 0 : i32
    %dma_wait3A_230 = arith.constant 0 : i32
    %dma_wait3A_231 = arith.constant 0 : i32
    %dma_wait3A_232 = tpu.memref_slice %arg7[%dma_wait3A_229, %dma_wait3A_230, %dma_wait3A_231] : memref<2x25x80xi32, #tpu.memory_space<vmem>> -> memref<1x25x80xi32, #tpu.memory_space<vmem>>
    %dma_wait3A_233 = tpu.memref_squeeze %dma_wait3A_232 : memref<1x25x80xi32, #tpu.memory_space<vmem>> -> memref<25x80xi32, #tpu.memory_space<vmem>>
    %dma_wait3A_234 = arith.constant 0 : i32
    %dma_wait3A_235 = arith.constant 0 : i32
    %dma_wait3A_236 = tpu.memref_slice %arg3[%add3A, %dma_wait3A_228, %dma_wait3A_234, %dma_wait3A_235] : memref<32x5x25x80xi32, #tpu.memory_space<hbm>> -> memref<1x1x25x80xi32, #tpu.memory_space<hbm>>
    %dma_wait3A_237 = tpu.memref_squeeze %dma_wait3A_236 : memref<1x1x25x80xi32, #tpu.memory_space<hbm>> -> memref<25x80xi32, #tpu.memory_space<hbm>>
    %dma_wait3A_238 = arith.constant 0 : i32
    %dma_wait3A_239 = arith.constant 0 : i32
    %dma_wait3A_240 = tpu.memref_slice %arg7[%dma_wait3A_229, %dma_wait3A_238, %dma_wait3A_239] : memref<2x25x80xi32, #tpu.memory_space<vmem>> -> memref<1x25x80xi32, #tpu.memory_space<vmem>>
    %dma_wait3A_241 = tpu.memref_squeeze %dma_wait3A_240 : memref<1x25x80xi32, #tpu.memory_space<vmem>> -> memref<25x80xi32, #tpu.memory_space<vmem>>
    %dma_wait3A_242 = arith.constant 0 : i32
    %dma_wait3A_243 = arith.constant 0 : i32
    %dma_wait3A_244 = tpu.memref_slice %arg3[%add3A, %dma_wait3A_228, %dma_wait3A_242, %dma_wait3A_243] : memref<32x5x25x80xi32, #tpu.memory_space<hbm>> -> memref<1x1x25x80xi32, #tpu.memory_space<hbm>>
    %dma_wait3A_245 = tpu.memref_squeeze %dma_wait3A_244 : memref<1x1x25x80xi32, #tpu.memory_space<hbm>> -> memref<25x80xi32, #tpu.memory_space<hbm>>
    tpu.wait_dma2 semaphore(%arg15 : memref<!tpu.dma_semaphore, #tpu.memory_space<semaphore_mem>>) src(%dma_wait3A_245 : memref<25x80xi32, #tpu.memory_space<hbm>>) dst(%dma_wait3A_241 : memref<25x80xi32, #tpu.memory_space<vmem>>)
    %dma_start3A_246 = arith.constant 8000 : i32
    %dma_start3A_247 = tpu.memref_slice %arg6[%dma_start3A_246] : memref<10000xi32, #tpu.memory_space<vmem>> -> memref<80xi32, #tpu.memory_space<vmem>>
    %dma_start3A_248 = arith.constant 0 : i32
    %dma_start3A_249 = arith.constant 0 : i32
    %dma_start3A_250 = tpu.memref_slice %arg4[%dma_start3A_248, %dma_start3A_249] : memref<10000x128xf32, #tpu.memory_space<hbm>> -> memref<10000x128xf32, #tpu.memory_space<hbm>>
    tpu.enqueue_indirect_dma source(%dma_start3A_250 : memref<10000x128xf32, #tpu.memory_space<hbm>>) target(%arg8 : memref<80x128xf32, #tpu.memory_space<vmem>>) offsets(%dma_start3A_247 : memref<80xi32, #tpu.memory_space<vmem>>) semaphore(%arg12 : memref<!tpu.dma_semaphore, #tpu.memory_space<semaphore_mem>>)
    %dma_start3A_251 = arith.constant 8080 : i32
    %dma_start3A_252 = tpu.memref_slice %arg6[%dma_start3A_251] : memref<10000xi32, #tpu.memory_space<vmem>> -> memref<80xi32, #tpu.memory_space<vmem>>
    %dma_start3A_253 = arith.constant 0 : i32
    %dma_start3A_254 = arith.constant 0 : i32
    %dma_start3A_255 = tpu.memref_slice %arg4[%dma_start3A_253, %dma_start3A_254] : memref<10000x128xf32, #tpu.memory_space<hbm>> -> memref<10000x128xf32, #tpu.memory_space<hbm>>
    tpu.enqueue_indirect_dma source(%dma_start3A_255 : memref<10000x128xf32, #tpu.memory_space<hbm>>) target(%arg9 : memref<80x128xf32, #tpu.memory_space<vmem>>) offsets(%dma_start3A_252 : memref<80xi32, #tpu.memory_space<vmem>>) semaphore(%arg13 : memref<!tpu.dma_semaphore, #tpu.memory_space<semaphore_mem>>)
    %scan3A_256 = arith.constant 0 : i32
    %scan3A_257 = arith.constant 0 : i32
    %scan3A_258 = arith.constant 9 : i32
    %scan3A_259 = arith.addi %scan3A_257, %scan3A_258 : i32
    %scan3A_260 = arith.constant 1 : i32
    scf.for %scan3A_267 = %scan3A_257 to %scan3A_259 step %scan3A_260  : i32 {
      %mul3A_268 = arith.constant 3 : i32
      %mul3A_269 = arith.muli %mul3A_268, %scan3A_267 : i32
      %add3A_270 = arith.constant 100 : i32
      %add3A_271 = arith.addi %add3A_270, %mul3A_269 : i32
      %add3A_272 = arith.constant 2 : i32
      %add3A_273 = arith.addi %mul3A_269, %add3A_272 : i32
      %lt3A = arith.constant 25 : i32
      %lt3A_274 = arith.cmpi slt, %add3A_273, %lt3A : i32
      %convert_element_type3A = arith.extui %lt3A_274 : i1 to i32
      %cond3A = arith.constant 0 : i32
      %cond3A_275 = arith.cmpi ne, %convert_element_type3A, %cond3A : i32
      scf.if %cond3A_275 {
        %add3A_311 = arith.constant 2 : i32
        %add3A_312 = arith.addi %add3A_271, %add3A_311 : i32
        %mul3A_313 = arith.constant 80 : i32
        %mul3A_314 = arith.muli %add3A_312, %mul3A_313 : i32
        %dma_start3A_315 = tpu.memref_slice %arg6[%mul3A_314] : memref<10000xi32, #tpu.memory_space<vmem>> -> memref<80xi32, #tpu.memory_space<vmem>>
        %dma_start3A_316 = arith.constant 0 : i32
        %dma_start3A_317 = arith.constant 0 : i32
        %dma_start3A_318 = tpu.memref_slice %arg4[%dma_start3A_316, %dma_start3A_317] : memref<10000x128xf32, #tpu.memory_space<hbm>> -> memref<10000x128xf32, #tpu.memory_space<hbm>>
        tpu.enqueue_indirect_dma source(%dma_start3A_318 : memref<10000x128xf32, #tpu.memory_space<hbm>>) target(%arg10 : memref<80x128xf32, #tpu.memory_space<vmem>>) offsets(%dma_start3A_315 : memref<80xi32, #tpu.memory_space<vmem>>) semaphore(%arg14 : memref<!tpu.dma_semaphore, #tpu.memory_space<semaphore_mem>>)
      } else {
      }
      %mul3A_276 = arith.constant 80 : i32
      %mul3A_277 = arith.muli %add3A_271, %mul3A_276 : i32
      %dma_wait3A_278 = tpu.memref_slice %arg6[%mul3A_277] : memref<10000xi32, #tpu.memory_space<vmem>> -> memref<80xi32, #tpu.memory_space<vmem>>
      %dma_wait3A_279 = arith.constant 0 : i32
      %dma_wait3A_280 = arith.constant 0 : i32
      %dma_wait3A_281 = tpu.memref_slice %arg4[%dma_wait3A_279, %dma_wait3A_280] : memref<10000x128xf32, #tpu.memory_space<hbm>> -> memref<10000x128xf32, #tpu.memory_space<hbm>>
      tpu.wait_indirect_dma semaphore(%arg12 : memref<!tpu.dma_semaphore, #tpu.memory_space<semaphore_mem>>) src(%dma_wait3A_281 : memref<10000x128xf32, #tpu.memory_space<hbm>>) dst(%arg8 : memref<80x128xf32, #tpu.memory_space<vmem>>)
      %run_scoped3A_282 = arith.constant 0 : i32
      "tpu.region"() ({
        %run_scoped3A_311 = tpu.sem_alloc : memref<!tpu.dma_semaphore, #tpu.memory_space<semaphore_mem>>
        %dma_start3A_312 = arith.constant 0 : i32
        %dma_start3A_313 = tpu.memref_slice %arg7[%run_scoped3A_282, %mul3A_269, %dma_start3A_312] : memref<2x25x80xi32, #tpu.memory_space<vmem>> -> memref<1x1x80xi32, #tpu.memory_space<vmem>>
        %dma_start3A_314 = tpu.memref_squeeze %dma_start3A_313 : memref<1x1x80xi32, #tpu.memory_space<vmem>> -> memref<80xi32, #tpu.memory_space<vmem>>
        %dma_start3A_315 = arith.constant 0 : i32
        %dma_start3A_316 = arith.constant 0 : i32
        %dma_start3A_317 = tpu.memref_slice %arg11[%dma_start3A_315, %dma_start3A_316] : memref<10240x128xf32, #tpu.memory_space<vmem_shared>> -> memref<10240x128xf32, #tpu.memory_space<vmem_shared>>
        tpu.enqueue_indirect_dma source(%arg8 : memref<80x128xf32, #tpu.memory_space<vmem>>) target(%dma_start3A_317 : memref<10240x128xf32, #tpu.memory_space<vmem_shared>>) offsets(%dma_start3A_314 : memref<80xi32, #tpu.memory_space<vmem>>) semaphore(%run_scoped3A_311 : memref<!tpu.dma_semaphore, #tpu.memory_space<semaphore_mem>>) {add = true}
        %dma_wait3A_318 = arith.constant 0 : i32
        %dma_wait3A_319 = tpu.memref_slice %arg7[%run_scoped3A_282, %mul3A_269, %dma_wait3A_318] : memref<2x25x80xi32, #tpu.memory_space<vmem>> -> memref<1x1x80xi32, #tpu.memory_space<vmem>>
        %dma_wait3A_320 = tpu.memref_squeeze %dma_wait3A_319 : memref<1x1x80xi32, #tpu.memory_space<vmem>> -> memref<80xi32, #tpu.memory_space<vmem>>
        %dma_wait3A_321 = arith.constant 0 : i32
        %dma_wait3A_322 = arith.constant 0 : i32
        %dma_wait3A_323 = tpu.memref_slice %arg11[%dma_wait3A_321, %dma_wait3A_322] : memref<10240x128xf32, #tpu.memory_space<vmem_shared>> -> memref<10240x128xf32, #tpu.memory_space<vmem_shared>>
        tpu.wait_indirect_dma semaphore(%run_scoped3A_311 : memref<!tpu.dma_semaphore, #tpu.memory_space<semaphore_mem>>) src(%arg8 : memref<80x128xf32, #tpu.memory_space<vmem>>) dst(%dma_wait3A_323 : memref<10240x128xf32, #tpu.memory_space<vmem_shared>>)
        tpu.yield
      }) : () -> ()
      %add3A_283 = arith.constant 3 : i32
      %add3A_284 = arith.addi %mul3A_269, %add3A_283 : i32
      %lt3A_285 = arith.constant 25 : i32
      %lt3A_286 = arith.cmpi slt, %add3A_284, %lt3A_285 : i32
      %convert_element_type3A_287 = arith.extui %lt3A_286 : i1 to i32
      %cond3A_288 = arith.constant 0 : i32
      %cond3A_289 = arith.cmpi ne, %convert_element_type3A_287, %cond3A_288 : i32
      scf.if %cond3A_289 {
        %add3A_311 = arith.constant 3 : i32
        %add3A_312 = arith.addi %add3A_271, %add3A_311 : i32
        %mul3A_313 = arith.constant 80 : i32
        %mul3A_314 = arith.muli %add3A_312, %mul3A_313 : i32
        %dma_start3A_315 = tpu.memref_slice %arg6[%mul3A_314] : memref<10000xi32, #tpu.memory_space<vmem>> -> memref<80xi32, #tpu.memory_space<vmem>>
        %dma_start3A_316 = arith.constant 0 : i32
        %dma_start3A_317 = arith.constant 0 : i32
        %dma_start3A_318 = tpu.memref_slice %arg4[%dma_start3A_316, %dma_start3A_317] : memref<10000x128xf32, #tpu.memory_space<hbm>> -> memref<10000x128xf32, #tpu.memory_space<hbm>>
        tpu.enqueue_indirect_dma source(%dma_start3A_318 : memref<10000x128xf32, #tpu.memory_space<hbm>>) target(%arg8 : memref<80x128xf32, #tpu.memory_space<vmem>>) offsets(%dma_start3A_315 : memref<80xi32, #tpu.memory_space<vmem>>) semaphore(%arg12 : memref<!tpu.dma_semaphore, #tpu.memory_space<semaphore_mem>>)
      } else {
      }
      %add3A_290 = arith.constant 1 : i32
      %add3A_291 = arith.addi %mul3A_269, %add3A_290 : i32
      %lt3A_292 = arith.constant 25 : i32
      %lt3A_293 = arith.cmpi slt, %add3A_291, %lt3A_292 : i32
      %convert_element_type3A_294 = arith.extui %lt3A_293 : i1 to i32
      %cond3A_295 = arith.constant 0 : i32
      %cond3A_296 = arith.cmpi ne, %convert_element_type3A_294, %cond3A_295 : i32
      scf.if %cond3A_296 {
        %add3A_311 = arith.constant 1 : i32
        %add3A_312 = arith.addi %add3A_271, %add3A_311 : i32
        %mul3A_313 = arith.constant 80 : i32
        %mul3A_314 = arith.muli %add3A_312, %mul3A_313 : i32
        %dma_wait3A_315 = tpu.memref_slice %arg6[%mul3A_314] : memref<10000xi32, #tpu.memory_space<vmem>> -> memref<80xi32, #tpu.memory_space<vmem>>
        %dma_wait3A_316 = arith.constant 0 : i32
        %dma_wait3A_317 = arith.constant 0 : i32
        %dma_wait3A_318 = tpu.memref_slice %arg4[%dma_wait3A_316, %dma_wait3A_317] : memref<10000x128xf32, #tpu.memory_space<hbm>> -> memref<10000x128xf32, #tpu.memory_space<hbm>>
        tpu.wait_indirect_dma semaphore(%arg13 : memref<!tpu.dma_semaphore, #tpu.memory_space<semaphore_mem>>) src(%dma_wait3A_318 : memref<10000x128xf32, #tpu.memory_space<hbm>>) dst(%arg9 : memref<80x128xf32, #tpu.memory_space<vmem>>)
        %add3A_319 = arith.constant 1 : i32
        %add3A_320 = arith.addi %mul3A_269, %add3A_319 : i32
        %run_scoped3A_321 = arith.constant 0 : i32
        "tpu.region"() ({
          %run_scoped3A_322 = tpu.sem_alloc : memref<!tpu.dma_semaphore, #tpu.memory_space<semaphore_mem>>
          %dma_start3A_323 = arith.constant 0 : i32
          %dma_start3A_324 = tpu.memref_slice %arg7[%run_scoped3A_321, %add3A_320, %dma_start3A_323] : memref<2x25x80xi32, #tpu.memory_space<vmem>> -> memref<1x1x80xi32, #tpu.memory_space<vmem>>
          %dma_start3A_325 = tpu.memref_squeeze %dma_start3A_324 : memref<1x1x80xi32, #tpu.memory_space<vmem>> -> memref<80xi32, #tpu.memory_space<vmem>>
          %dma_start3A_326 = arith.constant 0 : i32
          %dma_start3A_327 = arith.constant 0 : i32
          %dma_start3A_328 = tpu.memref_slice %arg11[%dma_start3A_326, %dma_start3A_327] : memref<10240x128xf32, #tpu.memory_space<vmem_shared>> -> memref<10240x128xf32, #tpu.memory_space<vmem_shared>>
          tpu.enqueue_indirect_dma source(%arg9 : memref<80x128xf32, #tpu.memory_space<vmem>>) target(%dma_start3A_328 : memref<10240x128xf32, #tpu.memory_space<vmem_shared>>) offsets(%dma_start3A_325 : memref<80xi32, #tpu.memory_space<vmem>>) semaphore(%run_scoped3A_322 : memref<!tpu.dma_semaphore, #tpu.memory_space<semaphore_mem>>) {add = true}
          %dma_wait3A_329 = arith.constant 0 : i32
          %dma_wait3A_330 = tpu.memref_slice %arg7[%run_scoped3A_321, %add3A_320, %dma_wait3A_329] : memref<2x25x80xi32, #tpu.memory_space<vmem>> -> memref<1x1x80xi32, #tpu.memory_space<vmem>>
          %dma_wait3A_331 = tpu.memref_squeeze %dma_wait3A_330 : memref<1x1x80xi32, #tpu.memory_space<vmem>> -> memref<80xi32, #tpu.memory_space<vmem>>
          %dma_wait3A_332 = arith.constant 0 : i32
          %dma_wait3A_333 = arith.constant 0 : i32
          %dma_wait3A_334 = tpu.memref_slice %arg11[%dma_wait3A_332, %dma_wait3A_333] : memref<10240x128xf32, #tpu.memory_space<vmem_shared>> -> memref<10240x128xf32, #tpu.memory_space<vmem_shared>>
          tpu.wait_indirect_dma semaphore(%run_scoped3A_322 : memref<!tpu.dma_semaphore, #tpu.memory_space<semaphore_mem>>) src(%arg9 : memref<80x128xf32, #tpu.memory_space<vmem>>) dst(%dma_wait3A_334 : memref<10240x128xf32, #tpu.memory_space<vmem_shared>>)
          tpu.yield
        }) : () -> ()
      } else {
      }
      %add3A_297 = arith.constant 4 : i32
      %add3A_298 = arith.addi %mul3A_269, %add3A_297 : i32
      %lt3A_299 = arith.constant 25 : i32
      %lt3A_300 = arith.cmpi slt, %add3A_298, %lt3A_299 : i32
      %convert_element_type3A_301 = arith.extui %lt3A_300 : i1 to i32
      %cond3A_302 = arith.constant 0 : i32
      %cond3A_303 = arith.cmpi ne, %convert_element_type3A_301, %cond3A_302 : i32
      scf.if %cond3A_303 {
        %add3A_311 = arith.constant 4 : i32
        %add3A_312 = arith.addi %add3A_271, %add3A_311 : i32
        %mul3A_313 = arith.constant 80 : i32
        %mul3A_314 = arith.muli %add3A_312, %mul3A_313 : i32
        %dma_start3A_315 = tpu.memref_slice %arg6[%mul3A_314] : memref<10000xi32, #tpu.memory_space<vmem>> -> memref<80xi32, #tpu.memory_space<vmem>>
        %dma_start3A_316 = arith.constant 0 : i32
        %dma_start3A_317 = arith.constant 0 : i32
        %dma_start3A_318 = tpu.memref_slice %arg4[%dma_start3A_316, %dma_start3A_317] : memref<10000x128xf32, #tpu.memory_space<hbm>> -> memref<10000x128xf32, #tpu.memory_space<hbm>>
        tpu.enqueue_indirect_dma source(%dma_start3A_318 : memref<10000x128xf32, #tpu.memory_space<hbm>>) target(%arg9 : memref<80x128xf32, #tpu.memory_space<vmem>>) offsets(%dma_start3A_315 : memref<80xi32, #tpu.memory_space<vmem>>) semaphore(%arg13 : memref<!tpu.dma_semaphore, #tpu.memory_space<semaphore_mem>>)
      } else {
      }
      %add3A_304 = arith.constant 2 : i32
      %add3A_305 = arith.addi %mul3A_269, %add3A_304 : i32
      %lt3A_306 = arith.constant 25 : i32
      %lt3A_307 = arith.cmpi slt, %add3A_305, %lt3A_306 : i32
      %convert_element_type3A_308 = arith.extui %lt3A_307 : i1 to i32
      %cond3A_309 = arith.constant 0 : i32
      %cond3A_310 = arith.cmpi ne, %convert_element_type3A_308, %cond3A_309 : i32
      scf.if %cond3A_310 {
        %add3A_311 = arith.constant 2 : i32
        %add3A_312 = arith.addi %add3A_271, %add3A_311 : i32
        %mul3A_313 = arith.constant 80 : i32
        %mul3A_314 = arith.muli %add3A_312, %mul3A_313 : i32
        %dma_wait3A_315 = tpu.memref_slice %arg6[%mul3A_314] : memref<10000xi32, #tpu.memory_space<vmem>> -> memref<80xi32, #tpu.memory_space<vmem>>
        %dma_wait3A_316 = arith.constant 0 : i32
        %dma_wait3A_317 = arith.constant 0 : i32
        %dma_wait3A_318 = tpu.memref_slice %arg4[%dma_wait3A_316, %dma_wait3A_317] : memref<10000x128xf32, #tpu.memory_space<hbm>> -> memref<10000x128xf32, #tpu.memory_space<hbm>>
        tpu.wait_indirect_dma semaphore(%arg14 : memref<!tpu.dma_semaphore, #tpu.memory_space<semaphore_mem>>) src(%dma_wait3A_318 : memref<10000x128xf32, #tpu.memory_space<hbm>>) dst(%arg10 : memref<80x128xf32, #tpu.memory_space<vmem>>)
        %add3A_319 = arith.constant 2 : i32
        %add3A_320 = arith.addi %mul3A_269, %add3A_319 : i32
        %run_scoped3A_321 = arith.constant 0 : i32
        "tpu.region"() ({
          %run_scoped3A_322 = tpu.sem_alloc : memref<!tpu.dma_semaphore, #tpu.memory_space<semaphore_mem>>
          %dma_start3A_323 = arith.constant 0 : i32
          %dma_start3A_324 = tpu.memref_slice %arg7[%run_scoped3A_321, %add3A_320, %dma_start3A_323] : memref<2x25x80xi32, #tpu.memory_space<vmem>> -> memref<1x1x80xi32, #tpu.memory_space<vmem>>
          %dma_start3A_325 = tpu.memref_squeeze %dma_start3A_324 : memref<1x1x80xi32, #tpu.memory_space<vmem>> -> memref<80xi32, #tpu.memory_space<vmem>>
          %dma_start3A_326 = arith.constant 0 : i32
          %dma_start3A_327 = arith.constant 0 : i32
          %dma_start3A_328 = tpu.memref_slice %arg11[%dma_start3A_326, %dma_start3A_327] : memref<10240x128xf32, #tpu.memory_space<vmem_shared>> -> memref<10240x128xf32, #tpu.memory_space<vmem_shared>>
          tpu.enqueue_indirect_dma source(%arg10 : memref<80x128xf32, #tpu.memory_space<vmem>>) target(%dma_start3A_328 : memref<10240x128xf32, #tpu.memory_space<vmem_shared>>) offsets(%dma_start3A_325 : memref<80xi32, #tpu.memory_space<vmem>>) semaphore(%run_scoped3A_322 : memref<!tpu.dma_semaphore, #tpu.memory_space<semaphore_mem>>) {add = true}
          %dma_wait3A_329 = arith.constant 0 : i32
          %dma_wait3A_330 = tpu.memref_slice %arg7[%run_scoped3A_321, %add3A_320, %dma_wait3A_329] : memref<2x25x80xi32, #tpu.memory_space<vmem>> -> memref<1x1x80xi32, #tpu.memory_space<vmem>>
          %dma_wait3A_331 = tpu.memref_squeeze %dma_wait3A_330 : memref<1x1x80xi32, #tpu.memory_space<vmem>> -> memref<80xi32, #tpu.memory_space<vmem>>
          %dma_wait3A_332 = arith.constant 0 : i32
          %dma_wait3A_333 = arith.constant 0 : i32
          %dma_wait3A_334 = tpu.memref_slice %arg11[%dma_wait3A_332, %dma_wait3A_333] : memref<10240x128xf32, #tpu.memory_space<vmem_shared>> -> memref<10240x128xf32, #tpu.memory_space<vmem_shared>>
          tpu.wait_indirect_dma semaphore(%run_scoped3A_322 : memref<!tpu.dma_semaphore, #tpu.memory_space<semaphore_mem>>) src(%arg10 : memref<80x128xf32, #tpu.memory_space<vmem>>) dst(%dma_wait3A_334 : memref<10240x128xf32, #tpu.memory_space<vmem_shared>>)
          tpu.yield
        }) : () -> ()
      } else {
      }
    }
    %scan3A_261 = arith.constant 9 : i32
    %barrier3A_262 = arith.constant 0 : index
    tpu.barrier barrier_id(%barrier3A_262)
    %mul3A_263 = arith.constant 640 : i32
    %mul3A_264 = arith.muli %arg1, %mul3A_263 : i32
    %mul3A_265 = arith.constant 640 : i32
    %mul3A_266 = arith.muli %arg1, %mul3A_265 : i32
    "tpu.region"() ({
      %run_scoped3A_267 = tpu.sem_alloc : memref<!tpu.dma_semaphore, #tpu.memory_space<semaphore_mem>>
      %dma_start3A_268 = arith.constant 0 : i32
      %dma_start3A_269 = tpu.memref_slice %arg5[%arg0, %mul3A_266, %dma_start3A_268] : memref<2x10240x128xf32, #tpu.memory_space<hbm>> -> memref<1x640x128xf32, #tpu.memory_space<hbm>>
      %dma_start3A_270 = tpu.memref_squeeze %dma_start3A_269 : memref<1x640x128xf32, #tpu.memory_space<hbm>> -> memref<640x128xf32, #tpu.memory_space<hbm>>
      %dma_start3A_271 = arith.constant 0 : i32
      %dma_start3A_272 = tpu.memref_slice %arg11[%mul3A_264, %dma_start3A_271] : memref<10240x128xf32, #tpu.memory_space<vmem_shared>> -> memref<640x128xf32, #tpu.memory_space<vmem_shared>>
      tpu.enqueue_dma source(%dma_start3A_272 : memref<640x128xf32, #tpu.memory_space<vmem_shared>>) target(%dma_start3A_270 : memref<640x128xf32, #tpu.memory_space<hbm>>) target_semaphore(%run_scoped3A_267 : memref<!tpu.dma_semaphore, #tpu.memory_space<semaphore_mem>>)
      %dma_wait3A_273 = arith.constant 0 : i32
      %dma_wait3A_274 = tpu.memref_slice %arg5[%arg0, %mul3A_266, %dma_wait3A_273] : memref<2x10240x128xf32, #tpu.memory_space<hbm>> -> memref<1x640x128xf32, #tpu.memory_space<hbm>>
      %dma_wait3A_275 = tpu.memref_squeeze %dma_wait3A_274 : memref<1x640x128xf32, #tpu.memory_space<hbm>> -> memref<640x128xf32, #tpu.memory_space<hbm>>
      %dma_wait3A_276 = arith.constant 0 : i32
      %dma_wait3A_277 = tpu.memref_slice %arg11[%mul3A_264, %dma_wait3A_276] : memref<10240x128xf32, #tpu.memory_space<vmem_shared>> -> memref<640x128xf32, #tpu.memory_space<vmem_shared>>
      tpu.wait_dma2 semaphore(%run_scoped3A_267 : memref<!tpu.dma_semaphore, #tpu.memory_space<semaphore_mem>>) src(%dma_wait3A_277 : memref<640x128xf32, #tpu.memory_space<vmem_shared>>) dst(%dma_wait3A_275 : memref<640x128xf32, #tpu.memory_space<hbm>>)
      tpu.yield
    }) : () -> ()
    return
  }
}

#map = affine_map<(d0, d1) -> (0, 0, 0)>
#map1 = affine_map<(d0, d1) -> (0, 0)>
module attributes {stable_mosaic.version = 14 : i64} {
  func.func @_deg_kernel(%arg0: i32, %arg1: i32, %arg2: memref<32x125x80xi32, #tpu.memory_space<hbm>>, %arg3: memref<2x10240xf32, #tpu.memory_space<hbm>>, %arg4: memref<80xf32, #tpu.memory_space<vmem>>, %arg5: memref<125x80xi32, #tpu.memory_space<vmem>>, %arg6: memref<640xf32, #tpu.memory_space<vmem>>, %arg7: memref<10240xf32, #tpu.memory_space<vmem_shared>>) attributes {dimension_semantics = [#tpu.dimension_semantics<core_parallel>, #tpu.dimension_semantics<subcore_parallel>], iteration_bounds = array<i64: 2, 16>, scalar_prefetch = 0 : i64, scratch_operands = 4 : i64, tpu.core_type = #tpu.core_type<sc_vector_subcore>, window_params = [{transform_indices = #map}, {transform_indices = #map1}]} {
    %mul3A = arith.constant 16 : i32
    %mul3A_0 = arith.muli %arg0, %mul3A : i32
    %add3A = arith.addi %mul3A_0, %arg1 : i32
    %broadcast_in_dim3A = arith.constant 1.000000e+00 : f32
    %broadcast_in_dim3A_1 = vector.broadcast %broadcast_in_dim3A : f32 to vector<16xf32>
    %broadcast_in_dim3A_2 = arith.constant 0.000000e+00 : f32
    %broadcast_in_dim3A_3 = vector.broadcast %broadcast_in_dim3A_2 : f32 to vector<16xf32>
    %swap3A = arith.constant 0 : index
    %swap3A_4 = tpu.vector_load %arg4[%swap3A] {strides = array<i32>} : memref<80xf32, #tpu.memory_space<vmem>>, vector<16xf32>,
    %swap3A_5 = vector.shape_cast %swap3A_4 : vector<16xf32> to vector<16xf32>
    %swap3A_6 = vector.shape_cast %broadcast_in_dim3A_1 : vector<16xf32> to vector<16xf32>
    tpu.vector_store %arg4[%swap3A], %swap3A_6 {strides = array<i32>} : memref<80xf32, #tpu.memory_space<vmem>>, vector<16xf32>,
    %swap3A_7 = arith.constant 16 : index
    %swap3A_8 = tpu.vector_load %arg4[%swap3A_7] {strides = array<i32>} : memref<80xf32, #tpu.memory_space<vmem>>, vector<16xf32>,
    %swap3A_9 = vector.shape_cast %swap3A_8 : vector<16xf32> to vector<16xf32>
    %swap3A_10 = vector.shape_cast %broadcast_in_dim3A_1 : vector<16xf32> to vector<16xf32>
    tpu.vector_store %arg4[%swap3A_7], %swap3A_10 {strides = array<i32>} : memref<80xf32, #tpu.memory_space<vmem>>, vector<16xf32>,
    %swap3A_11 = arith.constant 32 : index
    %swap3A_12 = tpu.vector_load %arg4[%swap3A_11] {strides = array<i32>} : memref<80xf32, #tpu.memory_space<vmem>>, vector<16xf32>,
    %swap3A_13 = vector.shape_cast %swap3A_12 : vector<16xf32> to vector<16xf32>
    %swap3A_14 = vector.shape_cast %broadcast_in_dim3A_1 : vector<16xf32> to vector<16xf32>
    tpu.vector_store %arg4[%swap3A_11], %swap3A_14 {strides = array<i32>} : memref<80xf32, #tpu.memory_space<vmem>>, vector<16xf32>,
    %swap3A_15 = arith.constant 48 : index
    %swap3A_16 = tpu.vector_load %arg4[%swap3A_15] {strides = array<i32>} : memref<80xf32, #tpu.memory_space<vmem>>, vector<16xf32>,
    %swap3A_17 = vector.shape_cast %swap3A_16 : vector<16xf32> to vector<16xf32>
    %swap3A_18 = vector.shape_cast %broadcast_in_dim3A_1 : vector<16xf32> to vector<16xf32>
    tpu.vector_store %arg4[%swap3A_15], %swap3A_18 {strides = array<i32>} : memref<80xf32, #tpu.memory_space<vmem>>, vector<16xf32>,
    %swap3A_19 = arith.constant 64 : index
    %swap3A_20 = tpu.vector_load %arg4[%swap3A_19] {strides = array<i32>} : memref<80xf32, #tpu.memory_space<vmem>>, vector<16xf32>,
    %swap3A_21 = vector.shape_cast %swap3A_20 : vector<16xf32> to vector<16xf32>
    %swap3A_22 = vector.shape_cast %broadcast_in_dim3A_1 : vector<16xf32> to vector<16xf32>
    tpu.vector_store %arg4[%swap3A_19], %swap3A_22 {strides = array<i32>} : memref<80xf32, #tpu.memory_space<vmem>>, vector<16xf32>,
    %swap3A_23 = arith.constant 0 : index
    %swap3A_24 = tpu.vector_load %arg6[%swap3A_23] {strides = array<i32>} : memref<640xf32, #tpu.memory_space<vmem>>, vector<16xf32>,
    %swap3A_25 = vector.shape_cast %swap3A_24 : vector<16xf32> to vector<16xf32>
    %swap3A_26 = vector.shape_cast %broadcast_in_dim3A_3 : vector<16xf32> to vector<16xf32>
    tpu.vector_store %arg6[%swap3A_23], %swap3A_26 {strides = array<i32>} : memref<640xf32, #tpu.memory_space<vmem>>, vector<16xf32>,
    %swap3A_27 = arith.constant 16 : index
    %swap3A_28 = tpu.vector_load %arg6[%swap3A_27] {strides = array<i32>} : memref<640xf32, #tpu.memory_space<vmem>>, vector<16xf32>,
    %swap3A_29 = vector.shape_cast %swap3A_28 : vector<16xf32> to vector<16xf32>
    %swap3A_30 = vector.shape_cast %broadcast_in_dim3A_3 : vector<16xf32> to vector<16xf32>
    tpu.vector_store %arg6[%swap3A_27], %swap3A_30 {strides = array<i32>} : memref<640xf32, #tpu.memory_space<vmem>>, vector<16xf32>,
    %swap3A_31 = arith.constant 32 : index
    %swap3A_32 = tpu.vector_load %arg6[%swap3A_31] {strides = array<i32>} : memref<640xf32, #tpu.memory_space<vmem>>, vector<16xf32>,
    %swap3A_33 = vector.shape_cast %swap3A_32 : vector<16xf32> to vector<16xf32>
    %swap3A_34 = vector.shape_cast %broadcast_in_dim3A_3 : vector<16xf32> to vector<16xf32>
    tpu.vector_store %arg6[%swap3A_31], %swap3A_34 {strides = array<i32>} : memref<640xf32, #tpu.memory_space<vmem>>, vector<16xf32>,
    %swap3A_35 = arith.constant 48 : index
    %swap3A_36 = tpu.vector_load %arg6[%swap3A_35] {strides = array<i32>} : memref<640xf32, #tpu.memory_space<vmem>>, vector<16xf32>,
    %swap3A_37 = vector.shape_cast %swap3A_36 : vector<16xf32> to vector<16xf32>
    %swap3A_38 = vector.shape_cast %broadcast_in_dim3A_3 : vector<16xf32> to vector<16xf32>
    tpu.vector_store %arg6[%swap3A_35], %swap3A_38 {strides = array<i32>} : memref<640xf32, #tpu.memory_space<vmem>>, vector<16xf32>,
    %swap3A_39 = arith.constant 64 : index
    %swap3A_40 = tpu.vector_load %arg6[%swap3A_39] {strides = array<i32>} : memref<640xf32, #tpu.memory_space<vmem>>, vector<16xf32>,
    %swap3A_41 = vector.shape_cast %swap3A_40 : vector<16xf32> to vector<16xf32>
    %swap3A_42 = vector.shape_cast %broadcast_in_dim3A_3 : vector<16xf32> to vector<16xf32>
    tpu.vector_store %arg6[%swap3A_39], %swap3A_42 {strides = array<i32>} : memref<640xf32, #tpu.memory_space<vmem>>, vector<16xf32>,
    %swap3A_43 = arith.constant 80 : index
    %swap3A_44 = tpu.vector_load %arg6[%swap3A_43] {strides = array<i32>} : memref<640xf32, #tpu.memory_space<vmem>>, vector<16xf32>,
    %swap3A_45 = vector.shape_cast %swap3A_44 : vector<16xf32> to vector<16xf32>
    %swap3A_46 = vector.shape_cast %broadcast_in_dim3A_3 : vector<16xf32> to vector<16xf32>
    tpu.vector_store %arg6[%swap3A_43], %swap3A_46 {strides = array<i32>} : memref<640xf32, #tpu.memory_space<vmem>>, vector<16xf32>,
    %swap3A_47 = arith.constant 96 : index
    %swap3A_48 = tpu.vector_load %arg6[%swap3A_47] {strides = array<i32>} : memref<640xf32, #tpu.memory_space<vmem>>, vector<16xf32>,
    %swap3A_49 = vector.shape_cast %swap3A_48 : vector<16xf32> to vector<16xf32>
    %swap3A_50 = vector.shape_cast %broadcast_in_dim3A_3 : vector<16xf32> to vector<16xf32>
    tpu.vector_store %arg6[%swap3A_47], %swap3A_50 {strides = array<i32>} : memref<640xf32, #tpu.memory_space<vmem>>, vector<16xf32>,
    %swap3A_51 = arith.constant 112 : index
    %swap3A_52 = tpu.vector_load %arg6[%swap3A_51] {strides = array<i32>} : memref<640xf32, #tpu.memory_space<vmem>>, vector<16xf32>,
    %swap3A_53 = vector.shape_cast %swap3A_52 : vector<16xf32> to vector<16xf32>
    %swap3A_54 = vector.shape_cast %broadcast_in_dim3A_3 : vector<16xf32> to vector<16xf32>
    tpu.vector_store %arg6[%swap3A_51], %swap3A_54 {strides = array<i32>} : memref<640xf32, #tpu.memory_space<vmem>>, vector<16xf32>,
    %swap3A_55 = arith.constant 128 : index
    %swap3A_56 = tpu.vector_load %arg6[%swap3A_55] {strides = array<i32>} : memref<640xf32, #tpu.memory_space<vmem>>, vector<16xf32>,
    %swap3A_57 = vector.shape_cast %swap3A_56 : vector<16xf32> to vector<16xf32>
    %swap3A_58 = vector.shape_cast %broadcast_in_dim3A_3 : vector<16xf32> to vector<16xf32>
    tpu.vector_store %arg6[%swap3A_55], %swap3A_58 {strides = array<i32>} : memref<640xf32, #tpu.memory_space<vmem>>, vector<16xf32>,
    %swap3A_59 = arith.constant 144 : index
    %swap3A_60 = tpu.vector_load %arg6[%swap3A_59] {strides = array<i32>} : memref<640xf32, #tpu.memory_space<vmem>>, vector<16xf32>,
    %swap3A_61 = vector.shape_cast %swap3A_60 : vector<16xf32> to vector<16xf32>
    %swap3A_62 = vector.shape_cast %broadcast_in_dim3A_3 : vector<16xf32> to vector<16xf32>
    tpu.vector_store %arg6[%swap3A_59], %swap3A_62 {strides = array<i32>} : memref<640xf32, #tpu.memory_space<vmem>>, vector<16xf32>,
    %swap3A_63 = arith.constant 160 : index
    %swap3A_64 = tpu.vector_load %arg6[%swap3A_63] {strides = array<i32>} : memref<640xf32, #tpu.memory_space<vmem>>, vector<16xf32>,
    %swap3A_65 = vector.shape_cast %swap3A_64 : vector<16xf32> to vector<16xf32>
    %swap3A_66 = vector.shape_cast %broadcast_in_dim3A_3 : vector<16xf32> to vector<16xf32>
    tpu.vector_store %arg6[%swap3A_63], %swap3A_66 {strides = array<i32>} : memref<640xf32, #tpu.memory_space<vmem>>, vector<16xf32>,
    %swap3A_67 = arith.constant 176 : index
    %swap3A_68 = tpu.vector_load %arg6[%swap3A_67] {strides = array<i32>} : memref<640xf32, #tpu.memory_space<vmem>>, vector<16xf32>,
    %swap3A_69 = vector.shape_cast %swap3A_68 : vector<16xf32> to vector<16xf32>
    %swap3A_70 = vector.shape_cast %broadcast_in_dim3A_3 : vector<16xf32> to vector<16xf32>
    tpu.vector_store %arg6[%swap3A_67], %swap3A_70 {strides = array<i32>} : memref<640xf32, #tpu.memory_space<vmem>>, vector<16xf32>,
    %swap3A_71 = arith.constant 192 : index
    %swap3A_72 = tpu.vector_load %arg6[%swap3A_71] {strides = array<i32>} : memref<640xf32, #tpu.memory_space<vmem>>, vector<16xf32>,
    %swap3A_73 = vector.shape_cast %swap3A_72 : vector<16xf32> to vector<16xf32>
    %swap3A_74 = vector.shape_cast %broadcast_in_dim3A_3 : vector<16xf32> to vector<16xf32>
    tpu.vector_store %arg6[%swap3A_71], %swap3A_74 {strides = array<i32>} : memref<640xf32, #tpu.memory_space<vmem>>, vector<16xf32>,
    %swap3A_75 = arith.constant 208 : index
    %swap3A_76 = tpu.vector_load %arg6[%swap3A_75] {strides = array<i32>} : memref<640xf32, #tpu.memory_space<vmem>>, vector<16xf32>,
    %swap3A_77 = vector.shape_cast %swap3A_76 : vector<16xf32> to vector<16xf32>
    %swap3A_78 = vector.shape_cast %broadcast_in_dim3A_3 : vector<16xf32> to vector<16xf32>
    tpu.vector_store %arg6[%swap3A_75], %swap3A_78 {strides = array<i32>} : memref<640xf32, #tpu.memory_space<vmem>>, vector<16xf32>,
    %swap3A_79 = arith.constant 224 : index
    %swap3A_80 = tpu.vector_load %arg6[%swap3A_79] {strides = array<i32>} : memref<640xf32, #tpu.memory_space<vmem>>, vector<16xf32>,
    %swap3A_81 = vector.shape_cast %swap3A_80 : vector<16xf32> to vector<16xf32>
    %swap3A_82 = vector.shape_cast %broadcast_in_dim3A_3 : vector<16xf32> to vector<16xf32>
    tpu.vector_store %arg6[%swap3A_79], %swap3A_82 {strides = array<i32>} : memref<640xf32, #tpu.memory_space<vmem>>, vector<16xf32>,
    %swap3A_83 = arith.constant 240 : index
    %swap3A_84 = tpu.vector_load %arg6[%swap3A_83] {strides = array<i32>} : memref<640xf32, #tpu.memory_space<vmem>>, vector<16xf32>,
    %swap3A_85 = vector.shape_cast %swap3A_84 : vector<16xf32> to vector<16xf32>
    %swap3A_86 = vector.shape_cast %broadcast_in_dim3A_3 : vector<16xf32> to vector<16xf32>
    tpu.vector_store %arg6[%swap3A_83], %swap3A_86 {strides = array<i32>} : memref<640xf32, #tpu.memory_space<vmem>>, vector<16xf32>,
    %swap3A_87 = arith.constant 256 : index
    %swap3A_88 = tpu.vector_load %arg6[%swap3A_87] {strides = array<i32>} : memref<640xf32, #tpu.memory_space<vmem>>, vector<16xf32>,
    %swap3A_89 = vector.shape_cast %swap3A_88 : vector<16xf32> to vector<16xf32>
    %swap3A_90 = vector.shape_cast %broadcast_in_dim3A_3 : vector<16xf32> to vector<16xf32>
    tpu.vector_store %arg6[%swap3A_87], %swap3A_90 {strides = array<i32>} : memref<640xf32, #tpu.memory_space<vmem>>, vector<16xf32>,
    %swap3A_91 = arith.constant 272 : index
    %swap3A_92 = tpu.vector_load %arg6[%swap3A_91] {strides = array<i32>} : memref<640xf32, #tpu.memory_space<vmem>>, vector<16xf32>,
    %swap3A_93 = vector.shape_cast %swap3A_92 : vector<16xf32> to vector<16xf32>
    %swap3A_94 = vector.shape_cast %broadcast_in_dim3A_3 : vector<16xf32> to vector<16xf32>
    tpu.vector_store %arg6[%swap3A_91], %swap3A_94 {strides = array<i32>} : memref<640xf32, #tpu.memory_space<vmem>>, vector<16xf32>,
    %swap3A_95 = arith.constant 288 : index
    %swap3A_96 = tpu.vector_load %arg6[%swap3A_95] {strides = array<i32>} : memref<640xf32, #tpu.memory_space<vmem>>, vector<16xf32>,
    %swap3A_97 = vector.shape_cast %swap3A_96 : vector<16xf32> to vector<16xf32>
    %swap3A_98 = vector.shape_cast %broadcast_in_dim3A_3 : vector<16xf32> to vector<16xf32>
    tpu.vector_store %arg6[%swap3A_95], %swap3A_98 {strides = array<i32>} : memref<640xf32, #tpu.memory_space<vmem>>, vector<16xf32>,
    %swap3A_99 = arith.constant 304 : index
    %swap3A_100 = tpu.vector_load %arg6[%swap3A_99] {strides = array<i32>} : memref<640xf32, #tpu.memory_space<vmem>>, vector<16xf32>,
    %swap3A_101 = vector.shape_cast %swap3A_100 : vector<16xf32> to vector<16xf32>
    %swap3A_102 = vector.shape_cast %broadcast_in_dim3A_3 : vector<16xf32> to vector<16xf32>
    tpu.vector_store %arg6[%swap3A_99], %swap3A_102 {strides = array<i32>} : memref<640xf32, #tpu.memory_space<vmem>>, vector<16xf32>,
    %swap3A_103 = arith.constant 320 : index
    %swap3A_104 = tpu.vector_load %arg6[%swap3A_103] {strides = array<i32>} : memref<640xf32, #tpu.memory_space<vmem>>, vector<16xf32>,
    %swap3A_105 = vector.shape_cast %swap3A_104 : vector<16xf32> to vector<16xf32>
    %swap3A_106 = vector.shape_cast %broadcast_in_dim3A_3 : vector<16xf32> to vector<16xf32>
    tpu.vector_store %arg6[%swap3A_103], %swap3A_106 {strides = array<i32>} : memref<640xf32, #tpu.memory_space<vmem>>, vector<16xf32>,
    %swap3A_107 = arith.constant 336 : index
    %swap3A_108 = tpu.vector_load %arg6[%swap3A_107] {strides = array<i32>} : memref<640xf32, #tpu.memory_space<vmem>>, vector<16xf32>,
    %swap3A_109 = vector.shape_cast %swap3A_108 : vector<16xf32> to vector<16xf32>
    %swap3A_110 = vector.shape_cast %broadcast_in_dim3A_3 : vector<16xf32> to vector<16xf32>
    tpu.vector_store %arg6[%swap3A_107], %swap3A_110 {strides = array<i32>} : memref<640xf32, #tpu.memory_space<vmem>>, vector<16xf32>,
    %swap3A_111 = arith.constant 352 : index
    %swap3A_112 = tpu.vector_load %arg6[%swap3A_111] {strides = array<i32>} : memref<640xf32, #tpu.memory_space<vmem>>, vector<16xf32>,
    %swap3A_113 = vector.shape_cast %swap3A_112 : vector<16xf32> to vector<16xf32>
    %swap3A_114 = vector.shape_cast %broadcast_in_dim3A_3 : vector<16xf32> to vector<16xf32>
    tpu.vector_store %arg6[%swap3A_111], %swap3A_114 {strides = array<i32>} : memref<640xf32, #tpu.memory_space<vmem>>, vector<16xf32>,
    %swap3A_115 = arith.constant 368 : index
    %swap3A_116 = tpu.vector_load %arg6[%swap3A_115] {strides = array<i32>} : memref<640xf32, #tpu.memory_space<vmem>>, vector<16xf32>,
    %swap3A_117 = vector.shape_cast %swap3A_116 : vector<16xf32> to vector<16xf32>
    %swap3A_118 = vector.shape_cast %broadcast_in_dim3A_3 : vector<16xf32> to vector<16xf32>
    tpu.vector_store %arg6[%swap3A_115], %swap3A_118 {strides = array<i32>} : memref<640xf32, #tpu.memory_space<vmem>>, vector<16xf32>,
    %swap3A_119 = arith.constant 384 : index
    %swap3A_120 = tpu.vector_load %arg6[%swap3A_119] {strides = array<i32>} : memref<640xf32, #tpu.memory_space<vmem>>, vector<16xf32>,
    %swap3A_121 = vector.shape_cast %swap3A_120 : vector<16xf32> to vector<16xf32>
    %swap3A_122 = vector.shape_cast %broadcast_in_dim3A_3 : vector<16xf32> to vector<16xf32>
    tpu.vector_store %arg6[%swap3A_119], %swap3A_122 {strides = array<i32>} : memref<640xf32, #tpu.memory_space<vmem>>, vector<16xf32>,
    %swap3A_123 = arith.constant 400 : index
    %swap3A_124 = tpu.vector_load %arg6[%swap3A_123] {strides = array<i32>} : memref<640xf32, #tpu.memory_space<vmem>>, vector<16xf32>,
    %swap3A_125 = vector.shape_cast %swap3A_124 : vector<16xf32> to vector<16xf32>
    %swap3A_126 = vector.shape_cast %broadcast_in_dim3A_3 : vector<16xf32> to vector<16xf32>
    tpu.vector_store %arg6[%swap3A_123], %swap3A_126 {strides = array<i32>} : memref<640xf32, #tpu.memory_space<vmem>>, vector<16xf32>,
    %swap3A_127 = arith.constant 416 : index
    %swap3A_128 = tpu.vector_load %arg6[%swap3A_127] {strides = array<i32>} : memref<640xf32, #tpu.memory_space<vmem>>, vector<16xf32>,
    %swap3A_129 = vector.shape_cast %swap3A_128 : vector<16xf32> to vector<16xf32>
    %swap3A_130 = vector.shape_cast %broadcast_in_dim3A_3 : vector<16xf32> to vector<16xf32>
    tpu.vector_store %arg6[%swap3A_127], %swap3A_130 {strides = array<i32>} : memref<640xf32, #tpu.memory_space<vmem>>, vector<16xf32>,
    %swap3A_131 = arith.constant 432 : index
    %swap3A_132 = tpu.vector_load %arg6[%swap3A_131] {strides = array<i32>} : memref<640xf32, #tpu.memory_space<vmem>>, vector<16xf32>,
    %swap3A_133 = vector.shape_cast %swap3A_132 : vector<16xf32> to vector<16xf32>
    %swap3A_134 = vector.shape_cast %broadcast_in_dim3A_3 : vector<16xf32> to vector<16xf32>
    tpu.vector_store %arg6[%swap3A_131], %swap3A_134 {strides = array<i32>} : memref<640xf32, #tpu.memory_space<vmem>>, vector<16xf32>,
    %swap3A_135 = arith.constant 448 : index
    %swap3A_136 = tpu.vector_load %arg6[%swap3A_135] {strides = array<i32>} : memref<640xf32, #tpu.memory_space<vmem>>, vector<16xf32>,
    %swap3A_137 = vector.shape_cast %swap3A_136 : vector<16xf32> to vector<16xf32>
    %swap3A_138 = vector.shape_cast %broadcast_in_dim3A_3 : vector<16xf32> to vector<16xf32>
    tpu.vector_store %arg6[%swap3A_135], %swap3A_138 {strides = array<i32>} : memref<640xf32, #tpu.memory_space<vmem>>, vector<16xf32>,
    %swap3A_139 = arith.constant 464 : index
    %swap3A_140 = tpu.vector_load %arg6[%swap3A_139] {strides = array<i32>} : memref<640xf32, #tpu.memory_space<vmem>>, vector<16xf32>,
    %swap3A_141 = vector.shape_cast %swap3A_140 : vector<16xf32> to vector<16xf32>
    %swap3A_142 = vector.shape_cast %broadcast_in_dim3A_3 : vector<16xf32> to vector<16xf32>
    tpu.vector_store %arg6[%swap3A_139], %swap3A_142 {strides = array<i32>} : memref<640xf32, #tpu.memory_space<vmem>>, vector<16xf32>,
    %swap3A_143 = arith.constant 480 : index
    %swap3A_144 = tpu.vector_load %arg6[%swap3A_143] {strides = array<i32>} : memref<640xf32, #tpu.memory_space<vmem>>, vector<16xf32>,
    %swap3A_145 = vector.shape_cast %swap3A_144 : vector<16xf32> to vector<16xf32>
    %swap3A_146 = vector.shape_cast %broadcast_in_dim3A_3 : vector<16xf32> to vector<16xf32>
    tpu.vector_store %arg6[%swap3A_143], %swap3A_146 {strides = array<i32>} : memref<640xf32, #tpu.memory_space<vmem>>, vector<16xf32>,
    %swap3A_147 = arith.constant 496 : index
    %swap3A_148 = tpu.vector_load %arg6[%swap3A_147] {strides = array<i32>} : memref<640xf32, #tpu.memory_space<vmem>>, vector<16xf32>,
    %swap3A_149 = vector.shape_cast %swap3A_148 : vector<16xf32> to vector<16xf32>
    %swap3A_150 = vector.shape_cast %broadcast_in_dim3A_3 : vector<16xf32> to vector<16xf32>
    tpu.vector_store %arg6[%swap3A_147], %swap3A_150 {strides = array<i32>} : memref<640xf32, #tpu.memory_space<vmem>>, vector<16xf32>,
    %swap3A_151 = arith.constant 512 : index
    %swap3A_152 = tpu.vector_load %arg6[%swap3A_151] {strides = array<i32>} : memref<640xf32, #tpu.memory_space<vmem>>, vector<16xf32>,
    %swap3A_153 = vector.shape_cast %swap3A_152 : vector<16xf32> to vector<16xf32>
    %swap3A_154 = vector.shape_cast %broadcast_in_dim3A_3 : vector<16xf32> to vector<16xf32>
    tpu.vector_store %arg6[%swap3A_151], %swap3A_154 {strides = array<i32>} : memref<640xf32, #tpu.memory_space<vmem>>, vector<16xf32>,
    %swap3A_155 = arith.constant 528 : index
    %swap3A_156 = tpu.vector_load %arg6[%swap3A_155] {strides = array<i32>} : memref<640xf32, #tpu.memory_space<vmem>>, vector<16xf32>,
    %swap3A_157 = vector.shape_cast %swap3A_156 : vector<16xf32> to vector<16xf32>
    %swap3A_158 = vector.shape_cast %broadcast_in_dim3A_3 : vector<16xf32> to vector<16xf32>
    tpu.vector_store %arg6[%swap3A_155], %swap3A_158 {strides = array<i32>} : memref<640xf32, #tpu.memory_space<vmem>>, vector<16xf32>,
    %swap3A_159 = arith.constant 544 : index
    %swap3A_160 = tpu.vector_load %arg6[%swap3A_159] {strides = array<i32>} : memref<640xf32, #tpu.memory_space<vmem>>, vector<16xf32>,
    %swap3A_161 = vector.shape_cast %swap3A_160 : vector<16xf32> to vector<16xf32>
    %swap3A_162 = vector.shape_cast %broadcast_in_dim3A_3 : vector<16xf32> to vector<16xf32>
    tpu.vector_store %arg6[%swap3A_159], %swap3A_162 {strides = array<i32>} : memref<640xf32, #tpu.memory_space<vmem>>, vector<16xf32>,
    %swap3A_163 = arith.constant 560 : index
    %swap3A_164 = tpu.vector_load %arg6[%swap3A_163] {strides = array<i32>} : memref<640xf32, #tpu.memory_space<vmem>>, vector<16xf32>,
    %swap3A_165 = vector.shape_cast %swap3A_164 : vector<16xf32> to vector<16xf32>
    %swap3A_166 = vector.shape_cast %broadcast_in_dim3A_3 : vector<16xf32> to vector<16xf32>
    tpu.vector_store %arg6[%swap3A_163], %swap3A_166 {strides = array<i32>} : memref<640xf32, #tpu.memory_space<vmem>>, vector<16xf32>,
    %swap3A_167 = arith.constant 576 : index
    %swap3A_168 = tpu.vector_load %arg6[%swap3A_167] {strides = array<i32>} : memref<640xf32, #tpu.memory_space<vmem>>, vector<16xf32>,
    %swap3A_169 = vector.shape_cast %swap3A_168 : vector<16xf32> to vector<16xf32>
    %swap3A_170 = vector.shape_cast %broadcast_in_dim3A_3 : vector<16xf32> to vector<16xf32>
    tpu.vector_store %arg6[%swap3A_167], %swap3A_170 {strides = array<i32>} : memref<640xf32, #tpu.memory_space<vmem>>, vector<16xf32>,
    %swap3A_171 = arith.constant 592 : index
    %swap3A_172 = tpu.vector_load %arg6[%swap3A_171] {strides = array<i32>} : memref<640xf32, #tpu.memory_space<vmem>>, vector<16xf32>,
    %swap3A_173 = vector.shape_cast %swap3A_172 : vector<16xf32> to vector<16xf32>
    %swap3A_174 = vector.shape_cast %broadcast_in_dim3A_3 : vector<16xf32> to vector<16xf32>
    tpu.vector_store %arg6[%swap3A_171], %swap3A_174 {strides = array<i32>} : memref<640xf32, #tpu.memory_space<vmem>>, vector<16xf32>,
    %swap3A_175 = arith.constant 608 : index
    %swap3A_176 = tpu.vector_load %arg6[%swap3A_175] {strides = array<i32>} : memref<640xf32, #tpu.memory_space<vmem>>, vector<16xf32>,
    %swap3A_177 = vector.shape_cast %swap3A_176 : vector<16xf32> to vector<16xf32>
    %swap3A_178 = vector.shape_cast %broadcast_in_dim3A_3 : vector<16xf32> to vector<16xf32>
    tpu.vector_store %arg6[%swap3A_175], %swap3A_178 {strides = array<i32>} : memref<640xf32, #tpu.memory_space<vmem>>, vector<16xf32>,
    %swap3A_179 = arith.constant 624 : index
    %swap3A_180 = tpu.vector_load %arg6[%swap3A_179] {strides = array<i32>} : memref<640xf32, #tpu.memory_space<vmem>>, vector<16xf32>,
    %swap3A_181 = vector.shape_cast %swap3A_180 : vector<16xf32> to vector<16xf32>
    %swap3A_182 = vector.shape_cast %broadcast_in_dim3A_3 : vector<16xf32> to vector<16xf32>
    tpu.vector_store %arg6[%swap3A_179], %swap3A_182 {strides = array<i32>} : memref<640xf32, #tpu.memory_space<vmem>>, vector<16xf32>,
    %mul3A_183 = arith.constant 640 : i32
    %mul3A_184 = arith.muli %arg1, %mul3A_183 : i32
    "tpu.region"() ({
      %run_scoped3A = tpu.sem_alloc : memref<!tpu.dma_semaphore, #tpu.memory_space<semaphore_mem>>
      %dma_start3A = tpu.memref_slice %arg7[%mul3A_184] : memref<10240xf32, #tpu.memory_space<vmem_shared>> -> memref<640xf32, #tpu.memory_space<vmem_shared>>
      %dma_start3A_195 = tpu.memref_slice %arg7[%mul3A_184] : memref<10240xf32, #tpu.memory_space<vmem_shared>> -> memref<640xf32, #tpu.memory_space<vmem_shared>>
      tpu.enqueue_dma source(%arg6 : memref<640xf32, #tpu.memory_space<vmem>>) target(%dma_start3A_195 : memref<640xf32, #tpu.memory_space<vmem_shared>>) target_semaphore(%run_scoped3A : memref<!tpu.dma_semaphore, #tpu.memory_space<semaphore_mem>>)
      %dma_wait3A = tpu.memref_slice %arg7[%mul3A_184] : memref<10240xf32, #tpu.memory_space<vmem_shared>> -> memref<640xf32, #tpu.memory_space<vmem_shared>>
      %dma_wait3A_196 = tpu.memref_slice %arg7[%mul3A_184] : memref<10240xf32, #tpu.memory_space<vmem_shared>> -> memref<640xf32, #tpu.memory_space<vmem_shared>>
      tpu.wait_dma2 semaphore(%run_scoped3A : memref<!tpu.dma_semaphore, #tpu.memory_space<semaphore_mem>>) src(%arg6 : memref<640xf32, #tpu.memory_space<vmem>>) dst(%dma_wait3A_196 : memref<640xf32, #tpu.memory_space<vmem_shared>>)
      tpu.yield
    }) : () -> ()
    %barrier3A = arith.constant 0 : index
    tpu.barrier barrier_id(%barrier3A)
    "tpu.region"() ({
      %run_scoped3A = tpu.sem_alloc : memref<!tpu.dma_semaphore, #tpu.memory_space<semaphore_mem>>
      %dma_start3A = arith.constant 0 : i32
      %dma_start3A_195 = arith.constant 0 : i32
      %dma_start3A_196 = tpu.memref_slice %arg2[%add3A, %dma_start3A, %dma_start3A_195] : memref<32x125x80xi32, #tpu.memory_space<hbm>> -> memref<1x125x80xi32, #tpu.memory_space<hbm>>
      %dma_start3A_197 = tpu.memref_squeeze %dma_start3A_196 : memref<1x125x80xi32, #tpu.memory_space<hbm>> -> memref<125x80xi32, #tpu.memory_space<hbm>>
      %dma_start3A_198 = arith.constant 0 : i32
      %dma_start3A_199 = arith.constant 0 : i32
      %dma_start3A_200 = tpu.memref_slice %arg2[%add3A, %dma_start3A_198, %dma_start3A_199] : memref<32x125x80xi32, #tpu.memory_space<hbm>> -> memref<1x125x80xi32, #tpu.memory_space<hbm>>
      %dma_start3A_201 = tpu.memref_squeeze %dma_start3A_200 : memref<1x125x80xi32, #tpu.memory_space<hbm>> -> memref<125x80xi32, #tpu.memory_space<hbm>>
      tpu.enqueue_dma source(%dma_start3A_201 : memref<125x80xi32, #tpu.memory_space<hbm>>) target(%arg5 : memref<125x80xi32, #tpu.memory_space<vmem>>) target_semaphore(%run_scoped3A : memref<!tpu.dma_semaphore, #tpu.memory_space<semaphore_mem>>)
      %dma_wait3A = arith.constant 0 : i32
      %dma_wait3A_202 = arith.constant 0 : i32
      %dma_wait3A_203 = tpu.memref_slice %arg2[%add3A, %dma_wait3A, %dma_wait3A_202] : memref<32x125x80xi32, #tpu.memory_space<hbm>> -> memref<1x125x80xi32, #tpu.memory_space<hbm>>
      %dma_wait3A_204 = tpu.memref_squeeze %dma_wait3A_203 : memref<1x125x80xi32, #tpu.memory_space<hbm>> -> memref<125x80xi32, #tpu.memory_space<hbm>>
      %dma_wait3A_205 = arith.constant 0 : i32
      %dma_wait3A_206 = arith.constant 0 : i32
      %dma_wait3A_207 = tpu.memref_slice %arg2[%add3A, %dma_wait3A_205, %dma_wait3A_206] : memref<32x125x80xi32, #tpu.memory_space<hbm>> -> memref<1x125x80xi32, #tpu.memory_space<hbm>>
      %dma_wait3A_208 = tpu.memref_squeeze %dma_wait3A_207 : memref<1x125x80xi32, #tpu.memory_space<hbm>> -> memref<125x80xi32, #tpu.memory_space<hbm>>
      tpu.wait_dma2 semaphore(%run_scoped3A : memref<!tpu.dma_semaphore, #tpu.memory_space<semaphore_mem>>) src(%dma_wait3A_208 : memref<125x80xi32, #tpu.memory_space<hbm>>) dst(%arg5 : memref<125x80xi32, #tpu.memory_space<vmem>>)
      tpu.yield
    }) : () -> ()
    %scan3A = arith.constant 0 : i32
    %scan3A_185 = arith.constant 0 : i32
    %scan3A_186 = arith.constant 125 : i32
    %scan3A_187 = arith.addi %scan3A_185, %scan3A_186 : i32
    %scan3A_188 = arith.constant 1 : i32
    scf.for %scan3A_195 = %scan3A_185 to %scan3A_187 step %scan3A_188  : i32 {
      "tpu.region"() ({
        %run_scoped3A = tpu.sem_alloc : memref<!tpu.dma_semaphore, #tpu.memory_space<semaphore_mem>>
        %dma_start3A = arith.constant 0 : i32
        %dma_start3A_196 = tpu.memref_slice %arg5[%scan3A_195, %dma_start3A] : memref<125x80xi32, #tpu.memory_space<vmem>> -> memref<1x80xi32, #tpu.memory_space<vmem>>
        %dma_start3A_197 = tpu.memref_squeeze %dma_start3A_196 : memref<1x80xi32, #tpu.memory_space<vmem>> -> memref<80xi32, #tpu.memory_space<vmem>>
        %dma_start3A_198 = arith.constant 0 : i32
        %dma_start3A_199 = tpu.memref_slice %arg7[%dma_start3A_198] : memref<10240xf32, #tpu.memory_space<vmem_shared>> -> memref<10240xf32, #tpu.memory_space<vmem_shared>>
        tpu.enqueue_indirect_dma source(%arg4 : memref<80xf32, #tpu.memory_space<vmem>>) target(%dma_start3A_199 : memref<10240xf32, #tpu.memory_space<vmem_shared>>) offsets(%dma_start3A_197 : memref<80xi32, #tpu.memory_space<vmem>>) semaphore(%run_scoped3A : memref<!tpu.dma_semaphore, #tpu.memory_space<semaphore_mem>>) {add = true}
        %dma_wait3A = arith.constant 0 : i32
        %dma_wait3A_200 = tpu.memref_slice %arg5[%scan3A_195, %dma_wait3A] : memref<125x80xi32, #tpu.memory_space<vmem>> -> memref<1x80xi32, #tpu.memory_space<vmem>>
        %dma_wait3A_201 = tpu.memref_squeeze %dma_wait3A_200 : memref<1x80xi32, #tpu.memory_space<vmem>> -> memref<80xi32, #tpu.memory_space<vmem>>
        %dma_wait3A_202 = arith.constant 0 : i32
        %dma_wait3A_203 = tpu.memref_slice %arg7[%dma_wait3A_202] : memref<10240xf32, #tpu.memory_space<vmem_shared>> -> memref<10240xf32, #tpu.memory_space<vmem_shared>>
        tpu.wait_indirect_dma semaphore(%run_scoped3A : memref<!tpu.dma_semaphore, #tpu.memory_space<semaphore_mem>>) src(%arg4 : memref<80xf32, #tpu.memory_space<vmem>>) dst(%dma_wait3A_203 : memref<10240xf32, #tpu.memory_space<vmem_shared>>)
        tpu.yield
      }) : () -> ()
    }
    %scan3A_189 = arith.constant 125 : i32
    %barrier3A_190 = arith.constant 0 : index
    tpu.barrier barrier_id(%barrier3A_190)
    %mul3A_191 = arith.constant 640 : i32
    %mul3A_192 = arith.muli %arg1, %mul3A_191 : i32
    %mul3A_193 = arith.constant 640 : i32
    %mul3A_194 = arith.muli %arg1, %mul3A_193 : i32
    "tpu.region"() ({
      %run_scoped3A = tpu.sem_alloc : memref<!tpu.dma_semaphore, #tpu.memory_space<semaphore_mem>>
      %dma_start3A = tpu.memref_slice %arg3[%arg0, %mul3A_194] : memref<2x10240xf32, #tpu.memory_space<hbm>> -> memref<1x640xf32, #tpu.memory_space<hbm>>
      %dma_start3A_195 = tpu.memref_squeeze %dma_start3A : memref<1x640xf32, #tpu.memory_space<hbm>> -> memref<640xf32, #tpu.memory_space<hbm>>
      %dma_start3A_196 = tpu.memref_slice %arg7[%mul3A_192] : memref<10240xf32, #tpu.memory_space<vmem_shared>> -> memref<640xf32, #tpu.memory_space<vmem_shared>>
      tpu.enqueue_dma source(%dma_start3A_196 : memref<640xf32, #tpu.memory_space<vmem_shared>>) target(%dma_start3A_195 : memref<640xf32, #tpu.memory_space<hbm>>) target_semaphore(%run_scoped3A : memref<!tpu.dma_semaphore, #tpu.memory_space<semaphore_mem>>)
      %dma_wait3A = tpu.memref_slice %arg3[%arg0, %mul3A_194] : memref<2x10240xf32, #tpu.memory_space<hbm>> -> memref<1x640xf32, #tpu.memory_space<hbm>>
      %dma_wait3A_197 = tpu.memref_squeeze %dma_wait3A : memref<1x640xf32, #tpu.memory_space<hbm>> -> memref<640xf32, #tpu.memory_space<hbm>>
      %dma_wait3A_198 = tpu.memref_slice %arg7[%mul3A_192] : memref<10240xf32, #tpu.memory_space<vmem_shared>> -> memref<640xf32, #tpu.memory_space<vmem_shared>>
      tpu.wait_dma2 semaphore(%run_scoped3A : memref<!tpu.dma_semaphore, #tpu.memory_space<semaphore_mem>>) src(%dma_wait3A_198 : memref<640xf32, #tpu.memory_space<vmem_shared>>) dst(%dma_wait3A_197 : memref<640xf32, #tpu.memory_space<hbm>>)
      tpu.yield
    }) : () -> ()
    return
  }
}

#map = affine_map<(d0, d1) -> (0, 0)>
#map1 = affine_map<(d0, d1) -> (0, 0, 0, 0)>
#map2 = affine_map<(d0, d1) -> (0, 0, 0)>
module attributes {stable_mosaic.version = 14 : i64} {
  func.func @_agg_kernel(%arg0: i32, %arg1: i32, %arg2: memref<32x10000xi32, #tpu.memory_space<hbm>>, %arg3: memref<32x5x25x80xi32, #tpu.memory_space<hbm>>, %arg4: memref<10000x128xf32, #tpu.memory_space<hbm>>, %arg5: memref<2x10240x128xf32, #tpu.memory_space<hbm>>, %arg6: memref<10000xi32, #tpu.memory_space<vmem>>, %arg7: memref<2x25x80xi32, #tpu.memory_space<vmem>>, %arg8: memref<80x128xf32, #tpu.memory_space<vmem>>, %arg9: memref<80x128xf32, #tpu.memory_space<vmem>>, %arg10: memref<80x128xf32, #tpu.memory_space<vmem>>, %arg11: memref<10240x128xf32, #tpu.memory_space<vmem_shared>>, %arg12: memref<!tpu.dma_semaphore, #tpu.memory_space<semaphore_mem>>, %arg13: memref<!tpu.dma_semaphore, #tpu.memory_space<semaphore_mem>>, %arg14: memref<!tpu.dma_semaphore, #tpu.memory_space<semaphore_mem>>, %arg15: memref<!tpu.dma_semaphore, #tpu.memory_space<semaphore_mem>>) attributes {dimension_semantics = [#tpu.dimension_semantics<core_parallel>, #tpu.dimension_semantics<subcore_parallel>], iteration_bounds = array<i64: 2, 16>, scalar_prefetch = 0 : i64, scratch_operands = 10 : i64, tpu.core_type = #tpu.core_type<sc_vector_subcore>, window_params = [{transform_indices = #map}, {transform_indices = #map1}, {transform_indices = #map}, {transform_indices = #map2}]} {
    %mul3A = arith.constant 16 : i32
    %mul3A_0 = arith.muli %arg0, %mul3A : i32
    %add3A = arith.addi %mul3A_0, %arg1 : i32
    %broadcast_in_dim3A = arith.constant 0.000000e+00 : f32
    %broadcast_in_dim3A_1 = vector.broadcast %broadcast_in_dim3A : f32 to vector<16xf32>
    %scan3A = arith.constant 0 : i32
    %scan3A_2 = arith.constant 0 : i32
    %scan3A_3 = arith.constant 80 : i32
    %scan3A_4 = arith.addi %scan3A_2, %scan3A_3 : i32
    %scan3A_5 = arith.constant 1 : i32
    scf.for %scan3A_267 = %scan3A_2 to %scan3A_4 step %scan3A_5  : i32 {
      %swap3A = arith.index_cast %scan3A_267 : i32 to index
      %swap3A_268 = arith.constant 0 : index
      %swap3A_269 = tpu.vector_load %arg8[%swap3A, %swap3A_268] {strides = array<i32>} : memref<80x128xf32, #tpu.memory_space<vmem>>, vector<1x16xf32>,
      %swap3A_270 = vector.shape_cast %swap3A_269 : vector<1x16xf32> to vector<16xf32>
      %swap3A_271 = vector.shape_cast %broadcast_in_dim3A_1 : vector<16xf32> to vector<1x16xf32>
      tpu.vector_store %arg8[%swap3A, %swap3A_268], %swap3A_271 {strides = array<i32>} : memref<80x128xf32, #tpu.memory_space<vmem>>, vector<1x16xf32>,
      %swap3A_272 = arith.index_cast %scan3A_267 : i32 to index
      %swap3A_273 = arith.constant 16 : index
      %swap3A_274 = tpu.vector_load %arg8[%swap3A_272, %swap3A_273] {strides = array<i32>} : memref<80x128xf32, #tpu.memory_space<vmem>>, vector<1x16xf32>,
      %swap3A_275 = vector.shape_cast %swap3A_274 : vector<1x16xf32> to vector<16xf32>
      %swap3A_276 = vector.shape_cast %broadcast_in_dim3A_1 : vector<16xf32> to vector<1x16xf32>
      tpu.vector_store %arg8[%swap3A_272, %swap3A_273], %swap3A_276 {strides = array<i32>} : memref<80x128xf32, #tpu.memory_space<vmem>>, vector<1x16xf32>,
      %swap3A_277 = arith.index_cast %scan3A_267 : i32 to index
      %swap3A_278 = arith.constant 32 : index
      %swap3A_279 = tpu.vector_load %arg8[%swap3A_277, %swap3A_278] {strides = array<i32>} : memref<80x128xf32, #tpu.memory_space<vmem>>, vector<1x16xf32>,
      %swap3A_280 = vector.shape_cast %swap3A_279 : vector<1x16xf32> to vector<16xf32>
      %swap3A_281 = vector.shape_cast %broadcast_in_dim3A_1 : vector<16xf32> to vector<1x16xf32>
      tpu.vector_store %arg8[%swap3A_277, %swap3A_278], %swap3A_281 {strides = array<i32>} : memref<80x128xf32, #tpu.memory_space<vmem>>, vector<1x16xf32>,
      %swap3A_282 = arith.index_cast %scan3A_267 : i32 to index
      %swap3A_283 = arith.constant 48 : index
      %swap3A_284 = tpu.vector_load %arg8[%swap3A_282, %swap3A_283] {strides = array<i32>} : memref<80x128xf32, #tpu.memory_space<vmem>>, vector<1x16xf32>,
      %swap3A_285 = vector.shape_cast %swap3A_284 : vector<1x16xf32> to vector<16xf32>
      %swap3A_286 = vector.shape_cast %broadcast_in_dim3A_1 : vector<16xf32> to vector<1x16xf32>
      tpu.vector_store %arg8[%swap3A_282, %swap3A_283], %swap3A_286 {strides = array<i32>} : memref<80x128xf32, #tpu.memory_space<vmem>>, vector<1x16xf32>,
      %swap3A_287 = arith.index_cast %scan3A_267 : i32 to index
      %swap3A_288 = arith.constant 64 : index
      %swap3A_289 = tpu.vector_load %arg8[%swap3A_287, %swap3A_288] {strides = array<i32>} : memref<80x128xf32, #tpu.memory_space<vmem>>, vector<1x16xf32>,
      %swap3A_290 = vector.shape_cast %swap3A_289 : vector<1x16xf32> to vector<16xf32>
      %swap3A_291 = vector.shape_cast %broadcast_in_dim3A_1 : vector<16xf32> to vector<1x16xf32>
      tpu.vector_store %arg8[%swap3A_287, %swap3A_288], %swap3A_291 {strides = array<i32>} : memref<80x128xf32, #tpu.memory_space<vmem>>, vector<1x16xf32>,
      %swap3A_292 = arith.index_cast %scan3A_267 : i32 to index
      %swap3A_293 = arith.constant 80 : index
      %swap3A_294 = tpu.vector_load %arg8[%swap3A_292, %swap3A_293] {strides = array<i32>} : memref<80x128xf32, #tpu.memory_space<vmem>>, vector<1x16xf32>,
      %swap3A_295 = vector.shape_cast %swap3A_294 : vector<1x16xf32> to vector<16xf32>
      %swap3A_296 = vector.shape_cast %broadcast_in_dim3A_1 : vector<16xf32> to vector<1x16xf32>
      tpu.vector_store %arg8[%swap3A_292, %swap3A_293], %swap3A_296 {strides = array<i32>} : memref<80x128xf32, #tpu.memory_space<vmem>>, vector<1x16xf32>,
      %swap3A_297 = arith.index_cast %scan3A_267 : i32 to index
      %swap3A_298 = arith.constant 96 : index
      %swap3A_299 = tpu.vector_load %arg8[%swap3A_297, %swap3A_298] {strides = array<i32>} : memref<80x128xf32, #tpu.memory_space<vmem>>, vector<1x16xf32>,
      %swap3A_300 = vector.shape_cast %swap3A_299 : vector<1x16xf32> to vector<16xf32>
      %swap3A_301 = vector.shape_cast %broadcast_in_dim3A_1 : vector<16xf32> to vector<1x16xf32>
      tpu.vector_store %arg8[%swap3A_297, %swap3A_298], %swap3A_301 {strides = array<i32>} : memref<80x128xf32, #tpu.memory_space<vmem>>, vector<1x16xf32>,
      %swap3A_302 = arith.index_cast %scan3A_267 : i32 to index
      %swap3A_303 = arith.constant 112 : index
      %swap3A_304 = tpu.vector_load %arg8[%swap3A_302, %swap3A_303] {strides = array<i32>} : memref<80x128xf32, #tpu.memory_space<vmem>>, vector<1x16xf32>,
      %swap3A_305 = vector.shape_cast %swap3A_304 : vector<1x16xf32> to vector<16xf32>
      %swap3A_306 = vector.shape_cast %broadcast_in_dim3A_1 : vector<16xf32> to vector<1x16xf32>
      tpu.vector_store %arg8[%swap3A_302, %swap3A_303], %swap3A_306 {strides = array<i32>} : memref<80x128xf32, #tpu.memory_space<vmem>>, vector<1x16xf32>,
    }
    %scan3A_6 = arith.constant 80 : i32
    %mul3A_7 = arith.constant 640 : i32
    %mul3A_8 = arith.muli %arg1, %mul3A_7 : i32
    %add3A_9 = arith.constant 0 : i32
    %add3A_10 = arith.addi %mul3A_8, %add3A_9 : i32
    "tpu.region"() ({
      %run_scoped3A_267 = tpu.sem_alloc : memref<!tpu.dma_semaphore, #tpu.memory_space<semaphore_mem>>
      %dma_start3A_268 = arith.constant 0 : i32
      %dma_start3A_269 = tpu.memref_slice %arg11[%add3A_10, %dma_start3A_268] : memref<10240x128xf32, #tpu.memory_space<vmem_shared>> -> memref<80x128xf32, #tpu.memory_space<vmem_shared>>
      %dma_start3A_270 = arith.constant 0 : i32
      %dma_start3A_271 = tpu.memref_slice %arg11[%add3A_10, %dma_start3A_270] : memref<10240x128xf32, #tpu.memory_space<vmem_shared>> -> memref<80x128xf32, #tpu.memory_space<vmem_shared>>
      tpu.enqueue_dma source(%arg8 : memref<80x128xf32, #tpu.memory_space<vmem>>) target(%dma_start3A_271 : memref<80x128xf32, #tpu.memory_space<vmem_shared>>) target_semaphore(%run_scoped3A_267 : memref<!tpu.dma_semaphore, #tpu.memory_space<semaphore_mem>>)
      %dma_wait3A_272 = arith.constant 0 : i32
      %dma_wait3A_273 = tpu.memref_slice %arg11[%add3A_10, %dma_wait3A_272] : memref<10240x128xf32, #tpu.memory_space<vmem_shared>> -> memref<80x128xf32, #tpu.memory_space<vmem_shared>>
      %dma_wait3A_274 = arith.constant 0 : i32
      %dma_wait3A_275 = tpu.memref_slice %arg11[%add3A_10, %dma_wait3A_274] : memref<10240x128xf32, #tpu.memory_space<vmem_shared>> -> memref<80x128xf32, #tpu.memory_space<vmem_shared>>
      tpu.wait_dma2 semaphore(%run_scoped3A_267 : memref<!tpu.dma_semaphore, #tpu.memory_space<semaphore_mem>>) src(%arg8 : memref<80x128xf32, #tpu.memory_space<vmem>>) dst(%dma_wait3A_275 : memref<80x128xf32, #tpu.memory_space<vmem_shared>>)
      tpu.yield
    }) : () -> ()
    %mul3A_11 = arith.constant 640 : i32
    %mul3A_12 = arith.muli %arg1, %mul3A_11 : i32
    %add3A_13 = arith.constant 80 : i32
    %add3A_14 = arith.addi %mul3A_12, %add3A_13 : i32
    "tpu.region"() ({
      %run_scoped3A_267 = tpu.sem_alloc : memref<!tpu.dma_semaphore, #tpu.memory_space<semaphore_mem>>
      %dma_start3A_268 = arith.constant 0 : i32
      %dma_start3A_269 = tpu.memref_slice %arg11[%add3A_14, %dma_start3A_268] : memref<10240x128xf32, #tpu.memory_space<vmem_shared>> -> memref<80x128xf32, #tpu.memory_space<vmem_shared>>
      %dma_start3A_270 = arith.constant 0 : i32
      %dma_start3A_271 = tpu.memref_slice %arg11[%add3A_14, %dma_start3A_270] : memref<10240x128xf32, #tpu.memory_space<vmem_shared>> -> memref<80x128xf32, #tpu.memory_space<vmem_shared>>
      tpu.enqueue_dma source(%arg8 : memref<80x128xf32, #tpu.memory_space<vmem>>) target(%dma_start3A_271 : memref<80x128xf32, #tpu.memory_space<vmem_shared>>) target_semaphore(%run_scoped3A_267 : memref<!tpu.dma_semaphore, #tpu.memory_space<semaphore_mem>>)
      %dma_wait3A_272 = arith.constant 0 : i32
      %dma_wait3A_273 = tpu.memref_slice %arg11[%add3A_14, %dma_wait3A_272] : memref<10240x128xf32, #tpu.memory_space<vmem_shared>> -> memref<80x128xf32, #tpu.memory_space<vmem_shared>>
      %dma_wait3A_274 = arith.constant 0 : i32
      %dma_wait3A_275 = tpu.memref_slice %arg11[%add3A_14, %dma_wait3A_274] : memref<10240x128xf32, #tpu.memory_space<vmem_shared>> -> memref<80x128xf32, #tpu.memory_space<vmem_shared>>
      tpu.wait_dma2 semaphore(%run_scoped3A_267 : memref<!tpu.dma_semaphore, #tpu.memory_space<semaphore_mem>>) src(%arg8 : memref<80x128xf32, #tpu.memory_space<vmem>>) dst(%dma_wait3A_275 : memref<80x128xf32, #tpu.memory_space<vmem_shared>>)
      tpu.yield
    }) : () -> ()
    %mul3A_15 = arith.constant 640 : i32
    %mul3A_16 = arith.muli %arg1, %mul3A_15 : i32
    %add3A_17 = arith.constant 160 : i32
    %add3A_18 = arith.addi %mul3A_16, %add3A_17 : i32
    "tpu.region"() ({
      %run_scoped3A_267 = tpu.sem_alloc : memref<!tpu.dma_semaphore, #tpu.memory_space<semaphore_mem>>
      %dma_start3A_268 = arith.constant 0 : i32
      %dma_start3A_269 = tpu.memref_slice %arg11[%add3A_18, %dma_start3A_268] : memref<10240x128xf32, #tpu.memory_space<vmem_shared>> -> memref<80x128xf32, #tpu.memory_space<vmem_shared>>
      %dma_start3A_270 = arith.constant 0 : i32
      %dma_start3A_271 = tpu.memref_slice %arg11[%add3A_18, %dma_start3A_270] : memref<10240x128xf32, #tpu.memory_space<vmem_shared>> -> memref<80x128xf32, #tpu.memory_space<vmem_shared>>
      tpu.enqueue_dma source(%arg8 : memref<80x128xf32, #tpu.memory_space<vmem>>) target(%dma_start3A_271 : memref<80x128xf32, #tpu.memory_space<vmem_shared>>) target_semaphore(%run_scoped3A_267 : memref<!tpu.dma_semaphore, #tpu.memory_space<semaphore_mem>>)
      %dma_wait3A_272 = arith.constant 0 : i32
      %dma_wait3A_273 = tpu.memref_slice %arg11[%add3A_18, %dma_wait3A_272] : memref<10240x128xf32, #tpu.memory_space<vmem_shared>> -> memref<80x128xf32, #tpu.memory_space<vmem_shared>>
      %dma_wait3A_274 = arith.constant 0 : i32
      %dma_wait3A_275 = tpu.memref_slice %arg11[%add3A_18, %dma_wait3A_274] : memref<10240x128xf32, #tpu.memory_space<vmem_shared>> -> memref<80x128xf32, #tpu.memory_space<vmem_shared>>
      tpu.wait_dma2 semaphore(%run_scoped3A_267 : memref<!tpu.dma_semaphore, #tpu.memory_space<semaphore_mem>>) src(%arg8 : memref<80x128xf32, #tpu.memory_space<vmem>>) dst(%dma_wait3A_275 : memref<80x128xf32, #tpu.memory_space<vmem_shared>>)
      tpu.yield
    }) : () -> ()
    %mul3A_19 = arith.constant 640 : i32
    %mul3A_20 = arith.muli %arg1, %mul3A_19 : i32
    %add3A_21 = arith.constant 240 : i32
    %add3A_22 = arith.addi %mul3A_20, %add3A_21 : i32
    "tpu.region"() ({
      %run_scoped3A_267 = tpu.sem_alloc : memref<!tpu.dma_semaphore, #tpu.memory_space<semaphore_mem>>
      %dma_start3A_268 = arith.constant 0 : i32
      %dma_start3A_269 = tpu.memref_slice %arg11[%add3A_22, %dma_start3A_268] : memref<10240x128xf32, #tpu.memory_space<vmem_shared>> -> memref<80x128xf32, #tpu.memory_space<vmem_shared>>
      %dma_start3A_270 = arith.constant 0 : i32
      %dma_start3A_271 = tpu.memref_slice %arg11[%add3A_22, %dma_start3A_270] : memref<10240x128xf32, #tpu.memory_space<vmem_shared>> -> memref<80x128xf32, #tpu.memory_space<vmem_shared>>
      tpu.enqueue_dma source(%arg8 : memref<80x128xf32, #tpu.memory_space<vmem>>) target(%dma_start3A_271 : memref<80x128xf32, #tpu.memory_space<vmem_shared>>) target_semaphore(%run_scoped3A_267 : memref<!tpu.dma_semaphore, #tpu.memory_space<semaphore_mem>>)
      %dma_wait3A_272 = arith.constant 0 : i32
      %dma_wait3A_273 = tpu.memref_slice %arg11[%add3A_22, %dma_wait3A_272] : memref<10240x128xf32, #tpu.memory_space<vmem_shared>> -> memref<80x128xf32, #tpu.memory_space<vmem_shared>>
      %dma_wait3A_274 = arith.constant 0 : i32
      %dma_wait3A_275 = tpu.memref_slice %arg11[%add3A_22, %dma_wait3A_274] : memref<10240x128xf32, #tpu.memory_space<vmem_shared>> -> memref<80x128xf32, #tpu.memory_space<vmem_shared>>
      tpu.wait_dma2 semaphore(%run_scoped3A_267 : memref<!tpu.dma_semaphore, #tpu.memory_space<semaphore_mem>>) src(%arg8 : memref<80x128xf32, #tpu.memory_space<vmem>>) dst(%dma_wait3A_275 : memref<80x128xf32, #tpu.memory_space<vmem_shared>>)
      tpu.yield
    }) : () -> ()
    %mul3A_23 = arith.constant 640 : i32
    %mul3A_24 = arith.muli %arg1, %mul3A_23 : i32
    %add3A_25 = arith.constant 320 : i32
    %add3A_26 = arith.addi %mul3A_24, %add3A_25 : i32
    "tpu.region"() ({
      %run_scoped3A_267 = tpu.sem_alloc : memref<!tpu.dma_semaphore, #tpu.memory_space<semaphore_mem>>
      %dma_start3A_268 = arith.constant 0 : i32
      %dma_start3A_269 = tpu.memref_slice %arg11[%add3A_26, %dma_start3A_268] : memref<10240x128xf32, #tpu.memory_space<vmem_shared>> -> memref<80x128xf32, #tpu.memory_space<vmem_shared>>
      %dma_start3A_270 = arith.constant 0 : i32
      %dma_start3A_271 = tpu.memref_slice %arg11[%add3A_26, %dma_start3A_270] : memref<10240x128xf32, #tpu.memory_space<vmem_shared>> -> memref<80x128xf32, #tpu.memory_space<vmem_shared>>
      tpu.enqueue_dma source(%arg8 : memref<80x128xf32, #tpu.memory_space<vmem>>) target(%dma_start3A_271 : memref<80x128xf32, #tpu.memory_space<vmem_shared>>) target_semaphore(%run_scoped3A_267 : memref<!tpu.dma_semaphore, #tpu.memory_space<semaphore_mem>>)
      %dma_wait3A_272 = arith.constant 0 : i32
      %dma_wait3A_273 = tpu.memref_slice %arg11[%add3A_26, %dma_wait3A_272] : memref<10240x128xf32, #tpu.memory_space<vmem_shared>> -> memref<80x128xf32, #tpu.memory_space<vmem_shared>>
      %dma_wait3A_274 = arith.constant 0 : i32
      %dma_wait3A_275 = tpu.memref_slice %arg11[%add3A_26, %dma_wait3A_274] : memref<10240x128xf32, #tpu.memory_space<vmem_shared>> -> memref<80x128xf32, #tpu.memory_space<vmem_shared>>
      tpu.wait_dma2 semaphore(%run_scoped3A_267 : memref<!tpu.dma_semaphore, #tpu.memory_space<semaphore_mem>>) src(%arg8 : memref<80x128xf32, #tpu.memory_space<vmem>>) dst(%dma_wait3A_275 : memref<80x128xf32, #tpu.memory_space<vmem_shared>>)
      tpu.yield
    }) : () -> ()
    %mul3A_27 = arith.constant 640 : i32
    %mul3A_28 = arith.muli %arg1, %mul3A_27 : i32
    %add3A_29 = arith.constant 400 : i32
    %add3A_30 = arith.addi %mul3A_28, %add3A_29 : i32
    "tpu.region"() ({
      %run_scoped3A_267 = tpu.sem_alloc : memref<!tpu.dma_semaphore, #tpu.memory_space<semaphore_mem>>
      %dma_start3A_268 = arith.constant 0 : i32
      %dma_start3A_269 = tpu.memref_slice %arg11[%add3A_30, %dma_start3A_268] : memref<10240x128xf32, #tpu.memory_space<vmem_shared>> -> memref<80x128xf32, #tpu.memory_space<vmem_shared>>
      %dma_start3A_270 = arith.constant 0 : i32
      %dma_start3A_271 = tpu.memref_slice %arg11[%add3A_30, %dma_start3A_270] : memref<10240x128xf32, #tpu.memory_space<vmem_shared>> -> memref<80x128xf32, #tpu.memory_space<vmem_shared>>
      tpu.enqueue_dma source(%arg8 : memref<80x128xf32, #tpu.memory_space<vmem>>) target(%dma_start3A_271 : memref<80x128xf32, #tpu.memory_space<vmem_shared>>) target_semaphore(%run_scoped3A_267 : memref<!tpu.dma_semaphore, #tpu.memory_space<semaphore_mem>>)
      %dma_wait3A_272 = arith.constant 0 : i32
      %dma_wait3A_273 = tpu.memref_slice %arg11[%add3A_30, %dma_wait3A_272] : memref<10240x128xf32, #tpu.memory_space<vmem_shared>> -> memref<80x128xf32, #tpu.memory_space<vmem_shared>>
      %dma_wait3A_274 = arith.constant 0 : i32
      %dma_wait3A_275 = tpu.memref_slice %arg11[%add3A_30, %dma_wait3A_274] : memref<10240x128xf32, #tpu.memory_space<vmem_shared>> -> memref<80x128xf32, #tpu.memory_space<vmem_shared>>
      tpu.wait_dma2 semaphore(%run_scoped3A_267 : memref<!tpu.dma_semaphore, #tpu.memory_space<semaphore_mem>>) src(%arg8 : memref<80x128xf32, #tpu.memory_space<vmem>>) dst(%dma_wait3A_275 : memref<80x128xf32, #tpu.memory_space<vmem_shared>>)
      tpu.yield
    }) : () -> ()
    %mul3A_31 = arith.constant 640 : i32
    %mul3A_32 = arith.muli %arg1, %mul3A_31 : i32
    %add3A_33 = arith.constant 480 : i32
    %add3A_34 = arith.addi %mul3A_32, %add3A_33 : i32
    "tpu.region"() ({
      %run_scoped3A_267 = tpu.sem_alloc : memref<!tpu.dma_semaphore, #tpu.memory_space<semaphore_mem>>
      %dma_start3A_268 = arith.constant 0 : i32
      %dma_start3A_269 = tpu.memref_slice %arg11[%add3A_34, %dma_start3A_268] : memref<10240x128xf32, #tpu.memory_space<vmem_shared>> -> memref<80x128xf32, #tpu.memory_space<vmem_shared>>
      %dma_start3A_270 = arith.constant 0 : i32
      %dma_start3A_271 = tpu.memref_slice %arg11[%add3A_34, %dma_start3A_270] : memref<10240x128xf32, #tpu.memory_space<vmem_shared>> -> memref<80x128xf32, #tpu.memory_space<vmem_shared>>
      tpu.enqueue_dma source(%arg8 : memref<80x128xf32, #tpu.memory_space<vmem>>) target(%dma_start3A_271 : memref<80x128xf32, #tpu.memory_space<vmem_shared>>) target_semaphore(%run_scoped3A_267 : memref<!tpu.dma_semaphore, #tpu.memory_space<semaphore_mem>>)
      %dma_wait3A_272 = arith.constant 0 : i32
      %dma_wait3A_273 = tpu.memref_slice %arg11[%add3A_34, %dma_wait3A_272] : memref<10240x128xf32, #tpu.memory_space<vmem_shared>> -> memref<80x128xf32, #tpu.memory_space<vmem_shared>>
      %dma_wait3A_274 = arith.constant 0 : i32
      %dma_wait3A_275 = tpu.memref_slice %arg11[%add3A_34, %dma_wait3A_274] : memref<10240x128xf32, #tpu.memory_space<vmem_shared>> -> memref<80x128xf32, #tpu.memory_space<vmem_shared>>
      tpu.wait_dma2 semaphore(%run_scoped3A_267 : memref<!tpu.dma_semaphore, #tpu.memory_space<semaphore_mem>>) src(%arg8 : memref<80x128xf32, #tpu.memory_space<vmem>>) dst(%dma_wait3A_275 : memref<80x128xf32, #tpu.memory_space<vmem_shared>>)
      tpu.yield
    }) : () -> ()
    %mul3A_35 = arith.constant 640 : i32
    %mul3A_36 = arith.muli %arg1, %mul3A_35 : i32
    %add3A_37 = arith.constant 560 : i32
    %add3A_38 = arith.addi %mul3A_36, %add3A_37 : i32
    "tpu.region"() ({
      %run_scoped3A_267 = tpu.sem_alloc : memref<!tpu.dma_semaphore, #tpu.memory_space<semaphore_mem>>
      %dma_start3A_268 = arith.constant 0 : i32
      %dma_start3A_269 = tpu.memref_slice %arg11[%add3A_38, %dma_start3A_268] : memref<10240x128xf32, #tpu.memory_space<vmem_shared>> -> memref<80x128xf32, #tpu.memory_space<vmem_shared>>
      %dma_start3A_270 = arith.constant 0 : i32
      %dma_start3A_271 = tpu.memref_slice %arg11[%add3A_38, %dma_start3A_270] : memref<10240x128xf32, #tpu.memory_space<vmem_shared>> -> memref<80x128xf32, #tpu.memory_space<vmem_shared>>
      tpu.enqueue_dma source(%arg8 : memref<80x128xf32, #tpu.memory_space<vmem>>) target(%dma_start3A_271 : memref<80x128xf32, #tpu.memory_space<vmem_shared>>) target_semaphore(%run_scoped3A_267 : memref<!tpu.dma_semaphore, #tpu.memory_space<semaphore_mem>>)
      %dma_wait3A_272 = arith.constant 0 : i32
      %dma_wait3A_273 = tpu.memref_slice %arg11[%add3A_38, %dma_wait3A_272] : memref<10240x128xf32, #tpu.memory_space<vmem_shared>> -> memref<80x128xf32, #tpu.memory_space<vmem_shared>>
      %dma_wait3A_274 = arith.constant 0 : i32
      %dma_wait3A_275 = tpu.memref_slice %arg11[%add3A_38, %dma_wait3A_274] : memref<10240x128xf32, #tpu.memory_space<vmem_shared>> -> memref<80x128xf32, #tpu.memory_space<vmem_shared>>
      tpu.wait_dma2 semaphore(%run_scoped3A_267 : memref<!tpu.dma_semaphore, #tpu.memory_space<semaphore_mem>>) src(%arg8 : memref<80x128xf32, #tpu.memory_space<vmem>>) dst(%dma_wait3A_275 : memref<80x128xf32, #tpu.memory_space<vmem_shared>>)
      tpu.yield
    }) : () -> ()
    %barrier3A = arith.constant 0 : index
    tpu.barrier barrier_id(%barrier3A)
    "tpu.region"() ({
      %run_scoped3A_267 = tpu.sem_alloc : memref<!tpu.dma_semaphore, #tpu.memory_space<semaphore_mem>>
      %dma_start3A_268 = arith.constant 0 : i32
      %dma_start3A_269 = tpu.memref_slice %arg2[%add3A, %dma_start3A_268] : memref<32x10000xi32, #tpu.memory_space<hbm>> -> memref<1x10000xi32, #tpu.memory_space<hbm>>
      %dma_start3A_270 = tpu.memref_squeeze %dma_start3A_269 : memref<1x10000xi32, #tpu.memory_space<hbm>> -> memref<10000xi32, #tpu.memory_space<hbm>>
      %dma_start3A_271 = arith.constant 0 : i32
      %dma_start3A_272 = tpu.memref_slice %arg2[%add3A, %dma_start3A_271] : memref<32x10000xi32, #tpu.memory_space<hbm>> -> memref<1x10000xi32, #tpu.memory_space<hbm>>
      %dma_start3A_273 = tpu.memref_squeeze %dma_start3A_272 : memref<1x10000xi32, #tpu.memory_space<hbm>> -> memref<10000xi32, #tpu.memory_space<hbm>>
      tpu.enqueue_dma source(%dma_start3A_273 : memref<10000xi32, #tpu.memory_space<hbm>>) target(%arg6 : memref<10000xi32, #tpu.memory_space<vmem>>) target_semaphore(%run_scoped3A_267 : memref<!tpu.dma_semaphore, #tpu.memory_space<semaphore_mem>>)
      %dma_wait3A_274 = arith.constant 0 : i32
      %dma_wait3A_275 = tpu.memref_slice %arg2[%add3A, %dma_wait3A_274] : memref<32x10000xi32, #tpu.memory_space<hbm>> -> memref<1x10000xi32, #tpu.memory_space<hbm>>
      %dma_wait3A_276 = tpu.memref_squeeze %dma_wait3A_275 : memref<1x10000xi32, #tpu.memory_space<hbm>> -> memref<10000xi32, #tpu.memory_space<hbm>>
      %dma_wait3A_277 = arith.constant 0 : i32
      %dma_wait3A_278 = tpu.memref_slice %arg2[%add3A, %dma_wait3A_277] : memref<32x10000xi32, #tpu.memory_space<hbm>> -> memref<1x10000xi32, #tpu.memory_space<hbm>>
      %dma_wait3A_279 = tpu.memref_squeeze %dma_wait3A_278 : memref<1x10000xi32, #tpu.memory_space<hbm>> -> memref<10000xi32, #tpu.memory_space<hbm>>
      tpu.wait_dma2 semaphore(%run_scoped3A_267 : memref<!tpu.dma_semaphore, #tpu.memory_space<semaphore_mem>>) src(%dma_wait3A_279 : memref<10000xi32, #tpu.memory_space<hbm>>) dst(%arg6 : memref<10000xi32, #tpu.memory_space<vmem>>)
      tpu.yield
    }) : () -> ()
    %run_scoped3A = arith.constant 0 : i32
    %run_scoped3A_39 = arith.constant 0 : i32
    "tpu.region"() ({
      %run_scoped3A_267 = tpu.sem_alloc : memref<!tpu.dma_semaphore, #tpu.memory_space<semaphore_mem>>
      %dma_start3A_268 = arith.constant 0 : i32
      %dma_start3A_269 = arith.constant 0 : i32
      %dma_start3A_270 = tpu.memref_slice %arg7[%run_scoped3A_39, %dma_start3A_268, %dma_start3A_269] : memref<2x25x80xi32, #tpu.memory_space<vmem>> -> memref<1x25x80xi32, #tpu.memory_space<vmem>>
      %dma_start3A_271 = tpu.memref_squeeze %dma_start3A_270 : memref<1x25x80xi32, #tpu.memory_space<vmem>> -> memref<25x80xi32, #tpu.memory_space<vmem>>
      %dma_start3A_272 = arith.constant 0 : i32
      %dma_start3A_273 = arith.constant 0 : i32
      %dma_start3A_274 = tpu.memref_slice %arg3[%add3A, %run_scoped3A, %dma_start3A_272, %dma_start3A_273] : memref<32x5x25x80xi32, #tpu.memory_space<hbm>> -> memref<1x1x25x80xi32, #tpu.memory_space<hbm>>
      %dma_start3A_275 = tpu.memref_squeeze %dma_start3A_274 : memref<1x1x25x80xi32, #tpu.memory_space<hbm>> -> memref<25x80xi32, #tpu.memory_space<hbm>>
      %dma_start3A_276 = arith.constant 0 : i32
      %dma_start3A_277 = arith.constant 0 : i32
      %dma_start3A_278 = tpu.memref_slice %arg7[%run_scoped3A_39, %dma_start3A_276, %dma_start3A_277] : memref<2x25x80xi32, #tpu.memory_space<vmem>> -> memref<1x25x80xi32, #tpu.memory_space<vmem>>
      %dma_start3A_279 = tpu.memref_squeeze %dma_start3A_278 : memref<1x25x80xi32, #tpu.memory_space<vmem>> -> memref<25x80xi32, #tpu.memory_space<vmem>>
      %dma_start3A_280 = arith.constant 0 : i32
      %dma_start3A_281 = arith.constant 0 : i32
      %dma_start3A_282 = tpu.memref_slice %arg3[%add3A, %run_scoped3A, %dma_start3A_280, %dma_start3A_281] : memref<32x5x25x80xi32, #tpu.memory_space<hbm>> -> memref<1x1x25x80xi32, #tpu.memory_space<hbm>>
      %dma_start3A_283 = tpu.memref_squeeze %dma_start3A_282 : memref<1x1x25x80xi32, #tpu.memory_space<hbm>> -> memref<25x80xi32, #tpu.memory_space<hbm>>
      tpu.enqueue_dma source(%dma_start3A_283 : memref<25x80xi32, #tpu.memory_space<hbm>>) target(%dma_start3A_279 : memref<25x80xi32, #tpu.memory_space<vmem>>) target_semaphore(%run_scoped3A_267 : memref<!tpu.dma_semaphore, #tpu.memory_space<semaphore_mem>>)
      %dma_wait3A_284 = arith.constant 0 : i32
      %dma_wait3A_285 = arith.constant 0 : i32
      %dma_wait3A_286 = tpu.memref_slice %arg7[%run_scoped3A_39, %dma_wait3A_284, %dma_wait3A_285] : memref<2x25x80xi32, #tpu.memory_space<vmem>> -> memref<1x25x80xi32, #tpu.memory_space<vmem>>
      %dma_wait3A_287 = tpu.memref_squeeze %dma_wait3A_286 : memref<1x25x80xi32, #tpu.memory_space<vmem>> -> memref<25x80xi32, #tpu.memory_space<vmem>>
      %dma_wait3A_288 = arith.constant 0 : i32
      %dma_wait3A_289 = arith.constant 0 : i32
      %dma_wait3A_290 = tpu.memref_slice %arg3[%add3A, %run_scoped3A, %dma_wait3A_288, %dma_wait3A_289] : memref<32x5x25x80xi32, #tpu.memory_space<hbm>> -> memref<1x1x25x80xi32, #tpu.memory_space<hbm>>
      %dma_wait3A_291 = tpu.memref_squeeze %dma_wait3A_290 : memref<1x1x25x80xi32, #tpu.memory_space<hbm>> -> memref<25x80xi32, #tpu.memory_space<hbm>>
      %dma_wait3A_292 = arith.constant 0 : i32
      %dma_wait3A_293 = arith.constant 0 : i32
      %dma_wait3A_294 = tpu.memref_slice %arg7[%run_scoped3A_39, %dma_wait3A_292, %dma_wait3A_293] : memref<2x25x80xi32, #tpu.memory_space<vmem>> -> memref<1x25x80xi32, #tpu.memory_space<vmem>>
      %dma_wait3A_295 = tpu.memref_squeeze %dma_wait3A_294 : memref<1x25x80xi32, #tpu.memory_space<vmem>> -> memref<25x80xi32, #tpu.memory_space<vmem>>
      %dma_wait3A_296 = arith.constant 0 : i32
      %dma_wait3A_297 = arith.constant 0 : i32
      %dma_wait3A_298 = tpu.memref_slice %arg3[%add3A, %run_scoped3A, %dma_wait3A_296, %dma_wait3A_297] : memref<32x5x25x80xi32, #tpu.memory_space<hbm>> -> memref<1x1x25x80xi32, #tpu.memory_space<hbm>>
      %dma_wait3A_299 = tpu.memref_squeeze %dma_wait3A_298 : memref<1x1x25x80xi32, #tpu.memory_space<hbm>> -> memref<25x80xi32, #tpu.memory_space<hbm>>
      tpu.wait_dma2 semaphore(%run_scoped3A_267 : memref<!tpu.dma_semaphore, #tpu.memory_space<semaphore_mem>>) src(%dma_wait3A_299 : memref<25x80xi32, #tpu.memory_space<hbm>>) dst(%dma_wait3A_295 : memref<25x80xi32, #tpu.memory_space<vmem>>)
      tpu.yield
    }) : () -> ()
    %dma_start3A = arith.constant 1 : i32
    %dma_start3A_40 = arith.constant 1 : i32
    %dma_start3A_41 = arith.constant 0 : i32
    %dma_start3A_42 = arith.constant 0 : i32
    %dma_start3A_43 = tpu.memref_slice %arg7[%dma_start3A_40, %dma_start3A_41, %dma_start3A_42] : memref<2x25x80xi32, #tpu.memory_space<vmem>> -> memref<1x25x80xi32, #tpu.memory_space<vmem>>
    %dma_start3A_44 = tpu.memref_squeeze %dma_start3A_43 : memref<1x25x80xi32, #tpu.memory_space<vmem>> -> memref<25x80xi32, #tpu.memory_space<vmem>>
    %dma_start3A_45 = arith.constant 0 : i32
    %dma_start3A_46 = arith.constant 0 : i32
    %dma_start3A_47 = tpu.memref_slice %arg3[%add3A, %dma_start3A, %dma_start3A_45, %dma_start3A_46] : memref<32x5x25x80xi32, #tpu.memory_space<hbm>> -> memref<1x1x25x80xi32, #tpu.memory_space<hbm>>
    %dma_start3A_48 = tpu.memref_squeeze %dma_start3A_47 : memref<1x1x25x80xi32, #tpu.memory_space<hbm>> -> memref<25x80xi32, #tpu.memory_space<hbm>>
    %dma_start3A_49 = arith.constant 0 : i32
    %dma_start3A_50 = arith.constant 0 : i32
    %dma_start3A_51 = tpu.memref_slice %arg7[%dma_start3A_40, %dma_start3A_49, %dma_start3A_50] : memref<2x25x80xi32, #tpu.memory_space<vmem>> -> memref<1x25x80xi32, #tpu.memory_space<vmem>>
    %dma_start3A_52 = tpu.memref_squeeze %dma_start3A_51 : memref<1x25x80xi32, #tpu.memory_space<vmem>> -> memref<25x80xi32, #tpu.memory_space<vmem>>
    %dma_start3A_53 = arith.constant 0 : i32
    %dma_start3A_54 = arith.constant 0 : i32
    %dma_start3A_55 = tpu.memref_slice %arg3[%add3A, %dma_start3A, %dma_start3A_53, %dma_start3A_54] : memref<32x5x25x80xi32, #tpu.memory_space<hbm>> -> memref<1x1x25x80xi32, #tpu.memory_space<hbm>>
    %dma_start3A_56 = tpu.memref_squeeze %dma_start3A_55 : memref<1x1x25x80xi32, #tpu.memory_space<hbm>> -> memref<25x80xi32, #tpu.memory_space<hbm>>
    tpu.enqueue_dma source(%dma_start3A_56 : memref<25x80xi32, #tpu.memory_space<hbm>>) target(%dma_start3A_52 : memref<25x80xi32, #tpu.memory_space<vmem>>) target_semaphore(%arg15 : memref<!tpu.dma_semaphore, #tpu.memory_space<semaphore_mem>>)
    %dma_start3A_57 = arith.constant 0 : i32
    %dma_start3A_58 = tpu.memref_slice %arg6[%dma_start3A_57] : memref<10000xi32, #tpu.memory_space<vmem>> -> memref<80xi32, #tpu.memory_space<vmem>>
    %dma_start3A_59 = arith.constant 0 : i32
    %dma_start3A_60 = arith.constant 0 : i32
    %dma_start3A_61 = tpu.memref_slice %arg4[%dma_start3A_59, %dma_start3A_60] : memref<10000x128xf32, #tpu.memory_space<hbm>> -> memref<10000x128xf32, #tpu.memory_space<hbm>>
    tpu.enqueue_indirect_dma source(%dma_start3A_61 : memref<10000x128xf32, #tpu.memory_space<hbm>>) target(%arg8 : memref<80x128xf32, #tpu.memory_space<vmem>>) offsets(%dma_start3A_58 : memref<80xi32, #tpu.memory_space<vmem>>) semaphore(%arg12 : memref<!tpu.dma_semaphore, #tpu.memory_space<semaphore_mem>>)
    %dma_start3A_62 = arith.constant 80 : i32
    %dma_start3A_63 = tpu.memref_slice %arg6[%dma_start3A_62] : memref<10000xi32, #tpu.memory_space<vmem>> -> memref<80xi32, #tpu.memory_space<vmem>>
    %dma_start3A_64 = arith.constant 0 : i32
    %dma_start3A_65 = arith.constant 0 : i32
    %dma_start3A_66 = tpu.memref_slice %arg4[%dma_start3A_64, %dma_start3A_65] : memref<10000x128xf32, #tpu.memory_space<hbm>> -> memref<10000x128xf32, #tpu.memory_space<hbm>>
    tpu.enqueue_indirect_dma source(%dma_start3A_66 : memref<10000x128xf32, #tpu.memory_space<hbm>>) target(%arg9 : memref<80x128xf32, #tpu.memory_space<vmem>>) offsets(%dma_start3A_63 : memref<80xi32, #tpu.memory_space<vmem>>) semaphore(%arg13 : memref<!tpu.dma_semaphore, #tpu.memory_space<semaphore_mem>>)
    %scan3A_67 = arith.constant 0 : i32
    %scan3A_68 = arith.constant 0 : i32
    %scan3A_69 = arith.constant 9 : i32
    %scan3A_70 = arith.addi %scan3A_68, %scan3A_69 : i32
    %scan3A_71 = arith.constant 1 : i32
    scf.for %scan3A_267 = %scan3A_68 to %scan3A_70 step %scan3A_71  : i32 {
      %mul3A_268 = arith.constant 3 : i32
      %mul3A_269 = arith.muli %mul3A_268, %scan3A_267 : i32
      %add3A_270 = arith.constant 0 : i32
      %add3A_271 = arith.addi %add3A_270, %mul3A_269 : i32
      %add3A_272 = arith.constant 2 : i32
      %add3A_273 = arith.addi %mul3A_269, %add3A_272 : i32
      %lt3A = arith.constant 25 : i32
      %lt3A_274 = arith.cmpi slt, %add3A_273, %lt3A : i32
      %convert_element_type3A = arith.extui %lt3A_274 : i1 to i32
      %cond3A = arith.constant 0 : i32
      %cond3A_275 = arith.cmpi ne, %convert_element_type3A, %cond3A : i32
      scf.if %cond3A_275 {
        %add3A_311 = arith.constant 2 : i32
        %add3A_312 = arith.addi %add3A_271, %add3A_311 : i32
        %mul3A_313 = arith.constant 80 : i32
        %mul3A_314 = arith.muli %add3A_312, %mul3A_313 : i32
        %dma_start3A_315 = tpu.memref_slice %arg6[%mul3A_314] : memref<10000xi32, #tpu.memory_space<vmem>> -> memref<80xi32, #tpu.memory_space<vmem>>
        %dma_start3A_316 = arith.constant 0 : i32
        %dma_start3A_317 = arith.constant 0 : i32
        %dma_start3A_318 = tpu.memref_slice %arg4[%dma_start3A_316, %dma_start3A_317] : memref<10000x128xf32, #tpu.memory_space<hbm>> -> memref<10000x128xf32, #tpu.memory_space<hbm>>
        tpu.enqueue_indirect_dma source(%dma_start3A_318 : memref<10000x128xf32, #tpu.memory_space<hbm>>) target(%arg10 : memref<80x128xf32, #tpu.memory_space<vmem>>) offsets(%dma_start3A_315 : memref<80xi32, #tpu.memory_space<vmem>>) semaphore(%arg14 : memref<!tpu.dma_semaphore, #tpu.memory_space<semaphore_mem>>)
      } else {
      }
      %mul3A_276 = arith.constant 80 : i32
      %mul3A_277 = arith.muli %add3A_271, %mul3A_276 : i32
      %dma_wait3A_278 = tpu.memref_slice %arg6[%mul3A_277] : memref<10000xi32, #tpu.memory_space<vmem>> -> memref<80xi32, #tpu.memory_space<vmem>>
      %dma_wait3A_279 = arith.constant 0 : i32
      %dma_wait3A_280 = arith.constant 0 : i32
      %dma_wait3A_281 = tpu.memref_slice %arg4[%dma_wait3A_279, %dma_wait3A_280] : memref<10000x128xf32, #tpu.memory_space<hbm>> -> memref<10000x128xf32, #tpu.memory_space<hbm>>
      tpu.wait_indirect_dma semaphore(%arg12 : memref<!tpu.dma_semaphore, #tpu.memory_space<semaphore_mem>>) src(%dma_wait3A_281 : memref<10000x128xf32, #tpu.memory_space<hbm>>) dst(%arg8 : memref<80x128xf32, #tpu.memory_space<vmem>>)
      %run_scoped3A_282 = arith.constant 0 : i32
      "tpu.region"() ({
        %run_scoped3A_311 = tpu.sem_alloc : memref<!tpu.dma_semaphore, #tpu.memory_space<semaphore_mem>>
        %dma_start3A_312 = arith.constant 0 : i32
        %dma_start3A_313 = tpu.memref_slice %arg7[%run_scoped3A_282, %mul3A_269, %dma_start3A_312] : memref<2x25x80xi32, #tpu.memory_space<vmem>> -> memref<1x1x80xi32, #tpu.memory_space<vmem>>
        %dma_start3A_314 = tpu.memref_squeeze %dma_start3A_313 : memref<1x1x80xi32, #tpu.memory_space<vmem>> -> memref<80xi32, #tpu.memory_space<vmem>>
        %dma_start3A_315 = arith.constant 0 : i32
        %dma_start3A_316 = arith.constant 0 : i32
        %dma_start3A_317 = tpu.memref_slice %arg11[%dma_start3A_315, %dma_start3A_316] : memref<10240x128xf32, #tpu.memory_space<vmem_shared>> -> memref<10240x128xf32, #tpu.memory_space<vmem_shared>>
        tpu.enqueue_indirect_dma source(%arg8 : memref<80x128xf32, #tpu.memory_space<vmem>>) target(%dma_start3A_317 : memref<10240x128xf32, #tpu.memory_space<vmem_shared>>) offsets(%dma_start3A_314 : memref<80xi32, #tpu.memory_space<vmem>>) semaphore(%run_scoped3A_311 : memref<!tpu.dma_semaphore, #tpu.memory_space<semaphore_mem>>) {add = true}
        %dma_wait3A_318 = arith.constant 0 : i32
        %dma_wait3A_319 = tpu.memref_slice %arg7[%run_scoped3A_282, %mul3A_269, %dma_wait3A_318] : memref<2x25x80xi32, #tpu.memory_space<vmem>> -> memref<1x1x80xi32, #tpu.memory_space<vmem>>
        %dma_wait3A_320 = tpu.memref_squeeze %dma_wait3A_319 : memref<1x1x80xi32, #tpu.memory_space<vmem>> -> memref<80xi32, #tpu.memory_space<vmem>>
        %dma_wait3A_321 = arith.constant 0 : i32
        %dma_wait3A_322 = arith.constant 0 : i32
        %dma_wait3A_323 = tpu.memref_slice %arg11[%dma_wait3A_321, %dma_wait3A_322] : memref<10240x128xf32, #tpu.memory_space<vmem_shared>> -> memref<10240x128xf32, #tpu.memory_space<vmem_shared>>
        tpu.wait_indirect_dma semaphore(%run_scoped3A_311 : memref<!tpu.dma_semaphore, #tpu.memory_space<semaphore_mem>>) src(%arg8 : memref<80x128xf32, #tpu.memory_space<vmem>>) dst(%dma_wait3A_323 : memref<10240x128xf32, #tpu.memory_space<vmem_shared>>)
        tpu.yield
      }) : () -> ()
      %add3A_283 = arith.constant 3 : i32
      %add3A_284 = arith.addi %mul3A_269, %add3A_283 : i32
      %lt3A_285 = arith.constant 25 : i32
      %lt3A_286 = arith.cmpi slt, %add3A_284, %lt3A_285 : i32
      %convert_element_type3A_287 = arith.extui %lt3A_286 : i1 to i32
      %cond3A_288 = arith.constant 0 : i32
      %cond3A_289 = arith.cmpi ne, %convert_element_type3A_287, %cond3A_288 : i32
      scf.if %cond3A_289 {
        %add3A_311 = arith.constant 3 : i32
        %add3A_312 = arith.addi %add3A_271, %add3A_311 : i32
        %mul3A_313 = arith.constant 80 : i32
        %mul3A_314 = arith.muli %add3A_312, %mul3A_313 : i32
        %dma_start3A_315 = tpu.memref_slice %arg6[%mul3A_314] : memref<10000xi32, #tpu.memory_space<vmem>> -> memref<80xi32, #tpu.memory_space<vmem>>
        %dma_start3A_316 = arith.constant 0 : i32
        %dma_start3A_317 = arith.constant 0 : i32
        %dma_start3A_318 = tpu.memref_slice %arg4[%dma_start3A_316, %dma_start3A_317] : memref<10000x128xf32, #tpu.memory_space<hbm>> -> memref<10000x128xf32, #tpu.memory_space<hbm>>
        tpu.enqueue_indirect_dma source(%dma_start3A_318 : memref<10000x128xf32, #tpu.memory_space<hbm>>) target(%arg8 : memref<80x128xf32, #tpu.memory_space<vmem>>) offsets(%dma_start3A_315 : memref<80xi32, #tpu.memory_space<vmem>>) semaphore(%arg12 : memref<!tpu.dma_semaphore, #tpu.memory_space<semaphore_mem>>)
      } else {
      }
      %add3A_290 = arith.constant 1 : i32
      %add3A_291 = arith.addi %mul3A_269, %add3A_290 : i32
      %lt3A_292 = arith.constant 25 : i32
      %lt3A_293 = arith.cmpi slt, %add3A_291, %lt3A_292 : i32
      %convert_element_type3A_294 = arith.extui %lt3A_293 : i1 to i32
      %cond3A_295 = arith.constant 0 : i32
      %cond3A_296 = arith.cmpi ne, %convert_element_type3A_294, %cond3A_295 : i32
      scf.if %cond3A_296 {
        %add3A_311 = arith.constant 1 : i32
        %add3A_312 = arith.addi %add3A_271, %add3A_311 : i32
        %mul3A_313 = arith.constant 80 : i32
        %mul3A_314 = arith.muli %add3A_312, %mul3A_313 : i32
        %dma_wait3A_315 = tpu.memref_slice %arg6[%mul3A_314] : memref<10000xi32, #tpu.memory_space<vmem>> -> memref<80xi32, #tpu.memory_space<vmem>>
        %dma_wait3A_316 = arith.constant 0 : i32
        %dma_wait3A_317 = arith.constant 0 : i32
        %dma_wait3A_318 = tpu.memref_slice %arg4[%dma_wait3A_316, %dma_wait3A_317] : memref<10000x128xf32, #tpu.memory_space<hbm>> -> memref<10000x128xf32, #tpu.memory_space<hbm>>
        tpu.wait_indirect_dma semaphore(%arg13 : memref<!tpu.dma_semaphore, #tpu.memory_space<semaphore_mem>>) src(%dma_wait3A_318 : memref<10000x128xf32, #tpu.memory_space<hbm>>) dst(%arg9 : memref<80x128xf32, #tpu.memory_space<vmem>>)
        %add3A_319 = arith.constant 1 : i32
        %add3A_320 = arith.addi %mul3A_269, %add3A_319 : i32
        %run_scoped3A_321 = arith.constant 0 : i32
        "tpu.region"() ({
          %run_scoped3A_322 = tpu.sem_alloc : memref<!tpu.dma_semaphore, #tpu.memory_space<semaphore_mem>>
          %dma_start3A_323 = arith.constant 0 : i32
          %dma_start3A_324 = tpu.memref_slice %arg7[%run_scoped3A_321, %add3A_320, %dma_start3A_323] : memref<2x25x80xi32, #tpu.memory_space<vmem>> -> memref<1x1x80xi32, #tpu.memory_space<vmem>>
          %dma_start3A_325 = tpu.memref_squeeze %dma_start3A_324 : memref<1x1x80xi32, #tpu.memory_space<vmem>> -> memref<80xi32, #tpu.memory_space<vmem>>
          %dma_start3A_326 = arith.constant 0 : i32
          %dma_start3A_327 = arith.constant 0 : i32
          %dma_start3A_328 = tpu.memref_slice %arg11[%dma_start3A_326, %dma_start3A_327] : memref<10240x128xf32, #tpu.memory_space<vmem_shared>> -> memref<10240x128xf32, #tpu.memory_space<vmem_shared>>
          tpu.enqueue_indirect_dma source(%arg9 : memref<80x128xf32, #tpu.memory_space<vmem>>) target(%dma_start3A_328 : memref<10240x128xf32, #tpu.memory_space<vmem_shared>>) offsets(%dma_start3A_325 : memref<80xi32, #tpu.memory_space<vmem>>) semaphore(%run_scoped3A_322 : memref<!tpu.dma_semaphore, #tpu.memory_space<semaphore_mem>>) {add = true}
          %dma_wait3A_329 = arith.constant 0 : i32
          %dma_wait3A_330 = tpu.memref_slice %arg7[%run_scoped3A_321, %add3A_320, %dma_wait3A_329] : memref<2x25x80xi32, #tpu.memory_space<vmem>> -> memref<1x1x80xi32, #tpu.memory_space<vmem>>
          %dma_wait3A_331 = tpu.memref_squeeze %dma_wait3A_330 : memref<1x1x80xi32, #tpu.memory_space<vmem>> -> memref<80xi32, #tpu.memory_space<vmem>>
          %dma_wait3A_332 = arith.constant 0 : i32
          %dma_wait3A_333 = arith.constant 0 : i32
          %dma_wait3A_334 = tpu.memref_slice %arg11[%dma_wait3A_332, %dma_wait3A_333] : memref<10240x128xf32, #tpu.memory_space<vmem_shared>> -> memref<10240x128xf32, #tpu.memory_space<vmem_shared>>
          tpu.wait_indirect_dma semaphore(%run_scoped3A_322 : memref<!tpu.dma_semaphore, #tpu.memory_space<semaphore_mem>>) src(%arg9 : memref<80x128xf32, #tpu.memory_space<vmem>>) dst(%dma_wait3A_334 : memref<10240x128xf32, #tpu.memory_space<vmem_shared>>)
          tpu.yield
        }) : () -> ()
      } else {
      }
      %add3A_297 = arith.constant 4 : i32
      %add3A_298 = arith.addi %mul3A_269, %add3A_297 : i32
      %lt3A_299 = arith.constant 25 : i32
      %lt3A_300 = arith.cmpi slt, %add3A_298, %lt3A_299 : i32
      %convert_element_type3A_301 = arith.extui %lt3A_300 : i1 to i32
      %cond3A_302 = arith.constant 0 : i32
      %cond3A_303 = arith.cmpi ne, %convert_element_type3A_301, %cond3A_302 : i32
      scf.if %cond3A_303 {
        %add3A_311 = arith.constant 4 : i32
        %add3A_312 = arith.addi %add3A_271, %add3A_311 : i32
        %mul3A_313 = arith.constant 80 : i32
        %mul3A_314 = arith.muli %add3A_312, %mul3A_313 : i32
        %dma_start3A_315 = tpu.memref_slice %arg6[%mul3A_314] : memref<10000xi32, #tpu.memory_space<vmem>> -> memref<80xi32, #tpu.memory_space<vmem>>
        %dma_start3A_316 = arith.constant 0 : i32
        %dma_start3A_317 = arith.constant 0 : i32
        %dma_start3A_318 = tpu.memref_slice %arg4[%dma_start3A_316, %dma_start3A_317] : memref<10000x128xf32, #tpu.memory_space<hbm>> -> memref<10000x128xf32, #tpu.memory_space<hbm>>
        tpu.enqueue_indirect_dma source(%dma_start3A_318 : memref<10000x128xf32, #tpu.memory_space<hbm>>) target(%arg9 : memref<80x128xf32, #tpu.memory_space<vmem>>) offsets(%dma_start3A_315 : memref<80xi32, #tpu.memory_space<vmem>>) semaphore(%arg13 : memref<!tpu.dma_semaphore, #tpu.memory_space<semaphore_mem>>)
      } else {
      }
      %add3A_304 = arith.constant 2 : i32
      %add3A_305 = arith.addi %mul3A_269, %add3A_304 : i32
      %lt3A_306 = arith.constant 25 : i32
      %lt3A_307 = arith.cmpi slt, %add3A_305, %lt3A_306 : i32
      %convert_element_type3A_308 = arith.extui %lt3A_307 : i1 to i32
      %cond3A_309 = arith.constant 0 : i32
      %cond3A_310 = arith.cmpi ne, %convert_element_type3A_308, %cond3A_309 : i32
      scf.if %cond3A_310 {
        %add3A_311 = arith.constant 2 : i32
        %add3A_312 = arith.addi %add3A_271, %add3A_311 : i32
        %mul3A_313 = arith.constant 80 : i32
        %mul3A_314 = arith.muli %add3A_312, %mul3A_313 : i32
        %dma_wait3A_315 = tpu.memref_slice %arg6[%mul3A_314] : memref<10000xi32, #tpu.memory_space<vmem>> -> memref<80xi32, #tpu.memory_space<vmem>>
        %dma_wait3A_316 = arith.constant 0 : i32
        %dma_wait3A_317 = arith.constant 0 : i32
        %dma_wait3A_318 = tpu.memref_slice %arg4[%dma_wait3A_316, %dma_wait3A_317] : memref<10000x128xf32, #tpu.memory_space<hbm>> -> memref<10000x128xf32, #tpu.memory_space<hbm>>
        tpu.wait_indirect_dma semaphore(%arg14 : memref<!tpu.dma_semaphore, #tpu.memory_space<semaphore_mem>>) src(%dma_wait3A_318 : memref<10000x128xf32, #tpu.memory_space<hbm>>) dst(%arg10 : memref<80x128xf32, #tpu.memory_space<vmem>>)
        %add3A_319 = arith.constant 2 : i32
        %add3A_320 = arith.addi %mul3A_269, %add3A_319 : i32
        %run_scoped3A_321 = arith.constant 0 : i32
        "tpu.region"() ({
          %run_scoped3A_322 = tpu.sem_alloc : memref<!tpu.dma_semaphore, #tpu.memory_space<semaphore_mem>>
          %dma_start3A_323 = arith.constant 0 : i32
          %dma_start3A_324 = tpu.memref_slice %arg7[%run_scoped3A_321, %add3A_320, %dma_start3A_323] : memref<2x25x80xi32, #tpu.memory_space<vmem>> -> memref<1x1x80xi32, #tpu.memory_space<vmem>>
          %dma_start3A_325 = tpu.memref_squeeze %dma_start3A_324 : memref<1x1x80xi32, #tpu.memory_space<vmem>> -> memref<80xi32, #tpu.memory_space<vmem>>
          %dma_start3A_326 = arith.constant 0 : i32
          %dma_start3A_327 = arith.constant 0 : i32
          %dma_start3A_328 = tpu.memref_slice %arg11[%dma_start3A_326, %dma_start3A_327] : memref<10240x128xf32, #tpu.memory_space<vmem_shared>> -> memref<10240x128xf32, #tpu.memory_space<vmem_shared>>
          tpu.enqueue_indirect_dma source(%arg10 : memref<80x128xf32, #tpu.memory_space<vmem>>) target(%dma_start3A_328 : memref<10240x128xf32, #tpu.memory_space<vmem_shared>>) offsets(%dma_start3A_325 : memref<80xi32, #tpu.memory_space<vmem>>) semaphore(%run_scoped3A_322 : memref<!tpu.dma_semaphore, #tpu.memory_space<semaphore_mem>>) {add = true}
          %dma_wait3A_329 = arith.constant 0 : i32
          %dma_wait3A_330 = tpu.memref_slice %arg7[%run_scoped3A_321, %add3A_320, %dma_wait3A_329] : memref<2x25x80xi32, #tpu.memory_space<vmem>> -> memref<1x1x80xi32, #tpu.memory_space<vmem>>
          %dma_wait3A_331 = tpu.memref_squeeze %dma_wait3A_330 : memref<1x1x80xi32, #tpu.memory_space<vmem>> -> memref<80xi32, #tpu.memory_space<vmem>>
          %dma_wait3A_332 = arith.constant 0 : i32
          %dma_wait3A_333 = arith.constant 0 : i32
          %dma_wait3A_334 = tpu.memref_slice %arg11[%dma_wait3A_332, %dma_wait3A_333] : memref<10240x128xf32, #tpu.memory_space<vmem_shared>> -> memref<10240x128xf32, #tpu.memory_space<vmem_shared>>
          tpu.wait_indirect_dma semaphore(%run_scoped3A_322 : memref<!tpu.dma_semaphore, #tpu.memory_space<semaphore_mem>>) src(%arg10 : memref<80x128xf32, #tpu.memory_space<vmem>>) dst(%dma_wait3A_334 : memref<10240x128xf32, #tpu.memory_space<vmem_shared>>)
          tpu.yield
        }) : () -> ()
      } else {
      }
    }
    %scan3A_72 = arith.constant 9 : i32
    %dma_wait3A = arith.constant 1 : i32
    %dma_wait3A_73 = arith.constant 1 : i32
    %dma_wait3A_74 = arith.constant 0 : i32
    %dma_wait3A_75 = arith.constant 0 : i32
    %dma_wait3A_76 = tpu.memref_slice %arg7[%dma_wait3A_73, %dma_wait3A_74, %dma_wait3A_75] : memref<2x25x80xi32, #tpu.memory_space<vmem>> -> memref<1x25x80xi32, #tpu.memory_space<vmem>>
    %dma_wait3A_77 = tpu.memref_squeeze %dma_wait3A_76 : memref<1x25x80xi32, #tpu.memory_space<vmem>> -> memref<25x80xi32, #tpu.memory_space<vmem>>
    %dma_wait3A_78 = arith.constant 0 : i32
    %dma_wait3A_79 = arith.constant 0 : i32
    %dma_wait3A_80 = tpu.memref_slice %arg3[%add3A, %dma_wait3A, %dma_wait3A_78, %dma_wait3A_79] : memref<32x5x25x80xi32, #tpu.memory_space<hbm>> -> memref<1x1x25x80xi32, #tpu.memory_space<hbm>>
    %dma_wait3A_81 = tpu.memref_squeeze %dma_wait3A_80 : memref<1x1x25x80xi32, #tpu.memory_space<hbm>> -> memref<25x80xi32, #tpu.memory_space<hbm>>
    %dma_wait3A_82 = arith.constant 0 : i32
    %dma_wait3A_83 = arith.constant 0 : i32
    %dma_wait3A_84 = tpu.memref_slice %arg7[%dma_wait3A_73, %dma_wait3A_82, %dma_wait3A_83] : memref<2x25x80xi32, #tpu.memory_space<vmem>> -> memref<1x25x80xi32, #tpu.memory_space<vmem>>
    %dma_wait3A_85 = tpu.memref_squeeze %dma_wait3A_84 : memref<1x25x80xi32, #tpu.memory_space<vmem>> -> memref<25x80xi32, #tpu.memory_space<vmem>>
    %dma_wait3A_86 = arith.constant 0 : i32
    %dma_wait3A_87 = arith.constant 0 : i32
    %dma_wait3A_88 = tpu.memref_slice %arg3[%add3A, %dma_wait3A, %dma_wait3A_86, %dma_wait3A_87] : memref<32x5x25x80xi32, #tpu.memory_space<hbm>> -> memref<1x1x25x80xi32, #tpu.memory_space<hbm>>
    %dma_wait3A_89 = tpu.memref_squeeze %dma_wait3A_88 : memref<1x1x25x80xi32, #tpu.memory_space<hbm>> -> memref<25x80xi32, #tpu.memory_space<hbm>>
    tpu.wait_dma2 semaphore(%arg15 : memref<!tpu.dma_semaphore, #tpu.memory_space<semaphore_mem>>) src(%dma_wait3A_89 : memref<25x80xi32, #tpu.memory_space<hbm>>) dst(%dma_wait3A_85 : memref<25x80xi32, #tpu.memory_space<vmem>>)
    %dma_start3A_90 = arith.constant 2 : i32
    %dma_start3A_91 = arith.constant 0 : i32
    %dma_start3A_92 = arith.constant 0 : i32
    %dma_start3A_93 = arith.constant 0 : i32
    %dma_start3A_94 = tpu.memref_slice %arg7[%dma_start3A_91, %dma_start3A_92, %dma_start3A_93] : memref<2x25x80xi32, #tpu.memory_space<vmem>> -> memref<1x25x80xi32, #tpu.memory_space<vmem>>
    %dma_start3A_95 = tpu.memref_squeeze %dma_start3A_94 : memref<1x25x80xi32, #tpu.memory_space<vmem>> -> memref<25x80xi32, #tpu.memory_space<vmem>>
    %dma_start3A_96 = arith.constant 0 : i32
    %dma_start3A_97 = arith.constant 0 : i32
    %dma_start3A_98 = tpu.memref_slice %arg3[%add3A, %dma_start3A_90, %dma_start3A_96, %dma_start3A_97] : memref<32x5x25x80xi32, #tpu.memory_space<hbm>> -> memref<1x1x25x80xi32, #tpu.memory_space<hbm>>
    %dma_start3A_99 = tpu.memref_squeeze %dma_start3A_98 : memref<1x1x25x80xi32, #tpu.memory_space<hbm>> -> memref<25x80xi32, #tpu.memory_space<hbm>>
    %dma_start3A_100 = arith.constant 0 : i32
    %dma_start3A_101 = arith.constant 0 : i32
    %dma_start3A_102 = tpu.memref_slice %arg7[%dma_start3A_91, %dma_start3A_100, %dma_start3A_101] : memref<2x25x80xi32, #tpu.memory_space<vmem>> -> memref<1x25x80xi32, #tpu.memory_space<vmem>>
    %dma_start3A_103 = tpu.memref_squeeze %dma_start3A_102 : memref<1x25x80xi32, #tpu.memory_space<vmem>> -> memref<25x80xi32, #tpu.memory_space<vmem>>
    %dma_start3A_104 = arith.constant 0 : i32
    %dma_start3A_105 = arith.constant 0 : i32
    %dma_start3A_106 = tpu.memref_slice %arg3[%add3A, %dma_start3A_90, %dma_start3A_104, %dma_start3A_105] : memref<32x5x25x80xi32, #tpu.memory_space<hbm>> -> memref<1x1x25x80xi32, #tpu.memory_space<hbm>>
    %dma_start3A_107 = tpu.memref_squeeze %dma_start3A_106 : memref<1x1x25x80xi32, #tpu.memory_space<hbm>> -> memref<25x80xi32, #tpu.memory_space<hbm>>
    tpu.enqueue_dma source(%dma_start3A_107 : memref<25x80xi32, #tpu.memory_space<hbm>>) target(%dma_start3A_103 : memref<25x80xi32, #tpu.memory_space<vmem>>) target_semaphore(%arg15 : memref<!tpu.dma_semaphore, #tpu.memory_space<semaphore_mem>>)
    %dma_start3A_108 = arith.constant 2000 : i32
    %dma_start3A_109 = tpu.memref_slice %arg6[%dma_start3A_108] : memref<10000xi32, #tpu.memory_space<vmem>> -> memref<80xi32, #tpu.memory_space<vmem>>
    %dma_start3A_110 = arith.constant 0 : i32
    %dma_start3A_111 = arith.constant 0 : i32
    %dma_start3A_112 = tpu.memref_slice %arg4[%dma_start3A_110, %dma_start3A_111] : memref<10000x128xf32, #tpu.memory_space<hbm>> -> memref<10000x128xf32, #tpu.memory_space<hbm>>
    tpu.enqueue_indirect_dma source(%dma_start3A_112 : memref<10000x128xf32, #tpu.memory_space<hbm>>) target(%arg8 : memref<80x128xf32, #tpu.memory_space<vmem>>) offsets(%dma_start3A_109 : memref<80xi32, #tpu.memory_space<vmem>>) semaphore(%arg12 : memref<!tpu.dma_semaphore, #tpu.memory_space<semaphore_mem>>)
    %dma_start3A_113 = arith.constant 2080 : i32
    %dma_start3A_114 = tpu.memref_slice %arg6[%dma_start3A_113] : memref<10000xi32, #tpu.memory_space<vmem>> -> memref<80xi32, #tpu.memory_space<vmem>>
    %dma_start3A_115 = arith.constant 0 : i32
    %dma_start3A_116 = arith.constant 0 : i32
    %dma_start3A_117 = tpu.memref_slice %arg4[%dma_start3A_115, %dma_start3A_116] : memref<10000x128xf32, #tpu.memory_space<hbm>> -> memref<10000x128xf32, #tpu.memory_space<hbm>>
    tpu.enqueue_indirect_dma source(%dma_start3A_117 : memref<10000x128xf32, #tpu.memory_space<hbm>>) target(%arg9 : memref<80x128xf32, #tpu.memory_space<vmem>>) offsets(%dma_start3A_114 : memref<80xi32, #tpu.memory_space<vmem>>) semaphore(%arg13 : memref<!tpu.dma_semaphore, #tpu.memory_space<semaphore_mem>>)
    %scan3A_118 = arith.constant 0 : i32
    %scan3A_119 = arith.constant 0 : i32
    %scan3A_120 = arith.constant 9 : i32
    %scan3A_121 = arith.addi %scan3A_119, %scan3A_120 : i32
    %scan3A_122 = arith.constant 1 : i32
    scf.for %scan3A_267 = %scan3A_119 to %scan3A_121 step %scan3A_122  : i32 {
      %mul3A_268 = arith.constant 3 : i32
      %mul3A_269 = arith.muli %mul3A_268, %scan3A_267 : i32
      %add3A_270 = arith.constant 25 : i32
      %add3A_271 = arith.addi %add3A_270, %mul3A_269 : i32
      %add3A_272 = arith.constant 2 : i32
      %add3A_273 = arith.addi %mul3A_269, %add3A_272 : i32
      %lt3A = arith.constant 25 : i32
      %lt3A_274 = arith.cmpi slt, %add3A_273, %lt3A : i32
      %convert_element_type3A = arith.extui %lt3A_274 : i1 to i32
      %cond3A = arith.constant 0 : i32
      %cond3A_275 = arith.cmpi ne, %convert_element_type3A, %cond3A : i32
      scf.if %cond3A_275 {
        %add3A_311 = arith.constant 2 : i32
        %add3A_312 = arith.addi %add3A_271, %add3A_311 : i32
        %mul3A_313 = arith.constant 80 : i32
        %mul3A_314 = arith.muli %add3A_312, %mul3A_313 : i32
        %dma_start3A_315 = tpu.memref_slice %arg6[%mul3A_314] : memref<10000xi32, #tpu.memory_space<vmem>> -> memref<80xi32, #tpu.memory_space<vmem>>
        %dma_start3A_316 = arith.constant 0 : i32
        %dma_start3A_317 = arith.constant 0 : i32
        %dma_start3A_318 = tpu.memref_slice %arg4[%dma_start3A_316, %dma_start3A_317] : memref<10000x128xf32, #tpu.memory_space<hbm>> -> memref<10000x128xf32, #tpu.memory_space<hbm>>
        tpu.enqueue_indirect_dma source(%dma_start3A_318 : memref<10000x128xf32, #tpu.memory_space<hbm>>) target(%arg10 : memref<80x128xf32, #tpu.memory_space<vmem>>) offsets(%dma_start3A_315 : memref<80xi32, #tpu.memory_space<vmem>>) semaphore(%arg14 : memref<!tpu.dma_semaphore, #tpu.memory_space<semaphore_mem>>)
      } else {
      }
      %mul3A_276 = arith.constant 80 : i32
      %mul3A_277 = arith.muli %add3A_271, %mul3A_276 : i32
      %dma_wait3A_278 = tpu.memref_slice %arg6[%mul3A_277] : memref<10000xi32, #tpu.memory_space<vmem>> -> memref<80xi32, #tpu.memory_space<vmem>>
      %dma_wait3A_279 = arith.constant 0 : i32
      %dma_wait3A_280 = arith.constant 0 : i32
      %dma_wait3A_281 = tpu.memref_slice %arg4[%dma_wait3A_279, %dma_wait3A_280] : memref<10000x128xf32, #tpu.memory_space<hbm>> -> memref<10000x128xf32, #tpu.memory_space<hbm>>
      tpu.wait_indirect_dma semaphore(%arg12 : memref<!tpu.dma_semaphore, #tpu.memory_space<semaphore_mem>>) src(%dma_wait3A_281 : memref<10000x128xf32, #tpu.memory_space<hbm>>) dst(%arg8 : memref<80x128xf32, #tpu.memory_space<vmem>>)
      %run_scoped3A_282 = arith.constant 1 : i32
      "tpu.region"() ({
        %run_scoped3A_311 = tpu.sem_alloc : memref<!tpu.dma_semaphore, #tpu.memory_space<semaphore_mem>>
        %dma_start3A_312 = arith.constant 0 : i32
        %dma_start3A_313 = tpu.memref_slice %arg7[%run_scoped3A_282, %mul3A_269, %dma_start3A_312] : memref<2x25x80xi32, #tpu.memory_space<vmem>> -> memref<1x1x80xi32, #tpu.memory_space<vmem>>
        %dma_start3A_314 = tpu.memref_squeeze %dma_start3A_313 : memref<1x1x80xi32, #tpu.memory_space<vmem>> -> memref<80xi32, #tpu.memory_space<vmem>>
        %dma_start3A_315 = arith.constant 0 : i32
        %dma_start3A_316 = arith.constant 0 : i32
        %dma_start3A_317 = tpu.memref_slice %arg11[%dma_start3A_315, %dma_start3A_316] : memref<10240x128xf32, #tpu.memory_space<vmem_shared>> -> memref<10240x128xf32, #tpu.memory_space<vmem_shared>>
        tpu.enqueue_indirect_dma source(%arg8 : memref<80x128xf32, #tpu.memory_space<vmem>>) target(%dma_start3A_317 : memref<10240x128xf32, #tpu.memory_space<vmem_shared>>) offsets(%dma_start3A_314 : memref<80xi32, #tpu.memory_space<vmem>>) semaphore(%run_scoped3A_311 : memref<!tpu.dma_semaphore, #tpu.memory_space<semaphore_mem>>) {add = true}
        %dma_wait3A_318 = arith.constant 0 : i32
        %dma_wait3A_319 = tpu.memref_slice %arg7[%run_scoped3A_282, %mul3A_269, %dma_wait3A_318] : memref<2x25x80xi32, #tpu.memory_space<vmem>> -> memref<1x1x80xi32, #tpu.memory_space<vmem>>
        %dma_wait3A_320 = tpu.memref_squeeze %dma_wait3A_319 : memref<1x1x80xi32, #tpu.memory_space<vmem>> -> memref<80xi32, #tpu.memory_space<vmem>>
        %dma_wait3A_321 = arith.constant 0 : i32
        %dma_wait3A_322 = arith.constant 0 : i32
        %dma_wait3A_323 = tpu.memref_slice %arg11[%dma_wait3A_321, %dma_wait3A_322] : memref<10240x128xf32, #tpu.memory_space<vmem_shared>> -> memref<10240x128xf32, #tpu.memory_space<vmem_shared>>
        tpu.wait_indirect_dma semaphore(%run_scoped3A_311 : memref<!tpu.dma_semaphore, #tpu.memory_space<semaphore_mem>>) src(%arg8 : memref<80x128xf32, #tpu.memory_space<vmem>>) dst(%dma_wait3A_323 : memref<10240x128xf32, #tpu.memory_space<vmem_shared>>)
        tpu.yield
      }) : () -> ()
      %add3A_283 = arith.constant 3 : i32
      %add3A_284 = arith.addi %mul3A_269, %add3A_283 : i32
      %lt3A_285 = arith.constant 25 : i32
      %lt3A_286 = arith.cmpi slt, %add3A_284, %lt3A_285 : i32
      %convert_element_type3A_287 = arith.extui %lt3A_286 : i1 to i32
      %cond3A_288 = arith.constant 0 : i32
      %cond3A_289 = arith.cmpi ne, %convert_element_type3A_287, %cond3A_288 : i32
      scf.if %cond3A_289 {
        %add3A_311 = arith.constant 3 : i32
        %add3A_312 = arith.addi %add3A_271, %add3A_311 : i32
        %mul3A_313 = arith.constant 80 : i32
        %mul3A_314 = arith.muli %add3A_312, %mul3A_313 : i32
        %dma_start3A_315 = tpu.memref_slice %arg6[%mul3A_314] : memref<10000xi32, #tpu.memory_space<vmem>> -> memref<80xi32, #tpu.memory_space<vmem>>
        %dma_start3A_316 = arith.constant 0 : i32
        %dma_start3A_317 = arith.constant 0 : i32
        %dma_start3A_318 = tpu.memref_slice %arg4[%dma_start3A_316, %dma_start3A_317] : memref<10000x128xf32, #tpu.memory_space<hbm>> -> memref<10000x128xf32, #tpu.memory_space<hbm>>
        tpu.enqueue_indirect_dma source(%dma_start3A_318 : memref<10000x128xf32, #tpu.memory_space<hbm>>) target(%arg8 : memref<80x128xf32, #tpu.memory_space<vmem>>) offsets(%dma_start3A_315 : memref<80xi32, #tpu.memory_space<vmem>>) semaphore(%arg12 : memref<!tpu.dma_semaphore, #tpu.memory_space<semaphore_mem>>)
      } else {
      }
      %add3A_290 = arith.constant 1 : i32
      %add3A_291 = arith.addi %mul3A_269, %add3A_290 : i32
      %lt3A_292 = arith.constant 25 : i32
      %lt3A_293 = arith.cmpi slt, %add3A_291, %lt3A_292 : i32
      %convert_element_type3A_294 = arith.extui %lt3A_293 : i1 to i32
      %cond3A_295 = arith.constant 0 : i32
      %cond3A_296 = arith.cmpi ne, %convert_element_type3A_294, %cond3A_295 : i32
      scf.if %cond3A_296 {
        %add3A_311 = arith.constant 1 : i32
        %add3A_312 = arith.addi %add3A_271, %add3A_311 : i32
        %mul3A_313 = arith.constant 80 : i32
        %mul3A_314 = arith.muli %add3A_312, %mul3A_313 : i32
        %dma_wait3A_315 = tpu.memref_slice %arg6[%mul3A_314] : memref<10000xi32, #tpu.memory_space<vmem>> -> memref<80xi32, #tpu.memory_space<vmem>>
        %dma_wait3A_316 = arith.constant 0 : i32
        %dma_wait3A_317 = arith.constant 0 : i32
        %dma_wait3A_318 = tpu.memref_slice %arg4[%dma_wait3A_316, %dma_wait3A_317] : memref<10000x128xf32, #tpu.memory_space<hbm>> -> memref<10000x128xf32, #tpu.memory_space<hbm>>
        tpu.wait_indirect_dma semaphore(%arg13 : memref<!tpu.dma_semaphore, #tpu.memory_space<semaphore_mem>>) src(%dma_wait3A_318 : memref<10000x128xf32, #tpu.memory_space<hbm>>) dst(%arg9 : memref<80x128xf32, #tpu.memory_space<vmem>>)
        %add3A_319 = arith.constant 1 : i32
        %add3A_320 = arith.addi %mul3A_269, %add3A_319 : i32
        %run_scoped3A_321 = arith.constant 1 : i32
        "tpu.region"() ({
          %run_scoped3A_322 = tpu.sem_alloc : memref<!tpu.dma_semaphore, #tpu.memory_space<semaphore_mem>>
          %dma_start3A_323 = arith.constant 0 : i32
          %dma_start3A_324 = tpu.memref_slice %arg7[%run_scoped3A_321, %add3A_320, %dma_start3A_323] : memref<2x25x80xi32, #tpu.memory_space<vmem>> -> memref<1x1x80xi32, #tpu.memory_space<vmem>>
          %dma_start3A_325 = tpu.memref_squeeze %dma_start3A_324 : memref<1x1x80xi32, #tpu.memory_space<vmem>> -> memref<80xi32, #tpu.memory_space<vmem>>
          %dma_start3A_326 = arith.constant 0 : i32
          %dma_start3A_327 = arith.constant 0 : i32
          %dma_start3A_328 = tpu.memref_slice %arg11[%dma_start3A_326, %dma_start3A_327] : memref<10240x128xf32, #tpu.memory_space<vmem_shared>> -> memref<10240x128xf32, #tpu.memory_space<vmem_shared>>
          tpu.enqueue_indirect_dma source(%arg9 : memref<80x128xf32, #tpu.memory_space<vmem>>) target(%dma_start3A_328 : memref<10240x128xf32, #tpu.memory_space<vmem_shared>>) offsets(%dma_start3A_325 : memref<80xi32, #tpu.memory_space<vmem>>) semaphore(%run_scoped3A_322 : memref<!tpu.dma_semaphore, #tpu.memory_space<semaphore_mem>>) {add = true}
          %dma_wait3A_329 = arith.constant 0 : i32
          %dma_wait3A_330 = tpu.memref_slice %arg7[%run_scoped3A_321, %add3A_320, %dma_wait3A_329] : memref<2x25x80xi32, #tpu.memory_space<vmem>> -> memref<1x1x80xi32, #tpu.memory_space<vmem>>
          %dma_wait3A_331 = tpu.memref_squeeze %dma_wait3A_330 : memref<1x1x80xi32, #tpu.memory_space<vmem>> -> memref<80xi32, #tpu.memory_space<vmem>>
          %dma_wait3A_332 = arith.constant 0 : i32
          %dma_wait3A_333 = arith.constant 0 : i32
          %dma_wait3A_334 = tpu.memref_slice %arg11[%dma_wait3A_332, %dma_wait3A_333] : memref<10240x128xf32, #tpu.memory_space<vmem_shared>> -> memref<10240x128xf32, #tpu.memory_space<vmem_shared>>
          tpu.wait_indirect_dma semaphore(%run_scoped3A_322 : memref<!tpu.dma_semaphore, #tpu.memory_space<semaphore_mem>>) src(%arg9 : memref<80x128xf32, #tpu.memory_space<vmem>>) dst(%dma_wait3A_334 : memref<10240x128xf32, #tpu.memory_space<vmem_shared>>)
          tpu.yield
        }) : () -> ()
      } else {
      }
      %add3A_297 = arith.constant 4 : i32
      %add3A_298 = arith.addi %mul3A_269, %add3A_297 : i32
      %lt3A_299 = arith.constant 25 : i32
      %lt3A_300 = arith.cmpi slt, %add3A_298, %lt3A_299 : i32
      %convert_element_type3A_301 = arith.extui %lt3A_300 : i1 to i32
      %cond3A_302 = arith.constant 0 : i32
      %cond3A_303 = arith.cmpi ne, %convert_element_type3A_301, %cond3A_302 : i32
      scf.if %cond3A_303 {
        %add3A_311 = arith.constant 4 : i32
        %add3A_312 = arith.addi %add3A_271, %add3A_311 : i32
        %mul3A_313 = arith.constant 80 : i32
        %mul3A_314 = arith.muli %add3A_312, %mul3A_313 : i32
        %dma_start3A_315 = tpu.memref_slice %arg6[%mul3A_314] : memref<10000xi32, #tpu.memory_space<vmem>> -> memref<80xi32, #tpu.memory_space<vmem>>
        %dma_start3A_316 = arith.constant 0 : i32
        %dma_start3A_317 = arith.constant 0 : i32
        %dma_start3A_318 = tpu.memref_slice %arg4[%dma_start3A_316, %dma_start3A_317] : memref<10000x128xf32, #tpu.memory_space<hbm>> -> memref<10000x128xf32, #tpu.memory_space<hbm>>
        tpu.enqueue_indirect_dma source(%dma_start3A_318 : memref<10000x128xf32, #tpu.memory_space<hbm>>) target(%arg9 : memref<80x128xf32, #tpu.memory_space<vmem>>) offsets(%dma_start3A_315 : memref<80xi32, #tpu.memory_space<vmem>>) semaphore(%arg13 : memref<!tpu.dma_semaphore, #tpu.memory_space<semaphore_mem>>)
      } else {
      }
      %add3A_304 = arith.constant 2 : i32
      %add3A_305 = arith.addi %mul3A_269, %add3A_304 : i32
      %lt3A_306 = arith.constant 25 : i32
      %lt3A_307 = arith.cmpi slt, %add3A_305, %lt3A_306 : i32
      %convert_element_type3A_308 = arith.extui %lt3A_307 : i1 to i32
      %cond3A_309 = arith.constant 0 : i32
      %cond3A_310 = arith.cmpi ne, %convert_element_type3A_308, %cond3A_309 : i32
      scf.if %cond3A_310 {
        %add3A_311 = arith.constant 2 : i32
        %add3A_312 = arith.addi %add3A_271, %add3A_311 : i32
        %mul3A_313 = arith.constant 80 : i32
        %mul3A_314 = arith.muli %add3A_312, %mul3A_313 : i32
        %dma_wait3A_315 = tpu.memref_slice %arg6[%mul3A_314] : memref<10000xi32, #tpu.memory_space<vmem>> -> memref<80xi32, #tpu.memory_space<vmem>>
        %dma_wait3A_316 = arith.constant 0 : i32
        %dma_wait3A_317 = arith.constant 0 : i32
        %dma_wait3A_318 = tpu.memref_slice %arg4[%dma_wait3A_316, %dma_wait3A_317] : memref<10000x128xf32, #tpu.memory_space<hbm>> -> memref<10000x128xf32, #tpu.memory_space<hbm>>
        tpu.wait_indirect_dma semaphore(%arg14 : memref<!tpu.dma_semaphore, #tpu.memory_space<semaphore_mem>>) src(%dma_wait3A_318 : memref<10000x128xf32, #tpu.memory_space<hbm>>) dst(%arg10 : memref<80x128xf32, #tpu.memory_space<vmem>>)
        %add3A_319 = arith.constant 2 : i32
        %add3A_320 = arith.addi %mul3A_269, %add3A_319 : i32
        %run_scoped3A_321 = arith.constant 1 : i32
        "tpu.region"() ({
          %run_scoped3A_322 = tpu.sem_alloc : memref<!tpu.dma_semaphore, #tpu.memory_space<semaphore_mem>>
          %dma_start3A_323 = arith.constant 0 : i32
          %dma_start3A_324 = tpu.memref_slice %arg7[%run_scoped3A_321, %add3A_320, %dma_start3A_323] : memref<2x25x80xi32, #tpu.memory_space<vmem>> -> memref<1x1x80xi32, #tpu.memory_space<vmem>>
          %dma_start3A_325 = tpu.memref_squeeze %dma_start3A_324 : memref<1x1x80xi32, #tpu.memory_space<vmem>> -> memref<80xi32, #tpu.memory_space<vmem>>
          %dma_start3A_326 = arith.constant 0 : i32
          %dma_start3A_327 = arith.constant 0 : i32
          %dma_start3A_328 = tpu.memref_slice %arg11[%dma_start3A_326, %dma_start3A_327] : memref<10240x128xf32, #tpu.memory_space<vmem_shared>> -> memref<10240x128xf32, #tpu.memory_space<vmem_shared>>
          tpu.enqueue_indirect_dma source(%arg10 : memref<80x128xf32, #tpu.memory_space<vmem>>) target(%dma_start3A_328 : memref<10240x128xf32, #tpu.memory_space<vmem_shared>>) offsets(%dma_start3A_325 : memref<80xi32, #tpu.memory_space<vmem>>) semaphore(%run_scoped3A_322 : memref<!tpu.dma_semaphore, #tpu.memory_space<semaphore_mem>>) {add = true}
          %dma_wait3A_329 = arith.constant 0 : i32
          %dma_wait3A_330 = tpu.memref_slice %arg7[%run_scoped3A_321, %add3A_320, %dma_wait3A_329] : memref<2x25x80xi32, #tpu.memory_space<vmem>> -> memref<1x1x80xi32, #tpu.memory_space<vmem>>
          %dma_wait3A_331 = tpu.memref_squeeze %dma_wait3A_330 : memref<1x1x80xi32, #tpu.memory_space<vmem>> -> memref<80xi32, #tpu.memory_space<vmem>>
          %dma_wait3A_332 = arith.constant 0 : i32
          %dma_wait3A_333 = arith.constant 0 : i32
          %dma_wait3A_334 = tpu.memref_slice %arg11[%dma_wait3A_332, %dma_wait3A_333] : memref<10240x128xf32, #tpu.memory_space<vmem_shared>> -> memref<10240x128xf32, #tpu.memory_space<vmem_shared>>
          tpu.wait_indirect_dma semaphore(%run_scoped3A_322 : memref<!tpu.dma_semaphore, #tpu.memory_space<semaphore_mem>>) src(%arg10 : memref<80x128xf32, #tpu.memory_space<vmem>>) dst(%dma_wait3A_334 : memref<10240x128xf32, #tpu.memory_space<vmem_shared>>)
          tpu.yield
        }) : () -> ()
      } else {
      }
    }
    %scan3A_123 = arith.constant 9 : i32
    %dma_wait3A_124 = arith.constant 2 : i32
    %dma_wait3A_125 = arith.constant 0 : i32
    %dma_wait3A_126 = arith.constant 0 : i32
    %dma_wait3A_127 = arith.constant 0 : i32
    %dma_wait3A_128 = tpu.memref_slice %arg7[%dma_wait3A_125, %dma_wait3A_126, %dma_wait3A_127] : memref<2x25x80xi32, #tpu.memory_space<vmem>> -> memref<1x25x80xi32, #tpu.memory_space<vmem>>
    %dma_wait3A_129 = tpu.memref_squeeze %dma_wait3A_128 : memref<1x25x80xi32, #tpu.memory_space<vmem>> -> memref<25x80xi32, #tpu.memory_space<vmem>>
    %dma_wait3A_130 = arith.constant 0 : i32
    %dma_wait3A_131 = arith.constant 0 : i32
    %dma_wait3A_132 = tpu.memref_slice %arg3[%add3A, %dma_wait3A_124, %dma_wait3A_130, %dma_wait3A_131] : memref<32x5x25x80xi32, #tpu.memory_space<hbm>> -> memref<1x1x25x80xi32, #tpu.memory_space<hbm>>
    %dma_wait3A_133 = tpu.memref_squeeze %dma_wait3A_132 : memref<1x1x25x80xi32, #tpu.memory_space<hbm>> -> memref<25x80xi32, #tpu.memory_space<hbm>>
    %dma_wait3A_134 = arith.constant 0 : i32
    %dma_wait3A_135 = arith.constant 0 : i32
    %dma_wait3A_136 = tpu.memref_slice %arg7[%dma_wait3A_125, %dma_wait3A_134, %dma_wait3A_135] : memref<2x25x80xi32, #tpu.memory_space<vmem>> -> memref<1x25x80xi32, #tpu.memory_space<vmem>>
    %dma_wait3A_137 = tpu.memref_squeeze %dma_wait3A_136 : memref<1x25x80xi32, #tpu.memory_space<vmem>> -> memref<25x80xi32, #tpu.memory_space<vmem>>
    %dma_wait3A_138 = arith.constant 0 : i32
    %dma_wait3A_139 = arith.constant 0 : i32
    %dma_wait3A_140 = tpu.memref_slice %arg3[%add3A, %dma_wait3A_124, %dma_wait3A_138, %dma_wait3A_139] : memref<32x5x25x80xi32, #tpu.memory_space<hbm>> -> memref<1x1x25x80xi32, #tpu.memory_space<hbm>>
    %dma_wait3A_141 = tpu.memref_squeeze %dma_wait3A_140 : memref<1x1x25x80xi32, #tpu.memory_space<hbm>> -> memref<25x80xi32, #tpu.memory_space<hbm>>
    tpu.wait_dma2 semaphore(%arg15 : memref<!tpu.dma_semaphore, #tpu.memory_space<semaphore_mem>>) src(%dma_wait3A_141 : memref<25x80xi32, #tpu.memory_space<hbm>>) dst(%dma_wait3A_137 : memref<25x80xi32, #tpu.memory_space<vmem>>)
    %dma_start3A_142 = arith.constant 3 : i32
    %dma_start3A_143 = arith.constant 1 : i32
    %dma_start3A_144 = arith.constant 0 : i32
    %dma_start3A_145 = arith.constant 0 : i32
    %dma_start3A_146 = tpu.memref_slice %arg7[%dma_start3A_143, %dma_start3A_144, %dma_start3A_145] : memref<2x25x80xi32, #tpu.memory_space<vmem>> -> memref<1x25x80xi32, #tpu.memory_space<vmem>>
    %dma_start3A_147 = tpu.memref_squeeze %dma_start3A_146 : memref<1x25x80xi32, #tpu.memory_space<vmem>> -> memref<25x80xi32, #tpu.memory_space<vmem>>
    %dma_start3A_148 = arith.constant 0 : i32
    %dma_start3A_149 = arith.constant 0 : i32
    %dma_start3A_150 = tpu.memref_slice %arg3[%add3A, %dma_start3A_142, %dma_start3A_148, %dma_start3A_149] : memref<32x5x25x80xi32, #tpu.memory_space<hbm>> -> memref<1x1x25x80xi32, #tpu.memory_space<hbm>>
    %dma_start3A_151 = tpu.memref_squeeze %dma_start3A_150 : memref<1x1x25x80xi32, #tpu.memory_space<hbm>> -> memref<25x80xi32, #tpu.memory_space<hbm>>
    %dma_start3A_152 = arith.constant 0 : i32
    %dma_start3A_153 = arith.constant 0 : i32
    %dma_start3A_154 = tpu.memref_slice %arg7[%dma_start3A_143, %dma_start3A_152, %dma_start3A_153] : memref<2x25x80xi32, #tpu.memory_space<vmem>> -> memref<1x25x80xi32, #tpu.memory_space<vmem>>
    %dma_start3A_155 = tpu.memref_squeeze %dma_start3A_154 : memref<1x25x80xi32, #tpu.memory_space<vmem>> -> memref<25x80xi32, #tpu.memory_space<vmem>>
    %dma_start3A_156 = arith.constant 0 : i32
    %dma_start3A_157 = arith.constant 0 : i32
    %dma_start3A_158 = tpu.memref_slice %arg3[%add3A, %dma_start3A_142, %dma_start3A_156, %dma_start3A_157] : memref<32x5x25x80xi32, #tpu.memory_space<hbm>> -> memref<1x1x25x80xi32, #tpu.memory_space<hbm>>
    %dma_start3A_159 = tpu.memref_squeeze %dma_start3A_158 : memref<1x1x25x80xi32, #tpu.memory_space<hbm>> -> memref<25x80xi32, #tpu.memory_space<hbm>>
    tpu.enqueue_dma source(%dma_start3A_159 : memref<25x80xi32, #tpu.memory_space<hbm>>) target(%dma_start3A_155 : memref<25x80xi32, #tpu.memory_space<vmem>>) target_semaphore(%arg15 : memref<!tpu.dma_semaphore, #tpu.memory_space<semaphore_mem>>)
    %dma_start3A_160 = arith.constant 4000 : i32
    %dma_start3A_161 = tpu.memref_slice %arg6[%dma_start3A_160] : memref<10000xi32, #tpu.memory_space<vmem>> -> memref<80xi32, #tpu.memory_space<vmem>>
    %dma_start3A_162 = arith.constant 0 : i32
    %dma_start3A_163 = arith.constant 0 : i32
    %dma_start3A_164 = tpu.memref_slice %arg4[%dma_start3A_162, %dma_start3A_163] : memref<10000x128xf32, #tpu.memory_space<hbm>> -> memref<10000x128xf32, #tpu.memory_space<hbm>>
    tpu.enqueue_indirect_dma source(%dma_start3A_164 : memref<10000x128xf32, #tpu.memory_space<hbm>>) target(%arg8 : memref<80x128xf32, #tpu.memory_space<vmem>>) offsets(%dma_start3A_161 : memref<80xi32, #tpu.memory_space<vmem>>) semaphore(%arg12 : memref<!tpu.dma_semaphore, #tpu.memory_space<semaphore_mem>>)
    %dma_start3A_165 = arith.constant 4080 : i32
    %dma_start3A_166 = tpu.memref_slice %arg6[%dma_start3A_165] : memref<10000xi32, #tpu.memory_space<vmem>> -> memref<80xi32, #tpu.memory_space<vmem>>
    %dma_start3A_167 = arith.constant 0 : i32
    %dma_start3A_168 = arith.constant 0 : i32
    %dma_start3A_169 = tpu.memref_slice %arg4[%dma_start3A_167, %dma_start3A_168] : memref<10000x128xf32, #tpu.memory_space<hbm>> -> memref<10000x128xf32, #tpu.memory_space<hbm>>
    tpu.enqueue_indirect_dma source(%dma_start3A_169 : memref<10000x128xf32, #tpu.memory_space<hbm>>) target(%arg9 : memref<80x128xf32, #tpu.memory_space<vmem>>) offsets(%dma_start3A_166 : memref<80xi32, #tpu.memory_space<vmem>>) semaphore(%arg13 : memref<!tpu.dma_semaphore, #tpu.memory_space<semaphore_mem>>)
    %scan3A_170 = arith.constant 0 : i32
    %scan3A_171 = arith.constant 0 : i32
    %scan3A_172 = arith.constant 9 : i32
    %scan3A_173 = arith.addi %scan3A_171, %scan3A_172 : i32
    %scan3A_174 = arith.constant 1 : i32
    scf.for %scan3A_267 = %scan3A_171 to %scan3A_173 step %scan3A_174  : i32 {
      %mul3A_268 = arith.constant 3 : i32
      %mul3A_269 = arith.muli %mul3A_268, %scan3A_267 : i32
      %add3A_270 = arith.constant 50 : i32
      %add3A_271 = arith.addi %add3A_270, %mul3A_269 : i32
      %add3A_272 = arith.constant 2 : i32
      %add3A_273 = arith.addi %mul3A_269, %add3A_272 : i32
      %lt3A = arith.constant 25 : i32
      %lt3A_274 = arith.cmpi slt, %add3A_273, %lt3A : i32
      %convert_element_type3A = arith.extui %lt3A_274 : i1 to i32
      %cond3A = arith.constant 0 : i32
      %cond3A_275 = arith.cmpi ne, %convert_element_type3A, %cond3A : i32
      scf.if %cond3A_275 {
        %add3A_311 = arith.constant 2 : i32
        %add3A_312 = arith.addi %add3A_271, %add3A_311 : i32
        %mul3A_313 = arith.constant 80 : i32
        %mul3A_314 = arith.muli %add3A_312, %mul3A_313 : i32
        %dma_start3A_315 = tpu.memref_slice %arg6[%mul3A_314] : memref<10000xi32, #tpu.memory_space<vmem>> -> memref<80xi32, #tpu.memory_space<vmem>>
        %dma_start3A_316 = arith.constant 0 : i32
        %dma_start3A_317 = arith.constant 0 : i32
        %dma_start3A_318 = tpu.memref_slice %arg4[%dma_start3A_316, %dma_start3A_317] : memref<10000x128xf32, #tpu.memory_space<hbm>> -> memref<10000x128xf32, #tpu.memory_space<hbm>>
        tpu.enqueue_indirect_dma source(%dma_start3A_318 : memref<10000x128xf32, #tpu.memory_space<hbm>>) target(%arg10 : memref<80x128xf32, #tpu.memory_space<vmem>>) offsets(%dma_start3A_315 : memref<80xi32, #tpu.memory_space<vmem>>) semaphore(%arg14 : memref<!tpu.dma_semaphore, #tpu.memory_space<semaphore_mem>>)
      } else {
      }
      %mul3A_276 = arith.constant 80 : i32
      %mul3A_277 = arith.muli %add3A_271, %mul3A_276 : i32
      %dma_wait3A_278 = tpu.memref_slice %arg6[%mul3A_277] : memref<10000xi32, #tpu.memory_space<vmem>> -> memref<80xi32, #tpu.memory_space<vmem>>
      %dma_wait3A_279 = arith.constant 0 : i32
      %dma_wait3A_280 = arith.constant 0 : i32
      %dma_wait3A_281 = tpu.memref_slice %arg4[%dma_wait3A_279, %dma_wait3A_280] : memref<10000x128xf32, #tpu.memory_space<hbm>> -> memref<10000x128xf32, #tpu.memory_space<hbm>>
      tpu.wait_indirect_dma semaphore(%arg12 : memref<!tpu.dma_semaphore, #tpu.memory_space<semaphore_mem>>) src(%dma_wait3A_281 : memref<10000x128xf32, #tpu.memory_space<hbm>>) dst(%arg8 : memref<80x128xf32, #tpu.memory_space<vmem>>)
      %run_scoped3A_282 = arith.constant 0 : i32
      "tpu.region"() ({
        %run_scoped3A_311 = tpu.sem_alloc : memref<!tpu.dma_semaphore, #tpu.memory_space<semaphore_mem>>
        %dma_start3A_312 = arith.constant 0 : i32
        %dma_start3A_313 = tpu.memref_slice %arg7[%run_scoped3A_282, %mul3A_269, %dma_start3A_312] : memref<2x25x80xi32, #tpu.memory_space<vmem>> -> memref<1x1x80xi32, #tpu.memory_space<vmem>>
        %dma_start3A_314 = tpu.memref_squeeze %dma_start3A_313 : memref<1x1x80xi32, #tpu.memory_space<vmem>> -> memref<80xi32, #tpu.memory_space<vmem>>
        %dma_start3A_315 = arith.constant 0 : i32
        %dma_start3A_316 = arith.constant 0 : i32
        %dma_start3A_317 = tpu.memref_slice %arg11[%dma_start3A_315, %dma_start3A_316] : memref<10240x128xf32, #tpu.memory_space<vmem_shared>> -> memref<10240x128xf32, #tpu.memory_space<vmem_shared>>
        tpu.enqueue_indirect_dma source(%arg8 : memref<80x128xf32, #tpu.memory_space<vmem>>) target(%dma_start3A_317 : memref<10240x128xf32, #tpu.memory_space<vmem_shared>>) offsets(%dma_start3A_314 : memref<80xi32, #tpu.memory_space<vmem>>) semaphore(%run_scoped3A_311 : memref<!tpu.dma_semaphore, #tpu.memory_space<semaphore_mem>>) {add = true}
        %dma_wait3A_318 = arith.constant 0 : i32
        %dma_wait3A_319 = tpu.memref_slice %arg7[%run_scoped3A_282, %mul3A_269, %dma_wait3A_318] : memref<2x25x80xi32, #tpu.memory_space<vmem>> -> memref<1x1x80xi32, #tpu.memory_space<vmem>>
        %dma_wait3A_320 = tpu.memref_squeeze %dma_wait3A_319 : memref<1x1x80xi32, #tpu.memory_space<vmem>> -> memref<80xi32, #tpu.memory_space<vmem>>
        %dma_wait3A_321 = arith.constant 0 : i32
        %dma_wait3A_322 = arith.constant 0 : i32
        %dma_wait3A_323 = tpu.memref_slice %arg11[%dma_wait3A_321, %dma_wait3A_322] : memref<10240x128xf32, #tpu.memory_space<vmem_shared>> -> memref<10240x128xf32, #tpu.memory_space<vmem_shared>>
        tpu.wait_indirect_dma semaphore(%run_scoped3A_311 : memref<!tpu.dma_semaphore, #tpu.memory_space<semaphore_mem>>) src(%arg8 : memref<80x128xf32, #tpu.memory_space<vmem>>) dst(%dma_wait3A_323 : memref<10240x128xf32, #tpu.memory_space<vmem_shared>>)
        tpu.yield
      }) : () -> ()
      %add3A_283 = arith.constant 3 : i32
      %add3A_284 = arith.addi %mul3A_269, %add3A_283 : i32
      %lt3A_285 = arith.constant 25 : i32
      %lt3A_286 = arith.cmpi slt, %add3A_284, %lt3A_285 : i32
      %convert_element_type3A_287 = arith.extui %lt3A_286 : i1 to i32
      %cond3A_288 = arith.constant 0 : i32
      %cond3A_289 = arith.cmpi ne, %convert_element_type3A_287, %cond3A_288 : i32
      scf.if %cond3A_289 {
        %add3A_311 = arith.constant 3 : i32
        %add3A_312 = arith.addi %add3A_271, %add3A_311 : i32
        %mul3A_313 = arith.constant 80 : i32
        %mul3A_314 = arith.muli %add3A_312, %mul3A_313 : i32
        %dma_start3A_315 = tpu.memref_slice %arg6[%mul3A_314] : memref<10000xi32, #tpu.memory_space<vmem>> -> memref<80xi32, #tpu.memory_space<vmem>>
        %dma_start3A_316 = arith.constant 0 : i32
        %dma_start3A_317 = arith.constant 0 : i32
        %dma_start3A_318 = tpu.memref_slice %arg4[%dma_start3A_316, %dma_start3A_317] : memref<10000x128xf32, #tpu.memory_space<hbm>> -> memref<10000x128xf32, #tpu.memory_space<hbm>>
        tpu.enqueue_indirect_dma source(%dma_start3A_318 : memref<10000x128xf32, #tpu.memory_space<hbm>>) target(%arg8 : memref<80x128xf32, #tpu.memory_space<vmem>>) offsets(%dma_start3A_315 : memref<80xi32, #tpu.memory_space<vmem>>) semaphore(%arg12 : memref<!tpu.dma_semaphore, #tpu.memory_space<semaphore_mem>>)
      } else {
      }
      %add3A_290 = arith.constant 1 : i32
      %add3A_291 = arith.addi %mul3A_269, %add3A_290 : i32
      %lt3A_292 = arith.constant 25 : i32
      %lt3A_293 = arith.cmpi slt, %add3A_291, %lt3A_292 : i32
      %convert_element_type3A_294 = arith.extui %lt3A_293 : i1 to i32
      %cond3A_295 = arith.constant 0 : i32
      %cond3A_296 = arith.cmpi ne, %convert_element_type3A_294, %cond3A_295 : i32
      scf.if %cond3A_296 {
        %add3A_311 = arith.constant 1 : i32
        %add3A_312 = arith.addi %add3A_271, %add3A_311 : i32
        %mul3A_313 = arith.constant 80 : i32
        %mul3A_314 = arith.muli %add3A_312, %mul3A_313 : i32
        %dma_wait3A_315 = tpu.memref_slice %arg6[%mul3A_314] : memref<10000xi32, #tpu.memory_space<vmem>> -> memref<80xi32, #tpu.memory_space<vmem>>
        %dma_wait3A_316 = arith.constant 0 : i32
        %dma_wait3A_317 = arith.constant 0 : i32
        %dma_wait3A_318 = tpu.memref_slice %arg4[%dma_wait3A_316, %dma_wait3A_317] : memref<10000x128xf32, #tpu.memory_space<hbm>> -> memref<10000x128xf32, #tpu.memory_space<hbm>>
        tpu.wait_indirect_dma semaphore(%arg13 : memref<!tpu.dma_semaphore, #tpu.memory_space<semaphore_mem>>) src(%dma_wait3A_318 : memref<10000x128xf32, #tpu.memory_space<hbm>>) dst(%arg9 : memref<80x128xf32, #tpu.memory_space<vmem>>)
        %add3A_319 = arith.constant 1 : i32
        %add3A_320 = arith.addi %mul3A_269, %add3A_319 : i32
        %run_scoped3A_321 = arith.constant 0 : i32
        "tpu.region"() ({
          %run_scoped3A_322 = tpu.sem_alloc : memref<!tpu.dma_semaphore, #tpu.memory_space<semaphore_mem>>
          %dma_start3A_323 = arith.constant 0 : i32
          %dma_start3A_324 = tpu.memref_slice %arg7[%run_scoped3A_321, %add3A_320, %dma_start3A_323] : memref<2x25x80xi32, #tpu.memory_space<vmem>> -> memref<1x1x80xi32, #tpu.memory_space<vmem>>
          %dma_start3A_325 = tpu.memref_squeeze %dma_start3A_324 : memref<1x1x80xi32, #tpu.memory_space<vmem>> -> memref<80xi32, #tpu.memory_space<vmem>>
          %dma_start3A_326 = arith.constant 0 : i32
          %dma_start3A_327 = arith.constant 0 : i32
          %dma_start3A_328 = tpu.memref_slice %arg11[%dma_start3A_326, %dma_start3A_327] : memref<10240x128xf32, #tpu.memory_space<vmem_shared>> -> memref<10240x128xf32, #tpu.memory_space<vmem_shared>>
          tpu.enqueue_indirect_dma source(%arg9 : memref<80x128xf32, #tpu.memory_space<vmem>>) target(%dma_start3A_328 : memref<10240x128xf32, #tpu.memory_space<vmem_shared>>) offsets(%dma_start3A_325 : memref<80xi32, #tpu.memory_space<vmem>>) semaphore(%run_scoped3A_322 : memref<!tpu.dma_semaphore, #tpu.memory_space<semaphore_mem>>) {add = true}
          %dma_wait3A_329 = arith.constant 0 : i32
          %dma_wait3A_330 = tpu.memref_slice %arg7[%run_scoped3A_321, %add3A_320, %dma_wait3A_329] : memref<2x25x80xi32, #tpu.memory_space<vmem>> -> memref<1x1x80xi32, #tpu.memory_space<vmem>>
          %dma_wait3A_331 = tpu.memref_squeeze %dma_wait3A_330 : memref<1x1x80xi32, #tpu.memory_space<vmem>> -> memref<80xi32, #tpu.memory_space<vmem>>
          %dma_wait3A_332 = arith.constant 0 : i32
          %dma_wait3A_333 = arith.constant 0 : i32
          %dma_wait3A_334 = tpu.memref_slice %arg11[%dma_wait3A_332, %dma_wait3A_333] : memref<10240x128xf32, #tpu.memory_space<vmem_shared>> -> memref<10240x128xf32, #tpu.memory_space<vmem_shared>>
          tpu.wait_indirect_dma semaphore(%run_scoped3A_322 : memref<!tpu.dma_semaphore, #tpu.memory_space<semaphore_mem>>) src(%arg9 : memref<80x128xf32, #tpu.memory_space<vmem>>) dst(%dma_wait3A_334 : memref<10240x128xf32, #tpu.memory_space<vmem_shared>>)
          tpu.yield
        }) : () -> ()
      } else {
      }
      %add3A_297 = arith.constant 4 : i32
      %add3A_298 = arith.addi %mul3A_269, %add3A_297 : i32
      %lt3A_299 = arith.constant 25 : i32
      %lt3A_300 = arith.cmpi slt, %add3A_298, %lt3A_299 : i32
      %convert_element_type3A_301 = arith.extui %lt3A_300 : i1 to i32
      %cond3A_302 = arith.constant 0 : i32
      %cond3A_303 = arith.cmpi ne, %convert_element_type3A_301, %cond3A_302 : i32
      scf.if %cond3A_303 {
        %add3A_311 = arith.constant 4 : i32
        %add3A_312 = arith.addi %add3A_271, %add3A_311 : i32
        %mul3A_313 = arith.constant 80 : i32
        %mul3A_314 = arith.muli %add3A_312, %mul3A_313 : i32
        %dma_start3A_315 = tpu.memref_slice %arg6[%mul3A_314] : memref<10000xi32, #tpu.memory_space<vmem>> -> memref<80xi32, #tpu.memory_space<vmem>>
        %dma_start3A_316 = arith.constant 0 : i32
        %dma_start3A_317 = arith.constant 0 : i32
        %dma_start3A_318 = tpu.memref_slice %arg4[%dma_start3A_316, %dma_start3A_317] : memref<10000x128xf32, #tpu.memory_space<hbm>> -> memref<10000x128xf32, #tpu.memory_space<hbm>>
        tpu.enqueue_indirect_dma source(%dma_start3A_318 : memref<10000x128xf32, #tpu.memory_space<hbm>>) target(%arg9 : memref<80x128xf32, #tpu.memory_space<vmem>>) offsets(%dma_start3A_315 : memref<80xi32, #tpu.memory_space<vmem>>) semaphore(%arg13 : memref<!tpu.dma_semaphore, #tpu.memory_space<semaphore_mem>>)
      } else {
      }
      %add3A_304 = arith.constant 2 : i32
      %add3A_305 = arith.addi %mul3A_269, %add3A_304 : i32
      %lt3A_306 = arith.constant 25 : i32
      %lt3A_307 = arith.cmpi slt, %add3A_305, %lt3A_306 : i32
      %convert_element_type3A_308 = arith.extui %lt3A_307 : i1 to i32
      %cond3A_309 = arith.constant 0 : i32
      %cond3A_310 = arith.cmpi ne, %convert_element_type3A_308, %cond3A_309 : i32
      scf.if %cond3A_310 {
        %add3A_311 = arith.constant 2 : i32
        %add3A_312 = arith.addi %add3A_271, %add3A_311 : i32
        %mul3A_313 = arith.constant 80 : i32
        %mul3A_314 = arith.muli %add3A_312, %mul3A_313 : i32
        %dma_wait3A_315 = tpu.memref_slice %arg6[%mul3A_314] : memref<10000xi32, #tpu.memory_space<vmem>> -> memref<80xi32, #tpu.memory_space<vmem>>
        %dma_wait3A_316 = arith.constant 0 : i32
        %dma_wait3A_317 = arith.constant 0 : i32
        %dma_wait3A_318 = tpu.memref_slice %arg4[%dma_wait3A_316, %dma_wait3A_317] : memref<10000x128xf32, #tpu.memory_space<hbm>> -> memref<10000x128xf32, #tpu.memory_space<hbm>>
        tpu.wait_indirect_dma semaphore(%arg14 : memref<!tpu.dma_semaphore, #tpu.memory_space<semaphore_mem>>) src(%dma_wait3A_318 : memref<10000x128xf32, #tpu.memory_space<hbm>>) dst(%arg10 : memref<80x128xf32, #tpu.memory_space<vmem>>)
        %add3A_319 = arith.constant 2 : i32
        %add3A_320 = arith.addi %mul3A_269, %add3A_319 : i32
        %run_scoped3A_321 = arith.constant 0 : i32
        "tpu.region"() ({
          %run_scoped3A_322 = tpu.sem_alloc : memref<!tpu.dma_semaphore, #tpu.memory_space<semaphore_mem>>
          %dma_start3A_323 = arith.constant 0 : i32
          %dma_start3A_324 = tpu.memref_slice %arg7[%run_scoped3A_321, %add3A_320, %dma_start3A_323] : memref<2x25x80xi32, #tpu.memory_space<vmem>> -> memref<1x1x80xi32, #tpu.memory_space<vmem>>
          %dma_start3A_325 = tpu.memref_squeeze %dma_start3A_324 : memref<1x1x80xi32, #tpu.memory_space<vmem>> -> memref<80xi32, #tpu.memory_space<vmem>>
          %dma_start3A_326 = arith.constant 0 : i32
          %dma_start3A_327 = arith.constant 0 : i32
          %dma_start3A_328 = tpu.memref_slice %arg11[%dma_start3A_326, %dma_start3A_327] : memref<10240x128xf32, #tpu.memory_space<vmem_shared>> -> memref<10240x128xf32, #tpu.memory_space<vmem_shared>>
          tpu.enqueue_indirect_dma source(%arg10 : memref<80x128xf32, #tpu.memory_space<vmem>>) target(%dma_start3A_328 : memref<10240x128xf32, #tpu.memory_space<vmem_shared>>) offsets(%dma_start3A_325 : memref<80xi32, #tpu.memory_space<vmem>>) semaphore(%run_scoped3A_322 : memref<!tpu.dma_semaphore, #tpu.memory_space<semaphore_mem>>) {add = true}
          %dma_wait3A_329 = arith.constant 0 : i32
          %dma_wait3A_330 = tpu.memref_slice %arg7[%run_scoped3A_321, %add3A_320, %dma_wait3A_329] : memref<2x25x80xi32, #tpu.memory_space<vmem>> -> memref<1x1x80xi32, #tpu.memory_space<vmem>>
          %dma_wait3A_331 = tpu.memref_squeeze %dma_wait3A_330 : memref<1x1x80xi32, #tpu.memory_space<vmem>> -> memref<80xi32, #tpu.memory_space<vmem>>
          %dma_wait3A_332 = arith.constant 0 : i32
          %dma_wait3A_333 = arith.constant 0 : i32
          %dma_wait3A_334 = tpu.memref_slice %arg11[%dma_wait3A_332, %dma_wait3A_333] : memref<10240x128xf32, #tpu.memory_space<vmem_shared>> -> memref<10240x128xf32, #tpu.memory_space<vmem_shared>>
          tpu.wait_indirect_dma semaphore(%run_scoped3A_322 : memref<!tpu.dma_semaphore, #tpu.memory_space<semaphore_mem>>) src(%arg10 : memref<80x128xf32, #tpu.memory_space<vmem>>) dst(%dma_wait3A_334 : memref<10240x128xf32, #tpu.memory_space<vmem_shared>>)
          tpu.yield
        }) : () -> ()
      } else {
      }
    }
    %scan3A_175 = arith.constant 9 : i32
    %dma_wait3A_176 = arith.constant 3 : i32
    %dma_wait3A_177 = arith.constant 1 : i32
    %dma_wait3A_178 = arith.constant 0 : i32
    %dma_wait3A_179 = arith.constant 0 : i32
    %dma_wait3A_180 = tpu.memref_slice %arg7[%dma_wait3A_177, %dma_wait3A_178, %dma_wait3A_179] : memref<2x25x80xi32, #tpu.memory_space<vmem>> -> memref<1x25x80xi32, #tpu.memory_space<vmem>>
    %dma_wait3A_181 = tpu.memref_squeeze %dma_wait3A_180 : memref<1x25x80xi32, #tpu.memory_space<vmem>> -> memref<25x80xi32, #tpu.memory_space<vmem>>
    %dma_wait3A_182 = arith.constant 0 : i32
    %dma_wait3A_183 = arith.constant 0 : i32
    %dma_wait3A_184 = tpu.memref_slice %arg3[%add3A, %dma_wait3A_176, %dma_wait3A_182, %dma_wait3A_183] : memref<32x5x25x80xi32, #tpu.memory_space<hbm>> -> memref<1x1x25x80xi32, #tpu.memory_space<hbm>>
    %dma_wait3A_185 = tpu.memref_squeeze %dma_wait3A_184 : memref<1x1x25x80xi32, #tpu.memory_space<hbm>> -> memref<25x80xi32, #tpu.memory_space<hbm>>
    %dma_wait3A_186 = arith.constant 0 : i32
    %dma_wait3A_187 = arith.constant 0 : i32
    %dma_wait3A_188 = tpu.memref_slice %arg7[%dma_wait3A_177, %dma_wait3A_186, %dma_wait3A_187] : memref<2x25x80xi32, #tpu.memory_space<vmem>> -> memref<1x25x80xi32, #tpu.memory_space<vmem>>
    %dma_wait3A_189 = tpu.memref_squeeze %dma_wait3A_188 : memref<1x25x80xi32, #tpu.memory_space<vmem>> -> memref<25x80xi32, #tpu.memory_space<vmem>>
    %dma_wait3A_190 = arith.constant 0 : i32
    %dma_wait3A_191 = arith.constant 0 : i32
    %dma_wait3A_192 = tpu.memref_slice %arg3[%add3A, %dma_wait3A_176, %dma_wait3A_190, %dma_wait3A_191] : memref<32x5x25x80xi32, #tpu.memory_space<hbm>> -> memref<1x1x25x80xi32, #tpu.memory_space<hbm>>
    %dma_wait3A_193 = tpu.memref_squeeze %dma_wait3A_192 : memref<1x1x25x80xi32, #tpu.memory_space<hbm>> -> memref<25x80xi32, #tpu.memory_space<hbm>>
    tpu.wait_dma2 semaphore(%arg15 : memref<!tpu.dma_semaphore, #tpu.memory_space<semaphore_mem>>) src(%dma_wait3A_193 : memref<25x80xi32, #tpu.memory_space<hbm>>) dst(%dma_wait3A_189 : memref<25x80xi32, #tpu.memory_space<vmem>>)
    %dma_start3A_194 = arith.constant 4 : i32
    %dma_start3A_195 = arith.constant 0 : i32
    %dma_start3A_196 = arith.constant 0 : i32
    %dma_start3A_197 = arith.constant 0 : i32
    %dma_start3A_198 = tpu.memref_slice %arg7[%dma_start3A_195, %dma_start3A_196, %dma_start3A_197] : memref<2x25x80xi32, #tpu.memory_space<vmem>> -> memref<1x25x80xi32, #tpu.memory_space<vmem>>
    %dma_start3A_199 = tpu.memref_squeeze %dma_start3A_198 : memref<1x25x80xi32, #tpu.memory_space<vmem>> -> memref<25x80xi32, #tpu.memory_space<vmem>>
    %dma_start3A_200 = arith.constant 0 : i32
    %dma_start3A_201 = arith.constant 0 : i32
    %dma_start3A_202 = tpu.memref_slice %arg3[%add3A, %dma_start3A_194, %dma_start3A_200, %dma_start3A_201] : memref<32x5x25x80xi32, #tpu.memory_space<hbm>> -> memref<1x1x25x80xi32, #tpu.memory_space<hbm>>
    %dma_start3A_203 = tpu.memref_squeeze %dma_start3A_202 : memref<1x1x25x80xi32, #tpu.memory_space<hbm>> -> memref<25x80xi32, #tpu.memory_space<hbm>>
    %dma_start3A_204 = arith.constant 0 : i32
    %dma_start3A_205 = arith.constant 0 : i32
    %dma_start3A_206 = tpu.memref_slice %arg7[%dma_start3A_195, %dma_start3A_204, %dma_start3A_205] : memref<2x25x80xi32, #tpu.memory_space<vmem>> -> memref<1x25x80xi32, #tpu.memory_space<vmem>>
    %dma_start3A_207 = tpu.memref_squeeze %dma_start3A_206 : memref<1x25x80xi32, #tpu.memory_space<vmem>> -> memref<25x80xi32, #tpu.memory_space<vmem>>
    %dma_start3A_208 = arith.constant 0 : i32
    %dma_start3A_209 = arith.constant 0 : i32
    %dma_start3A_210 = tpu.memref_slice %arg3[%add3A, %dma_start3A_194, %dma_start3A_208, %dma_start3A_209] : memref<32x5x25x80xi32, #tpu.memory_space<hbm>> -> memref<1x1x25x80xi32, #tpu.memory_space<hbm>>
    %dma_start3A_211 = tpu.memref_squeeze %dma_start3A_210 : memref<1x1x25x80xi32, #tpu.memory_space<hbm>> -> memref<25x80xi32, #tpu.memory_space<hbm>>
    tpu.enqueue_dma source(%dma_start3A_211 : memref<25x80xi32, #tpu.memory_space<hbm>>) target(%dma_start3A_207 : memref<25x80xi32, #tpu.memory_space<vmem>>) target_semaphore(%arg15 : memref<!tpu.dma_semaphore, #tpu.memory_space<semaphore_mem>>)
    %dma_start3A_212 = arith.constant 6000 : i32
    %dma_start3A_213 = tpu.memref_slice %arg6[%dma_start3A_212] : memref<10000xi32, #tpu.memory_space<vmem>> -> memref<80xi32, #tpu.memory_space<vmem>>
    %dma_start3A_214 = arith.constant 0 : i32
    %dma_start3A_215 = arith.constant 0 : i32
    %dma_start3A_216 = tpu.memref_slice %arg4[%dma_start3A_214, %dma_start3A_215] : memref<10000x128xf32, #tpu.memory_space<hbm>> -> memref<10000x128xf32, #tpu.memory_space<hbm>>
    tpu.enqueue_indirect_dma source(%dma_start3A_216 : memref<10000x128xf32, #tpu.memory_space<hbm>>) target(%arg8 : memref<80x128xf32, #tpu.memory_space<vmem>>) offsets(%dma_start3A_213 : memref<80xi32, #tpu.memory_space<vmem>>) semaphore(%arg12 : memref<!tpu.dma_semaphore, #tpu.memory_space<semaphore_mem>>)
    %dma_start3A_217 = arith.constant 6080 : i32
    %dma_start3A_218 = tpu.memref_slice %arg6[%dma_start3A_217] : memref<10000xi32, #tpu.memory_space<vmem>> -> memref<80xi32, #tpu.memory_space<vmem>>
    %dma_start3A_219 = arith.constant 0 : i32
    %dma_start3A_220 = arith.constant 0 : i32
    %dma_start3A_221 = tpu.memref_slice %arg4[%dma_start3A_219, %dma_start3A_220] : memref<10000x128xf32, #tpu.memory_space<hbm>> -> memref<10000x128xf32, #tpu.memory_space<hbm>>
    tpu.enqueue_indirect_dma source(%dma_start3A_221 : memref<10000x128xf32, #tpu.memory_space<hbm>>) target(%arg9 : memref<80x128xf32, #tpu.memory_space<vmem>>) offsets(%dma_start3A_218 : memref<80xi32, #tpu.memory_space<vmem>>) semaphore(%arg13 : memref<!tpu.dma_semaphore, #tpu.memory_space<semaphore_mem>>)
    %scan3A_222 = arith.constant 0 : i32
    %scan3A_223 = arith.constant 0 : i32
    %scan3A_224 = arith.constant 9 : i32
    %scan3A_225 = arith.addi %scan3A_223, %scan3A_224 : i32
    %scan3A_226 = arith.constant 1 : i32
    scf.for %scan3A_267 = %scan3A_223 to %scan3A_225 step %scan3A_226  : i32 {
      %mul3A_268 = arith.constant 3 : i32
      %mul3A_269 = arith.muli %mul3A_268, %scan3A_267 : i32
      %add3A_270 = arith.constant 75 : i32
      %add3A_271 = arith.addi %add3A_270, %mul3A_269 : i32
      %add3A_272 = arith.constant 2 : i32
      %add3A_273 = arith.addi %mul3A_269, %add3A_272 : i32
      %lt3A = arith.constant 25 : i32
      %lt3A_274 = arith.cmpi slt, %add3A_273, %lt3A : i32
      %convert_element_type3A = arith.extui %lt3A_274 : i1 to i32
      %cond3A = arith.constant 0 : i32
      %cond3A_275 = arith.cmpi ne, %convert_element_type3A, %cond3A : i32
      scf.if %cond3A_275 {
        %add3A_311 = arith.constant 2 : i32
        %add3A_312 = arith.addi %add3A_271, %add3A_311 : i32
        %mul3A_313 = arith.constant 80 : i32
        %mul3A_314 = arith.muli %add3A_312, %mul3A_313 : i32
        %dma_start3A_315 = tpu.memref_slice %arg6[%mul3A_314] : memref<10000xi32, #tpu.memory_space<vmem>> -> memref<80xi32, #tpu.memory_space<vmem>>
        %dma_start3A_316 = arith.constant 0 : i32
        %dma_start3A_317 = arith.constant 0 : i32
        %dma_start3A_318 = tpu.memref_slice %arg4[%dma_start3A_316, %dma_start3A_317] : memref<10000x128xf32, #tpu.memory_space<hbm>> -> memref<10000x128xf32, #tpu.memory_space<hbm>>
        tpu.enqueue_indirect_dma source(%dma_start3A_318 : memref<10000x128xf32, #tpu.memory_space<hbm>>) target(%arg10 : memref<80x128xf32, #tpu.memory_space<vmem>>) offsets(%dma_start3A_315 : memref<80xi32, #tpu.memory_space<vmem>>) semaphore(%arg14 : memref<!tpu.dma_semaphore, #tpu.memory_space<semaphore_mem>>)
      } else {
      }
      %mul3A_276 = arith.constant 80 : i32
      %mul3A_277 = arith.muli %add3A_271, %mul3A_276 : i32
      %dma_wait3A_278 = tpu.memref_slice %arg6[%mul3A_277] : memref<10000xi32, #tpu.memory_space<vmem>> -> memref<80xi32, #tpu.memory_space<vmem>>
      %dma_wait3A_279 = arith.constant 0 : i32
      %dma_wait3A_280 = arith.constant 0 : i32
      %dma_wait3A_281 = tpu.memref_slice %arg4[%dma_wait3A_279, %dma_wait3A_280] : memref<10000x128xf32, #tpu.memory_space<hbm>> -> memref<10000x128xf32, #tpu.memory_space<hbm>>
      tpu.wait_indirect_dma semaphore(%arg12 : memref<!tpu.dma_semaphore, #tpu.memory_space<semaphore_mem>>) src(%dma_wait3A_281 : memref<10000x128xf32, #tpu.memory_space<hbm>>) dst(%arg8 : memref<80x128xf32, #tpu.memory_space<vmem>>)
      %run_scoped3A_282 = arith.constant 1 : i32
      "tpu.region"() ({
        %run_scoped3A_311 = tpu.sem_alloc : memref<!tpu.dma_semaphore, #tpu.memory_space<semaphore_mem>>
        %dma_start3A_312 = arith.constant 0 : i32
        %dma_start3A_313 = tpu.memref_slice %arg7[%run_scoped3A_282, %mul3A_269, %dma_start3A_312] : memref<2x25x80xi32, #tpu.memory_space<vmem>> -> memref<1x1x80xi32, #tpu.memory_space<vmem>>
        %dma_start3A_314 = tpu.memref_squeeze %dma_start3A_313 : memref<1x1x80xi32, #tpu.memory_space<vmem>> -> memref<80xi32, #tpu.memory_space<vmem>>
        %dma_start3A_315 = arith.constant 0 : i32
        %dma_start3A_316 = arith.constant 0 : i32
        %dma_start3A_317 = tpu.memref_slice %arg11[%dma_start3A_315, %dma_start3A_316] : memref<10240x128xf32, #tpu.memory_space<vmem_shared>> -> memref<10240x128xf32, #tpu.memory_space<vmem_shared>>
        tpu.enqueue_indirect_dma source(%arg8 : memref<80x128xf32, #tpu.memory_space<vmem>>) target(%dma_start3A_317 : memref<10240x128xf32, #tpu.memory_space<vmem_shared>>) offsets(%dma_start3A_314 : memref<80xi32, #tpu.memory_space<vmem>>) semaphore(%run_scoped3A_311 : memref<!tpu.dma_semaphore, #tpu.memory_space<semaphore_mem>>) {add = true}
        %dma_wait3A_318 = arith.constant 0 : i32
        %dma_wait3A_319 = tpu.memref_slice %arg7[%run_scoped3A_282, %mul3A_269, %dma_wait3A_318] : memref<2x25x80xi32, #tpu.memory_space<vmem>> -> memref<1x1x80xi32, #tpu.memory_space<vmem>>
        %dma_wait3A_320 = tpu.memref_squeeze %dma_wait3A_319 : memref<1x1x80xi32, #tpu.memory_space<vmem>> -> memref<80xi32, #tpu.memory_space<vmem>>
        %dma_wait3A_321 = arith.constant 0 : i32
        %dma_wait3A_322 = arith.constant 0 : i32
        %dma_wait3A_323 = tpu.memref_slice %arg11[%dma_wait3A_321, %dma_wait3A_322] : memref<10240x128xf32, #tpu.memory_space<vmem_shared>> -> memref<10240x128xf32, #tpu.memory_space<vmem_shared>>
        tpu.wait_indirect_dma semaphore(%run_scoped3A_311 : memref<!tpu.dma_semaphore, #tpu.memory_space<semaphore_mem>>) src(%arg8 : memref<80x128xf32, #tpu.memory_space<vmem>>) dst(%dma_wait3A_323 : memref<10240x128xf32, #tpu.memory_space<vmem_shared>>)
        tpu.yield
      }) : () -> ()
      %add3A_283 = arith.constant 3 : i32
      %add3A_284 = arith.addi %mul3A_269, %add3A_283 : i32
      %lt3A_285 = arith.constant 25 : i32
      %lt3A_286 = arith.cmpi slt, %add3A_284, %lt3A_285 : i32
      %convert_element_type3A_287 = arith.extui %lt3A_286 : i1 to i32
      %cond3A_288 = arith.constant 0 : i32
      %cond3A_289 = arith.cmpi ne, %convert_element_type3A_287, %cond3A_288 : i32
      scf.if %cond3A_289 {
        %add3A_311 = arith.constant 3 : i32
        %add3A_312 = arith.addi %add3A_271, %add3A_311 : i32
        %mul3A_313 = arith.constant 80 : i32
        %mul3A_314 = arith.muli %add3A_312, %mul3A_313 : i32
        %dma_start3A_315 = tpu.memref_slice %arg6[%mul3A_314] : memref<10000xi32, #tpu.memory_space<vmem>> -> memref<80xi32, #tpu.memory_space<vmem>>
        %dma_start3A_316 = arith.constant 0 : i32
        %dma_start3A_317 = arith.constant 0 : i32
        %dma_start3A_318 = tpu.memref_slice %arg4[%dma_start3A_316, %dma_start3A_317] : memref<10000x128xf32, #tpu.memory_space<hbm>> -> memref<10000x128xf32, #tpu.memory_space<hbm>>
        tpu.enqueue_indirect_dma source(%dma_start3A_318 : memref<10000x128xf32, #tpu.memory_space<hbm>>) target(%arg8 : memref<80x128xf32, #tpu.memory_space<vmem>>) offsets(%dma_start3A_315 : memref<80xi32, #tpu.memory_space<vmem>>) semaphore(%arg12 : memref<!tpu.dma_semaphore, #tpu.memory_space<semaphore_mem>>)
      } else {
      }
      %add3A_290 = arith.constant 1 : i32
      %add3A_291 = arith.addi %mul3A_269, %add3A_290 : i32
      %lt3A_292 = arith.constant 25 : i32
      %lt3A_293 = arith.cmpi slt, %add3A_291, %lt3A_292 : i32
      %convert_element_type3A_294 = arith.extui %lt3A_293 : i1 to i32
      %cond3A_295 = arith.constant 0 : i32
      %cond3A_296 = arith.cmpi ne, %convert_element_type3A_294, %cond3A_295 : i32
      scf.if %cond3A_296 {
        %add3A_311 = arith.constant 1 : i32
        %add3A_312 = arith.addi %add3A_271, %add3A_311 : i32
        %mul3A_313 = arith.constant 80 : i32
        %mul3A_314 = arith.muli %add3A_312, %mul3A_313 : i32
        %dma_wait3A_315 = tpu.memref_slice %arg6[%mul3A_314] : memref<10000xi32, #tpu.memory_space<vmem>> -> memref<80xi32, #tpu.memory_space<vmem>>
        %dma_wait3A_316 = arith.constant 0 : i32
        %dma_wait3A_317 = arith.constant 0 : i32
        %dma_wait3A_318 = tpu.memref_slice %arg4[%dma_wait3A_316, %dma_wait3A_317] : memref<10000x128xf32, #tpu.memory_space<hbm>> -> memref<10000x128xf32, #tpu.memory_space<hbm>>
        tpu.wait_indirect_dma semaphore(%arg13 : memref<!tpu.dma_semaphore, #tpu.memory_space<semaphore_mem>>) src(%dma_wait3A_318 : memref<10000x128xf32, #tpu.memory_space<hbm>>) dst(%arg9 : memref<80x128xf32, #tpu.memory_space<vmem>>)
        %add3A_319 = arith.constant 1 : i32
        %add3A_320 = arith.addi %mul3A_269, %add3A_319 : i32
        %run_scoped3A_321 = arith.constant 1 : i32
        "tpu.region"() ({
          %run_scoped3A_322 = tpu.sem_alloc : memref<!tpu.dma_semaphore, #tpu.memory_space<semaphore_mem>>
          %dma_start3A_323 = arith.constant 0 : i32
          %dma_start3A_324 = tpu.memref_slice %arg7[%run_scoped3A_321, %add3A_320, %dma_start3A_323] : memref<2x25x80xi32, #tpu.memory_space<vmem>> -> memref<1x1x80xi32, #tpu.memory_space<vmem>>
          %dma_start3A_325 = tpu.memref_squeeze %dma_start3A_324 : memref<1x1x80xi32, #tpu.memory_space<vmem>> -> memref<80xi32, #tpu.memory_space<vmem>>
          %dma_start3A_326 = arith.constant 0 : i32
          %dma_start3A_327 = arith.constant 0 : i32
          %dma_start3A_328 = tpu.memref_slice %arg11[%dma_start3A_326, %dma_start3A_327] : memref<10240x128xf32, #tpu.memory_space<vmem_shared>> -> memref<10240x128xf32, #tpu.memory_space<vmem_shared>>
          tpu.enqueue_indirect_dma source(%arg9 : memref<80x128xf32, #tpu.memory_space<vmem>>) target(%dma_start3A_328 : memref<10240x128xf32, #tpu.memory_space<vmem_shared>>) offsets(%dma_start3A_325 : memref<80xi32, #tpu.memory_space<vmem>>) semaphore(%run_scoped3A_322 : memref<!tpu.dma_semaphore, #tpu.memory_space<semaphore_mem>>) {add = true}
          %dma_wait3A_329 = arith.constant 0 : i32
          %dma_wait3A_330 = tpu.memref_slice %arg7[%run_scoped3A_321, %add3A_320, %dma_wait3A_329] : memref<2x25x80xi32, #tpu.memory_space<vmem>> -> memref<1x1x80xi32, #tpu.memory_space<vmem>>
          %dma_wait3A_331 = tpu.memref_squeeze %dma_wait3A_330 : memref<1x1x80xi32, #tpu.memory_space<vmem>> -> memref<80xi32, #tpu.memory_space<vmem>>
          %dma_wait3A_332 = arith.constant 0 : i32
          %dma_wait3A_333 = arith.constant 0 : i32
          %dma_wait3A_334 = tpu.memref_slice %arg11[%dma_wait3A_332, %dma_wait3A_333] : memref<10240x128xf32, #tpu.memory_space<vmem_shared>> -> memref<10240x128xf32, #tpu.memory_space<vmem_shared>>
          tpu.wait_indirect_dma semaphore(%run_scoped3A_322 : memref<!tpu.dma_semaphore, #tpu.memory_space<semaphore_mem>>) src(%arg9 : memref<80x128xf32, #tpu.memory_space<vmem>>) dst(%dma_wait3A_334 : memref<10240x128xf32, #tpu.memory_space<vmem_shared>>)
          tpu.yield
        }) : () -> ()
      } else {
      }
      %add3A_297 = arith.constant 4 : i32
      %add3A_298 = arith.addi %mul3A_269, %add3A_297 : i32
      %lt3A_299 = arith.constant 25 : i32
      %lt3A_300 = arith.cmpi slt, %add3A_298, %lt3A_299 : i32
      %convert_element_type3A_301 = arith.extui %lt3A_300 : i1 to i32
      %cond3A_302 = arith.constant 0 : i32
      %cond3A_303 = arith.cmpi ne, %convert_element_type3A_301, %cond3A_302 : i32
      scf.if %cond3A_303 {
        %add3A_311 = arith.constant 4 : i32
        %add3A_312 = arith.addi %add3A_271, %add3A_311 : i32
        %mul3A_313 = arith.constant 80 : i32
        %mul3A_314 = arith.muli %add3A_312, %mul3A_313 : i32
        %dma_start3A_315 = tpu.memref_slice %arg6[%mul3A_314] : memref<10000xi32, #tpu.memory_space<vmem>> -> memref<80xi32, #tpu.memory_space<vmem>>
        %dma_start3A_316 = arith.constant 0 : i32
        %dma_start3A_317 = arith.constant 0 : i32
        %dma_start3A_318 = tpu.memref_slice %arg4[%dma_start3A_316, %dma_start3A_317] : memref<10000x128xf32, #tpu.memory_space<hbm>> -> memref<10000x128xf32, #tpu.memory_space<hbm>>
        tpu.enqueue_indirect_dma source(%dma_start3A_318 : memref<10000x128xf32, #tpu.memory_space<hbm>>) target(%arg9 : memref<80x128xf32, #tpu.memory_space<vmem>>) offsets(%dma_start3A_315 : memref<80xi32, #tpu.memory_space<vmem>>) semaphore(%arg13 : memref<!tpu.dma_semaphore, #tpu.memory_space<semaphore_mem>>)
      } else {
      }
      %add3A_304 = arith.constant 2 : i32
      %add3A_305 = arith.addi %mul3A_269, %add3A_304 : i32
      %lt3A_306 = arith.constant 25 : i32
      %lt3A_307 = arith.cmpi slt, %add3A_305, %lt3A_306 : i32
      %convert_element_type3A_308 = arith.extui %lt3A_307 : i1 to i32
      %cond3A_309 = arith.constant 0 : i32
      %cond3A_310 = arith.cmpi ne, %convert_element_type3A_308, %cond3A_309 : i32
      scf.if %cond3A_310 {
        %add3A_311 = arith.constant 2 : i32
        %add3A_312 = arith.addi %add3A_271, %add3A_311 : i32
        %mul3A_313 = arith.constant 80 : i32
        %mul3A_314 = arith.muli %add3A_312, %mul3A_313 : i32
        %dma_wait3A_315 = tpu.memref_slice %arg6[%mul3A_314] : memref<10000xi32, #tpu.memory_space<vmem>> -> memref<80xi32, #tpu.memory_space<vmem>>
        %dma_wait3A_316 = arith.constant 0 : i32
        %dma_wait3A_317 = arith.constant 0 : i32
        %dma_wait3A_318 = tpu.memref_slice %arg4[%dma_wait3A_316, %dma_wait3A_317] : memref<10000x128xf32, #tpu.memory_space<hbm>> -> memref<10000x128xf32, #tpu.memory_space<hbm>>
        tpu.wait_indirect_dma semaphore(%arg14 : memref<!tpu.dma_semaphore, #tpu.memory_space<semaphore_mem>>) src(%dma_wait3A_318 : memref<10000x128xf32, #tpu.memory_space<hbm>>) dst(%arg10 : memref<80x128xf32, #tpu.memory_space<vmem>>)
        %add3A_319 = arith.constant 2 : i32
        %add3A_320 = arith.addi %mul3A_269, %add3A_319 : i32
        %run_scoped3A_321 = arith.constant 1 : i32
        "tpu.region"() ({
          %run_scoped3A_322 = tpu.sem_alloc : memref<!tpu.dma_semaphore, #tpu.memory_space<semaphore_mem>>
          %dma_start3A_323 = arith.constant 0 : i32
          %dma_start3A_324 = tpu.memref_slice %arg7[%run_scoped3A_321, %add3A_320, %dma_start3A_323] : memref<2x25x80xi32, #tpu.memory_space<vmem>> -> memref<1x1x80xi32, #tpu.memory_space<vmem>>
          %dma_start3A_325 = tpu.memref_squeeze %dma_start3A_324 : memref<1x1x80xi32, #tpu.memory_space<vmem>> -> memref<80xi32, #tpu.memory_space<vmem>>
          %dma_start3A_326 = arith.constant 0 : i32
          %dma_start3A_327 = arith.constant 0 : i32
          %dma_start3A_328 = tpu.memref_slice %arg11[%dma_start3A_326, %dma_start3A_327] : memref<10240x128xf32, #tpu.memory_space<vmem_shared>> -> memref<10240x128xf32, #tpu.memory_space<vmem_shared>>
          tpu.enqueue_indirect_dma source(%arg10 : memref<80x128xf32, #tpu.memory_space<vmem>>) target(%dma_start3A_328 : memref<10240x128xf32, #tpu.memory_space<vmem_shared>>) offsets(%dma_start3A_325 : memref<80xi32, #tpu.memory_space<vmem>>) semaphore(%run_scoped3A_322 : memref<!tpu.dma_semaphore, #tpu.memory_space<semaphore_mem>>) {add = true}
          %dma_wait3A_329 = arith.constant 0 : i32
          %dma_wait3A_330 = tpu.memref_slice %arg7[%run_scoped3A_321, %add3A_320, %dma_wait3A_329] : memref<2x25x80xi32, #tpu.memory_space<vmem>> -> memref<1x1x80xi32, #tpu.memory_space<vmem>>
          %dma_wait3A_331 = tpu.memref_squeeze %dma_wait3A_330 : memref<1x1x80xi32, #tpu.memory_space<vmem>> -> memref<80xi32, #tpu.memory_space<vmem>>
          %dma_wait3A_332 = arith.constant 0 : i32
          %dma_wait3A_333 = arith.constant 0 : i32
          %dma_wait3A_334 = tpu.memref_slice %arg11[%dma_wait3A_332, %dma_wait3A_333] : memref<10240x128xf32, #tpu.memory_space<vmem_shared>> -> memref<10240x128xf32, #tpu.memory_space<vmem_shared>>
          tpu.wait_indirect_dma semaphore(%run_scoped3A_322 : memref<!tpu.dma_semaphore, #tpu.memory_space<semaphore_mem>>) src(%arg10 : memref<80x128xf32, #tpu.memory_space<vmem>>) dst(%dma_wait3A_334 : memref<10240x128xf32, #tpu.memory_space<vmem_shared>>)
          tpu.yield
        }) : () -> ()
      } else {
      }
    }
    %scan3A_227 = arith.constant 9 : i32
    %dma_wait3A_228 = arith.constant 4 : i32
    %dma_wait3A_229 = arith.constant 0 : i32
    %dma_wait3A_230 = arith.constant 0 : i32
    %dma_wait3A_231 = arith.constant 0 : i32
    %dma_wait3A_232 = tpu.memref_slice %arg7[%dma_wait3A_229, %dma_wait3A_230, %dma_wait3A_231] : memref<2x25x80xi32, #tpu.memory_space<vmem>> -> memref<1x25x80xi32, #tpu.memory_space<vmem>>
    %dma_wait3A_233 = tpu.memref_squeeze %dma_wait3A_232 : memref<1x25x80xi32, #tpu.memory_space<vmem>> -> memref<25x80xi32, #tpu.memory_space<vmem>>
    %dma_wait3A_234 = arith.constant 0 : i32
    %dma_wait3A_235 = arith.constant 0 : i32
    %dma_wait3A_236 = tpu.memref_slice %arg3[%add3A, %dma_wait3A_228, %dma_wait3A_234, %dma_wait3A_235] : memref<32x5x25x80xi32, #tpu.memory_space<hbm>> -> memref<1x1x25x80xi32, #tpu.memory_space<hbm>>
    %dma_wait3A_237 = tpu.memref_squeeze %dma_wait3A_236 : memref<1x1x25x80xi32, #tpu.memory_space<hbm>> -> memref<25x80xi32, #tpu.memory_space<hbm>>
    %dma_wait3A_238 = arith.constant 0 : i32
    %dma_wait3A_239 = arith.constant 0 : i32
    %dma_wait3A_240 = tpu.memref_slice %arg7[%dma_wait3A_229, %dma_wait3A_238, %dma_wait3A_239] : memref<2x25x80xi32, #tpu.memory_space<vmem>> -> memref<1x25x80xi32, #tpu.memory_space<vmem>>
    %dma_wait3A_241 = tpu.memref_squeeze %dma_wait3A_240 : memref<1x25x80xi32, #tpu.memory_space<vmem>> -> memref<25x80xi32, #tpu.memory_space<vmem>>
    %dma_wait3A_242 = arith.constant 0 : i32
    %dma_wait3A_243 = arith.constant 0 : i32
    %dma_wait3A_244 = tpu.memref_slice %arg3[%add3A, %dma_wait3A_228, %dma_wait3A_242, %dma_wait3A_243] : memref<32x5x25x80xi32, #tpu.memory_space<hbm>> -> memref<1x1x25x80xi32, #tpu.memory_space<hbm>>
    %dma_wait3A_245 = tpu.memref_squeeze %dma_wait3A_244 : memref<1x1x25x80xi32, #tpu.memory_space<hbm>> -> memref<25x80xi32, #tpu.memory_space<hbm>>
    tpu.wait_dma2 semaphore(%arg15 : memref<!tpu.dma_semaphore, #tpu.memory_space<semaphore_mem>>) src(%dma_wait3A_245 : memref<25x80xi32, #tpu.memory_space<hbm>>) dst(%dma_wait3A_241 : memref<25x80xi32, #tpu.memory_space<vmem>>)
    %dma_start3A_246 = arith.constant 8000 : i32
    %dma_start3A_247 = tpu.memref_slice %arg6[%dma_start3A_246] : memref<10000xi32, #tpu.memory_space<vmem>> -> memref<80xi32, #tpu.memory_space<vmem>>
    %dma_start3A_248 = arith.constant 0 : i32
    %dma_start3A_249 = arith.constant 0 : i32
    %dma_start3A_250 = tpu.memref_slice %arg4[%dma_start3A_248, %dma_start3A_249] : memref<10000x128xf32, #tpu.memory_space<hbm>> -> memref<10000x128xf32, #tpu.memory_space<hbm>>
    tpu.enqueue_indirect_dma source(%dma_start3A_250 : memref<10000x128xf32, #tpu.memory_space<hbm>>) target(%arg8 : memref<80x128xf32, #tpu.memory_space<vmem>>) offsets(%dma_start3A_247 : memref<80xi32, #tpu.memory_space<vmem>>) semaphore(%arg12 : memref<!tpu.dma_semaphore, #tpu.memory_space<semaphore_mem>>)
    %dma_start3A_251 = arith.constant 8080 : i32
    %dma_start3A_252 = tpu.memref_slice %arg6[%dma_start3A_251] : memref<10000xi32, #tpu.memory_space<vmem>> -> memref<80xi32, #tpu.memory_space<vmem>>
    %dma_start3A_253 = arith.constant 0 : i32
    %dma_start3A_254 = arith.constant 0 : i32
    %dma_start3A_255 = tpu.memref_slice %arg4[%dma_start3A_253, %dma_start3A_254] : memref<10000x128xf32, #tpu.memory_space<hbm>> -> memref<10000x128xf32, #tpu.memory_space<hbm>>
    tpu.enqueue_indirect_dma source(%dma_start3A_255 : memref<10000x128xf32, #tpu.memory_space<hbm>>) target(%arg9 : memref<80x128xf32, #tpu.memory_space<vmem>>) offsets(%dma_start3A_252 : memref<80xi32, #tpu.memory_space<vmem>>) semaphore(%arg13 : memref<!tpu.dma_semaphore, #tpu.memory_space<semaphore_mem>>)
    %scan3A_256 = arith.constant 0 : i32
    %scan3A_257 = arith.constant 0 : i32
    %scan3A_258 = arith.constant 9 : i32
    %scan3A_259 = arith.addi %scan3A_257, %scan3A_258 : i32
    %scan3A_260 = arith.constant 1 : i32
    scf.for %scan3A_267 = %scan3A_257 to %scan3A_259 step %scan3A_260  : i32 {
      %mul3A_268 = arith.constant 3 : i32
      %mul3A_269 = arith.muli %mul3A_268, %scan3A_267 : i32
      %add3A_270 = arith.constant 100 : i32
      %add3A_271 = arith.addi %add3A_270, %mul3A_269 : i32
      %add3A_272 = arith.constant 2 : i32
      %add3A_273 = arith.addi %mul3A_269, %add3A_272 : i32
      %lt3A = arith.constant 25 : i32
      %lt3A_274 = arith.cmpi slt, %add3A_273, %lt3A : i32
      %convert_element_type3A = arith.extui %lt3A_274 : i1 to i32
      %cond3A = arith.constant 0 : i32
      %cond3A_275 = arith.cmpi ne, %convert_element_type3A, %cond3A : i32
      scf.if %cond3A_275 {
        %add3A_311 = arith.constant 2 : i32
        %add3A_312 = arith.addi %add3A_271, %add3A_311 : i32
        %mul3A_313 = arith.constant 80 : i32
        %mul3A_314 = arith.muli %add3A_312, %mul3A_313 : i32
        %dma_start3A_315 = tpu.memref_slice %arg6[%mul3A_314] : memref<10000xi32, #tpu.memory_space<vmem>> -> memref<80xi32, #tpu.memory_space<vmem>>
        %dma_start3A_316 = arith.constant 0 : i32
        %dma_start3A_317 = arith.constant 0 : i32
        %dma_start3A_318 = tpu.memref_slice %arg4[%dma_start3A_316, %dma_start3A_317] : memref<10000x128xf32, #tpu.memory_space<hbm>> -> memref<10000x128xf32, #tpu.memory_space<hbm>>
        tpu.enqueue_indirect_dma source(%dma_start3A_318 : memref<10000x128xf32, #tpu.memory_space<hbm>>) target(%arg10 : memref<80x128xf32, #tpu.memory_space<vmem>>) offsets(%dma_start3A_315 : memref<80xi32, #tpu.memory_space<vmem>>) semaphore(%arg14 : memref<!tpu.dma_semaphore, #tpu.memory_space<semaphore_mem>>)
      } else {
      }
      %mul3A_276 = arith.constant 80 : i32
      %mul3A_277 = arith.muli %add3A_271, %mul3A_276 : i32
      %dma_wait3A_278 = tpu.memref_slice %arg6[%mul3A_277] : memref<10000xi32, #tpu.memory_space<vmem>> -> memref<80xi32, #tpu.memory_space<vmem>>
      %dma_wait3A_279 = arith.constant 0 : i32
      %dma_wait3A_280 = arith.constant 0 : i32
      %dma_wait3A_281 = tpu.memref_slice %arg4[%dma_wait3A_279, %dma_wait3A_280] : memref<10000x128xf32, #tpu.memory_space<hbm>> -> memref<10000x128xf32, #tpu.memory_space<hbm>>
      tpu.wait_indirect_dma semaphore(%arg12 : memref<!tpu.dma_semaphore, #tpu.memory_space<semaphore_mem>>) src(%dma_wait3A_281 : memref<10000x128xf32, #tpu.memory_space<hbm>>) dst(%arg8 : memref<80x128xf32, #tpu.memory_space<vmem>>)
      %run_scoped3A_282 = arith.constant 0 : i32
      "tpu.region"() ({
        %run_scoped3A_311 = tpu.sem_alloc : memref<!tpu.dma_semaphore, #tpu.memory_space<semaphore_mem>>
        %dma_start3A_312 = arith.constant 0 : i32
        %dma_start3A_313 = tpu.memref_slice %arg7[%run_scoped3A_282, %mul3A_269, %dma_start3A_312] : memref<2x25x80xi32, #tpu.memory_space<vmem>> -> memref<1x1x80xi32, #tpu.memory_space<vmem>>
        %dma_start3A_314 = tpu.memref_squeeze %dma_start3A_313 : memref<1x1x80xi32, #tpu.memory_space<vmem>> -> memref<80xi32, #tpu.memory_space<vmem>>
        %dma_start3A_315 = arith.constant 0 : i32
        %dma_start3A_316 = arith.constant 0 : i32
        %dma_start3A_317 = tpu.memref_slice %arg11[%dma_start3A_315, %dma_start3A_316] : memref<10240x128xf32, #tpu.memory_space<vmem_shared>> -> memref<10240x128xf32, #tpu.memory_space<vmem_shared>>
        tpu.enqueue_indirect_dma source(%arg8 : memref<80x128xf32, #tpu.memory_space<vmem>>) target(%dma_start3A_317 : memref<10240x128xf32, #tpu.memory_space<vmem_shared>>) offsets(%dma_start3A_314 : memref<80xi32, #tpu.memory_space<vmem>>) semaphore(%run_scoped3A_311 : memref<!tpu.dma_semaphore, #tpu.memory_space<semaphore_mem>>) {add = true}
        %dma_wait3A_318 = arith.constant 0 : i32
        %dma_wait3A_319 = tpu.memref_slice %arg7[%run_scoped3A_282, %mul3A_269, %dma_wait3A_318] : memref<2x25x80xi32, #tpu.memory_space<vmem>> -> memref<1x1x80xi32, #tpu.memory_space<vmem>>
        %dma_wait3A_320 = tpu.memref_squeeze %dma_wait3A_319 : memref<1x1x80xi32, #tpu.memory_space<vmem>> -> memref<80xi32, #tpu.memory_space<vmem>>
        %dma_wait3A_321 = arith.constant 0 : i32
        %dma_wait3A_322 = arith.constant 0 : i32
        %dma_wait3A_323 = tpu.memref_slice %arg11[%dma_wait3A_321, %dma_wait3A_322] : memref<10240x128xf32, #tpu.memory_space<vmem_shared>> -> memref<10240x128xf32, #tpu.memory_space<vmem_shared>>
        tpu.wait_indirect_dma semaphore(%run_scoped3A_311 : memref<!tpu.dma_semaphore, #tpu.memory_space<semaphore_mem>>) src(%arg8 : memref<80x128xf32, #tpu.memory_space<vmem>>) dst(%dma_wait3A_323 : memref<10240x128xf32, #tpu.memory_space<vmem_shared>>)
        tpu.yield
      }) : () -> ()
      %add3A_283 = arith.constant 3 : i32
      %add3A_284 = arith.addi %mul3A_269, %add3A_283 : i32
      %lt3A_285 = arith.constant 25 : i32
      %lt3A_286 = arith.cmpi slt, %add3A_284, %lt3A_285 : i32
      %convert_element_type3A_287 = arith.extui %lt3A_286 : i1 to i32
      %cond3A_288 = arith.constant 0 : i32
      %cond3A_289 = arith.cmpi ne, %convert_element_type3A_287, %cond3A_288 : i32
      scf.if %cond3A_289 {
        %add3A_311 = arith.constant 3 : i32
        %add3A_312 = arith.addi %add3A_271, %add3A_311 : i32
        %mul3A_313 = arith.constant 80 : i32
        %mul3A_314 = arith.muli %add3A_312, %mul3A_313 : i32
        %dma_start3A_315 = tpu.memref_slice %arg6[%mul3A_314] : memref<10000xi32, #tpu.memory_space<vmem>> -> memref<80xi32, #tpu.memory_space<vmem>>
        %dma_start3A_316 = arith.constant 0 : i32
        %dma_start3A_317 = arith.constant 0 : i32
        %dma_start3A_318 = tpu.memref_slice %arg4[%dma_start3A_316, %dma_start3A_317] : memref<10000x128xf32, #tpu.memory_space<hbm>> -> memref<10000x128xf32, #tpu.memory_space<hbm>>
        tpu.enqueue_indirect_dma source(%dma_start3A_318 : memref<10000x128xf32, #tpu.memory_space<hbm>>) target(%arg8 : memref<80x128xf32, #tpu.memory_space<vmem>>) offsets(%dma_start3A_315 : memref<80xi32, #tpu.memory_space<vmem>>) semaphore(%arg12 : memref<!tpu.dma_semaphore, #tpu.memory_space<semaphore_mem>>)
      } else {
      }
      %add3A_290 = arith.constant 1 : i32
      %add3A_291 = arith.addi %mul3A_269, %add3A_290 : i32
      %lt3A_292 = arith.constant 25 : i32
      %lt3A_293 = arith.cmpi slt, %add3A_291, %lt3A_292 : i32
      %convert_element_type3A_294 = arith.extui %lt3A_293 : i1 to i32
      %cond3A_295 = arith.constant 0 : i32
      %cond3A_296 = arith.cmpi ne, %convert_element_type3A_294, %cond3A_295 : i32
      scf.if %cond3A_296 {
        %add3A_311 = arith.constant 1 : i32
        %add3A_312 = arith.addi %add3A_271, %add3A_311 : i32
        %mul3A_313 = arith.constant 80 : i32
        %mul3A_314 = arith.muli %add3A_312, %mul3A_313 : i32
        %dma_wait3A_315 = tpu.memref_slice %arg6[%mul3A_314] : memref<10000xi32, #tpu.memory_space<vmem>> -> memref<80xi32, #tpu.memory_space<vmem>>
        %dma_wait3A_316 = arith.constant 0 : i32
        %dma_wait3A_317 = arith.constant 0 : i32
        %dma_wait3A_318 = tpu.memref_slice %arg4[%dma_wait3A_316, %dma_wait3A_317] : memref<10000x128xf32, #tpu.memory_space<hbm>> -> memref<10000x128xf32, #tpu.memory_space<hbm>>
        tpu.wait_indirect_dma semaphore(%arg13 : memref<!tpu.dma_semaphore, #tpu.memory_space<semaphore_mem>>) src(%dma_wait3A_318 : memref<10000x128xf32, #tpu.memory_space<hbm>>) dst(%arg9 : memref<80x128xf32, #tpu.memory_space<vmem>>)
        %add3A_319 = arith.constant 1 : i32
        %add3A_320 = arith.addi %mul3A_269, %add3A_319 : i32
        %run_scoped3A_321 = arith.constant 0 : i32
        "tpu.region"() ({
          %run_scoped3A_322 = tpu.sem_alloc : memref<!tpu.dma_semaphore, #tpu.memory_space<semaphore_mem>>
          %dma_start3A_323 = arith.constant 0 : i32
          %dma_start3A_324 = tpu.memref_slice %arg7[%run_scoped3A_321, %add3A_320, %dma_start3A_323] : memref<2x25x80xi32, #tpu.memory_space<vmem>> -> memref<1x1x80xi32, #tpu.memory_space<vmem>>
          %dma_start3A_325 = tpu.memref_squeeze %dma_start3A_324 : memref<1x1x80xi32, #tpu.memory_space<vmem>> -> memref<80xi32, #tpu.memory_space<vmem>>
          %dma_start3A_326 = arith.constant 0 : i32
          %dma_start3A_327 = arith.constant 0 : i32
          %dma_start3A_328 = tpu.memref_slice %arg11[%dma_start3A_326, %dma_start3A_327] : memref<10240x128xf32, #tpu.memory_space<vmem_shared>> -> memref<10240x128xf32, #tpu.memory_space<vmem_shared>>
          tpu.enqueue_indirect_dma source(%arg9 : memref<80x128xf32, #tpu.memory_space<vmem>>) target(%dma_start3A_328 : memref<10240x128xf32, #tpu.memory_space<vmem_shared>>) offsets(%dma_start3A_325 : memref<80xi32, #tpu.memory_space<vmem>>) semaphore(%run_scoped3A_322 : memref<!tpu.dma_semaphore, #tpu.memory_space<semaphore_mem>>) {add = true}
          %dma_wait3A_329 = arith.constant 0 : i32
          %dma_wait3A_330 = tpu.memref_slice %arg7[%run_scoped3A_321, %add3A_320, %dma_wait3A_329] : memref<2x25x80xi32, #tpu.memory_space<vmem>> -> memref<1x1x80xi32, #tpu.memory_space<vmem>>
          %dma_wait3A_331 = tpu.memref_squeeze %dma_wait3A_330 : memref<1x1x80xi32, #tpu.memory_space<vmem>> -> memref<80xi32, #tpu.memory_space<vmem>>
          %dma_wait3A_332 = arith.constant 0 : i32
          %dma_wait3A_333 = arith.constant 0 : i32
          %dma_wait3A_334 = tpu.memref_slice %arg11[%dma_wait3A_332, %dma_wait3A_333] : memref<10240x128xf32, #tpu.memory_space<vmem_shared>> -> memref<10240x128xf32, #tpu.memory_space<vmem_shared>>
          tpu.wait_indirect_dma semaphore(%run_scoped3A_322 : memref<!tpu.dma_semaphore, #tpu.memory_space<semaphore_mem>>) src(%arg9 : memref<80x128xf32, #tpu.memory_space<vmem>>) dst(%dma_wait3A_334 : memref<10240x128xf32, #tpu.memory_space<vmem_shared>>)
          tpu.yield
        }) : () -> ()
      } else {
      }
      %add3A_297 = arith.constant 4 : i32
      %add3A_298 = arith.addi %mul3A_269, %add3A_297 : i32
      %lt3A_299 = arith.constant 25 : i32
      %lt3A_300 = arith.cmpi slt, %add3A_298, %lt3A_299 : i32
      %convert_element_type3A_301 = arith.extui %lt3A_300 : i1 to i32
      %cond3A_302 = arith.constant 0 : i32
      %cond3A_303 = arith.cmpi ne, %convert_element_type3A_301, %cond3A_302 : i32
      scf.if %cond3A_303 {
        %add3A_311 = arith.constant 4 : i32
        %add3A_312 = arith.addi %add3A_271, %add3A_311 : i32
        %mul3A_313 = arith.constant 80 : i32
        %mul3A_314 = arith.muli %add3A_312, %mul3A_313 : i32
        %dma_start3A_315 = tpu.memref_slice %arg6[%mul3A_314] : memref<10000xi32, #tpu.memory_space<vmem>> -> memref<80xi32, #tpu.memory_space<vmem>>
        %dma_start3A_316 = arith.constant 0 : i32
        %dma_start3A_317 = arith.constant 0 : i32
        %dma_start3A_318 = tpu.memref_slice %arg4[%dma_start3A_316, %dma_start3A_317] : memref<10000x128xf32, #tpu.memory_space<hbm>> -> memref<10000x128xf32, #tpu.memory_space<hbm>>
        tpu.enqueue_indirect_dma source(%dma_start3A_318 : memref<10000x128xf32, #tpu.memory_space<hbm>>) target(%arg9 : memref<80x128xf32, #tpu.memory_space<vmem>>) offsets(%dma_start3A_315 : memref<80xi32, #tpu.memory_space<vmem>>) semaphore(%arg13 : memref<!tpu.dma_semaphore, #tpu.memory_space<semaphore_mem>>)
      } else {
      }
      %add3A_304 = arith.constant 2 : i32
      %add3A_305 = arith.addi %mul3A_269, %add3A_304 : i32
      %lt3A_306 = arith.constant 25 : i32
      %lt3A_307 = arith.cmpi slt, %add3A_305, %lt3A_306 : i32
      %convert_element_type3A_308 = arith.extui %lt3A_307 : i1 to i32
      %cond3A_309 = arith.constant 0 : i32
      %cond3A_310 = arith.cmpi ne, %convert_element_type3A_308, %cond3A_309 : i32
      scf.if %cond3A_310 {
        %add3A_311 = arith.constant 2 : i32
        %add3A_312 = arith.addi %add3A_271, %add3A_311 : i32
        %mul3A_313 = arith.constant 80 : i32
        %mul3A_314 = arith.muli %add3A_312, %mul3A_313 : i32
        %dma_wait3A_315 = tpu.memref_slice %arg6[%mul3A_314] : memref<10000xi32, #tpu.memory_space<vmem>> -> memref<80xi32, #tpu.memory_space<vmem>>
        %dma_wait3A_316 = arith.constant 0 : i32
        %dma_wait3A_317 = arith.constant 0 : i32
        %dma_wait3A_318 = tpu.memref_slice %arg4[%dma_wait3A_316, %dma_wait3A_317] : memref<10000x128xf32, #tpu.memory_space<hbm>> -> memref<10000x128xf32, #tpu.memory_space<hbm>>
        tpu.wait_indirect_dma semaphore(%arg14 : memref<!tpu.dma_semaphore, #tpu.memory_space<semaphore_mem>>) src(%dma_wait3A_318 : memref<10000x128xf32, #tpu.memory_space<hbm>>) dst(%arg10 : memref<80x128xf32, #tpu.memory_space<vmem>>)
        %add3A_319 = arith.constant 2 : i32
        %add3A_320 = arith.addi %mul3A_269, %add3A_319 : i32
        %run_scoped3A_321 = arith.constant 0 : i32
        "tpu.region"() ({
          %run_scoped3A_322 = tpu.sem_alloc : memref<!tpu.dma_semaphore, #tpu.memory_space<semaphore_mem>>
          %dma_start3A_323 = arith.constant 0 : i32
          %dma_start3A_324 = tpu.memref_slice %arg7[%run_scoped3A_321, %add3A_320, %dma_start3A_323] : memref<2x25x80xi32, #tpu.memory_space<vmem>> -> memref<1x1x80xi32, #tpu.memory_space<vmem>>
          %dma_start3A_325 = tpu.memref_squeeze %dma_start3A_324 : memref<1x1x80xi32, #tpu.memory_space<vmem>> -> memref<80xi32, #tpu.memory_space<vmem>>
          %dma_start3A_326 = arith.constant 0 : i32
          %dma_start3A_327 = arith.constant 0 : i32
          %dma_start3A_328 = tpu.memref_slice %arg11[%dma_start3A_326, %dma_start3A_327] : memref<10240x128xf32, #tpu.memory_space<vmem_shared>> -> memref<10240x128xf32, #tpu.memory_space<vmem_shared>>
          tpu.enqueue_indirect_dma source(%arg10 : memref<80x128xf32, #tpu.memory_space<vmem>>) target(%dma_start3A_328 : memref<10240x128xf32, #tpu.memory_space<vmem_shared>>) offsets(%dma_start3A_325 : memref<80xi32, #tpu.memory_space<vmem>>) semaphore(%run_scoped3A_322 : memref<!tpu.dma_semaphore, #tpu.memory_space<semaphore_mem>>) {add = true}
          %dma_wait3A_329 = arith.constant 0 : i32
          %dma_wait3A_330 = tpu.memref_slice %arg7[%run_scoped3A_321, %add3A_320, %dma_wait3A_329] : memref<2x25x80xi32, #tpu.memory_space<vmem>> -> memref<1x1x80xi32, #tpu.memory_space<vmem>>
          %dma_wait3A_331 = tpu.memref_squeeze %dma_wait3A_330 : memref<1x1x80xi32, #tpu.memory_space<vmem>> -> memref<80xi32, #tpu.memory_space<vmem>>
          %dma_wait3A_332 = arith.constant 0 : i32
          %dma_wait3A_333 = arith.constant 0 : i32
          %dma_wait3A_334 = tpu.memref_slice %arg11[%dma_wait3A_332, %dma_wait3A_333] : memref<10240x128xf32, #tpu.memory_space<vmem_shared>> -> memref<10240x128xf32, #tpu.memory_space<vmem_shared>>
          tpu.wait_indirect_dma semaphore(%run_scoped3A_322 : memref<!tpu.dma_semaphore, #tpu.memory_space<semaphore_mem>>) src(%arg10 : memref<80x128xf32, #tpu.memory_space<vmem>>) dst(%dma_wait3A_334 : memref<10240x128xf32, #tpu.memory_space<vmem_shared>>)
          tpu.yield
        }) : () -> ()
      } else {
      }
    }
    %scan3A_261 = arith.constant 9 : i32
    %barrier3A_262 = arith.constant 0 : index
    tpu.barrier barrier_id(%barrier3A_262)
    %mul3A_263 = arith.constant 640 : i32
    %mul3A_264 = arith.muli %arg1, %mul3A_263 : i32
    %mul3A_265 = arith.constant 640 : i32
    %mul3A_266 = arith.muli %arg1, %mul3A_265 : i32
    "tpu.region"() ({
      %run_scoped3A_267 = tpu.sem_alloc : memref<!tpu.dma_semaphore, #tpu.memory_space<semaphore_mem>>
      %dma_start3A_268 = arith.constant 0 : i32
      %dma_start3A_269 = tpu.memref_slice %arg5[%arg0, %mul3A_266, %dma_start3A_268] : memref<2x10240x128xf32, #tpu.memory_space<hbm>> -> memref<1x640x128xf32, #tpu.memory_space<hbm>>
      %dma_start3A_270 = tpu.memref_squeeze %dma_start3A_269 : memref<1x640x128xf32, #tpu.memory_space<hbm>> -> memref<640x128xf32, #tpu.memory_space<hbm>>
      %dma_start3A_271 = arith.constant 0 : i32
      %dma_start3A_272 = tpu.memref_slice %arg11[%mul3A_264, %dma_start3A_271] : memref<10240x128xf32, #tpu.memory_space<vmem_shared>> -> memref<640x128xf32, #tpu.memory_space<vmem_shared>>
      tpu.enqueue_dma source(%dma_start3A_272 : memref<640x128xf32, #tpu.memory_space<vmem_shared>>) target(%dma_start3A_270 : memref<640x128xf32, #tpu.memory_space<hbm>>) target_semaphore(%run_scoped3A_267 : memref<!tpu.dma_semaphore, #tpu.memory_space<semaphore_mem>>)
      %dma_wait3A_273 = arith.constant 0 : i32
      %dma_wait3A_274 = tpu.memref_slice %arg5[%arg0, %mul3A_266, %dma_wait3A_273] : memref<2x10240x128xf32, #tpu.memory_space<hbm>> -> memref<1x640x128xf32, #tpu.memory_space<hbm>>
      %dma_wait3A_275 = tpu.memref_squeeze %dma_wait3A_274 : memref<1x640x128xf32, #tpu.memory_space<hbm>> -> memref<640x128xf32, #tpu.memory_space<hbm>>
      %dma_wait3A_276 = arith.constant 0 : i32
      %dma_wait3A_277 = tpu.memref_slice %arg11[%mul3A_264, %dma_wait3A_276] : memref<10240x128xf32, #tpu.memory_space<vmem_shared>> -> memref<640x128xf32, #tpu.memory_space<vmem_shared>>
      tpu.wait_dma2 semaphore(%run_scoped3A_267 : memref<!tpu.dma_semaphore, #tpu.memory_space<semaphore_mem>>) src(%dma_wait3A_277 : memref<640x128xf32, #tpu.memory_space<vmem_shared>>) dst(%dma_wait3A_275 : memref<640x128xf32, #tpu.memory_space<hbm>>)
      tpu.yield
    }) : () -> ()
    return
  }
}

module attributes {stable_mosaic.version = 14 : i64} {
  func.func @_tc1_kernel(%arg0: i32, %arg1: memref<400x128xf32, #tpu.memory_space<vmem>>, %arg2: memref<128x128xf32, #tpu.memory_space<vmem>>, %arg3: memref<400x2xf32, #tpu.memory_space<vmem>>, %arg4: memref<400x128xf32, #tpu.memory_space<vmem>>) attributes {dimension_semantics = [#tpu.dimension_semantics<arbitrary>], iteration_bounds = array<i64: 25>, scalar_prefetch = 0 : i64, scratch_operands = 0 : i64, tpu.core_type = #tpu.core_type<tc>, window_params = [{transform_indices = @transform_0, window_bounds = array<i64: 400, 128>}, {pipeline_mode = #tpu.pipeline_mode<synchronous>, transform_indices = @transform_1, window_bounds = array<i64: 128, 128>}, {transform_indices = @transform_2, window_bounds = array<i64: 400, 2>}, {transform_indices = @transform_3, window_bounds = array<i64: 400, 128>}]} {
    %get3A = arith.constant 0 : index
    %get3A_0 = arith.constant 0 : index
    %get3A_1 = vector.load %arg1[%get3A, %get3A_0] : memref<400x128xf32, #tpu.memory_space<vmem>>, vector<400x128xf32>
    %get3A_2 = arith.constant 0 : index
    %get3A_3 = arith.constant 0 : index
    %get3A_4 = vector.load %arg2[%get3A_2, %get3A_3] : memref<128x128xf32, #tpu.memory_space<vmem>>, vector<128x128xf32>
    %dot_general3A = arith.constant dense<0.000000e+00> : vector<400x128xf32>
    %dot_general3A_5 = tpu.matmul %get3A_1, %get3A_4, %dot_general3A {dimension_numbers = #tpu.dot_dimension_numbers<[1], [0], [0], [1], [0, 0, 1, 1], [], []>, transpose_lhs_hint = false} : vector<400x128xf32>, vector<128x128xf32>, vector<400x128xf32> -> vector<400x128xf32>
    %get3A_6 = arith.constant 0 : index
    %get3A_7 = arith.constant 0 : index
    %get3A_8 = vector.load %arg3[%get3A_6, %get3A_7] : memref<400x2xf32, #tpu.memory_space<vmem>>, vector<400x2xf32>
    %slice3A = vector.extract_strided_slice %get3A_8 {offsets = [0, 0], sizes = [400, 1], strides = [1, 1]} : vector<400x2xf32> to vector<400x1xf32>
    %squeeze3A = vector.shape_cast %slice3A : vector<400x1xf32> to vector<400xf32>
    %slice3A_9 = vector.extract_strided_slice %get3A_8 {offsets = [0, 1], sizes = [400, 1], strides = [1, 1]} : vector<400x2xf32> to vector<400x1xf32>
    %squeeze3A_10 = vector.shape_cast %slice3A_9 : vector<400x1xf32> to vector<400xf32>
    %add3A = arith.addf %squeeze3A, %squeeze3A_10 : vector<400xf32>
    %add3A_11 = arith.constant 1.000000e+00 : f32
    %add3A_12 = vector.broadcast %add3A_11 : f32 to vector<400xf32>
    %add3A_13 = arith.addf %add3A, %add3A_12 : vector<400xf32>
    %rsqrt3A = math.rsqrt %add3A_13 : vector<400xf32>
    %broadcast_in_dim3A = vector.shape_cast %rsqrt3A : vector<400xf32> to vector<400x1xf32>
    %mul3A = vector.broadcast %broadcast_in_dim3A : vector<400x1xf32> to vector<400x128xf32>
    %mul3A_14 = arith.mulf %mul3A, %dot_general3A_5 : vector<400x128xf32>
    %swap3A = arith.constant 0 : index
    %swap3A_15 = arith.constant 0 : index
    %swap3A_16 = vector.load %arg4[%swap3A, %swap3A_15] : memref<400x128xf32, #tpu.memory_space<vmem>>, vector<400x128xf32>
    tpu.vector_store %arg4[%swap3A, %swap3A_15], %mul3A_14 {strides = array<i32>} : memref<400x128xf32, #tpu.memory_space<vmem>>, vector<400x128xf32>,
    return
  }
  func.func @transform_0(%arg0: i32) -> (i32, i32) {
    %c0_i32 = arith.constant 0 : i32
    %c0_i32_0 = arith.constant 0 : i32
    return %arg0, %c0_i32 : i32, i32
  }
  func.func @transform_1(%arg0: i32) -> (i32, i32) {
    %c0_i32 = arith.constant 0 : i32
    %c0_i32_0 = arith.constant 0 : i32
    %c0_i32_1 = arith.constant 0 : i32
    return %c0_i32, %c0_i32_0 : i32, i32
  }
  func.func @transform_2(%arg0: i32) -> (i32, i32) {
    %c0_i32 = arith.constant 0 : i32
    %c0_i32_0 = arith.constant 0 : i32
    return %arg0, %c0_i32 : i32, i32
  }
  func.func @transform_3(%arg0: i32) -> (i32, i32) {
    %c0_i32 = arith.constant 0 : i32
    %c0_i32_0 = arith.constant 0 : i32
    return %arg0, %c0_i32 : i32, i32
  }
}

module attributes {stable_mosaic.version = 14 : i64} {
  func.func @_tc2_kernel(%arg0: i32, %arg1: memref<2x400x128xf32, #tpu.memory_space<vmem>>, %arg2: memref<400x128xf32, #tpu.memory_space<vmem>>, %arg3: memref<400x2xf32, #tpu.memory_space<vmem>>, %arg4: memref<128x128xf32, #tpu.memory_space<vmem>>, %arg5: memref<1x128xf32, #tpu.memory_space<vmem>>, %arg6: memref<400x128xf32, #tpu.memory_space<vmem>>) attributes {dimension_semantics = [#tpu.dimension_semantics<arbitrary>], iteration_bounds = array<i64: 25>, scalar_prefetch = 0 : i64, scratch_operands = 0 : i64, tpu.core_type = #tpu.core_type<tc>, window_params = [{transform_indices = @transform_0, window_bounds = array<i64: 2, 400, 128>}, {transform_indices = @transform_1, window_bounds = array<i64: 400, 128>}, {transform_indices = @transform_2, window_bounds = array<i64: 400, 2>}, {pipeline_mode = #tpu.pipeline_mode<synchronous>, transform_indices = @transform_3, window_bounds = array<i64: 128, 128>}, {pipeline_mode = #tpu.pipeline_mode<synchronous>, transform_indices = @transform_4, window_bounds = array<i64: 1, 128>}, {transform_indices = @transform_5, window_bounds = array<i64: 400, 128>}]} {
    %get3A = arith.constant 0 : index
    %get3A_0 = arith.constant 0 : index
    %get3A_1 = vector.load %arg3[%get3A, %get3A_0] : memref<400x2xf32, #tpu.memory_space<vmem>>, vector<400x2xf32>
    %slice3A = vector.extract_strided_slice %get3A_1 {offsets = [0, 0], sizes = [400, 1], strides = [1, 1]} : vector<400x2xf32> to vector<400x1xf32>
    %squeeze3A = vector.shape_cast %slice3A : vector<400x1xf32> to vector<400xf32>
    %slice3A_2 = vector.extract_strided_slice %get3A_1 {offsets = [0, 1], sizes = [400, 1], strides = [1, 1]} : vector<400x2xf32> to vector<400x1xf32>
    %squeeze3A_3 = vector.shape_cast %slice3A_2 : vector<400x1xf32> to vector<400xf32>
    %add3A = arith.addf %squeeze3A, %squeeze3A_3 : vector<400xf32>
    %add3A_4 = arith.constant 1.000000e+00 : f32
    %add3A_5 = vector.broadcast %add3A_4 : f32 to vector<400xf32>
    %add3A_6 = arith.addf %add3A, %add3A_5 : vector<400xf32>
    %rsqrt3A = math.rsqrt %add3A_6 : vector<400xf32>
    %broadcast_in_dim3A = vector.shape_cast %rsqrt3A : vector<400xf32> to vector<400x1xf32>
    %get3A_7 = arith.constant 0 : index
    %get3A_8 = arith.constant 0 : index
    %get3A_9 = arith.constant 0 : index
    %get3A_10 = vector.load %arg1[%get3A_7, %get3A_8, %get3A_9] : memref<2x400x128xf32, #tpu.memory_space<vmem>>, vector<1x400x128xf32>
    %get3A_11 = vector.shape_cast %get3A_10 : vector<1x400x128xf32> to vector<400x128xf32>
    %get3A_12 = arith.constant 1 : index
    %get3A_13 = arith.constant 0 : index
    %get3A_14 = arith.constant 0 : index
    %get3A_15 = vector.load %arg1[%get3A_12, %get3A_13, %get3A_14] : memref<2x400x128xf32, #tpu.memory_space<vmem>>, vector<1x400x128xf32>
    %get3A_16 = vector.shape_cast %get3A_15 : vector<1x400x128xf32> to vector<400x128xf32>
    %add3A_17 = arith.addf %get3A_11, %get3A_16 : vector<400x128xf32>
    %get3A_18 = arith.constant 0 : index
    %get3A_19 = arith.constant 0 : index
    %get3A_20 = vector.load %arg2[%get3A_18, %get3A_19] : memref<400x128xf32, #tpu.memory_space<vmem>>, vector<400x128xf32>
    %add3A_21 = arith.addf %add3A_17, %get3A_20 : vector<400x128xf32>
    %mul3A = vector.broadcast %broadcast_in_dim3A : vector<400x1xf32> to vector<400x128xf32>
    %mul3A_22 = arith.mulf %mul3A, %add3A_21 : vector<400x128xf32>
    %get3A_23 = arith.constant 0 : index
    %get3A_24 = arith.constant 0 : index
    %get3A_25 = vector.load %arg5[%get3A_23, %get3A_24] : memref<1x128xf32, #tpu.memory_space<vmem>>, vector<1x128xf32>
    %add3A_26 = vector.broadcast %get3A_25 : vector<1x128xf32> to vector<400x128xf32>
    %add3A_27 = arith.addf %mul3A_22, %add3A_26 : vector<400x128xf32>
    %max3A = arith.constant 0.000000e+00 : f32
    %max3A_28 = vector.broadcast %max3A : f32 to vector<400x128xf32>
    %max3A_29 = arith.maximumf %add3A_27, %max3A_28 : vector<400x128xf32>
    %get3A_30 = arith.constant 0 : index
    %get3A_31 = arith.constant 0 : index
    %get3A_32 = vector.load %arg4[%get3A_30, %get3A_31] : memref<128x128xf32, #tpu.memory_space<vmem>>, vector<128x128xf32>
    %dot_general3A = arith.constant dense<0.000000e+00> : vector<400x128xf32>
    %dot_general3A_33 = tpu.matmul %max3A_29, %get3A_32, %dot_general3A {dimension_numbers = #tpu.dot_dimension_numbers<[1], [0], [0], [1], [0, 0, 1, 1], [], []>, transpose_lhs_hint = false} : vector<400x128xf32>, vector<128x128xf32>, vector<400x128xf32> -> vector<400x128xf32>
    %mul3A_34 = vector.broadcast %broadcast_in_dim3A : vector<400x1xf32> to vector<400x128xf32>
    %mul3A_35 = arith.mulf %mul3A_34, %dot_general3A_33 : vector<400x128xf32>
    %swap3A = arith.constant 0 : index
    %swap3A_36 = arith.constant 0 : index
    %swap3A_37 = vector.load %arg6[%swap3A, %swap3A_36] : memref<400x128xf32, #tpu.memory_space<vmem>>, vector<400x128xf32>
    tpu.vector_store %arg6[%swap3A, %swap3A_36], %mul3A_35 {strides = array<i32>} : memref<400x128xf32, #tpu.memory_space<vmem>>, vector<400x128xf32>,
    return
  }
  func.func @transform_0(%arg0: i32) -> (i32, i32, i32) {
    %c0_i32 = arith.constant 0 : i32
    %c0_i32_0 = arith.constant 0 : i32
    %c0_i32_1 = arith.constant 0 : i32
    return %c0_i32, %arg0, %c0_i32_0 : i32, i32, i32
  }
  func.func @transform_1(%arg0: i32) -> (i32, i32) {
    %c0_i32 = arith.constant 0 : i32
    %c0_i32_0 = arith.constant 0 : i32
    return %arg0, %c0_i32 : i32, i32
  }
  func.func @transform_2(%arg0: i32) -> (i32, i32) {
    %c0_i32 = arith.constant 0 : i32
    %c0_i32_0 = arith.constant 0 : i32
    return %arg0, %c0_i32 : i32, i32
  }
  func.func @transform_3(%arg0: i32) -> (i32, i32) {
    %c0_i32 = arith.constant 0 : i32
    %c0_i32_0 = arith.constant 0 : i32
    %c0_i32_1 = arith.constant 0 : i32
    return %c0_i32, %c0_i32_0 : i32, i32
  }
  func.func @transform_4(%arg0: i32) -> (i32, i32) {
    %c0_i32 = arith.constant 0 : i32
    %c0_i32_0 = arith.constant 0 : i32
    %c0_i32_1 = arith.constant 0 : i32
    return %c0_i32, %c0_i32_0 : i32, i32
  }
  func.func @transform_5(%arg0: i32) -> (i32, i32) {
    %c0_i32 = arith.constant 0 : i32
    %c0_i32_0 = arith.constant 0 : i32
    return %arg0, %c0_i32 : i32, i32
  }
}

module attributes {stable_mosaic.version = 14 : i64} {
  func.func @_tc3_kernel(%arg0: i32, %arg1: memref<2x400x128xf32, #tpu.memory_space<vmem>>, %arg2: memref<400x128xf32, #tpu.memory_space<vmem>>, %arg3: memref<400x2xf32, #tpu.memory_space<vmem>>, %arg4: memref<1x128xf32, #tpu.memory_space<vmem>>, %arg5: memref<400x64xf32, #tpu.memory_space<vmem>>) attributes {dimension_semantics = [#tpu.dimension_semantics<arbitrary>], iteration_bounds = array<i64: 25>, scalar_prefetch = 0 : i64, scratch_operands = 0 : i64, tpu.core_type = #tpu.core_type<tc>, window_params = [{transform_indices = @transform_0, window_bounds = array<i64: 2, 400, 128>}, {transform_indices = @transform_1, window_bounds = array<i64: 400, 128>}, {transform_indices = @transform_2, window_bounds = array<i64: 400, 2>}, {pipeline_mode = #tpu.pipeline_mode<synchronous>, transform_indices = @transform_3, window_bounds = array<i64: 1, 128>}, {transform_indices = @transform_4, window_bounds = array<i64: 400, 64>}]} {
    %get3A = arith.constant 0 : index
    %get3A_0 = arith.constant 0 : index
    %get3A_1 = vector.load %arg3[%get3A, %get3A_0] : memref<400x2xf32, #tpu.memory_space<vmem>>, vector<400x2xf32>
    %slice3A = vector.extract_strided_slice %get3A_1 {offsets = [0, 0], sizes = [400, 1], strides = [1, 1]} : vector<400x2xf32> to vector<400x1xf32>
    %squeeze3A = vector.shape_cast %slice3A : vector<400x1xf32> to vector<400xf32>
    %slice3A_2 = vector.extract_strided_slice %get3A_1 {offsets = [0, 1], sizes = [400, 1], strides = [1, 1]} : vector<400x2xf32> to vector<400x1xf32>
    %squeeze3A_3 = vector.shape_cast %slice3A_2 : vector<400x1xf32> to vector<400xf32>
    %add3A = arith.addf %squeeze3A, %squeeze3A_3 : vector<400xf32>
    %add3A_4 = arith.constant 1.000000e+00 : f32
    %add3A_5 = vector.broadcast %add3A_4 : f32 to vector<400xf32>
    %add3A_6 = arith.addf %add3A, %add3A_5 : vector<400xf32>
    %rsqrt3A = math.rsqrt %add3A_6 : vector<400xf32>
    %broadcast_in_dim3A = vector.shape_cast %rsqrt3A : vector<400xf32> to vector<400x1xf32>
    %get3A_7 = arith.constant 0 : index
    %get3A_8 = arith.constant 0 : index
    %get3A_9 = arith.constant 0 : index
    %get3A_10 = vector.load %arg1[%get3A_7, %get3A_8, %get3A_9] : memref<2x400x128xf32, #tpu.memory_space<vmem>>, vector<1x400x128xf32>
    %get3A_11 = vector.shape_cast %get3A_10 : vector<1x400x128xf32> to vector<400x128xf32>
    %get3A_12 = arith.constant 1 : index
    %get3A_13 = arith.constant 0 : index
    %get3A_14 = arith.constant 0 : index
    %get3A_15 = vector.load %arg1[%get3A_12, %get3A_13, %get3A_14] : memref<2x400x128xf32, #tpu.memory_space<vmem>>, vector<1x400x128xf32>
    %get3A_16 = vector.shape_cast %get3A_15 : vector<1x400x128xf32> to vector<400x128xf32>
    %add3A_17 = arith.addf %get3A_11, %get3A_16 : vector<400x128xf32>
    %get3A_18 = arith.constant 0 : index
    %get3A_19 = arith.constant 0 : index
    %get3A_20 = vector.load %arg2[%get3A_18, %get3A_19] : memref<400x128xf32, #tpu.memory_space<vmem>>, vector<400x128xf32>
    %add3A_21 = arith.addf %add3A_17, %get3A_20 : vector<400x128xf32>
    %mul3A = vector.broadcast %broadcast_in_dim3A : vector<400x1xf32> to vector<400x128xf32>
    %mul3A_22 = arith.mulf %mul3A, %add3A_21 : vector<400x128xf32>
    %get3A_23 = arith.constant 0 : index
    %get3A_24 = arith.constant 0 : index
    %get3A_25 = vector.load %arg4[%get3A_23, %get3A_24] : memref<1x128xf32, #tpu.memory_space<vmem>>, vector<1x128xf32>
    %add3A_26 = vector.broadcast %get3A_25 : vector<1x128xf32> to vector<400x128xf32>
    %add3A_27 = arith.addf %mul3A_22, %add3A_26 : vector<400x128xf32>
    %max3A = arith.constant 0.000000e+00 : f32
    %max3A_28 = vector.broadcast %max3A : f32 to vector<400x128xf32>
    %max3A_29 = arith.maximumf %add3A_27, %max3A_28 : vector<400x128xf32>
    %slice3A_30 = vector.extract_strided_slice %max3A_29 {offsets = [0, 0], sizes = [400, 64], strides = [1, 1]} : vector<400x128xf32> to vector<400x64xf32>
    %swap3A = arith.constant 0 : index
    %swap3A_31 = arith.constant 0 : index
    %swap3A_32 = vector.load %arg5[%swap3A, %swap3A_31] : memref<400x64xf32, #tpu.memory_space<vmem>>, vector<400x64xf32>
    tpu.vector_store %arg5[%swap3A, %swap3A_31], %slice3A_30 {strides = array<i32>} : memref<400x64xf32, #tpu.memory_space<vmem>>, vector<400x64xf32>,
    return
  }
  func.func @transform_0(%arg0: i32) -> (i32, i32, i32) {
    %c0_i32 = arith.constant 0 : i32
    %c0_i32_0 = arith.constant 0 : i32
    %c0_i32_1 = arith.constant 0 : i32
    return %c0_i32, %arg0, %c0_i32_0 : i32, i32, i32
  }
  func.func @transform_1(%arg0: i32) -> (i32, i32) {
    %c0_i32 = arith.constant 0 : i32
    %c0_i32_0 = arith.constant 0 : i32
    return %arg0, %c0_i32 : i32, i32
  }
  func.func @transform_2(%arg0: i32) -> (i32, i32) {
    %c0_i32 = arith.constant 0 : i32
    %c0_i32_0 = arith.constant 0 : i32
    return %arg0, %c0_i32 : i32, i32
  }
  func.func @transform_3(%arg0: i32) -> (i32, i32) {
    %c0_i32 = arith.constant 0 : i32
    %c0_i32_0 = arith.constant 0 : i32
    %c0_i32_1 = arith.constant 0 : i32
    return %c0_i32, %c0_i32_0 : i32, i32
  }
  func.func @transform_4(%arg0: i32) -> (i32, i32) {
    %c0_i32 = arith.constant 0 : i32
    %c0_i32_0 = arith.constant 0 : i32
    return %arg0, %c0_i32 : i32, i32
  }
}

</mosaic_0001>

<sc_bundles>
// kernel: kernel.11.cloned.1.call-start
scs
__scs_entry_jumppad:
0x0: {  	(pc) =	sbr.rel $0x88, $3  }
0x1: {  	(tag) =	ssettag $0x0;
	lr =	simm.s32 $0x1  }
0x2: {  	[smem:$0x3F9B] =	sst lr;
	_ =	strace $0xD0000000  }
0x3: {  	_ = 	snop  }
0x4: {  	_ = 	snop  }
0x5: {  	_ = 	snop  }
0x6: {  	_ = 	snop  }
0x7: {  	_ = 	snop  }
__scs_overlays_trampoline_lowered:
0x8: {  	[smem:$0x3FAA] =	sst s0  }
0x9: {  	[smem:$0x3FAB] =	sst s1  }
0xa: {  	[smem:$0x3FAC] =	sst s2  }
0xb: {  	[smem:$0x3FAD] =	sst s3  }
0xc: {  	[smem:$0x3FAE] =	sst s4  }
0xd: {  	[smem:$0x3FAF] =	sst s5  }
0xe: {  	[smem:$0x3FB0] =	sst s6  }
0xf: {  	[smem:$0x3FB1] =	sst s7  }
0x10: {  	[smem:$0x3FB2] =	sst s8  }
0x11: {  	[smem:$0x3FB3] =	sst s9;
	s0 =	simm.s32 @!p0 $0x0  }
0x12: {  	s1 =	sld [smem:$0x3F99];
	s0 =	simm.s32 @p0 $0x1  }
0x13: {  	[smem:$0x3FB4] =	sst s0;
	s0 =	simm.s32 @!p1 $0x0  }
0x14: {  	s2 =	sld [smem:$0x3F98];
	s0 =	simm.s32 @p1 $0x1  }
0x15: {  	[smem:$0x3FB5] =	sst s0;
	s0 =	simm.s32 @!p2 $0x0  }
0x16: {  	s3 =	sld [smem:$0x3FDB];
	s0 =	simm.s32 @p2 $0x1  }
0x17: {  	s4 =	simm.s32 $0x1BF5;
	[smem:$0x3FB7] =	sst s0  }
0x18: {  	s0 =	sld [smem:$0x3F9A];
	_ =	swait.ge [sflag:s4], $0x0  }
0x19: {  	s7 =	sld [smem:$0x3F9B]  }
0x1a: {  	s8 =	sadd.s32 $0xFFFFE003, lr  }
0x1b: {  	s9 =	sadd.s32 $0xFFFFFEF7, lr;
	s5 =	simm.s32 $0xFFFFFFFF;
	p2 =	slt.u32 s8, $0xFFFFF086  }
0x1c: {  	p1 =	slt.u32 s9, $0xF7A;
	s5 =	simm.s32 @!p2 $0x0  }
0x1d: {  	s5 =	simm.s32 @p1 $0x1;
	p0 =	seq.s32 s7, s2  }
0x1e: {  	s7 =	smul.u32 @!p0 $0xF7A, s2;
	p2 =	seq.s32 @!p0 s5, $0x0  }
0x1f: {  	s9 =	smul.u32 $0xF7A, s1;
	s8 =	simm.s32 @!p0 $0x1BF5;
	p2 =	por !p2, p0  }
0x20: {  	[sflag:s8] =	ssyncset.s32 @!p0 $0xFFFFF086;
	s6 =	sadd.s32 @!p0 s3, s7;
	s7 =	simm.s32 @!p0 $0x108  }
0x21: {  	s3 =	sadd.s32 s3, s9;
	s6 =	sadd.s32 @!p0 $0x88, s6;
	s7 =	simm.s32 @p2 $0x1082  }
0x22: {  	[simem:s7], [sflag:s8] =	dma.local @!p0 [hbm:s6], $0xF7A  }
0x23: {  	s9 =	sor.u32 $0xD0000000, s2;
	s6 =	simm.s32 $0x108;
	_ =	swait.ge @!p0 [sflag:s8], $0x0  }
0x24: {  	s3 =	sadd.s32 $0x88, s3;
	s6 =	simm.s32 @!p1 $0x1082;
	[sflag:s4] =	ssyncset.s32 $0xFFFFF086  }
0x25: {  	[simem:s6], [sflag:s4] =	dma.local [hbm:s3], $0xF7A  }
0x26: {  	[smem:$0x3F9B] =	sst s1;
	(tag) =	ssettag s2;
	_ =	strace s9  }
0x27: {  	s1 =	sld [smem:$0x3FAB]  }
0x28: {  	s2 =	sld [smem:$0x3FAC]  }
0x29: {  	s4 =	sld [smem:$0x3FAE]  }
0x2a: {  	p0 =	seq.s32 s5, $0x0;
	s5 =	sld [smem:$0x3FAF]  }
0x2b: {  	s6 =	sld [smem:$0x3FB0]  }
0x2c: {  	s7 =	sld [smem:$0x3FB1]  }
0x2d: {  	s3 =	simm.s32 $0x108;
	s8 =	sld [smem:$0x3FB2]  }
0x2e: {  	s3 =	simm.s32 @!p0 $0x1082;
	s9 =	sld [smem:$0x3FB3]  }
0x2f: {  	lr =	sadd.s32 s0, s3;
	s0 =	sld [smem:$0x3FAA]  }
0x30: {  	s3 =	sld [smem:$0x3FAD]  }
0x31: {  	[smem:$0x3FB6] =	sst s10  }
0x32: {  	s10 =	sld [smem:$0x3FB4];
	_ =	sdelay $0x3  }
0x33: {  	p0 =	seq.s32 s10, $0x1;
	s10 =	sld [smem:$0x3FB6];
	_ =	sdelay $0x3  }
0x34: {  	[smem:$0x3FB6] =	sst s10  }
0x35: {  	s10 =	sld [smem:$0x3FB5];
	_ =	sdelay $0x3  }
0x36: {  	p1 =	seq.s32 s10, $0x1;
	s10 =	sld [smem:$0x3FB6];
	_ =	sdelay $0x3  }
0x37: {  	[smem:$0x3FB6] =	sst s10  }
0x38: {  	s10 =	sld [smem:$0x3FB7]  }
0x39: {  	_ = 	snop;
	(pc) =	sbr.ind lr, $3  }
0x3a: {  	_ = 	snop  }
0x3b: {  	_ = 	snop  }
0x3c: {  	p2 =	seq.s32 s10, $0x1;
	s10 =	sld [smem:$0x3FB6]  }
0x3d: {  	_ =	shalt  }
0x3e: {  	_ =	shalt  }
0x3f: {  	_ =	shalt  }
0x40: {  	_ =	shalt  }
0x41: {  	_ =	shalt  }
0x42: {  	_ =	shalt  }
0x43: {  	_ =	shalt  }
0x44: {  	_ =	shalt  }
0x45: {  	_ =	shalt  }
0x46: {  	_ =	shalt  }
0x47: {  	_ =	shalt  }
0x48: {  	_ =	shalt  }
0x49: {  	_ =	shalt  }
0x4a: {  	_ =	shalt  }
0x4b: {  	_ =	shalt  }
0x4c: {  	_ =	shalt  }
0x4d: {  	_ =	shalt  }
0x4e: {  	_ =	shalt  }
0x4f: {  	_ =	shalt  }
0x50: {  	_ =	shalt  }
0x51: {  	_ =	shalt  }
0x52: {  	_ =	shalt  }
0x53: {  	_ =	shalt  }
0x54: {  	_ =	shalt  }
0x55: {  	_ =	shalt  }
0x56: {  	_ =	shalt  }
0x57: {  	_ =	shalt  }
0x58: {  	_ =	shalt  }
0x59: {  	_ =	shalt  }
0x5a: {  	_ =	shalt  }
0x5b: {  	_ =	shalt  }
0x5c: {  	_ =	shalt  }
0x5d: {  	_ =	shalt  }
0x5e: {  	_ =	shalt  }
0x5f: {  	_ =	shalt  }
0x60: {  	_ =	shalt  }
0x61: {  	_ =	shalt  }
0x62: {  	_ =	shalt  }
0x63: {  	_ =	shalt  }
0x64: {  	_ =	shalt  }
0x65: {  	_ =	shalt  }
0x66: {  	_ =	shalt  }
0x67: {  	_ =	shalt  }
0x68: {  	_ =	shalt  }
0x69: {  	_ =	shalt  }
0x6a: {  	_ =	shalt  }
0x6b: {  	_ =	shalt  }
0x6c: {  	_ =	shalt  }
0x6d: {  	_ =	shalt  }
0x6e: {  	_ =	shalt  }
0x6f: {  	_ =	shalt  }
0x70: {  	_ =	shalt  }
0x71: {  	_ =	shalt  }
0x72: {  	_ =	shalt  }
0x73: {  	_ =	shalt  }
0x74: {  	_ =	shalt  }
0x75: {  	_ =	shalt  }
0x76: {  	_ =	shalt  }
0x77: {  	_ =	shalt  }
0x78: {  	_ =	shalt  }
0x79: {  	_ =	shalt  }
0x7a: {  	_ =	shalt  }
0x7b: {  	_ =	shalt  }
0x7c: {  	_ =	shalt  }
0x7d: {  	_ =	shalt  }
0x7e: {  	_ =	shalt  }
0x7f: {  	_ =	shalt  }
0x80: {  	_ =	shalt  }
0x81: {  	_ =	shalt  }
0x82: {  	_ =	shalt  }
0x83: {  	_ =	shalt  }
0x84: {  	_ =	shalt  }
0x85: {  	_ =	shalt  }
0x86: {  	_ =	shalt  }
0x87: {  	_ =	shalt  }
.Lfunc_end0:
.L_simem_size_0:
called_computation.1_lowered:
.L_overlay_start_0:
0x88: {  	s2 =	sld [smem:$0x3FD9]  }
0x89: {  	s3 =	sld [smem:$0x3FFE];
	_ =	sdelay $0x1  }
0x8a: {  	s1 =	srdreg.scid  }
0x8b: {  	s0 =	sand.u32 $0x1, s1  }
0x8c: {  	s16 =	sshll.u32 s0, $0xA;
	s2 =	sadd.s32 s3, s2  }
0x8d: {  	s2 =	sadd.s32 s2, s16  }
0x8e: {  	[smem:$0x3FC2] =	sst s2  }
0x8f: {  	_ = 	snop  }
0x90: {  	(tm) =	ssettm $0x1  }
0x91: {  	s17 =	sld [smem:$0x3FFB];
	_ =	sdelay $0x3  }
0x92: {  	_ =	strace s17  }
0x93: {  	s2 =	sld [smem:$0x3FFC];
	_ =	sdelay $0x3  }
0x94: {  	_ =	strace s2  }
0x95: {  	s2 =	sld [smem:$0x3FFD];
	_ =	sdelay $0x3  }
0x96: {  	_ =	strace s2  }
0x97: {  	_ =	strace $0x8FFFFFFF  }
0x98: {  	s18 =	sld [smem:$0x3FDB];
	_ =	sdelay $0x1  }
0x99: {  	s19 =	simm.s32 $_scs_section_size  }
0x9a: {  	s4 =	simm.s32 $_size__tile_overlayer_lowered;
	s5 =	simm.s32 $_tile_overlayer_lowered  }
0x9b: {  	s22 =	simm.s32 $0x1BFF;
	s21 =	sshll.u32 s5, $0x1;
	s2 =	sadd.s32 s19, s18  }
0x9c: {  	s6 =	simm.s32 $0x0;
	s20 =	sshll.u32 s4, $0x1;
	s4 =	sadd.s32 s21, s2  }
0x9d: {  	[timem:s6], [sflag:s22] =	dma.local [hbm:s4], s20  }
0x9e: {  	_ =	swait.ge [sflag:s22], s20  }
0x9f: {  	s3 =	ssub.s32 $0x0, s20;
	[sflag:s22] =	ssyncset.done $0x0  }
0xa0: {  	[sflag:s22] =	ssyncadd.s32 s3;
	_ =	sdelay $0x1  }
0xa1: {  	s23 =	simm.s32 $0x1B8B  }
0xa2: {  	_ =	swait.ge [sflag:s23], $0x1  }
0xa3: {  	[sflag:s23] =	ssyncset.done $0x0  }
0xa4: {  	s25 =	simm.s32 $0x1B8E;
	s24 =	sld [smem:$0x3FFE];
	[sflag:s23] =	ssyncadd.s32 $0xFFFFFFFF  }
0xa5: {  	s26 =	simm.s32 $execute0_lowered;
	[smem:$0x3FD2] =	sst s25  }
0xa6: {  	s4 =	sshll.u32 s26, $0x1;
	_ =	strace $0x80000049;
	[dreg:$0x1] =	wrdreg $0xFFFFFFFF  }
0xa7: {  	s28 =	simm.s32 $_size_execute0_lowered;
	s2 =	sadd.s32 s2, s4;
	[dreg:$0x0] =	wrdreg $0x0  }
0xa8: {  	s4 =	sshll.u32 s28, $0x1;
	[dreg:$0x2] =	wrdreg s2  }
0xa9: {  	[dreg:$0x3] =	wrdreg s4  }
0xaa: {  	[dreg:$0x4] =	wrdreg $0xC0  }
0xab: {  	_ =	task [dreg:s6], $0x5FFFF  }
0xac: {  	[dreg:$0x1] =	wrdreg $0xFFFFFFFF  }
0xad: {  	[dreg:$0x0] =	wrdreg $0x60  }
0xae: {  	[dreg:$0x2] =	wrdreg s24  }
0xaf: {  	[dreg:$0x3] =	wrdreg $0xBF800  }
0xb0: {  	[dreg:$0x4] =	wrdreg $0x9  }
0xb1: {  	_ =	task.clear_ibuf [dreg:s6], $0x5FFFF;
	_ =	strace $0x90000049  }
0xb2: {  	s29 =	simm.s32 $0x9;
	_ =	strace $0x8000004B  }
0xb3: {  	_ =	swait.ge [sflag:s29], $0x1  }
0xb4: {  	[sflag:s29] =	ssyncadd.s32 $0xFFFFFFFF  }
0xb5: {  	_ =	strace $0x9000004B  }
0xb6: {  	_ =	sfence  }
0xb7: {  	s30 =	sld [smem:$0x0];
	_ =	sdelay $0x2  }
0xb8: {  	s31 =	sshll.u32 s1, $0xD;
	s1 =	sshrl.u32 s1, $0x2  }
0xb9: {  	s3 =	sand.u32 $0x4000, s31;
	s1 =	sadd.s32 s1, s30  }
0xba: {  	s0 =	sor.u32 s3, s0;
	s1 =	sshll.u32 s1, $0x11  }
0xbb: {  	s0 =	sor.u32 s1, s0  }
0xbc: {  	s0 =	sadd.s32 $0x8F2B, s0  }
0xbd: {  	[sflag:s0] =	ssyncadd.remote.s32 $0x1  }
0xbe: {  	_ =	sfence.sel $0xFFFF  }
0xbf: {  	[dreg:$0x0] =	wrdreg $0xFFFFFFFF;
	(pc) =	sbr.abs _section_cstart, $3  }
0xc0: {  	[dreg:$0x1] =	wrdreg $0xFFFFFFFF  }
0xc1: {  	_ =	task.clear_ibuf [dreg:s6], $0x2FFFF;
	_ =	strace $0x9FFFFFFF  }
0xc2: {  	(tm) =	ssettm $0x7FFFFFFF  }
0xc3: {  	_ =	shalt  }
tec
execute0_lowered:
.L_overlay_start_1:
0x0: {  	(tag) =	ssettag $0x1  }
0x1: {  	s0 =	srdreg.scid  }
0x2: {  	s8 =	stileid.u32;
	s6 =	rddreg [dreg:$0x0]  }
0x3: {  	s2 =	rddreg [dreg:$0x1];
	s28 =	simm.s32 $0x50;
	s29 =	simm.s32 $0x6F80  }
0x4: {  	s31 =	simm.s32 $0x9780;
	s0 =	sand.u32 $0x1, s0;
	s19 =	smul.u32 $0x14000, s8  }
0x5: {  	s30 =	simm.s32 $0x2;
	s1 =	sshll.u32 s0, $0x4;
	s7 =	smul.u32 $0x140000, s0  }
0x6: {  	s5 =	sshll.u32 s8, $0x7;
	s1 =	sor.u32 s8, s1;
	s8 =	smul.u32 $0x50000, s8  }
0x7: {  	s0 =	ssub.s32 $0x2, s0;
	s3 =	sshrl.u32 s1, $0x3;
	s1 =	smul.u32 $0x5000, s1  }
0x8: {  	s10 =	sshrl.u32 s0, $0x1;
	s4 =	smul.u32 $0x13C00, s3;
	s3 =	simm.s32 $0x0  }
0x9: {  	s5 =	sand.u32 $0x380, s5;
	s0 =	ssub.s32 s0, s10;
	[smem:$0x7FF] =	sst s3  }
0xa: {  	s20 =	sshrl.u32 s8, $0x2;
	s1 =	sshrl.u32 s1, $0x3;
	_ =	strace $0x8000004A  }
0xb: {  	s4 =	sor.u32 s5, s4;
	s1 =	sadd.s32 s1, s6;
	s5 =	sadd.s32 s19, s7  }
0xc: {  	s4 =	sshrl.u32 s4, $0x3;
	s21 =	sshrl.u32 s5, $0x3;
	s5 =	sadd.s32 s20, s2  }
0xd: {  	s14 =	sadd.s32 $0x2600, s1;
	s15 =	sadd.s32 $0x2800, s1;
	s16 =	sadd.s32 $0x2A00, s1  }
0xe: {  	s17 =	sadd.s32 $0x2C00, s1;
	s18 =	sadd.s32 $0x2E00, s1;
	s20 =	smax.u32 s0, $0x1  }
0xf: {  	s1 =	simm.s32 $0x1;
	s0 =	simm.s32 $0x3380;
	s7 =	sadd.s32 $0x2800, s5  }
0x10: {  	s9 =	sadd.s32 s4, s6;
	s22 =	sadd.s32 $0x5000, s5;
	[dreg:$0x3] =	wrdreg s7  }
0x11: {  	s4 =	sadd.s32 $0x20400, s6;
	s23 =	sadd.s32 $0x7800, s5;
	[dreg:$0x4] =	wrdreg s22  }
0x12: {  	s6 =	sadd.s32 s21, s6;
	s24 =	sadd.s32 $0xA000, s5;
	[dreg:$0x5] =	wrdreg s23  }
0x13: {  	s25 =	sadd.s32 $0xC800, s5;
	s26 =	sadd.s32 $0xF000, s5;
	[dreg:$0x6] =	wrdreg s24  }
0x14: {  	s12 =	sadd.s32 $0x11800, s5;
	s21 =	simm.s32 $0x4780;
	[dreg:$0x7] =	wrdreg s25  }
0x15: {  	[dreg:$0x8] =	wrdreg s26;
	s13 =	sadd.s32 $0x16600, s9;
	s19 =	sadd.s32 $0x47600, s6  }
0x16: {  	s22 =	simm.s32 $0x5;
	s25 =	simm.s32 $0x2780;
	s23 =	simm.s32 $0x6  }
0x17: {  	v0 =	vimm.f32 $0.0e+00;
	s24 =	simm.s32 $0x3;
	s6 =	simm.s32 $0x4;
	s7 =	simm.s32 $0x4380  }
.LBB2_1:
0x18: {  	s8 =	simm.s32 $0x0;
	s9 =	simm.s32 $0x200  }
.LBB2_2:
0x19: {  	p0 =	sne.s32 s9, $0x9E00;
	[tilespmem:s8+$0x47F0] =	vst v0  }
0x1a: {  	[tilespmem:s8+$0x4780] =	vst v0  }
0x1b: {  	[tilespmem:s8+$0x4790] =	vst v0  }
.Ltmp0:
0x1c: {  	[tilespmem:s8+$0x47A0] =	vst v0;
	(pc) =	sbr.rel @p0 .LBB2_2-.Ltmp0, $4  }
0x1d: {  	[tilespmem:s8+$0x47B0] =	vst v0  }
0x1e: {  	[tilespmem:s8+$0x47C0] =	vst v0  }
0x1f: {  	[tilespmem:s8+$0x47D0] =	vst v0  }
0x20: {  	[tilespmem:s8+$0x47E0] =	vst v0;
	s8 =	sshra.s32 s9, $0x2;
	s9 =	sadd.s32 $0x200, s9  }
0x21: {  	[tilespmem:s8+$0x47F0] =	vst v0  }
0x22: {  	[tilespmem:s8+$0x4780] =	vst v0  }
0x23: {  	[tilespmem:s8+$0x4790] =	vst v0  }
0x24: {  	[tilespmem:s8+$0x47A0] =	vst v0  }
0x25: {  	[tilespmem:s8+$0x47B0] =	vst v0  }
0x26: {  	[tilespmem:s8+$0x47C0] =	vst v0  }
0x27: {  	[tilespmem:s8+$0x47D0] =	vst v0  }
0x28: {  	[tilespmem:s8+$0x47E0] =	vst v0  }
0x29: {  	[spmem:s5] =	stream.linear.scatter [tilespmem:s21], [sflag:$0x5], $0x2800, $0x38;
	[tilespmem:$0x1FF80] =	vst v63  }
0x2a: {  	_ =	swait.ge [sflag:s22], $0x2800  }
0x2b: {  	[sflag:s22] =	ssyncset.done $0x0  }
0x2c: {  	s9 =	rddreg [dreg:$0x3];
	[sflag:s22] =	ssyncadd.s32 $0xFFFFD800  }
0x2d: {  	[spmem:s9] =	stream.linear.scatter [tilespmem:s21], [sflag:$0x5], $0x2800, $0x38;
	[tilespmem:$0x1FF80] =	vst v63  }
0x2e: {  	_ =	swait.ge [sflag:s22], $0x2800  }
0x2f: {  	[sflag:s22] =	ssyncset.done $0x0  }
0x30: {  	s10 =	rddreg [dreg:$0x4];
	[sflag:s22] =	ssyncadd.s32 $0xFFFFD800  }
0x31: {  	[spmem:s10] =	stream.linear.scatter [tilespmem:s21], [sflag:$0x5], $0x2800, $0x38;
	[tilespmem:$0x1FF80] =	vst v63  }
0x32: {  	_ =	swait.ge [sflag:s22], $0x2800  }
0x33: {  	[sflag:s22] =	ssyncset.done $0x0  }
0x34: {  	s11 =	rddreg [dreg:$0x5];
	[sflag:s22] =	ssyncadd.s32 $0xFFFFD800  }
0x35: {  	[spmem:s11] =	stream.linear.scatter [tilespmem:s21], [sflag:$0x5], $0x2800, $0x38;
	[tilespmem:$0x1FF80] =	vst v63  }
0x36: {  	_ =	swait.ge [sflag:s22], $0x2800  }
0x37: {  	[sflag:s22] =	ssyncset.done $0x0  }
0x38: {  	s26 =	rddreg [dreg:$0x6];
	[sflag:s22] =	ssyncadd.s32 $0xFFFFD800  }
0x39: {  	[spmem:s26] =	stream.linear.scatter [tilespmem:s21], [sflag:$0x5], $0x2800, $0x38;
	[tilespmem:$0x1FF80] =	vst v63  }
0x3a: {  	_ =	swait.ge [sflag:s22], $0x2800  }
0x3b: {  	[sflag:s22] =	ssyncset.done $0x0  }
0x3c: {  	s9 =	rddreg [dreg:$0x7];
	[sflag:s22] =	ssyncadd.s32 $0xFFFFD800  }
0x3d: {  	[spmem:s9] =	stream.linear.scatter [tilespmem:s21], [sflag:$0x5], $0x2800, $0x38;
	[tilespmem:$0x1FF80] =	vst v63  }
0x3e: {  	_ =	swait.ge [sflag:s22], $0x2800  }
0x3f: {  	[sflag:s22] =	ssyncset.done $0x0  }
0x40: {  	s10 =	rddreg [dreg:$0x8];
	[sflag:s22] =	ssyncadd.s32 $0xFFFFD800  }
0x41: {  	[spmem:s10] =	stream.linear.scatter [tilespmem:s21], [sflag:$0x5], $0x2800, $0x38;
	[tilespmem:$0x1FF80] =	vst v63  }
0x42: {  	_ =	swait.ge [sflag:s22], $0x2800  }
0x43: {  	[sflag:s22] =	ssyncset.done $0x0  }
0x44: {  	[sflag:s22] =	ssyncadd.s32 $0xFFFFD800  }
0x45: {  	[spmem:s12] =	stream.linear.scatter [tilespmem:s21], [sflag:$0x5], $0x2800, $0x38;
	[tilespmem:$0x1FF80] =	vst v63  }
0x46: {  	_ =	swait.ge [sflag:s22], $0x2800  }
0x47: {  	[sflag:s22] =	ssyncset.done $0x0  }
0x48: {  	s8 =	simm.s32 $0x0;
	[sflag:s22] =	ssyncadd.s32 $0xFFFFD800  }
0x49: {  	s9 =	simm.s32 $0x80;
	s10 =	simm.s32 $0x400;
	[bflag:$0x0] =	sbarrier.arrive $0xFFFF  }
0x4a: {  	[tilespmem:s8], [sflag:$0x5] =	stream.strided.gather [hbm4b:s13+s9], $0x2780, s10, s9, $0x38;
	[tilespmem:$0x1FF80] =	vst v63  }
0x4b: {  	_ =	swait.ge [sflag:s22], $0x2780  }
0x4c: {  	[sflag:s22] =	ssyncset.done $0x0  }
0x4d: {  	[sflag:s22] =	ssyncadd.s32 $0xFFFFD880  }
0x4e: {  	[tilespmem:s25], [sflag:$0x5] =	stream.linear.gather [hbm4b:s14+s8], $0xC80, $0x38;
	[tilespmem:$0x1FF80] =	vst v63  }
0x4f: {  	_ =	swait.ge [sflag:s22], $0xC80  }
0x50: {  	[sflag:s22] =	ssyncset.done $0x0  }
0x51: {  	s11 =	simm.s32 $0x3780;
	[sflag:s22] =	ssyncadd.s32 $0xFFFFF380  }
0x52: {  	[tilespmem:s11], [sflag:$0x4] =	stream.linear.gather [hbm4b:s15+s8], $0xC80, $0x38;
	[tilespmem:$0x1FF80] =	vst v63  }
0x53: {  	_ = 	snop  }
0x54: {  	[tilespmem:s21], [sflag:$0x1] =	stream.indirect.gather [hbm4b:s4+s28], $0x80, s8, s28, $0xb8;
	[tilespmem:$0x1FF80] =	vst v63  }
0x55: {  	_ = 	snop  }
0x56: {  	[tilespmem:s29], [sflag:$0x2] =	stream.indirect.gather [hbm4b:s4+s28], $0x80, s28, s28, $0xb8;
	[tilespmem:$0x1FF80] =	vst v63  }
0x57: {  	s26 =	simm.s32 $0xA0  }
0x58: {  	[tilespmem:s31], [sflag:$0x3] =	stream.indirect.gather [hbm4b:s4+s28], $0x80, s26, s28, $0xb8;
	[tilespmem:$0x1FF80] =	vst v63  }
0x59: {  	_ =	swait.ge [sflag:s1], $0x2800  }
0x5a: {  	[sflag:s1] =	ssyncset.done $0x0  }
0x5b: {  	[sflag:s1] =	ssyncadd.s32 $0xFFFFD800  }
0x5c: {  	[spmem:s2] =	stream.indirect.scatter.add.f32 [tilespmem:s21], [sflag:$0x6], $0x80, s25, s28, $0xb8;
	[tilespmem:$0x1FF80] =	vst v63  }
0x5d: {  	_ =	swait.ge [sflag:s23], $0x2800  }
0x5e: {  	[sflag:s23] =	ssyncset.done $0x0  }
0x5f: {  	s10 =	simm.s32 $0xF0;
	[sflag:s23] =	ssyncadd.s32 $0xFFFFD800  }
0x60: {  	[tilespmem:s21], [sflag:$0x1] =	stream.indirect.gather [hbm4b:s4+s28], $0x80, s10, s28, $0xb8;
	[tilespmem:$0x1FF80] =	vst v63  }
0x61: {  	_ =	swait.ge [sflag:s30], $0x2800  }
0x62: {  	[sflag:s30] =	ssyncset.done $0x0  }
0x63: {  	s11 =	simm.s32 $0x2800;
	[sflag:s30] =	ssyncadd.s32 $0xFFFFD800  }
0x64: {  	[spmem:s2] =	stream.indirect.scatter.add.f32 [tilespmem:s29], [sflag:$0x6], $0x80, s11, s28, $0xb8;
	[tilespmem:$0x1FF80] =	vst v63  }
0x65: {  	_ =	swait.ge [sflag:s23], $0x2800  }
0x66: {  	[sflag:s23] =	ssyncset.done $0x0  }
0x67: {  	s26 =	simm.s32 $0x140;
	[sflag:s23] =	ssyncadd.s32 $0xFFFFD800  }
0x68: {  	[tilespmem:s29], [sflag:$0x2] =	stream.indirect.gather [hbm4b:s4+s28], $0x80, s26, s28, $0xb8;
	[tilespmem:$0x1FF80] =	vst v63  }
0x69: {  	_ =	swait.ge [sflag:s24], $0x2800  }
0x6a: {  	[sflag:s24] =	ssyncset.done $0x0  }
0x6b: {  	s10 =	simm.s32 $0x2880;
	[sflag:s24] =	ssyncadd.s32 $0xFFFFD800  }
0x6c: {  	[spmem:s2] =	stream.indirect.scatter.add.f32 [tilespmem:s31], [sflag:$0x5], $0x80, s10, s28, $0xb8;
	[tilespmem:$0x1FF80] =	vst v63  }
0x6d: {  	_ =	swait.ge [sflag:s22], $0x2800  }
0x6e: {  	[sflag:s22] =	ssyncset.done $0x0  }
0x6f: {  	s11 =	simm.s32 $0x190;
	[sflag:s22] =	ssyncadd.s32 $0xFFFFD800  }
0x70: {  	[tilespmem:s31], [sflag:$0x3] =	stream.indirect.gather [hbm4b:s4+s28], $0x80, s11, s28, $0xb8;
	[tilespmem:$0x1FF80] =	vst v63  }
0x71: {  	_ =	swait.ge [sflag:s1], $0x2800  }
0x72: {  	[sflag:s1] =	ssyncset.done $0x0  }
0x73: {  	s26 =	simm.s32 $0x2900;
	[sflag:s1] =	ssyncadd.s32 $0xFFFFD800  }
0x74: {  	[spmem:s2] =	stream.indirect.scatter.add.f32 [tilespmem:s21], [sflag:$0x6], $0x80, s26, s28, $0xb8;
	[tilespmem:$0x1FF80] =	vst v63  }
0x75: {  	_ =	swait.ge [sflag:s23], $0x2800  }
0x76: {  	[sflag:s23] =	ssyncset.done $0x0  }
0x77: {  	s10 =	simm.s32 $0x1E0;
	[sflag:s23] =	ssyncadd.s32 $0xFFFFD800  }
0x78: {  	[tilespmem:s21], [sflag:$0x1] =	stream.indirect.gather [hbm4b:s4+s28], $0x80, s10, s28, $0xb8;
	[tilespmem:$0x1FF80] =	vst v63  }
0x79: {  	_ =	swait.ge [sflag:s30], $0x2800  }
0x7a: {  	[sflag:s30] =	ssyncset.done $0x0  }
0x7b: {  	s11 =	simm.s32 $0x2980;
	[sflag:s30] =	ssyncadd.s32 $0xFFFFD800  }
0x7c: {  	[spmem:s2] =	stream.indirect.scatter.add.f32 [tilespmem:s29], [sflag:$0x6], $0x80, s11, s28, $0xb8;
	[tilespmem:$0x1FF80] =	vst v63  }
0x7d: {  	_ =	swait.ge [sflag:s23], $0x2800  }
0x7e: {  	[sflag:s23] =	ssyncset.done $0x0  }
0x7f: {  	s26 =	simm.s32 $0x230;
	[sflag:s23] =	ssyncadd.s32 $0xFFFFD800  }
0x80: {  	[tilespmem:s29], [sflag:$0x2] =	stream.indirect.gather [hbm4b:s4+s28], $0x80, s26, s28, $0xb8;
	[tilespmem:$0x1FF80] =	vst v63  }
0x81: {  	_ =	swait.ge [sflag:s24], $0x2800  }
0x82: {  	[sflag:s24] =	ssyncset.done $0x0  }
0x83: {  	s10 =	simm.s32 $0x2A00;
	[sflag:s24] =	ssyncadd.s32 $0xFFFFD800  }
0x84: {  	[spmem:s2] =	stream.indirect.scatter.add.f32 [tilespmem:s31], [sflag:$0x5], $0x80, s10, s28, $0xb8;
	[tilespmem:$0x1FF80] =	vst v63  }
0x85: {  	_ =	swait.ge [sflag:s22], $0x2800  }
0x86: {  	[sflag:s22] =	ssyncset.done $0x0  }
0x87: {  	s11 =	simm.s32 $0x280;
	[sflag:s22] =	ssyncadd.s32 $0xFFFFD800  }
0x88: {  	[tilespmem:s31], [sflag:$0x3] =	stream.indirect.gather [hbm4b:s4+s28], $0x80, s11, s28, $0xb8;
	[tilespmem:$0x1FF80] =	vst v63  }
0x89: {  	_ =	swait.ge [sflag:s1], $0x2800  }
0x8a: {  	[sflag:s1] =	ssyncset.done $0x0  }
0x8b: {  	s26 =	simm.s32 $0x2A80;
	[sflag:s1] =	ssyncadd.s32 $0xFFFFD800  }
0x8c: {  	[spmem:s2] =	stream.indirect.scatter.add.f32 [tilespmem:s21], [sflag:$0x6], $0x80, s26, s28, $0xb8;
	[tilespmem:$0x1FF80] =	vst v63  }
0x8d: {  	_ =	swait.ge [sflag:s23], $0x2800  }
0x8e: {  	[sflag:s23] =	ssyncset.done $0x0  }
0x8f: {  	s10 =	simm.s32 $0x2D0;
	[sflag:s23] =	ssyncadd.s32 $0xFFFFD800  }
0x90: {  	[tilespmem:s21], [sflag:$0x1] =	stream.indirect.gather [hbm4b:s4+s28], $0x80, s10, s28, $0xb8;
	[tilespmem:$0x1FF80] =	vst v63  }
0x91: {  	_ =	swait.ge [sflag:s30], $0x2800  }
0x92: {  	[sflag:s30] =	ssyncset.done $0x0  }
0x93: {  	s11 =	simm.s32 $0x2B00;
	[sflag:s30] =	ssyncadd.s32 $0xFFFFD800  }
0x94: {  	[spmem:s2] =	stream.indirect.scatter.add.f32 [tilespmem:s29], [sflag:$0x6], $0x80, s11, s28, $0xb8;
	[tilespmem:$0x1FF80] =	vst v63  }
0x95: {  	_ =	swait.ge [sflag:s23], $0x2800  }
0x96: {  	[sflag:s23] =	ssyncset.done $0x0  }
0x97: {  	s26 =	simm.s32 $0x320;
	[sflag:s23] =	ssyncadd.s32 $0xFFFFD800  }
0x98: {  	[tilespmem:s29], [sflag:$0x2] =	stream.indirect.gather [hbm4b:s4+s28], $0x80, s26, s28, $0xb8;
	[tilespmem:$0x1FF80] =	vst v63  }
0x99: {  	_ =	swait.ge [sflag:s24], $0x2800  }
0x9a: {  	[sflag:s24] =	ssyncset.done $0x0  }
0x9b: {  	s10 =	simm.s32 $0x2B80;
	[sflag:s24] =	ssyncadd.s32 $0xFFFFD800  }
0x9c: {  	[spmem:s2] =	stream.indirect.scatter.add.f32 [tilespmem:s31], [sflag:$0x5], $0x80, s10, s28, $0xb8;
	[tilespmem:$0x1FF80] =	vst v63  }
0x9d: {  	_ =	swait.ge [sflag:s22], $0x2800  }
0x9e: {  	[sflag:s22] =	ssyncset.done $0x0  }
0x9f: {  	s11 =	simm.s32 $0x370;
	[sflag:s22] =	ssyncadd.s32 $0xFFFFD800  }
0xa0: {  	[tilespmem:s31], [sflag:$0x3] =	stream.indirect.gather [hbm4b:s4+s28], $0x80, s11, s28, $0xb8;
	[tilespmem:$0x1FF80] =	vst v63  }
0xa1: {  	_ =	swait.ge [sflag:s1], $0x2800  }
0xa2: {  	[sflag:s1] =	ssyncset.done $0x0  }
0xa3: {  	s26 =	simm.s32 $0x2C00;
	[sflag:s1] =	ssyncadd.s32 $0xFFFFD800  }
0xa4: {  	[spmem:s2] =	stream.indirect.scatter.add.f32 [tilespmem:s21], [sflag:$0x6], $0x80, s26, s28, $0xb8;
	[tilespmem:$0x1FF80] =	vst v63  }
0xa5: {  	_ =	swait.ge [sflag:s23], $0x2800  }
0xa6: {  	[sflag:s23] =	ssyncset.done $0x0  }
0xa7: {  	s10 =	simm.s32 $0x3C0;
	[sflag:s23] =	ssyncadd.s32 $0xFFFFD800  }
0xa8: {  	[tilespmem:s21], [sflag:$0x1] =	stream.indirect.gather [hbm4b:s4+s28], $0x80, s10, s28, $0xb8;
	[tilespmem:$0x1FF80] =	vst v63  }
0xa9: {  	_ =	swait.ge [sflag:s30], $0x2800  }
0xaa: {  	[sflag:s30] =	ssyncset.done $0x0  }
0xab: {  	s11 =	simm.s32 $0x2C80;
	[sflag:s30] =	ssyncadd.s32 $0xFFFFD800  }
0xac: {  	[spmem:s2] =	stream.indirect.scatter.add.f32 [tilespmem:s29], [sflag:$0x6], $0x80, s11, s28, $0xb8;
	[tilespmem:$0x1FF80] =	vst v63  }
0xad: {  	_ =	swait.ge [sflag:s23], $0x2800  }
0xae: {  	[sflag:s23] =	ssyncset.done $0x0  }
0xaf: {  	s26 =	simm.s32 $0x410;
	[sflag:s23] =	ssyncadd.s32 $0xFFFFD800  }
0xb0: {  	[tilespmem:s29], [sflag:$0x2] =	stream.indirect.gather [hbm4b:s4+s28], $0x80, s26, s28, $0xb8;
	[tilespmem:$0x1FF80] =	vst v63  }
0xb1: {  	_ =	swait.ge [sflag:s24], $0x2800  }
0xb2: {  	[sflag:s24] =	ssyncset.done $0x0  }
0xb3: {  	s10 =	simm.s32 $0x2D00;
	[sflag:s24] =	ssyncadd.s32 $0xFFFFD800  }
0xb4: {  	[spmem:s2] =	stream.indirect.scatter.add.f32 [tilespmem:s31], [sflag:$0x5], $0x80, s10, s28, $0xb8;
	[tilespmem:$0x1FF80] =	vst v63  }
0xb5: {  	_ =	swait.ge [sflag:s22], $0x2800  }
0xb6: {  	[sflag:s22] =	ssyncset.done $0x0  }
0xb7: {  	s11 =	simm.s32 $0x460;
	[sflag:s22] =	ssyncadd.s32 $0xFFFFD800  }
0xb8: {  	[tilespmem:s31], [sflag:$0x3] =	stream.indirect.gather [hbm4b:s4+s28], $0x80, s11, s28, $0xb8;
	[tilespmem:$0x1FF80] =	vst v63  }
0xb9: {  	_ =	swait.ge [sflag:s1], $0x2800  }
0xba: {  	[sflag:s1] =	ssyncset.done $0x0  }
0xbb: {  	s26 =	simm.s32 $0x2D80;
	[sflag:s1] =	ssyncadd.s32 $0xFFFFD800  }
0xbc: {  	[spmem:s2] =	stream.indirect.scatter.add.f32 [tilespmem:s21], [sflag:$0x6], $0x80, s26, s28, $0xb8;
	[tilespmem:$0x1FF80] =	vst v63  }
0xbd: {  	_ =	swait.ge [sflag:s23], $0x2800  }
0xbe: {  	[sflag:s23] =	ssyncset.done $0x0  }
0xbf: {  	s10 =	simm.s32 $0x4B0;
	[sflag:s23] =	ssyncadd.s32 $0xFFFFD800  }
0xc0: {  	[tilespmem:s21], [sflag:$0x1] =	stream.indirect.gather [hbm4b:s4+s28], $0x80, s10, s28, $0xb8;
	[tilespmem:$0x1FF80] =	vst v63  }
0xc1: {  	_ =	swait.ge [sflag:s30], $0x2800  }
0xc2: {  	[sflag:s30] =	ssyncset.done $0x0  }
0xc3: {  	s11 =	simm.s32 $0x2E00;
	[sflag:s30] =	ssyncadd.s32 $0xFFFFD800  }
0xc4: {  	[spmem:s2] =	stream.indirect.scatter.add.f32 [tilespmem:s29], [sflag:$0x6], $0x80, s11, s28, $0xb8;
	[tilespmem:$0x1FF80] =	vst v63  }
0xc5: {  	_ =	swait.ge [sflag:s23], $0x2800  }
0xc6: {  	[sflag:s23] =	ssyncset.done $0x0  }
0xc7: {  	s26 =	simm.s32 $0x500;
	[sflag:s23] =	ssyncadd.s32 $0xFFFFD800  }
0xc8: {  	[tilespmem:s29], [sflag:$0x2] =	stream.indirect.gather [hbm4b:s4+s28], $0x80, s26, s28, $0xb8;
	[tilespmem:$0x1FF80] =	vst v63  }
0xc9: {  	_ =	swait.ge [sflag:s24], $0x2800  }
0xca: {  	[sflag:s24] =	ssyncset.done $0x0  }
0xcb: {  	s10 =	simm.s32 $0x2E80;
	[sflag:s24] =	ssyncadd.s32 $0xFFFFD800  }
0xcc: {  	[spmem:s2] =	stream.indirect.scatter.add.f32 [tilespmem:s31], [sflag:$0x5], $0x80, s10, s28, $0xb8;
	[tilespmem:$0x1FF80] =	vst v63  }
0xcd: {  	_ =	swait.ge [sflag:s22], $0x2800  }
0xce: {  	[sflag:s22] =	ssyncset.done $0x0  }
0xcf: {  	s11 =	simm.s32 $0x550;
	[sflag:s22] =	ssyncadd.s32 $0xFFFFD800  }
0xd0: {  	[tilespmem:s31], [sflag:$0x3] =	stream.indirect.gather [hbm4b:s4+s28], $0x80, s11, s28, $0xb8;
	[tilespmem:$0x1FF80] =	vst v63  }
0xd1: {  	_ =	swait.ge [sflag:s1], $0x2800  }
0xd2: {  	[sflag:s1] =	ssyncset.done $0x0  }
0xd3: {  	s26 =	simm.s32 $0x2F00;
	[sflag:s1] =	ssyncadd.s32 $0xFFFFD800  }
0xd4: {  	[spmem:s2] =	stream.indirect.scatter.add.f32 [tilespmem:s21], [sflag:$0x6], $0x80, s26, s28, $0xb8;
	[tilespmem:$0x1FF80] =	vst v63  }
0xd5: {  	_ =	swait.ge [sflag:s23], $0x2800  }
0xd6: {  	[sflag:s23] =	ssyncset.done $0x0  }
0xd7: {  	s10 =	simm.s32 $0x5A0;
	[sflag:s23] =	ssyncadd.s32 $0xFFFFD800  }
0xd8: {  	[tilespmem:s21], [sflag:$0x1] =	stream.indirect.gather [hbm4b:s4+s28], $0x80, s10, s28, $0xb8;
	[tilespmem:$0x1FF80] =	vst v63  }
0xd9: {  	_ =	swait.ge [sflag:s30], $0x2800  }
0xda: {  	[sflag:s30] =	ssyncset.done $0x0  }
0xdb: {  	s11 =	simm.s32 $0x2F80;
	[sflag:s30] =	ssyncadd.s32 $0xFFFFD800  }
0xdc: {  	[spmem:s2] =	stream.indirect.scatter.add.f32 [tilespmem:s29], [sflag:$0x6], $0x80, s11, s28, $0xb8;
	[tilespmem:$0x1FF80] =	vst v63  }
0xdd: {  	_ =	swait.ge [sflag:s23], $0x2800  }
0xde: {  	[sflag:s23] =	ssyncset.done $0x0  }
0xdf: {  	s26 =	simm.s32 $0x5F0;
	[sflag:s23] =	ssyncadd.s32 $0xFFFFD800  }
0xe0: {  	[tilespmem:s29], [sflag:$0x2] =	stream.indirect.gather [hbm4b:s4+s28], $0x80, s26, s28, $0xb8;
	[tilespmem:$0x1FF80] =	vst v63  }
0xe1: {  	_ =	swait.ge [sflag:s24], $0x2800  }
0xe2: {  	[sflag:s24] =	ssyncset.done $0x0  }
0xe3: {  	s10 =	simm.s32 $0x3000;
	[sflag:s24] =	ssyncadd.s32 $0xFFFFD800  }
0xe4: {  	[spmem:s2] =	stream.indirect.scatter.add.f32 [tilespmem:s31], [sflag:$0x5], $0x80, s10, s28, $0xb8;
	[tilespmem:$0x1FF80] =	vst v63  }
0xe5: {  	_ =	swait.ge [sflag:s22], $0x2800  }
0xe6: {  	[sflag:s22] =	ssyncset.done $0x0  }
0xe7: {  	s11 =	simm.s32 $0x640;
	[sflag:s22] =	ssyncadd.s32 $0xFFFFD800  }
0xe8: {  	[tilespmem:s31], [sflag:$0x3] =	stream.indirect.gather [hbm4b:s4+s28], $0x80, s11, s28, $0xb8;
	[tilespmem:$0x1FF80] =	vst v63  }
0xe9: {  	_ =	swait.ge [sflag:s1], $0x2800  }
0xea: {  	[sflag:s1] =	ssyncset.done $0x0  }
0xeb: {  	s26 =	simm.s32 $0x3080;
	[sflag:s1] =	ssyncadd.s32 $0xFFFFD800  }
0xec: {  	[spmem:s2] =	stream.indirect.scatter.add.f32 [tilespmem:s21], [sflag:$0x6], $0x80, s26, s28, $0xb8;
	[tilespmem:$0x1FF80] =	vst v63  }
0xed: {  	_ =	swait.ge [sflag:s23], $0x2800  }
0xee: {  	[sflag:s23] =	ssyncset.done $0x0  }
0xef: {  	s10 =	simm.s32 $0x690;
	[sflag:s23] =	ssyncadd.s32 $0xFFFFD800  }
0xf0: {  	[tilespmem:s21], [sflag:$0x1] =	stream.indirect.gather [hbm4b:s4+s28], $0x80, s10, s28, $0xb8;
	[tilespmem:$0x1FF80] =	vst v63  }
0xf1: {  	_ =	swait.ge [sflag:s30], $0x2800  }
0xf2: {  	[sflag:s30] =	ssyncset.done $0x0  }
0xf3: {  	s11 =	simm.s32 $0x3100;
	[sflag:s30] =	ssyncadd.s32 $0xFFFFD800  }
0xf4: {  	[spmem:s2] =	stream.indirect.scatter.add.f32 [tilespmem:s29], [sflag:$0x6], $0x80, s11, s28, $0xb8;
	[tilespmem:$0x1FF80] =	vst v63  }
0xf5: {  	_ =	swait.ge [sflag:s23], $0x2800  }
0xf6: {  	[sflag:s23] =	ssyncset.done $0x0  }
0xf7: {  	s26 =	simm.s32 $0x6E0;
	[sflag:s23] =	ssyncadd.s32 $0xFFFFD800  }
0xf8: {  	[tilespmem:s29], [sflag:$0x2] =	stream.indirect.gather [hbm4b:s4+s28], $0x80, s26, s28, $0xb8;
	[tilespmem:$0x1FF80] =	vst v63  }
0xf9: {  	_ =	swait.ge [sflag:s24], $0x2800  }
0xfa: {  	[sflag:s24] =	ssyncset.done $0x0  }
0xfb: {  	s10 =	simm.s32 $0x3180;
	[sflag:s24] =	ssyncadd.s32 $0xFFFFD800  }
0xfc: {  	[spmem:s2] =	stream.indirect.scatter.add.f32 [tilespmem:s31], [sflag:$0x5], $0x80, s10, s28, $0xb8;
	[tilespmem:$0x1FF80] =	vst v63  }
0xfd: {  	_ =	swait.ge [sflag:s22], $0x2800  }
0xfe: {  	[sflag:s22] =	ssyncset.done $0x0  }
0xff: {  	s11 =	simm.s32 $0x730;
	[sflag:s22] =	ssyncadd.s32 $0xFFFFD800  }
0x100: {  	[tilespmem:s31], [sflag:$0x3] =	stream.indirect.gather [hbm4b:s4+s28], $0x80, s11, s28, $0xb8;
	[tilespmem:$0x1FF80] =	vst v63  }
0x101: {  	_ =	swait.ge [sflag:s1], $0x2800  }
0x102: {  	[sflag:s1] =	ssyncset.done $0x0  }
0x103: {  	s26 =	simm.s32 $0x3200;
	[sflag:s1] =	ssyncadd.s32 $0xFFFFD800  }
0x104: {  	[spmem:s2] =	stream.indirect.scatter.add.f32 [tilespmem:s21], [sflag:$0x6], $0x80, s26, s28, $0xb8;
	[tilespmem:$0x1FF80] =	vst v63  }
0x105: {  	_ =	swait.ge [sflag:s23], $0x2800  }
0x106: {  	[sflag:s23] =	ssyncset.done $0x0  }
0x107: {  	s10 =	simm.s32 $0x780;
	[sflag:s23] =	ssyncadd.s32 $0xFFFFD800  }
0x108: {  	[tilespmem:s21], [sflag:$0x1] =	stream.indirect.gather [hbm4b:s4+s28], $0x80, s10, s28, $0xb8;
	[tilespmem:$0x1FF80] =	vst v63  }
0x109: {  	_ =	swait.ge [sflag:s30], $0x2800  }
0x10a: {  	[sflag:s30] =	ssyncset.done $0x0  }
0x10b: {  	s11 =	simm.s32 $0x3280;
	[sflag:s30] =	ssyncadd.s32 $0xFFFFD800  }
0x10c: {  	[spmem:s2] =	stream.indirect.scatter.add.f32 [tilespmem:s29], [sflag:$0x6], $0x80, s11, s28, $0xb8;
	[tilespmem:$0x1FF80] =	vst v63  }
0x10d: {  	_ =	swait.ge [sflag:s23], $0x2800  }
0x10e: {  	[sflag:s23] =	ssyncset.done $0x0  }
0x10f: {  	[sflag:s23] =	ssyncadd.s32 $0xFFFFD800  }
0x110: {  	_ =	swait.ge [sflag:s24], $0x2800  }
0x111: {  	[sflag:s24] =	ssyncset.done $0x0  }
0x112: {  	s26 =	simm.s32 $0x3300;
	[sflag:s24] =	ssyncadd.s32 $0xFFFFD800  }
0x113: {  	[spmem:s2] =	stream.indirect.scatter.add.f32 [tilespmem:s31], [sflag:$0x5], $0x80, s26, s28, $0xb8;
	[tilespmem:$0x1FF80] =	vst v63  }
0x114: {  	_ =	swait.ge [sflag:s22], $0x2800  }
0x115: {  	[sflag:s22] =	ssyncset.done $0x0  }
0x116: {  	[sflag:s22] =	ssyncadd.s32 $0xFFFFD800  }
0x117: {  	_ =	swait.ge [sflag:s1], $0x2800  }
0x118: {  	[sflag:s1] =	ssyncset.done $0x0  }
0x119: {  	[sflag:s1] =	ssyncadd.s32 $0xFFFFD800  }
0x11a: {  	[spmem:s2] =	stream.indirect.scatter.add.f32 [tilespmem:s21], [sflag:$0x6], $0x80, s0, s28, $0xb8;
	[tilespmem:$0x1FF80] =	vst v63  }
0x11b: {  	_ =	swait.ge [sflag:s23], $0x2800  }
0x11c: {  	[sflag:s23] =	ssyncset.done $0x0  }
0x11d: {  	[sflag:s23] =	ssyncadd.s32 $0xFFFFD800  }
0x11e: {  	_ =	swait.ge [sflag:s6], $0xC80  }
0x11f: {  	[sflag:s6] =	ssyncset.done $0x0  }
0x120: {  	[sflag:s6] =	ssyncadd.s32 $0xFFFFF380  }
0x121: {  	[tilespmem:s25], [sflag:$0x4] =	stream.linear.gather [hbm4b:s16+s8], $0xC80, $0x38;
	[tilespmem:$0x1FF80] =	vst v63  }
0x122: {  	s9 =	simm.s32 $0x7D0  }
0x123: {  	[tilespmem:s21], [sflag:$0x1] =	stream.indirect.gather [hbm4b:s4+s28], $0x80, s9, s28, $0xb8;
	[tilespmem:$0x1FF80] =	vst v63  }
0x124: {  	s10 =	simm.s32 $0x820  }
0x125: {  	[tilespmem:s29], [sflag:$0x2] =	stream.indirect.gather [hbm4b:s4+s28], $0x80, s10, s28, $0xb8;
	[tilespmem:$0x1FF80] =	vst v63  }
0x126: {  	s11 =	simm.s32 $0x870  }
0x127: {  	[tilespmem:s31], [sflag:$0x3] =	stream.indirect.gather [hbm4b:s4+s28], $0x80, s11, s28, $0xb8;
	[tilespmem:$0x1FF80] =	vst v63  }
0x128: {  	_ =	swait.ge [sflag:s1], $0x2800  }
0x129: {  	[sflag:s1] =	ssyncset.done $0x0  }
0x12a: {  	s26 =	simm.s32 $0x3780;
	[sflag:s1] =	ssyncadd.s32 $0xFFFFD800  }
0x12b: {  	[spmem:s2] =	stream.indirect.scatter.add.f32 [tilespmem:s21], [sflag:$0x6], $0x80, s26, s28, $0xb8;
	[tilespmem:$0x1FF80] =	vst v63  }
0x12c: {  	_ =	swait.ge [sflag:s23], $0x2800  }
0x12d: {  	[sflag:s23] =	ssyncset.done $0x0  }
0x12e: {  	s9 =	simm.s32 $0x8C0;
	[sflag:s23] =	ssyncadd.s32 $0xFFFFD800  }
0x12f: {  	[tilespmem:s21], [sflag:$0x1] =	stream.indirect.gather [hbm4b:s4+s28], $0x80, s9, s28, $0xb8;
	[tilespmem:$0x1FF80] =	vst v63  }
0x130: {  	_ =	swait.ge [sflag:s30], $0x2800  }
0x131: {  	[sflag:s30] =	ssyncset.done $0x0  }
0x132: {  	s10 =	simm.s32 $0x3800;
	[sflag:s30] =	ssyncadd.s32 $0xFFFFD800  }
0x133: {  	[spmem:s2] =	stream.indirect.scatter.add.f32 [tilespmem:s29], [sflag:$0x6], $0x80, s10, s28, $0xb8;
	[tilespmem:$0x1FF80] =	vst v63  }
0x134: {  	_ =	swait.ge [sflag:s23], $0x2800  }
0x135: {  	[sflag:s23] =	ssyncset.done $0x0  }
0x136: {  	s11 =	simm.s32 $0x910;
	[sflag:s23] =	ssyncadd.s32 $0xFFFFD800  }
0x137: {  	[tilespmem:s29], [sflag:$0x2] =	stream.indirect.gather [hbm4b:s4+s28], $0x80, s11, s28, $0xb8;
	[tilespmem:$0x1FF80] =	vst v63  }
0x138: {  	_ =	swait.ge [sflag:s24], $0x2800  }
0x139: {  	[sflag:s24] =	ssyncset.done $0x0  }
0x13a: {  	s26 =	simm.s32 $0x3880;
	[sflag:s24] =	ssyncadd.s32 $0xFFFFD800  }
0x13b: {  	[spmem:s2] =	stream.indirect.scatter.add.f32 [tilespmem:s31], [sflag:$0x5], $0x80, s26, s28, $0xb8;
	[tilespmem:$0x1FF80] =	vst v63  }
0x13c: {  	s8 =	simm.s32 $0x3A00;
	_ =	swait.ge [sflag:s22], $0x2800  }
0x13d: {  	s9 =	simm.s32 $0x780;
	s26 =	simm.s32 $0xF0;
	[sflag:s22] =	ssyncset.done $0x0  }
.LBB2_4:
0x13e: {  	s10 =	sadd.s32 $0x870, s26  }
0x13f: {  	[sflag:s22] =	ssyncadd.s32 $0xFFFFD800;
	s11 =	smov.u32 s9;
	s9 =	sadd.s32 $0x3C0, s9  }
0x140: {  	[tilespmem:s31], [sflag:$0x3] =	stream.indirect.gather [hbm4b:s4+s28], $0x80, s10, s28, $0xb8;
	[tilespmem:$0x1FF80] =	vst v63  }
0x141: {  	p0 =	sne.s32 s9, $0x1A40;
	_ =	swait.ge [sflag:s1], $0x2800  }
0x142: {  	[sflag:s1] =	ssyncset.done $0x0  }
0x143: {  	s10 =	sadd.s32 $0xFFFFFF00, s8;
	[sflag:s1] =	ssyncadd.s32 $0xFFFFD800  }
0x144: {  	[spmem:s2] =	stream.indirect.scatter.add.f32 [tilespmem:s21], [sflag:$0x6], $0x80, s10, s28, $0xb8;
	[tilespmem:$0x1FF80] =	vst v63  }
0x145: {  	_ =	swait.ge [sflag:s23], $0x2800  }
0x146: {  	[sflag:s23] =	ssyncset.done $0x0  }
0x147: {  	s10 =	sadd.s32 $0x8C0, s26;
	[sflag:s23] =	ssyncadd.s32 $0xFFFFD800  }
0x148: {  	[tilespmem:s21], [sflag:$0x1] =	stream.indirect.gather [hbm4b:s4+s28], $0x80, s10, s28, $0xb8;
	[tilespmem:$0x1FF80] =	vst v63  }
0x149: {  	_ =	swait.ge [sflag:s30], $0x2800  }
0x14a: {  	[sflag:s30] =	ssyncset.done $0x0  }
0x14b: {  	s10 =	sadd.s32 $0xFFFFFF80, s8;
	[sflag:s30] =	ssyncadd.s32 $0xFFFFD800  }
0x14c: {  	[spmem:s2] =	stream.indirect.scatter.add.f32 [tilespmem:s29], [sflag:$0x6], $0x80, s10, s28, $0xb8;
	[tilespmem:$0x1FF80] =	vst v63  }
0x14d: {  	_ =	swait.ge [sflag:s23], $0x2800  }
0x14e: {  	[sflag:s23] =	ssyncset.done $0x0  }
0x14f: {  	s10 =	sadd.s32 $0x910, s26;
	[sflag:s23] =	ssyncadd.s32 $0xFFFFD800  }
0x150: {  	[tilespmem:s29], [sflag:$0x2] =	stream.indirect.gather [hbm4b:s4+s28], $0x80, s10, s28, $0xb8;
	[tilespmem:$0x1FF80] =	vst v63  }
0x151: {  	_ =	swait.ge [sflag:s24], $0x2800  }
.Ltmp1:
0x152: {  	[sflag:s24] =	ssyncset.done $0x0;
	(pc) =	sbr.rel @p0 .LBB2_4-.Ltmp1, $4  }
0x153: {  	[sflag:s24] =	ssyncadd.s32 $0xFFFFD800  }
0x154: {  	[spmem:s2] =	stream.indirect.scatter.add.f32 [tilespmem:s31], [sflag:$0x5], $0x80, s8, s28, $0xb8;
	[tilespmem:$0x1FF80] =	vst v63  }
0x155: {  	_ =	swait.ge [sflag:s22], $0x2800  }
0x156: {  	s26 =	sshra.s32 s11, $0x2;
	s8 =	sadd.s32 $0x180, s8;
	[sflag:s22] =	ssyncset.done $0x0  }
0x157: {  	s10 =	sadd.s32 $0x870, s26;
	[sflag:s22] =	ssyncadd.s32 $0xFFFFD800  }
0x158: {  	[tilespmem:s31], [sflag:$0x3] =	stream.indirect.gather [hbm4b:s4+s28], $0x80, s10, s28, $0xb8;
	[tilespmem:$0x1FF80] =	vst v63  }
0x159: {  	_ =	swait.ge [sflag:s1], $0x2800  }
0x15a: {  	[sflag:s1] =	ssyncset.done $0x0  }
0x15b: {  	s11 =	sadd.s32 $0xFFFFFF00, s8;
	[sflag:s1] =	ssyncadd.s32 $0xFFFFD800  }
0x15c: {  	[spmem:s2] =	stream.indirect.scatter.add.f32 [tilespmem:s21], [sflag:$0x6], $0x80, s11, s28, $0xb8;
	[tilespmem:$0x1FF80] =	vst v63  }
0x15d: {  	_ =	swait.ge [sflag:s23], $0x2800  }
0x15e: {  	[sflag:s23] =	ssyncset.done $0x0  }
0x15f: {  	s11 =	sadd.s32 $0x8C0, s26;
	[sflag:s23] =	ssyncadd.s32 $0xFFFFD800  }
0x160: {  	[tilespmem:s21], [sflag:$0x1] =	stream.indirect.gather [hbm4b:s4+s28], $0x80, s11, s28, $0xb8;
	[tilespmem:$0x1FF80] =	vst v63  }
0x161: {  	_ =	swait.ge [sflag:s30], $0x2800  }
0x162: {  	[sflag:s30] =	ssyncset.done $0x0  }
0x163: {  	s11 =	sadd.s32 $0xFFFFFF80, s8;
	[sflag:s30] =	ssyncadd.s32 $0xFFFFD800  }
0x164: {  	[spmem:s2] =	stream.indirect.scatter.add.f32 [tilespmem:s29], [sflag:$0x6], $0x80, s11, s28, $0xb8;
	[tilespmem:$0x1FF80] =	vst v63  }
0x165: {  	_ =	swait.ge [sflag:s23], $0x2800  }
0x166: {  	[sflag:s23] =	ssyncset.done $0x0  }
0x167: {  	s11 =	sadd.s32 $0x910, s26;
	[sflag:s23] =	ssyncadd.s32 $0xFFFFD800  }
0x168: {  	[tilespmem:s29], [sflag:$0x2] =	stream.indirect.gather [hbm4b:s4+s28], $0x80, s11, s28, $0xb8;
	[tilespmem:$0x1FF80] =	vst v63  }
0x169: {  	_ =	swait.ge [sflag:s24], $0x2800  }
0x16a: {  	[sflag:s24] =	ssyncset.done $0x0  }
0x16b: {  	[sflag:s24] =	ssyncadd.s32 $0xFFFFD800  }
0x16c: {  	[spmem:s2] =	stream.indirect.scatter.add.f32 [tilespmem:s31], [sflag:$0x5], $0x80, s8, s28, $0xb8;
	[tilespmem:$0x1FF80] =	vst v63  }
0x16d: {  	_ =	swait.ge [sflag:s22], $0x2800  }
0x16e: {  	s9 =	sshra.s32 s9, $0x2;
	[sflag:s22] =	ssyncset.done $0x0  }
0x16f: {  	s26 =	sadd.s32 $0x870, s9;
	[sflag:s22] =	ssyncadd.s32 $0xFFFFD800  }
0x170: {  	[tilespmem:s31], [sflag:$0x3] =	stream.indirect.gather [hbm4b:s4+s28], $0x80, s26, s28, $0xb8;
	[tilespmem:$0x1FF80] =	vst v63  }
0x171: {  	_ =	swait.ge [sflag:s1], $0x2800  }
0x172: {  	[sflag:s1] =	ssyncset.done $0x0  }
0x173: {  	s11 =	sadd.s32 $0x80, s8;
	[sflag:s1] =	ssyncadd.s32 $0xFFFFD800  }
0x174: {  	[spmem:s2] =	stream.indirect.scatter.add.f32 [tilespmem:s21], [sflag:$0x6], $0x80, s11, s28, $0xb8;
	[tilespmem:$0x1FF80] =	vst v63  }
0x175: {  	_ =	swait.ge [sflag:s23], $0x2800  }
0x176: {  	[sflag:s23] =	ssyncset.done $0x0  }
0x177: {  	s9 =	sadd.s32 $0x8C0, s9;
	[sflag:s23] =	ssyncadd.s32 $0xFFFFD800  }
0x178: {  	[tilespmem:s21], [sflag:$0x1] =	stream.indirect.gather [hbm4b:s4+s28], $0x80, s9, s28, $0xb8;
	[tilespmem:$0x1FF80] =	vst v63  }
0x179: {  	_ =	swait.ge [sflag:s30], $0x2800  }
0x17a: {  	[sflag:s30] =	ssyncset.done $0x0  }
0x17b: {  	s26 =	sadd.s32 $0x100, s8;
	[sflag:s30] =	ssyncadd.s32 $0xFFFFD800  }
0x17c: {  	[spmem:s2] =	stream.indirect.scatter.add.f32 [tilespmem:s29], [sflag:$0x6], $0x80, s26, s28, $0xb8;
	[tilespmem:$0x1FF80] =	vst v63  }
0x17d: {  	_ =	swait.ge [sflag:s23], $0x2800  }
0x17e: {  	[sflag:s23] =	ssyncset.done $0x0  }
0x17f: {  	[sflag:s23] =	ssyncadd.s32 $0xFFFFD800  }
0x180: {  	_ =	swait.ge [sflag:s24], $0x2800  }
0x181: {  	[sflag:s24] =	ssyncset.done $0x0  }
0x182: {  	s10 =	sadd.s32 $0x180, s8;
	[sflag:s24] =	ssyncadd.s32 $0xFFFFD800  }
0x183: {  	[spmem:s2] =	stream.indirect.scatter.add.f32 [tilespmem:s31], [sflag:$0x5], $0x80, s10, s28, $0xb8;
	[tilespmem:$0x1FF80] =	vst v63  }
0x184: {  	_ =	swait.ge [sflag:s22], $0x2800  }
0x185: {  	[sflag:s22] =	ssyncset.done $0x0  }
0x186: {  	[sflag:s22] =	ssyncadd.s32 $0xFFFFD800  }
0x187: {  	_ =	swait.ge [sflag:s1], $0x2800  }
0x188: {  	[sflag:s1] =	ssyncset.done $0x0  }
0x189: {  	[sflag:s1] =	ssyncadd.s32 $0xFFFFD800  }
0x18a: {  	[spmem:s2] =	stream.indirect.scatter.add.f32 [tilespmem:s21], [sflag:$0x6], $0x80, s7, s28, $0xb8;
	[tilespmem:$0x1FF80] =	vst v63  }
0x18b: {  	_ =	swait.ge [sflag:s23], $0x2800  }
0x18c: {  	[sflag:s23] =	ssyncset.done $0x0  }
0x18d: {  	[sflag:s23] =	ssyncadd.s32 $0xFFFFD800  }
0x18e: {  	_ =	swait.ge [sflag:s6], $0xC80  }
0x18f: {  	[sflag:s6] =	ssyncset.done $0x0  }
0x190: {  	s11 =	simm.s32 $0x0;
	s26 =	simm.s32 $0x3780;
	[sflag:s6] =	ssyncadd.s32 $0xFFFFF380  }
0x191: {  	[tilespmem:s26], [sflag:$0x4] =	stream.linear.gather [hbm4b:s17+s11], $0xC80, $0x38;
	[tilespmem:$0x1FF80] =	vst v63  }
0x192: {  	s9 =	simm.s32 $0xFA0  }
0x193: {  	[tilespmem:s21], [sflag:$0x1] =	stream.indirect.gather [hbm4b:s4+s28], $0x80, s9, s28, $0xb8;
	[tilespmem:$0x1FF80] =	vst v63  }
0x194: {  	s10 =	simm.s32 $0xFF0  }
0x195: {  	[tilespmem:s29], [sflag:$0x2] =	stream.indirect.gather [hbm4b:s4+s28], $0x80, s10, s28, $0xb8;
	[tilespmem:$0x1FF80] =	vst v63  }
0x196: {  	s11 =	simm.s32 $0x1040  }
0x197: {  	[tilespmem:s31], [sflag:$0x3] =	stream.indirect.gather [hbm4b:s4+s28], $0x80, s11, s28, $0xb8;
	[tilespmem:$0x1FF80] =	vst v63  }
0x198: {  	_ =	swait.ge [sflag:s1], $0x2800  }
0x199: {  	[sflag:s1] =	ssyncset.done $0x0  }
0x19a: {  	s26 =	simm.s32 $0x2780;
	[sflag:s1] =	ssyncadd.s32 $0xFFFFD800  }
0x19b: {  	[spmem:s2] =	stream.indirect.scatter.add.f32 [tilespmem:s21], [sflag:$0x6], $0x80, s26, s28, $0xb8;
	[tilespmem:$0x1FF80] =	vst v63  }
0x19c: {  	_ =	swait.ge [sflag:s23], $0x2800  }
0x19d: {  	[sflag:s23] =	ssyncset.done $0x0  }
0x19e: {  	s9 =	simm.s32 $0x1090;
	[sflag:s23] =	ssyncadd.s32 $0xFFFFD800  }
0x19f: {  	[tilespmem:s21], [sflag:$0x1] =	stream.indirect.gather [hbm4b:s4+s28], $0x80, s9, s28, $0xb8;
	[tilespmem:$0x1FF80] =	vst v63  }
0x1a0: {  	_ =	swait.ge [sflag:s30], $0x2800  }
0x1a1: {  	[sflag:s30] =	ssyncset.done $0x0  }
0x1a2: {  	s10 =	simm.s32 $0x2800;
	[sflag:s30] =	ssyncadd.s32 $0xFFFFD800  }
0x1a3: {  	[spmem:s2] =	stream.indirect.scatter.add.f32 [tilespmem:s29], [sflag:$0x6], $0x80, s10, s28, $0xb8;
	[tilespmem:$0x1FF80] =	vst v63  }
0x1a4: {  	_ =	swait.ge [sflag:s23], $0x2800  }
0x1a5: {  	[sflag:s23] =	ssyncset.done $0x0  }
0x1a6: {  	s11 =	simm.s32 $0x10E0;
	[sflag:s23] =	ssyncadd.s32 $0xFFFFD800  }
0x1a7: {  	[tilespmem:s29], [sflag:$0x2] =	stream.indirect.gather [hbm4b:s4+s28], $0x80, s11, s28, $0xb8;
	[tilespmem:$0x1FF80] =	vst v63  }
0x1a8: {  	_ =	swait.ge [sflag:s24], $0x2800  }
0x1a9: {  	[sflag:s24] =	ssyncset.done $0x0  }
0x1aa: {  	s26 =	simm.s32 $0x2880;
	[sflag:s24] =	ssyncadd.s32 $0xFFFFD800  }
0x1ab: {  	[spmem:s2] =	stream.indirect.scatter.add.f32 [tilespmem:s31], [sflag:$0x5], $0x80, s26, s28, $0xb8;
	[tilespmem:$0x1FF80] =	vst v63  }
0x1ac: {  	s8 =	simm.s32 $0x2A00;
	_ =	swait.ge [sflag:s22], $0x2800  }
0x1ad: {  	s9 =	simm.s32 $0x780;
	s26 =	simm.s32 $0xF0;
	[sflag:s22] =	ssyncset.done $0x0  }
.LBB2_6:
0x1ae: {  	s10 =	sadd.s32 $0x1040, s26  }
0x1af: {  	[sflag:s22] =	ssyncadd.s32 $0xFFFFD800;
	s11 =	smov.u32 s9;
	s9 =	sadd.s32 $0x3C0, s9  }
0x1b0: {  	[tilespmem:s31], [sflag:$0x3] =	stream.indirect.gather [hbm4b:s4+s28], $0x80, s10, s28, $0xb8;
	[tilespmem:$0x1FF80] =	vst v63  }
0x1b1: {  	p0 =	sne.s32 s9, $0x1A40;
	_ =	swait.ge [sflag:s1], $0x2800  }
0x1b2: {  	[sflag:s1] =	ssyncset.done $0x0  }
0x1b3: {  	s10 =	sadd.s32 $0xFFFFFF00, s8;
	[sflag:s1] =	ssyncadd.s32 $0xFFFFD800  }
0x1b4: {  	[spmem:s2] =	stream.indirect.scatter.add.f32 [tilespmem:s21], [sflag:$0x6], $0x80, s10, s28, $0xb8;
	[tilespmem:$0x1FF80] =	vst v63  }
0x1b5: {  	_ =	swait.ge [sflag:s23], $0x2800  }
0x1b6: {  	[sflag:s23] =	ssyncset.done $0x0  }
0x1b7: {  	s10 =	sadd.s32 $0x1090, s26;
	[sflag:s23] =	ssyncadd.s32 $0xFFFFD800  }
0x1b8: {  	[tilespmem:s21], [sflag:$0x1] =	stream.indirect.gather [hbm4b:s4+s28], $0x80, s10, s28, $0xb8;
	[tilespmem:$0x1FF80] =	vst v63  }
0x1b9: {  	_ =	swait.ge [sflag:s30], $0x2800  }
0x1ba: {  	[sflag:s30] =	ssyncset.done $0x0  }
0x1bb: {  	s10 =	sadd.s32 $0xFFFFFF80, s8;
	[sflag:s30] =	ssyncadd.s32 $0xFFFFD800  }
0x1bc: {  	[spmem:s2] =	stream.indirect.scatter.add.f32 [tilespmem:s29], [sflag:$0x6], $0x80, s10, s28, $0xb8;
	[tilespmem:$0x1FF80] =	vst v63  }
0x1bd: {  	_ =	swait.ge [sflag:s23], $0x2800  }
0x1be: {  	[sflag:s23] =	ssyncset.done $0x0  }
0x1bf: {  	s10 =	sadd.s32 $0x10E0, s26;
	[sflag:s23] =	ssyncadd.s32 $0xFFFFD800  }
0x1c0: {  	[tilespmem:s29], [sflag:$0x2] =	stream.indirect.gather [hbm4b:s4+s28], $0x80, s10, s28, $0xb8;
	[tilespmem:$0x1FF80] =	vst v63  }
0x1c1: {  	_ =	swait.ge [sflag:s24], $0x2800  }
.Ltmp2:
0x1c2: {  	[sflag:s24] =	ssyncset.done $0x0;
	(pc) =	sbr.rel @p0 .LBB2_6-.Ltmp2, $4  }
0x1c3: {  	[sflag:s24] =	ssyncadd.s32 $0xFFFFD800  }
0x1c4: {  	[spmem:s2] =	stream.indirect.scatter.add.f32 [tilespmem:s31], [sflag:$0x5], $0x80, s8, s28, $0xb8;
	[tilespmem:$0x1FF80] =	vst v63  }
0x1c5: {  	_ =	swait.ge [sflag:s22], $0x2800  }
0x1c6: {  	s26 =	sshra.s32 s11, $0x2;
	s8 =	sadd.s32 $0x180, s8;
	[sflag:s22] =	ssyncset.done $0x0  }
0x1c7: {  	s10 =	sadd.s32 $0x1040, s26;
	[sflag:s22] =	ssyncadd.s32 $0xFFFFD800  }
0x1c8: {  	[tilespmem:s31], [sflag:$0x3] =	stream.indirect.gather [hbm4b:s4+s28], $0x80, s10, s28, $0xb8;
	[tilespmem:$0x1FF80] =	vst v63  }
0x1c9: {  	_ =	swait.ge [sflag:s1], $0x2800  }
0x1ca: {  	[sflag:s1] =	ssyncset.done $0x0  }
0x1cb: {  	s11 =	sadd.s32 $0xFFFFFF00, s8;
	[sflag:s1] =	ssyncadd.s32 $0xFFFFD800  }
0x1cc: {  	[spmem:s2] =	stream.indirect.scatter.add.f32 [tilespmem:s21], [sflag:$0x6], $0x80, s11, s28, $0xb8;
	[tilespmem:$0x1FF80] =	vst v63  }
0x1cd: {  	_ =	swait.ge [sflag:s23], $0x2800  }
0x1ce: {  	[sflag:s23] =	ssyncset.done $0x0  }
0x1cf: {  	s11 =	sadd.s32 $0x1090, s26;
	[sflag:s23] =	ssyncadd.s32 $0xFFFFD800  }
0x1d0: {  	[tilespmem:s21], [sflag:$0x1] =	stream.indirect.gather [hbm4b:s4+s28], $0x80, s11, s28, $0xb8;
	[tilespmem:$0x1FF80] =	vst v63  }
0x1d1: {  	_ =	swait.ge [sflag:s30], $0x2800  }
0x1d2: {  	[sflag:s30] =	ssyncset.done $0x0  }
0x1d3: {  	s11 =	sadd.s32 $0xFFFFFF80, s8;
	[sflag:s30] =	ssyncadd.s32 $0xFFFFD800  }
0x1d4: {  	[spmem:s2] =	stream.indirect.scatter.add.f32 [tilespmem:s29], [sflag:$0x6], $0x80, s11, s28, $0xb8;
	[tilespmem:$0x1FF80] =	vst v63  }
0x1d5: {  	_ =	swait.ge [sflag:s23], $0x2800  }
0x1d6: {  	[sflag:s23] =	ssyncset.done $0x0  }
0x1d7: {  	s26 =	sadd.s32 $0x10E0, s26;
	[sflag:s23] =	ssyncadd.s32 $0xFFFFD800  }
0x1d8: {  	[tilespmem:s29], [sflag:$0x2] =	stream.indirect.gather [hbm4b:s4+s28], $0x80, s26, s28, $0xb8;
	[tilespmem:$0x1FF80] =	vst v63  }
0x1d9: {  	_ =	swait.ge [sflag:s24], $0x2800  }
0x1da: {  	[sflag:s24] =	ssyncset.done $0x0  }
0x1db: {  	[sflag:s24] =	ssyncadd.s32 $0xFFFFD800  }
0x1dc: {  	[spmem:s2] =	stream.indirect.scatter.add.f32 [tilespmem:s31], [sflag:$0x5], $0x80, s8, s28, $0xb8;
	[tilespmem:$0x1FF80] =	vst v63  }
0x1dd: {  	_ =	swait.ge [sflag:s22], $0x2800  }
0x1de: {  	s9 =	sshra.s32 s9, $0x2;
	[sflag:s22] =	ssyncset.done $0x0  }
0x1df: {  	s11 =	sadd.s32 $0x1040, s9;
	[sflag:s22] =	ssyncadd.s32 $0xFFFFD800  }
0x1e0: {  	[tilespmem:s31], [sflag:$0x3] =	stream.indirect.gather [hbm4b:s4+s28], $0x80, s11, s28, $0xb8;
	[tilespmem:$0x1FF80] =	vst v63  }
0x1e1: {  	_ =	swait.ge [sflag:s1], $0x2800  }
0x1e2: {  	[sflag:s1] =	ssyncset.done $0x0  }
0x1e3: {  	s26 =	sadd.s32 $0x80, s8;
	[sflag:s1] =	ssyncadd.s32 $0xFFFFD800  }
0x1e4: {  	[spmem:s2] =	stream.indirect.scatter.add.f32 [tilespmem:s21], [sflag:$0x6], $0x80, s26, s28, $0xb8;
	[tilespmem:$0x1FF80] =	vst v63  }
0x1e5: {  	_ =	swait.ge [sflag:s23], $0x2800  }
0x1e6: {  	[sflag:s23] =	ssyncset.done $0x0  }
0x1e7: {  	s9 =	sadd.s32 $0x1090, s9;
	[sflag:s23] =	ssyncadd.s32 $0xFFFFD800  }
0x1e8: {  	[tilespmem:s21], [sflag:$0x1] =	stream.indirect.gather [hbm4b:s4+s28], $0x80, s9, s28, $0xb8;
	[tilespmem:$0x1FF80] =	vst v63  }
0x1e9: {  	_ =	swait.ge [sflag:s30], $0x2800  }
0x1ea: {  	[sflag:s30] =	ssyncset.done $0x0  }
0x1eb: {  	s10 =	sadd.s32 $0x100, s8;
	[sflag:s30] =	ssyncadd.s32 $0xFFFFD800  }
0x1ec: {  	[spmem:s2] =	stream.indirect.scatter.add.f32 [tilespmem:s29], [sflag:$0x6], $0x80, s10, s28, $0xb8;
	[tilespmem:$0x1FF80] =	vst v63  }
0x1ed: {  	_ =	swait.ge [sflag:s23], $0x2800  }
0x1ee: {  	[sflag:s23] =	ssyncset.done $0x0  }
0x1ef: {  	[sflag:s23] =	ssyncadd.s32 $0xFFFFD800  }
0x1f0: {  	_ =	swait.ge [sflag:s24], $0x2800  }
0x1f1: {  	[sflag:s24] =	ssyncset.done $0x0  }
0x1f2: {  	s11 =	sadd.s32 $0x180, s8;
	[sflag:s24] =	ssyncadd.s32 $0xFFFFD800  }
0x1f3: {  	[spmem:s2] =	stream.indirect.scatter.add.f32 [tilespmem:s31], [sflag:$0x5], $0x80, s11, s28, $0xb8;
	[tilespmem:$0x1FF80] =	vst v63  }
0x1f4: {  	_ =	swait.ge [sflag:s22], $0x2800  }
0x1f5: {  	[sflag:s22] =	ssyncset.done $0x0  }
0x1f6: {  	[sflag:s22] =	ssyncadd.s32 $0xFFFFD800  }
0x1f7: {  	_ =	swait.ge [sflag:s1], $0x2800  }
0x1f8: {  	[sflag:s1] =	ssyncset.done $0x0  }
0x1f9: {  	[sflag:s1] =	ssyncadd.s32 $0xFFFFD800  }
0x1fa: {  	[spmem:s2] =	stream.indirect.scatter.add.f32 [tilespmem:s21], [sflag:$0x6], $0x80, s0, s28, $0xb8;
	[tilespmem:$0x1FF80] =	vst v63  }
0x1fb: {  	_ =	swait.ge [sflag:s23], $0x2800  }
0x1fc: {  	[sflag:s23] =	ssyncset.done $0x0  }
0x1fd: {  	[sflag:s23] =	ssyncadd.s32 $0xFFFFD800  }
0x1fe: {  	_ =	swait.ge [sflag:s6], $0xC80  }
0x1ff: {  	[sflag:s6] =	ssyncset.done $0x0  }
0x200: {  	s26 =	simm.s32 $0x0;
	[sflag:s6] =	ssyncadd.s32 $0xFFFFF380  }
0x201: {  	[tilespmem:s25], [sflag:$0x4] =	stream.linear.gather [hbm4b:s18+s26], $0xC80, $0x38;
	[tilespmem:$0x1FF80] =	vst v63  }
0x202: {  	s9 =	simm.s32 $0x1770  }
0x203: {  	[tilespmem:s21], [sflag:$0x1] =	stream.indirect.gather [hbm4b:s4+s28], $0x80, s9, s28, $0xb8;
	[tilespmem:$0x1FF80] =	vst v63  }
0x204: {  	s10 =	simm.s32 $0x17C0  }
0x205: {  	[tilespmem:s29], [sflag:$0x2] =	stream.indirect.gather [hbm4b:s4+s28], $0x80, s10, s28, $0xb8;
	[tilespmem:$0x1FF80] =	vst v63  }
0x206: {  	s11 =	simm.s32 $0x1810  }
0x207: {  	[tilespmem:s31], [sflag:$0x3] =	stream.indirect.gather [hbm4b:s4+s28], $0x80, s11, s28, $0xb8;
	[tilespmem:$0x1FF80] =	vst v63  }
0x208: {  	_ =	swait.ge [sflag:s1], $0x2800  }
0x209: {  	[sflag:s1] =	ssyncset.done $0x0  }
0x20a: {  	s26 =	simm.s32 $0x3780;
	[sflag:s1] =	ssyncadd.s32 $0xFFFFD800  }
0x20b: {  	[spmem:s2] =	stream.indirect.scatter.add.f32 [tilespmem:s21], [sflag:$0x6], $0x80, s26, s28, $0xb8;
	[tilespmem:$0x1FF80] =	vst v63  }
0x20c: {  	_ =	swait.ge [sflag:s23], $0x2800  }
0x20d: {  	[sflag:s23] =	ssyncset.done $0x0  }
0x20e: {  	s9 =	simm.s32 $0x1860;
	[sflag:s23] =	ssyncadd.s32 $0xFFFFD800  }
0x20f: {  	[tilespmem:s21], [sflag:$0x1] =	stream.indirect.gather [hbm4b:s4+s28], $0x80, s9, s28, $0xb8;
	[tilespmem:$0x1FF80] =	vst v63  }
0x210: {  	_ =	swait.ge [sflag:s30], $0x2800  }
0x211: {  	[sflag:s30] =	ssyncset.done $0x0  }
0x212: {  	s10 =	simm.s32 $0x3800;
	[sflag:s30] =	ssyncadd.s32 $0xFFFFD800  }
0x213: {  	[spmem:s2] =	stream.indirect.scatter.add.f32 [tilespmem:s29], [sflag:$0x6], $0x80, s10, s28, $0xb8;
	[tilespmem:$0x1FF80] =	vst v63  }
0x214: {  	_ =	swait.ge [sflag:s23], $0x2800  }
0x215: {  	[sflag:s23] =	ssyncset.done $0x0  }
0x216: {  	s11 =	simm.s32 $0x18B0;
	[sflag:s23] =	ssyncadd.s32 $0xFFFFD800  }
0x217: {  	[tilespmem:s29], [sflag:$0x2] =	stream.indirect.gather [hbm4b:s4+s28], $0x80, s11, s28, $0xb8;
	[tilespmem:$0x1FF80] =	vst v63  }
0x218: {  	_ =	swait.ge [sflag:s24], $0x2800  }
0x219: {  	[sflag:s24] =	ssyncset.done $0x0  }
0x21a: {  	s26 =	simm.s32 $0x3880;
	[sflag:s24] =	ssyncadd.s32 $0xFFFFD800  }
0x21b: {  	[spmem:s2] =	stream.indirect.scatter.add.f32 [tilespmem:s31], [sflag:$0x5], $0x80, s26, s28, $0xb8;
	[tilespmem:$0x1FF80] =	vst v63  }
0x21c: {  	s8 =	simm.s32 $0x3A00;
	_ =	swait.ge [sflag:s22], $0x2800  }
0x21d: {  	s9 =	simm.s32 $0x780;
	s26 =	simm.s32 $0xF0;
	[sflag:s22] =	ssyncset.done $0x0  }
.LBB2_8:
0x21e: {  	s10 =	sadd.s32 $0x1810, s26  }
0x21f: {  	[sflag:s22] =	ssyncadd.s32 $0xFFFFD800;
	s11 =	smov.u32 s9;
	s9 =	sadd.s32 $0x3C0, s9  }
0x220: {  	[tilespmem:s31], [sflag:$0x3] =	stream.indirect.gather [hbm4b:s4+s28], $0x80, s10, s28, $0xb8;
	[tilespmem:$0x1FF80] =	vst v63  }
0x221: {  	p0 =	sne.s32 s9, $0x1A40;
	_ =	swait.ge [sflag:s1], $0x2800  }
0x222: {  	[sflag:s1] =	ssyncset.done $0x0  }
0x223: {  	s10 =	sadd.s32 $0xFFFFFF00, s8;
	[sflag:s1] =	ssyncadd.s32 $0xFFFFD800  }
0x224: {  	[spmem:s2] =	stream.indirect.scatter.add.f32 [tilespmem:s21], [sflag:$0x6], $0x80, s10, s28, $0xb8;
	[tilespmem:$0x1FF80] =	vst v63  }
0x225: {  	_ =	swait.ge [sflag:s23], $0x2800  }
0x226: {  	[sflag:s23] =	ssyncset.done $0x0  }
0x227: {  	s10 =	sadd.s32 $0x1860, s26;
	[sflag:s23] =	ssyncadd.s32 $0xFFFFD800  }
0x228: {  	[tilespmem:s21], [sflag:$0x1] =	stream.indirect.gather [hbm4b:s4+s28], $0x80, s10, s28, $0xb8;
	[tilespmem:$0x1FF80] =	vst v63  }
0x229: {  	_ =	swait.ge [sflag:s30], $0x2800  }
0x22a: {  	[sflag:s30] =	ssyncset.done $0x0  }
0x22b: {  	s10 =	sadd.s32 $0xFFFFFF80, s8;
	[sflag:s30] =	ssyncadd.s32 $0xFFFFD800  }
0x22c: {  	[spmem:s2] =	stream.indirect.scatter.add.f32 [tilespmem:s29], [sflag:$0x6], $0x80, s10, s28, $0xb8;
	[tilespmem:$0x1FF80] =	vst v63  }
0x22d: {  	_ =	swait.ge [sflag:s23], $0x2800  }
0x22e: {  	[sflag:s23] =	ssyncset.done $0x0  }
0x22f: {  	s10 =	sadd.s32 $0x18B0, s26;
	[sflag:s23] =	ssyncadd.s32 $0xFFFFD800  }
0x230: {  	[tilespmem:s29], [sflag:$0x2] =	stream.indirect.gather [hbm4b:s4+s28], $0x80, s10, s28, $0xb8;
	[tilespmem:$0x1FF80] =	vst v63  }
0x231: {  	_ =	swait.ge [sflag:s24], $0x2800  }
.Ltmp3:
0x232: {  	[sflag:s24] =	ssyncset.done $0x0;
	(pc) =	sbr.rel @p0 .LBB2_8-.Ltmp3, $4  }
0x233: {  	[sflag:s24] =	ssyncadd.s32 $0xFFFFD800  }
0x234: {  	[spmem:s2] =	stream.indirect.scatter.add.f32 [tilespmem:s31], [sflag:$0x5], $0x80, s8, s28, $0xb8;
	[tilespmem:$0x1FF80] =	vst v63  }
0x235: {  	_ =	swait.ge [sflag:s22], $0x2800  }
0x236: {  	s26 =	sshra.s32 s11, $0x2;
	s8 =	sadd.s32 $0x180, s8;
	[sflag:s22] =	ssyncset.done $0x0  }
0x237: {  	s10 =	sadd.s32 $0x1810, s26;
	[sflag:s22] =	ssyncadd.s32 $0xFFFFD800  }
0x238: {  	[tilespmem:s31], [sflag:$0x3] =	stream.indirect.gather [hbm4b:s4+s28], $0x80, s10, s28, $0xb8;
	[tilespmem:$0x1FF80] =	vst v63  }
0x239: {  	_ =	swait.ge [sflag:s1], $0x2800  }
0x23a: {  	[sflag:s1] =	ssyncset.done $0x0  }
0x23b: {  	s11 =	sadd.s32 $0xFFFFFF00, s8;
	[sflag:s1] =	ssyncadd.s32 $0xFFFFD800  }
0x23c: {  	[spmem:s2] =	stream.indirect.scatter.add.f32 [tilespmem:s21], [sflag:$0x6], $0x80, s11, s28, $0xb8;
	[tilespmem:$0x1FF80] =	vst v63  }
0x23d: {  	_ =	swait.ge [sflag:s23], $0x2800  }
0x23e: {  	[sflag:s23] =	ssyncset.done $0x0  }
0x23f: {  	s11 =	sadd.s32 $0x1860, s26;
	[sflag:s23] =	ssyncadd.s32 $0xFFFFD800  }
0x240: {  	[tilespmem:s21], [sflag:$0x1] =	stream.indirect.gather [hbm4b:s4+s28], $0x80, s11, s28, $0xb8;
	[tilespmem:$0x1FF80] =	vst v63  }
0x241: {  	_ =	swait.ge [sflag:s30], $0x2800  }
0x242: {  	[sflag:s30] =	ssyncset.done $0x0  }
0x243: {  	s11 =	sadd.s32 $0xFFFFFF80, s8;
	[sflag:s30] =	ssyncadd.s32 $0xFFFFD800  }
0x244: {  	[spmem:s2] =	stream.indirect.scatter.add.f32 [tilespmem:s29], [sflag:$0x6], $0x80, s11, s28, $0xb8;
	[tilespmem:$0x1FF80] =	vst v63  }
0x245: {  	_ =	swait.ge [sflag:s23], $0x2800  }
0x246: {  	[sflag:s23] =	ssyncset.done $0x0  }
0x247: {  	s26 =	sadd.s32 $0x18B0, s26;
	[sflag:s23] =	ssyncadd.s32 $0xFFFFD800  }
0x248: {  	[tilespmem:s29], [sflag:$0x2] =	stream.indirect.gather [hbm4b:s4+s28], $0x80, s26, s28, $0xb8;
	[tilespmem:$0x1FF80] =	vst v63  }
0x249: {  	_ =	swait.ge [sflag:s24], $0x2800  }
0x24a: {  	[sflag:s24] =	ssyncset.done $0x0  }
0x24b: {  	[sflag:s24] =	ssyncadd.s32 $0xFFFFD800  }
0x24c: {  	[spmem:s2] =	stream.indirect.scatter.add.f32 [tilespmem:s31], [sflag:$0x5], $0x80, s8, s28, $0xb8;
	[tilespmem:$0x1FF80] =	vst v63  }
0x24d: {  	_ =	swait.ge [sflag:s22], $0x2800  }
0x24e: {  	s9 =	sshra.s32 s9, $0x2;
	[sflag:s22] =	ssyncset.done $0x0  }
0x24f: {  	s11 =	sadd.s32 $0x1810, s9;
	[sflag:s22] =	ssyncadd.s32 $0xFFFFD800  }
0x250: {  	[tilespmem:s31], [sflag:$0x3] =	stream.indirect.gather [hbm4b:s4+s28], $0x80, s11, s28, $0xb8;
	[tilespmem:$0x1FF80] =	vst v63  }
0x251: {  	_ =	swait.ge [sflag:s1], $0x2800  }
0x252: {  	[sflag:s1] =	ssyncset.done $0x0  }
0x253: {  	s26 =	sadd.s32 $0x80, s8;
	[sflag:s1] =	ssyncadd.s32 $0xFFFFD800  }
0x254: {  	[spmem:s2] =	stream.indirect.scatter.add.f32 [tilespmem:s21], [sflag:$0x6], $0x80, s26, s28, $0xb8;
	[tilespmem:$0x1FF80] =	vst v63  }
0x255: {  	_ =	swait.ge [sflag:s23], $0x2800  }
0x256: {  	[sflag:s23] =	ssyncset.done $0x0  }
0x257: {  	s9 =	sadd.s32 $0x1860, s9;
	[sflag:s23] =	ssyncadd.s32 $0xFFFFD800  }
0x258: {  	[tilespmem:s21], [sflag:$0x1] =	stream.indirect.gather [hbm4b:s4+s28], $0x80, s9, s28, $0xb8;
	[tilespmem:$0x1FF80] =	vst v63  }
0x259: {  	_ =	swait.ge [sflag:s30], $0x2800  }
0x25a: {  	[sflag:s30] =	ssyncset.done $0x0  }
0x25b: {  	s11 =	sadd.s32 $0x100, s8;
	[sflag:s30] =	ssyncadd.s32 $0xFFFFD800  }
0x25c: {  	[spmem:s2] =	stream.indirect.scatter.add.f32 [tilespmem:s29], [sflag:$0x6], $0x80, s11, s28, $0xb8;
	[tilespmem:$0x1FF80] =	vst v63  }
0x25d: {  	_ =	swait.ge [sflag:s23], $0x2800  }
0x25e: {  	[sflag:s23] =	ssyncset.done $0x0  }
0x25f: {  	[sflag:s23] =	ssyncadd.s32 $0xFFFFD800  }
0x260: {  	_ =	swait.ge [sflag:s24], $0x2800  }
0x261: {  	[sflag:s24] =	ssyncset.done $0x0  }
0x262: {  	s26 =	sadd.s32 $0x180, s8;
	[sflag:s24] =	ssyncadd.s32 $0xFFFFD800  }
0x263: {  	[spmem:s2] =	stream.indirect.scatter.add.f32 [tilespmem:s31], [sflag:$0x5], $0x80, s26, s28, $0xb8;
	[tilespmem:$0x1FF80] =	vst v63  }
0x264: {  	_ =	swait.ge [sflag:s22], $0x2800  }
0x265: {  	[sflag:s22] =	ssyncset.done $0x0  }
0x266: {  	[sflag:s22] =	ssyncadd.s32 $0xFFFFD800  }
0x267: {  	_ =	swait.ge [sflag:s1], $0x2800  }
0x268: {  	[sflag:s1] =	ssyncset.done $0x0  }
0x269: {  	[sflag:s1] =	ssyncadd.s32 $0xFFFFD800  }
0x26a: {  	[spmem:s2] =	stream.indirect.scatter.add.f32 [tilespmem:s21], [sflag:$0x6], $0x80, s7, s28, $0xb8;
	[tilespmem:$0x1FF80] =	vst v63  }
0x26b: {  	_ =	swait.ge [sflag:s23], $0x2800  }
0x26c: {  	[sflag:s23] =	ssyncset.done $0x0  }
0x26d: {  	[sflag:s23] =	ssyncadd.s32 $0xFFFFD800  }
0x26e: {  	_ =	swait.ge [sflag:s6], $0xC80  }
0x26f: {  	[sflag:s6] =	ssyncset.done $0x0  }
0x270: {  	s9 =	simm.s32 $0x1F40;
	[sflag:s6] =	ssyncadd.s32 $0xFFFFF380  }
0x271: {  	[tilespmem:s21], [sflag:$0x1] =	stream.indirect.gather [hbm4b:s4+s28], $0x80, s9, s28, $0xb8;
	[tilespmem:$0x1FF80] =	vst v63  }
0x272: {  	s10 =	simm.s32 $0x1F90  }
0x273: {  	[tilespmem:s29], [sflag:$0x2] =	stream.indirect.gather [hbm4b:s4+s28], $0x80, s10, s28, $0xb8;
	[tilespmem:$0x1FF80] =	vst v63  }
0x274: {  	s11 =	simm.s32 $0x1FE0  }
0x275: {  	[tilespmem:s31], [sflag:$0x3] =	stream.indirect.gather [hbm4b:s4+s28], $0x80, s11, s28, $0xb8;
	[tilespmem:$0x1FF80] =	vst v63  }
0x276: {  	_ =	swait.ge [sflag:s1], $0x2800  }
0x277: {  	[sflag:s1] =	ssyncset.done $0x0  }
0x278: {  	s26 =	simm.s32 $0x2780;
	[sflag:s1] =	ssyncadd.s32 $0xFFFFD800  }
0x279: {  	[spmem:s2] =	stream.indirect.scatter.add.f32 [tilespmem:s21], [sflag:$0x6], $0x80, s26, s28, $0xb8;
	[tilespmem:$0x1FF80] =	vst v63  }
0x27a: {  	_ =	swait.ge [sflag:s23], $0x2800  }
0x27b: {  	[sflag:s23] =	ssyncset.done $0x0  }
0x27c: {  	s9 =	simm.s32 $0x2030;
	[sflag:s23] =	ssyncadd.s32 $0xFFFFD800  }
0x27d: {  	[tilespmem:s21], [sflag:$0x1] =	stream.indirect.gather [hbm4b:s4+s28], $0x80, s9, s28, $0xb8;
	[tilespmem:$0x1FF80] =	vst v63  }
0x27e: {  	_ =	swait.ge [sflag:s30], $0x2800  }
0x27f: {  	[sflag:s30] =	ssyncset.done $0x0  }
0x280: {  	s10 =	simm.s32 $0x2800;
	[sflag:s30] =	ssyncadd.s32 $0xFFFFD800  }
0x281: {  	[spmem:s2] =	stream.indirect.scatter.add.f32 [tilespmem:s29], [sflag:$0x6], $0x80, s10, s28, $0xb8;
	[tilespmem:$0x1FF80] =	vst v63  }
0x282: {  	_ =	swait.ge [sflag:s23], $0x2800  }
0x283: {  	[sflag:s23] =	ssyncset.done $0x0  }
0x284: {  	s11 =	simm.s32 $0x2080;
	[sflag:s23] =	ssyncadd.s32 $0xFFFFD800  }
0x285: {  	[tilespmem:s29], [sflag:$0x2] =	stream.indirect.gather [hbm4b:s4+s28], $0x80, s11, s28, $0xb8;
	[tilespmem:$0x1FF80] =	vst v63  }
0x286: {  	_ =	swait.ge [sflag:s24], $0x2800  }
0x287: {  	[sflag:s24] =	ssyncset.done $0x0  }
0x288: {  	s26 =	simm.s32 $0x2880;
	[sflag:s24] =	ssyncadd.s32 $0xFFFFD800  }
0x289: {  	[spmem:s2] =	stream.indirect.scatter.add.f32 [tilespmem:s31], [sflag:$0x5], $0x80, s26, s28, $0xb8;
	[tilespmem:$0x1FF80] =	vst v63  }
0x28a: {  	s8 =	simm.s32 $0x2A00;
	_ =	swait.ge [sflag:s22], $0x2800  }
0x28b: {  	s9 =	simm.s32 $0x780;
	s26 =	simm.s32 $0xF0;
	[sflag:s22] =	ssyncset.done $0x0  }
.LBB2_10:
0x28c: {  	s10 =	sadd.s32 $0x1FE0, s26  }
0x28d: {  	[sflag:s22] =	ssyncadd.s32 $0xFFFFD800;
	s11 =	smov.u32 s9;
	s9 =	sadd.s32 $0x3C0, s9  }
0x28e: {  	[tilespmem:s31], [sflag:$0x3] =	stream.indirect.gather [hbm4b:s4+s28], $0x80, s10, s28, $0xb8;
	[tilespmem:$0x1FF80] =	vst v63  }
0x28f: {  	p0 =	sne.s32 s9, $0x1A40;
	_ =	swait.ge [sflag:s1], $0x2800  }
0x290: {  	[sflag:s1] =	ssyncset.done $0x0  }
0x291: {  	s10 =	sadd.s32 $0xFFFFFF00, s8;
	[sflag:s1] =	ssyncadd.s32 $0xFFFFD800  }
0x292: {  	[spmem:s2] =	stream.indirect.scatter.add.f32 [tilespmem:s21], [sflag:$0x6], $0x80, s10, s28, $0xb8;
	[tilespmem:$0x1FF80] =	vst v63  }
0x293: {  	_ =	swait.ge [sflag:s23], $0x2800  }
0x294: {  	[sflag:s23] =	ssyncset.done $0x0  }
0x295: {  	s10 =	sadd.s32 $0x2030, s26;
	[sflag:s23] =	ssyncadd.s32 $0xFFFFD800  }
0x296: {  	[tilespmem:s21], [sflag:$0x1] =	stream.indirect.gather [hbm4b:s4+s28], $0x80, s10, s28, $0xb8;
	[tilespmem:$0x1FF80] =	vst v63  }
0x297: {  	_ =	swait.ge [sflag:s30], $0x2800  }
0x298: {  	[sflag:s30] =	ssyncset.done $0x0  }
0x299: {  	s10 =	sadd.s32 $0xFFFFFF80, s8;
	[sflag:s30] =	ssyncadd.s32 $0xFFFFD800  }
0x29a: {  	[spmem:s2] =	stream.indirect.scatter.add.f32 [tilespmem:s29], [sflag:$0x6], $0x80, s10, s28, $0xb8;
	[tilespmem:$0x1FF80] =	vst v63  }
0x29b: {  	_ =	swait.ge [sflag:s23], $0x2800  }
0x29c: {  	[sflag:s23] =	ssyncset.done $0x0  }
0x29d: {  	s10 =	sadd.s32 $0x2080, s26;
	[sflag:s23] =	ssyncadd.s32 $0xFFFFD800  }
0x29e: {  	[tilespmem:s29], [sflag:$0x2] =	stream.indirect.gather [hbm4b:s4+s28], $0x80, s10, s28, $0xb8;
	[tilespmem:$0x1FF80] =	vst v63  }
0x29f: {  	_ =	swait.ge [sflag:s24], $0x2800  }
.Ltmp4:
0x2a0: {  	[sflag:s24] =	ssyncset.done $0x0;
	(pc) =	sbr.rel @p0 .LBB2_10-.Ltmp4, $4  }
0x2a1: {  	[sflag:s24] =	ssyncadd.s32 $0xFFFFD800  }
0x2a2: {  	[spmem:s2] =	stream.indirect.scatter.add.f32 [tilespmem:s31], [sflag:$0x5], $0x80, s8, s28, $0xb8;
	[tilespmem:$0x1FF80] =	vst v63  }
0x2a3: {  	_ =	swait.ge [sflag:s22], $0x2800  }
0x2a4: {  	s26 =	sshra.s32 s11, $0x2;
	s8 =	sadd.s32 $0x180, s8;
	[sflag:s22] =	ssyncset.done $0x0  }
0x2a5: {  	s10 =	sadd.s32 $0x1FE0, s26;
	[sflag:s22] =	ssyncadd.s32 $0xFFFFD800  }
0x2a6: {  	[tilespmem:s31], [sflag:$0x3] =	stream.indirect.gather [hbm4b:s4+s28], $0x80, s10, s28, $0xb8;
	[tilespmem:$0x1FF80] =	vst v63  }
0x2a7: {  	_ =	swait.ge [sflag:s1], $0x2800  }
0x2a8: {  	[sflag:s1] =	ssyncset.done $0x0  }
0x2a9: {  	s11 =	sadd.s32 $0xFFFFFF00, s8;
	[sflag:s1] =	ssyncadd.s32 $0xFFFFD800  }
0x2aa: {  	[spmem:s2] =	stream.indirect.scatter.add.f32 [tilespmem:s21], [sflag:$0x6], $0x80, s11, s28, $0xb8;
	[tilespmem:$0x1FF80] =	vst v63  }
0x2ab: {  	_ =	swait.ge [sflag:s23], $0x2800  }
0x2ac: {  	[sflag:s23] =	ssyncset.done $0x0  }
0x2ad: {  	s11 =	sadd.s32 $0x2030, s26;
	[sflag:s23] =	ssyncadd.s32 $0xFFFFD800  }
0x2ae: {  	[tilespmem:s21], [sflag:$0x1] =	stream.indirect.gather [hbm4b:s4+s28], $0x80, s11, s28, $0xb8;
	[tilespmem:$0x1FF80] =	vst v63  }
0x2af: {  	_ =	swait.ge [sflag:s30], $0x2800  }
0x2b0: {  	[sflag:s30] =	ssyncset.done $0x0  }
0x2b1: {  	s11 =	sadd.s32 $0xFFFFFF80, s8;
	[sflag:s30] =	ssyncadd.s32 $0xFFFFD800  }
0x2b2: {  	[spmem:s2] =	stream.indirect.scatter.add.f32 [tilespmem:s29], [sflag:$0x6], $0x80, s11, s28, $0xb8;
	[tilespmem:$0x1FF80] =	vst v63  }
0x2b3: {  	_ =	swait.ge [sflag:s23], $0x2800  }
0x2b4: {  	[sflag:s23] =	ssyncset.done $0x0  }
0x2b5: {  	s11 =	sadd.s32 $0x2080, s26;
	[sflag:s23] =	ssyncadd.s32 $0xFFFFD800  }
0x2b6: {  	[tilespmem:s29], [sflag:$0x2] =	stream.indirect.gather [hbm4b:s4+s28], $0x80, s11, s28, $0xb8;
	[tilespmem:$0x1FF80] =	vst v63  }
0x2b7: {  	_ =	swait.ge [sflag:s24], $0x2800  }
0x2b8: {  	[sflag:s24] =	ssyncset.done $0x0  }
0x2b9: {  	[sflag:s24] =	ssyncadd.s32 $0xFFFFD800  }
0x2ba: {  	[spmem:s2] =	stream.indirect.scatter.add.f32 [tilespmem:s31], [sflag:$0x5], $0x80, s8, s28, $0xb8;
	[tilespmem:$0x1FF80] =	vst v63  }
0x2bb: {  	_ =	swait.ge [sflag:s22], $0x2800  }
0x2bc: {  	s9 =	sshra.s32 s9, $0x2;
	[sflag:s22] =	ssyncset.done $0x0  }
0x2bd: {  	s26 =	sadd.s32 $0x1FE0, s9;
	[sflag:s22] =	ssyncadd.s32 $0xFFFFD800  }
0x2be: {  	[tilespmem:s31], [sflag:$0x3] =	stream.indirect.gather [hbm4b:s4+s28], $0x80, s26, s28, $0xb8;
	[tilespmem:$0x1FF80] =	vst v63  }
0x2bf: {  	_ =	swait.ge [sflag:s1], $0x2800  }
0x2c0: {  	[sflag:s1] =	ssyncset.done $0x0  }
0x2c1: {  	s11 =	sadd.s32 $0x80, s8;
	[sflag:s1] =	ssyncadd.s32 $0xFFFFD800  }
0x2c2: {  	[spmem:s2] =	stream.indirect.scatter.add.f32 [tilespmem:s21], [sflag:$0x6], $0x80, s11, s28, $0xb8;
	[tilespmem:$0x1FF80] =	vst v63  }
0x2c3: {  	_ =	swait.ge [sflag:s23], $0x2800  }
0x2c4: {  	[sflag:s23] =	ssyncset.done $0x0  }
0x2c5: {  	s9 =	sadd.s32 $0x2030, s9;
	[sflag:s23] =	ssyncadd.s32 $0xFFFFD800  }
0x2c6: {  	[tilespmem:s21], [sflag:$0x1] =	stream.indirect.gather [hbm4b:s4+s28], $0x80, s9, s28, $0xb8;
	[tilespmem:$0x1FF80] =	vst v63  }
0x2c7: {  	_ =	swait.ge [sflag:s30], $0x2800  }
0x2c8: {  	[sflag:s30] =	ssyncset.done $0x0  }
0x2c9: {  	s26 =	sadd.s32 $0x100, s8;
	[sflag:s30] =	ssyncadd.s32 $0xFFFFD800  }
0x2ca: {  	[spmem:s2] =	stream.indirect.scatter.add.f32 [tilespmem:s29], [sflag:$0x6], $0x80, s26, s28, $0xb8;
	[tilespmem:$0x1FF80] =	vst v63  }
0x2cb: {  	_ =	swait.ge [sflag:s23], $0x2800  }
0x2cc: {  	[sflag:s23] =	ssyncset.done $0x0  }
0x2cd: {  	[sflag:s23] =	ssyncadd.s32 $0xFFFFD800  }
0x2ce: {  	_ =	swait.ge [sflag:s24], $0x2800  }
0x2cf: {  	[sflag:s24] =	ssyncset.done $0x0  }
0x2d0: {  	s10 =	sadd.s32 $0x180, s8;
	[sflag:s24] =	ssyncadd.s32 $0xFFFFD800  }
0x2d1: {  	[spmem:s2] =	stream.indirect.scatter.add.f32 [tilespmem:s31], [sflag:$0x5], $0x80, s10, s28, $0xb8;
	[tilespmem:$0x1FF80] =	vst v63  }
0x2d2: {  	_ =	swait.ge [sflag:s22], $0x2800  }
0x2d3: {  	[sflag:s22] =	ssyncset.done $0x0  }
0x2d4: {  	[sflag:s22] =	ssyncadd.s32 $0xFFFFD800  }
0x2d5: {  	_ =	swait.ge [sflag:s1], $0x2800  }
0x2d6: {  	[sflag:s1] =	ssyncset.done $0x0  }
0x2d7: {  	[sflag:s1] =	ssyncadd.s32 $0xFFFFD800  }
0x2d8: {  	[spmem:s2] =	stream.indirect.scatter.add.f32 [tilespmem:s21], [sflag:$0x6], $0x80, s0, s28, $0xb8;
	[tilespmem:$0x1FF80] =	vst v63  }
0x2d9: {  	s11 =	stileid.u32;
	_ =	swait.ge [sflag:s23], $0x2800  }
0x2da: {  	s3 =	sadd.s32 $0x1, s3;
	s8 =	sshll.u32 s11, $0x6;
	[sflag:s23] =	ssyncset.done $0x0  }
0x2db: {  	p0 =	sne.s32 s3, s20;
	s8 =	sor.u32 $0x1C05, s8;
	[sflag:s23] =	ssyncadd.s32 $0xFFFFD800  }
.Ltmp5:
0x2dc: {  	s26 =	sshrl.u32 s5, $0x3;
	[bflag:$0x0] =	sbarrier.arrive $0xFFFF;
	(pc) =	sbr.rel @p0 .LBB2_1-.Ltmp5, $4  }
0x2dd: {  	[hbm:s19], [sflag:s8] =	dma.local [spmem:s26], $0x2800  }
0x2de: {  	_ =	swait.ge [sflag:s22], $0x2800  }
0x2df: {  	[sflag:s22] =	ssyncset.done $0x0  }
0x2e0: {  	[sflag:s22] =	ssyncadd.s32 $0xFFFFD800  }
0x2e1: {  	_ =	sfence.sel $0x180000  }
0x2e2: {  	[bflag:$0x0] =	sbarrier.arrive $0xFFFF  }
0x2e3: {  	_ =	strace $0x9000004A  }
0x2e4: {  	s0 =	stileid.u32;
	[bflag:$0x2] =	sbarrier.arrive $0xFFFF  }
0x2e5: {  	p0 =	sne.s32 s0, $0x0;
	s0 =	rddreg [dreg:$0x2]  }
0x2e6: {  	s0 =	sadd.s32 @!p0 $0x100000, s0  }
0x2e7: {  	[sflag:s0] =	ssyncadd.tile.s32 @!p0 $0x1;
	_ =	shalt  }
.Lfunc_end2:
_tile_overlayer_lowered:
.L_overlay_start_2:
0x2e8: {  	(tag) =	ssettag $0x2  }
0x2e9: {  	s0 =	rddreg [dreg:$0x0];
	s2 =	stileid.u32  }
0x2ea: {  	s1 =	rddreg [dreg:$0x1];
	p0 =	sne.s32 s2, $0x0  }
0x2eb: {  	s3 =	rddreg [dreg:$0x2];
	[bflag:$0x3] =	sbarrier.arrive $0xFFFF;
	s2 =	simm.s32 @!p0 $0x1C05  }
0x2ec: {  	[timem:s3], [sflag:s2] =	dma.local @!p0 [hbm:s0], s1  }
0x2ed: {  	s0 =	simm.s32 @!p0 $0x5  }
0x2ee: {  	_ =	swait.ge @!p0 [sflag:s0], s1  }
0x2ef: {  	s1 =	ssub.s32 @!p0 $0x0, s1;
	[sflag:s0] =	ssyncset.done @!p0 $0x0  }
0x2f0: {  	[sflag:s0] =	ssyncadd.s32 @!p0 s1  }
0x2f1: {  	[bflag:$0x3] =	sbarrier.arrive $0xFFFF  }
0x2f2: {  	_ =	shalt  }

// kernel: kernel.14.cloned.1.call-start
scs
__scs_entry_jumppad:
0x0: {  	(pc) =	sbr.rel $0x88, $3  }
0x1: {  	(tag) =	ssettag $0x0;
	lr =	simm.s32 $0x1  }
0x2: {  	[smem:$0x3F9B] =	sst lr;
	_ =	strace $0xD0000000  }
0x3: {  	_ = 	snop  }
0x4: {  	_ = 	snop  }
0x5: {  	_ = 	snop  }
0x6: {  	_ = 	snop  }
0x7: {  	_ = 	snop  }
__scs_overlays_trampoline_lowered:
0x8: {  	[smem:$0x3FAA] =	sst s0  }
0x9: {  	[smem:$0x3FAB] =	sst s1  }
0xa: {  	[smem:$0x3FAC] =	sst s2  }
0xb: {  	[smem:$0x3FAD] =	sst s3  }
0xc: {  	[smem:$0x3FAE] =	sst s4  }
0xd: {  	[smem:$0x3FAF] =	sst s5  }
0xe: {  	[smem:$0x3FB0] =	sst s6  }
0xf: {  	[smem:$0x3FB1] =	sst s7  }
0x10: {  	[smem:$0x3FB2] =	sst s8  }
0x11: {  	[smem:$0x3FB3] =	sst s9;
	s0 =	simm.s32 @!p0 $0x0  }
0x12: {  	s1 =	sld [smem:$0x3F99];
	s0 =	simm.s32 @p0 $0x1  }
0x13: {  	[smem:$0x3FB4] =	sst s0;
	s0 =	simm.s32 @!p1 $0x0  }
0x14: {  	s2 =	sld [smem:$0x3F98];
	s0 =	simm.s32 @p1 $0x1  }
0x15: {  	[smem:$0x3FB5] =	sst s0;
	s0 =	simm.s32 @!p2 $0x0  }
0x16: {  	s3 =	sld [smem:$0x3FDB];
	s0 =	simm.s32 @p2 $0x1  }
0x17: {  	s4 =	simm.s32 $0x1BF5;
	[smem:$0x3FB7] =	sst s0  }
0x18: {  	s0 =	sld [smem:$0x3F9A];
	_ =	swait.ge [sflag:s4], $0x0  }
0x19: {  	s7 =	sld [smem:$0x3F9B]  }
0x1a: {  	s8 =	sadd.s32 $0xFFFFE003, lr  }
0x1b: {  	s9 =	sadd.s32 $0xFFFFFEF7, lr;
	s5 =	simm.s32 $0xFFFFFFFF;
	p2 =	slt.u32 s8, $0xFFFFF086  }
0x1c: {  	p1 =	slt.u32 s9, $0xF7A;
	s5 =	simm.s32 @!p2 $0x0  }
0x1d: {  	s5 =	simm.s32 @p1 $0x1;
	p0 =	seq.s32 s7, s2  }
0x1e: {  	s7 =	smul.u32 @!p0 $0xF7A, s2;
	p2 =	seq.s32 @!p0 s5, $0x0  }
0x1f: {  	s9 =	smul.u32 $0xF7A, s1;
	s8 =	simm.s32 @!p0 $0x1BF5;
	p2 =	por !p2, p0  }
0x20: {  	[sflag:s8] =	ssyncset.s32 @!p0 $0xFFFFF086;
	s6 =	sadd.s32 @!p0 s3, s7;
	s7 =	simm.s32 @!p0 $0x108  }
0x21: {  	s3 =	sadd.s32 s3, s9;
	s6 =	sadd.s32 @!p0 $0x88, s6;
	s7 =	simm.s32 @p2 $0x1082  }
0x22: {  	[simem:s7], [sflag:s8] =	dma.local @!p0 [hbm:s6], $0xF7A  }
0x23: {  	s9 =	sor.u32 $0xD0000000, s2;
	s6 =	simm.s32 $0x108;
	_ =	swait.ge @!p0 [sflag:s8], $0x0  }
0x24: {  	s3 =	sadd.s32 $0x88, s3;
	s6 =	simm.s32 @!p1 $0x1082;
	[sflag:s4] =	ssyncset.s32 $0xFFFFF086  }
0x25: {  	[simem:s6], [sflag:s4] =	dma.local [hbm:s3], $0xF7A  }
0x26: {  	[smem:$0x3F9B] =	sst s1;
	(tag) =	ssettag s2;
	_ =	strace s9  }
0x27: {  	s1 =	sld [smem:$0x3FAB]  }
0x28: {  	s2 =	sld [smem:$0x3FAC]  }
0x29: {  	s4 =	sld [smem:$0x3FAE]  }
0x2a: {  	p0 =	seq.s32 s5, $0x0;
	s5 =	sld [smem:$0x3FAF]  }
0x2b: {  	s6 =	sld [smem:$0x3FB0]  }
0x2c: {  	s7 =	sld [smem:$0x3FB1]  }
0x2d: {  	s3 =	simm.s32 $0x108;
	s8 =	sld [smem:$0x3FB2]  }
0x2e: {  	s3 =	simm.s32 @!p0 $0x1082;
	s9 =	sld [smem:$0x3FB3]  }
0x2f: {  	lr =	sadd.s32 s0, s3;
	s0 =	sld [smem:$0x3FAA]  }
0x30: {  	s3 =	sld [smem:$0x3FAD]  }
0x31: {  	[smem:$0x3FB6] =	sst s10  }
0x32: {  	s10 =	sld [smem:$0x3FB4];
	_ =	sdelay $0x3  }
0x33: {  	p0 =	seq.s32 s10, $0x1;
	s10 =	sld [smem:$0x3FB6];
	_ =	sdelay $0x3  }
0x34: {  	[smem:$0x3FB6] =	sst s10  }
0x35: {  	s10 =	sld [smem:$0x3FB5];
	_ =	sdelay $0x3  }
0x36: {  	p1 =	seq.s32 s10, $0x1;
	s10 =	sld [smem:$0x3FB6];
	_ =	sdelay $0x3  }
0x37: {  	[smem:$0x3FB6] =	sst s10  }
0x38: {  	s10 =	sld [smem:$0x3FB7]  }
0x39: {  	_ = 	snop;
	(pc) =	sbr.ind lr, $3  }
0x3a: {  	_ = 	snop  }
0x3b: {  	_ = 	snop  }
0x3c: {  	p2 =	seq.s32 s10, $0x1;
	s10 =	sld [smem:$0x3FB6]  }
0x3d: {  	_ =	shalt  }
0x3e: {  	_ =	shalt  }
0x3f: {  	_ =	shalt  }
0x40: {  	_ =	shalt  }
0x41: {  	_ =	shalt  }
0x42: {  	_ =	shalt  }
0x43: {  	_ =	shalt  }
0x44: {  	_ =	shalt  }
0x45: {  	_ =	shalt  }
0x46: {  	_ =	shalt  }
0x47: {  	_ =	shalt  }
0x48: {  	_ =	shalt  }
0x49: {  	_ =	shalt  }
0x4a: {  	_ =	shalt  }
0x4b: {  	_ =	shalt  }
0x4c: {  	_ =	shalt  }
0x4d: {  	_ =	shalt  }
0x4e: {  	_ =	shalt  }
0x4f: {  	_ =	shalt  }
0x50: {  	_ =	shalt  }
0x51: {  	_ =	shalt  }
0x52: {  	_ =	shalt  }
0x53: {  	_ =	shalt  }
0x54: {  	_ =	shalt  }
0x55: {  	_ =	shalt  }
0x56: {  	_ =	shalt  }
0x57: {  	_ =	shalt  }
0x58: {  	_ =	shalt  }
0x59: {  	_ =	shalt  }
0x5a: {  	_ =	shalt  }
0x5b: {  	_ =	shalt  }
0x5c: {  	_ =	shalt  }
0x5d: {  	_ =	shalt  }
0x5e: {  	_ =	shalt  }
0x5f: {  	_ =	shalt  }
0x60: {  	_ =	shalt  }
0x61: {  	_ =	shalt  }
0x62: {  	_ =	shalt  }
0x63: {  	_ =	shalt  }
0x64: {  	_ =	shalt  }
0x65: {  	_ =	shalt  }
0x66: {  	_ =	shalt  }
0x67: {  	_ =	shalt  }
0x68: {  	_ =	shalt  }
0x69: {  	_ =	shalt  }
0x6a: {  	_ =	shalt  }
0x6b: {  	_ =	shalt  }
0x6c: {  	_ =	shalt  }
0x6d: {  	_ =	shalt  }
0x6e: {  	_ =	shalt  }
0x6f: {  	_ =	shalt  }
0x70: {  	_ =	shalt  }
0x71: {  	_ =	shalt  }
0x72: {  	_ =	shalt  }
0x73: {  	_ =	shalt  }
0x74: {  	_ =	shalt  }
0x75: {  	_ =	shalt  }
0x76: {  	_ =	shalt  }
0x77: {  	_ =	shalt  }
0x78: {  	_ =	shalt  }
0x79: {  	_ =	shalt  }
0x7a: {  	_ =	shalt  }
0x7b: {  	_ =	shalt  }
0x7c: {  	_ =	shalt  }
0x7d: {  	_ =	shalt  }
0x7e: {  	_ =	shalt  }
0x7f: {  	_ =	shalt  }
0x80: {  	_ =	shalt  }
0x81: {  	_ =	shalt  }
0x82: {  	_ =	shalt  }
0x83: {  	_ =	shalt  }
0x84: {  	_ =	shalt  }
0x85: {  	_ =	shalt  }
0x86: {  	_ =	shalt  }
0x87: {  	_ =	shalt  }
.Lfunc_end0:
.L_simem_size_0:
called_computation.2_lowered:
.L_overlay_start_0:
0x88: {  	s2 =	sld [smem:$0x3FD9]  }
0x89: {  	s3 =	sld [smem:$0x3FFE];
	_ =	sdelay $0x1  }
0x8a: {  	s1 =	srdreg.scid  }
0x8b: {  	s0 =	sand.u32 $0x1, s1  }
0x8c: {  	s16 =	sshll.u32 s0, $0xA;
	s2 =	sadd.s32 s3, s2  }
0x8d: {  	s2 =	sadd.s32 s2, s16  }
0x8e: {  	[smem:$0x3FC2] =	sst s2  }
0x8f: {  	_ = 	snop  }
0x90: {  	(tm) =	ssettm $0x1  }
0x91: {  	s17 =	sld [smem:$0x3FFB];
	_ =	sdelay $0x3  }
0x92: {  	_ =	strace s17  }
0x93: {  	s2 =	sld [smem:$0x3FFC];
	_ =	sdelay $0x3  }
0x94: {  	_ =	strace s2  }
0x95: {  	s2 =	sld [smem:$0x3FFD];
	_ =	sdelay $0x3  }
0x96: {  	_ =	strace s2  }
0x97: {  	_ =	strace $0x8FFFFFFF  }
0x98: {  	s18 =	sld [smem:$0x3FDB];
	_ =	sdelay $0x1  }
0x99: {  	s19 =	simm.s32 $_scs_section_size  }
0x9a: {  	s4 =	simm.s32 $_size__tile_overlayer_lowered;
	s5 =	simm.s32 $_tile_overlayer_lowered  }
0x9b: {  	s22 =	simm.s32 $0x1BFF;
	s21 =	sshll.u32 s5, $0x1;
	s2 =	sadd.s32 s19, s18  }
0x9c: {  	s6 =	simm.s32 $0x0;
	s20 =	sshll.u32 s4, $0x1;
	s4 =	sadd.s32 s21, s2  }
0x9d: {  	[timem:s6], [sflag:s22] =	dma.local [hbm:s4], s20  }
0x9e: {  	_ =	swait.ge [sflag:s22], s20  }
0x9f: {  	s3 =	ssub.s32 $0x0, s20;
	[sflag:s22] =	ssyncset.done $0x0  }
0xa0: {  	[sflag:s22] =	ssyncadd.s32 s3;
	_ =	sdelay $0x1  }
0xa1: {  	s23 =	simm.s32 $0x1B8B  }
0xa2: {  	_ =	swait.ge [sflag:s23], $0x1  }
0xa3: {  	[sflag:s23] =	ssyncset.done $0x0  }
0xa4: {  	s25 =	simm.s32 $0x1B8E;
	s24 =	sld [smem:$0x3FFE];
	[sflag:s23] =	ssyncadd.s32 $0xFFFFFFFF  }
0xa5: {  	s26 =	simm.s32 $execute0_lowered;
	[smem:$0x3FD2] =	sst s25  }
0xa6: {  	s4 =	sshll.u32 s26, $0x1;
	_ =	strace $0x8000004C;
	[dreg:$0x1] =	wrdreg $0xFFFFFFFF  }
0xa7: {  	s28 =	simm.s32 $_size_execute0_lowered;
	s2 =	sadd.s32 s2, s4;
	[dreg:$0x0] =	wrdreg $0x0  }
0xa8: {  	s4 =	sshll.u32 s28, $0x1;
	[dreg:$0x2] =	wrdreg s2  }
0xa9: {  	[dreg:$0x3] =	wrdreg s4  }
0xaa: {  	[dreg:$0x4] =	wrdreg $0xC0  }
0xab: {  	_ =	task [dreg:s6], $0x5FFFF  }
0xac: {  	[dreg:$0x1] =	wrdreg $0xFFFFFFFF  }
0xad: {  	[dreg:$0x0] =	wrdreg $0x60  }
0xae: {  	[dreg:$0x2] =	wrdreg s24  }
0xaf: {  	[dreg:$0x3] =	wrdreg $0xBF800  }
0xb0: {  	[dreg:$0x4] =	wrdreg $0x9  }
0xb1: {  	_ =	task.clear_ibuf [dreg:s6], $0x5FFFF;
	_ =	strace $0x9000004C  }
0xb2: {  	s29 =	simm.s32 $0x9;
	_ =	strace $0x8000004E  }
0xb3: {  	_ =	swait.ge [sflag:s29], $0x1  }
0xb4: {  	[sflag:s29] =	ssyncadd.s32 $0xFFFFFFFF  }
0xb5: {  	_ =	strace $0x9000004E  }
0xb6: {  	_ =	sfence  }
0xb7: {  	s30 =	sld [smem:$0x0];
	_ =	sdelay $0x2  }
0xb8: {  	s31 =	sshll.u32 s1, $0xD;
	s1 =	sshrl.u32 s1, $0x2  }
0xb9: {  	s3 =	sand.u32 $0x4000, s31;
	s1 =	sadd.s32 s1, s30  }
0xba: {  	s0 =	sor.u32 s3, s0;
	s1 =	sshll.u32 s1, $0x11  }
0xbb: {  	s0 =	sor.u32 s1, s0  }
0xbc: {  	s0 =	sadd.s32 $0x8F2B, s0  }
0xbd: {  	[sflag:s0] =	ssyncadd.remote.s32 $0x1  }
0xbe: {  	_ =	sfence.sel $0xFFFF  }
0xbf: {  	[dreg:$0x0] =	wrdreg $0xFFFFFFFF;
	(pc) =	sbr.abs _section_cstart, $3  }
0xc0: {  	[dreg:$0x1] =	wrdreg $0xFFFFFFFF  }
0xc1: {  	_ =	task.clear_ibuf [dreg:s6], $0x2FFFF;
	_ =	strace $0x9FFFFFFF  }
0xc2: {  	(tm) =	ssettm $0x7FFFFFFF  }
0xc3: {  	_ =	shalt  }
tec
execute0_lowered:
.L_overlay_start_1:
0x0: {  	(tag) =	ssettag $0x1  }
0x1: {  	s0 =	srdreg.scid  }
0x2: {  	s8 =	stileid.u32;
	s6 =	rddreg [dreg:$0x0]  }
0x3: {  	s2 =	rddreg [dreg:$0x1];
	s28 =	simm.s32 $0x50;
	s29 =	simm.s32 $0x6F80  }
0x4: {  	s31 =	simm.s32 $0x9780;
	s0 =	sand.u32 $0x1, s0;
	s19 =	smul.u32 $0x14000, s8  }
0x5: {  	s30 =	simm.s32 $0x2;
	s1 =	sshll.u32 s0, $0x4;
	s7 =	smul.u32 $0x140000, s0  }
0x6: {  	s5 =	sshll.u32 s8, $0x7;
	s1 =	sor.u32 s8, s1;
	s8 =	smul.u32 $0x50000, s8  }
0x7: {  	s0 =	ssub.s32 $0x2, s0;
	s3 =	sshrl.u32 s1, $0x3;
	s1 =	smul.u32 $0x5000, s1  }
0x8: {  	s10 =	sshrl.u32 s0, $0x1;
	s4 =	smul.u32 $0x13C00, s3;
	s3 =	simm.s32 $0x0  }
0x9: {  	s5 =	sand.u32 $0x380, s5;
	s0 =	ssub.s32 s0, s10;
	[smem:$0x7FF] =	sst s3  }
0xa: {  	s20 =	sshrl.u32 s8, $0x2;
	s1 =	sshrl.u32 s1, $0x3;
	_ =	strace $0x8000004D  }
0xb: {  	s4 =	sor.u32 s5, s4;
	s1 =	sadd.s32 s1, s6;
	s5 =	sadd.s32 s19, s7  }
0xc: {  	s4 =	sshrl.u32 s4, $0x3;
	s21 =	sshrl.u32 s5, $0x3;
	s5 =	sadd.s32 s20, s2  }
0xd: {  	s14 =	sadd.s32 $0x2600, s1;
	s15 =	sadd.s32 $0x2800, s1;
	s16 =	sadd.s32 $0x2A00, s1  }
0xe: {  	s17 =	sadd.s32 $0x2C00, s1;
	s18 =	sadd.s32 $0x2E00, s1;
	s20 =	smax.u32 s0, $0x1  }
0xf: {  	s1 =	simm.s32 $0x1;
	s0 =	simm.s32 $0x3380;
	s7 =	sadd.s32 $0x2800, s5  }
0x10: {  	s9 =	sadd.s32 s4, s6;
	s22 =	sadd.s32 $0x5000, s5;
	[dreg:$0x3] =	wrdreg s7  }
0x11: {  	s4 =	sadd.s32 $0x20400, s6;
	s23 =	sadd.s32 $0x7800, s5;
	[dreg:$0x4] =	wrdreg s22  }
0x12: {  	s6 =	sadd.s32 s21, s6;
	s24 =	sadd.s32 $0xA000, s5;
	[dreg:$0x5] =	wrdreg s23  }
0x13: {  	s25 =	sadd.s32 $0xC800, s5;
	s26 =	sadd.s32 $0xF000, s5;
	[dreg:$0x6] =	wrdreg s24  }
0x14: {  	s12 =	sadd.s32 $0x11800, s5;
	s21 =	simm.s32 $0x4780;
	[dreg:$0x7] =	wrdreg s25  }
0x15: {  	[dreg:$0x8] =	wrdreg s26;
	s13 =	sadd.s32 $0x16600, s9;
	s19 =	sadd.s32 $0x47600, s6  }
0x16: {  	s22 =	simm.s32 $0x5;
	s25 =	simm.s32 $0x2780;
	s23 =	simm.s32 $0x6  }
0x17: {  	v0 =	vimm.f32 $0.0e+00;
	s24 =	simm.s32 $0x3;
	s6 =	simm.s32 $0x4;
	s7 =	simm.s32 $0x4380  }
.LBB2_1:
0x18: {  	s8 =	simm.s32 $0x0;
	s9 =	simm.s32 $0x200  }
.LBB2_2:
0x19: {  	p0 =	sne.s32 s9, $0x9E00;
	[tilespmem:s8+$0x47F0] =	vst v0  }
0x1a: {  	[tilespmem:s8+$0x4780] =	vst v0  }
0x1b: {  	[tilespmem:s8+$0x4790] =	vst v0  }
.Ltmp0:
0x1c: {  	[tilespmem:s8+$0x47A0] =	vst v0;
	(pc) =	sbr.rel @p0 .LBB2_2-.Ltmp0, $4  }
0x1d: {  	[tilespmem:s8+$0x47B0] =	vst v0  }
0x1e: {  	[tilespmem:s8+$0x47C0] =	vst v0  }
0x1f: {  	[tilespmem:s8+$0x47D0] =	vst v0  }
0x20: {  	[tilespmem:s8+$0x47E0] =	vst v0;
	s8 =	sshra.s32 s9, $0x2;
	s9 =	sadd.s32 $0x200, s9  }
0x21: {  	[tilespmem:s8+$0x47F0] =	vst v0  }
0x22: {  	[tilespmem:s8+$0x4780] =	vst v0  }
0x23: {  	[tilespmem:s8+$0x4790] =	vst v0  }
0x24: {  	[tilespmem:s8+$0x47A0] =	vst v0  }
0x25: {  	[tilespmem:s8+$0x47B0] =	vst v0  }
0x26: {  	[tilespmem:s8+$0x47C0] =	vst v0  }
0x27: {  	[tilespmem:s8+$0x47D0] =	vst v0  }
0x28: {  	[tilespmem:s8+$0x47E0] =	vst v0  }
0x29: {  	[spmem:s5] =	stream.linear.scatter [tilespmem:s21], [sflag:$0x5], $0x2800, $0x38;
	[tilespmem:$0x1FF80] =	vst v63  }
0x2a: {  	_ =	swait.ge [sflag:s22], $0x2800  }
0x2b: {  	[sflag:s22] =	ssyncset.done $0x0  }
0x2c: {  	s9 =	rddreg [dreg:$0x3];
	[sflag:s22] =	ssyncadd.s32 $0xFFFFD800  }
0x2d: {  	[spmem:s9] =	stream.linear.scatter [tilespmem:s21], [sflag:$0x5], $0x2800, $0x38;
	[tilespmem:$0x1FF80] =	vst v63  }
0x2e: {  	_ =	swait.ge [sflag:s22], $0x2800  }
0x2f: {  	[sflag:s22] =	ssyncset.done $0x0  }
0x30: {  	s10 =	rddreg [dreg:$0x4];
	[sflag:s22] =	ssyncadd.s32 $0xFFFFD800  }
0x31: {  	[spmem:s10] =	stream.linear.scatter [tilespmem:s21], [sflag:$0x5], $0x2800, $0x38;
	[tilespmem:$0x1FF80] =	vst v63  }
0x32: {  	_ =	swait.ge [sflag:s22], $0x2800  }
0x33: {  	[sflag:s22] =	ssyncset.done $0x0  }
0x34: {  	s11 =	rddreg [dreg:$0x5];
	[sflag:s22] =	ssyncadd.s32 $0xFFFFD800  }
0x35: {  	[spmem:s11] =	stream.linear.scatter [tilespmem:s21], [sflag:$0x5], $0x2800, $0x38;
	[tilespmem:$0x1FF80] =	vst v63  }
0x36: {  	_ =	swait.ge [sflag:s22], $0x2800  }
0x37: {  	[sflag:s22] =	ssyncset.done $0x0  }
0x38: {  	s26 =	rddreg [dreg:$0x6];
	[sflag:s22] =	ssyncadd.s32 $0xFFFFD800  }
0x39: {  	[spmem:s26] =	stream.linear.scatter [tilespmem:s21], [sflag:$0x5], $0x2800, $0x38;
	[tilespmem:$0x1FF80] =	vst v63  }
0x3a: {  	_ =	swait.ge [sflag:s22], $0x2800  }
0x3b: {  	[sflag:s22] =	ssyncset.done $0x0  }
0x3c: {  	s9 =	rddreg [dreg:$0x7];
	[sflag:s22] =	ssyncadd.s32 $0xFFFFD800  }
0x3d: {  	[spmem:s9] =	stream.linear.scatter [tilespmem:s21], [sflag:$0x5], $0x2800, $0x38;
	[tilespmem:$0x1FF80] =	vst v63  }
0x3e: {  	_ =	swait.ge [sflag:s22], $0x2800  }
0x3f: {  	[sflag:s22] =	ssyncset.done $0x0  }
0x40: {  	s10 =	rddreg [dreg:$0x8];
	[sflag:s22] =	ssyncadd.s32 $0xFFFFD800  }
0x41: {  	[spmem:s10] =	stream.linear.scatter [tilespmem:s21], [sflag:$0x5], $0x2800, $0x38;
	[tilespmem:$0x1FF80] =	vst v63  }
0x42: {  	_ =	swait.ge [sflag:s22], $0x2800  }
0x43: {  	[sflag:s22] =	ssyncset.done $0x0  }
0x44: {  	[sflag:s22] =	ssyncadd.s32 $0xFFFFD800  }
0x45: {  	[spmem:s12] =	stream.linear.scatter [tilespmem:s21], [sflag:$0x5], $0x2800, $0x38;
	[tilespmem:$0x1FF80] =	vst v63  }
0x46: {  	_ =	swait.ge [sflag:s22], $0x2800  }
0x47: {  	[sflag:s22] =	ssyncset.done $0x0  }
0x48: {  	s8 =	simm.s32 $0x0;
	[sflag:s22] =	ssyncadd.s32 $0xFFFFD800  }
0x49: {  	s9 =	simm.s32 $0x80;
	s10 =	simm.s32 $0x400;
	[bflag:$0x0] =	sbarrier.arrive $0xFFFF  }
0x4a: {  	[tilespmem:s8], [sflag:$0x5] =	stream.strided.gather [hbm4b:s13+s9], $0x2780, s10, s9, $0x38;
	[tilespmem:$0x1FF80] =	vst v63  }
0x4b: {  	_ =	swait.ge [sflag:s22], $0x2780  }
0x4c: {  	[sflag:s22] =	ssyncset.done $0x0  }
0x4d: {  	[sflag:s22] =	ssyncadd.s32 $0xFFFFD880  }
0x4e: {  	[tilespmem:s25], [sflag:$0x5] =	stream.linear.gather [hbm4b:s14+s8], $0xC80, $0x38;
	[tilespmem:$0x1FF80] =	vst v63  }
0x4f: {  	_ =	swait.ge [sflag:s22], $0xC80  }
0x50: {  	[sflag:s22] =	ssyncset.done $0x0  }
0x51: {  	s11 =	simm.s32 $0x3780;
	[sflag:s22] =	ssyncadd.s32 $0xFFFFF380  }
0x52: {  	[tilespmem:s11], [sflag:$0x4] =	stream.linear.gather [hbm4b:s15+s8], $0xC80, $0x38;
	[tilespmem:$0x1FF80] =	vst v63  }
0x53: {  	_ = 	snop  }
0x54: {  	[tilespmem:s21], [sflag:$0x1] =	stream.indirect.gather [hbm4b:s4+s28], $0x80, s8, s28, $0xb8;
	[tilespmem:$0x1FF80] =	vst v63  }
0x55: {  	_ = 	snop  }
0x56: {  	[tilespmem:s29], [sflag:$0x2] =	stream.indirect.gather [hbm4b:s4+s28], $0x80, s28, s28, $0xb8;
	[tilespmem:$0x1FF80] =	vst v63  }
0x57: {  	s26 =	simm.s32 $0xA0  }
0x58: {  	[tilespmem:s31], [sflag:$0x3] =	stream.indirect.gather [hbm4b:s4+s28], $0x80, s26, s28, $0xb8;
	[tilespmem:$0x1FF80] =	vst v63  }
0x59: {  	_ =	swait.ge [sflag:s1], $0x2800  }
0x5a: {  	[sflag:s1] =	ssyncset.done $0x0  }
0x5b: {  	[sflag:s1] =	ssyncadd.s32 $0xFFFFD800  }
0x5c: {  	[spmem:s2] =	stream.indirect.scatter.add.f32 [tilespmem:s21], [sflag:$0x6], $0x80, s25, s28, $0xb8;
	[tilespmem:$0x1FF80] =	vst v63  }
0x5d: {  	_ =	swait.ge [sflag:s23], $0x2800  }
0x5e: {  	[sflag:s23] =	ssyncset.done $0x0  }
0x5f: {  	s10 =	simm.s32 $0xF0;
	[sflag:s23] =	ssyncadd.s32 $0xFFFFD800  }
0x60: {  	[tilespmem:s21], [sflag:$0x1] =	stream.indirect.gather [hbm4b:s4+s28], $0x80, s10, s28, $0xb8;
	[tilespmem:$0x1FF80] =	vst v63  }
0x61: {  	_ =	swait.ge [sflag:s30], $0x2800  }
0x62: {  	[sflag:s30] =	ssyncset.done $0x0  }
0x63: {  	s11 =	simm.s32 $0x2800;
	[sflag:s30] =	ssyncadd.s32 $0xFFFFD800  }
0x64: {  	[spmem:s2] =	stream.indirect.scatter.add.f32 [tilespmem:s29], [sflag:$0x6], $0x80, s11, s28, $0xb8;
	[tilespmem:$0x1FF80] =	vst v63  }
0x65: {  	_ =	swait.ge [sflag:s23], $0x2800  }
0x66: {  	[sflag:s23] =	ssyncset.done $0x0  }
0x67: {  	s26 =	simm.s32 $0x140;
	[sflag:s23] =	ssyncadd.s32 $0xFFFFD800  }
0x68: {  	[tilespmem:s29], [sflag:$0x2] =	stream.indirect.gather [hbm4b:s4+s28], $0x80, s26, s28, $0xb8;
	[tilespmem:$0x1FF80] =	vst v63  }
0x69: {  	_ =	swait.ge [sflag:s24], $0x2800  }
0x6a: {  	[sflag:s24] =	ssyncset.done $0x0  }
0x6b: {  	s10 =	simm.s32 $0x2880;
	[sflag:s24] =	ssyncadd.s32 $0xFFFFD800  }
0x6c: {  	[spmem:s2] =	stream.indirect.scatter.add.f32 [tilespmem:s31], [sflag:$0x5], $0x80, s10, s28, $0xb8;
	[tilespmem:$0x1FF80] =	vst v63  }
0x6d: {  	_ =	swait.ge [sflag:s22], $0x2800  }
0x6e: {  	[sflag:s22] =	ssyncset.done $0x0  }
0x6f: {  	s11 =	simm.s32 $0x190;
	[sflag:s22] =	ssyncadd.s32 $0xFFFFD800  }
0x70: {  	[tilespmem:s31], [sflag:$0x3] =	stream.indirect.gather [hbm4b:s4+s28], $0x80, s11, s28, $0xb8;
	[tilespmem:$0x1FF80] =	vst v63  }
0x71: {  	_ =	swait.ge [sflag:s1], $0x2800  }
0x72: {  	[sflag:s1] =	ssyncset.done $0x0  }
0x73: {  	s26 =	simm.s32 $0x2900;
	[sflag:s1] =	ssyncadd.s32 $0xFFFFD800  }
0x74: {  	[spmem:s2] =	stream.indirect.scatter.add.f32 [tilespmem:s21], [sflag:$0x6], $0x80, s26, s28, $0xb8;
	[tilespmem:$0x1FF80] =	vst v63  }
0x75: {  	_ =	swait.ge [sflag:s23], $0x2800  }
0x76: {  	[sflag:s23] =	ssyncset.done $0x0  }
0x77: {  	s10 =	simm.s32 $0x1E0;
	[sflag:s23] =	ssyncadd.s32 $0xFFFFD800  }
0x78: {  	[tilespmem:s21], [sflag:$0x1] =	stream.indirect.gather [hbm4b:s4+s28], $0x80, s10, s28, $0xb8;
	[tilespmem:$0x1FF80] =	vst v63  }
0x79: {  	_ =	swait.ge [sflag:s30], $0x2800  }
0x7a: {  	[sflag:s30] =	ssyncset.done $0x0  }
0x7b: {  	s11 =	simm.s32 $0x2980;
	[sflag:s30] =	ssyncadd.s32 $0xFFFFD800  }
0x7c: {  	[spmem:s2] =	stream.indirect.scatter.add.f32 [tilespmem:s29], [sflag:$0x6], $0x80, s11, s28, $0xb8;
	[tilespmem:$0x1FF80] =	vst v63  }
0x7d: {  	_ =	swait.ge [sflag:s23], $0x2800  }
0x7e: {  	[sflag:s23] =	ssyncset.done $0x0  }
0x7f: {  	s26 =	simm.s32 $0x230;
	[sflag:s23] =	ssyncadd.s32 $0xFFFFD800  }
0x80: {  	[tilespmem:s29], [sflag:$0x2] =	stream.indirect.gather [hbm4b:s4+s28], $0x80, s26, s28, $0xb8;
	[tilespmem:$0x1FF80] =	vst v63  }
0x81: {  	_ =	swait.ge [sflag:s24], $0x2800  }
0x82: {  	[sflag:s24] =	ssyncset.done $0x0  }
0x83: {  	s10 =	simm.s32 $0x2A00;
	[sflag:s24] =	ssyncadd.s32 $0xFFFFD800  }
0x84: {  	[spmem:s2] =	stream.indirect.scatter.add.f32 [tilespmem:s31], [sflag:$0x5], $0x80, s10, s28, $0xb8;
	[tilespmem:$0x1FF80] =	vst v63  }
0x85: {  	_ =	swait.ge [sflag:s22], $0x2800  }
0x86: {  	[sflag:s22] =	ssyncset.done $0x0  }
0x87: {  	s11 =	simm.s32 $0x280;
	[sflag:s22] =	ssyncadd.s32 $0xFFFFD800  }
0x88: {  	[tilespmem:s31], [sflag:$0x3] =	stream.indirect.gather [hbm4b:s4+s28], $0x80, s11, s28, $0xb8;
	[tilespmem:$0x1FF80] =	vst v63  }
0x89: {  	_ =	swait.ge [sflag:s1], $0x2800  }
0x8a: {  	[sflag:s1] =	ssyncset.done $0x0  }
0x8b: {  	s26 =	simm.s32 $0x2A80;
	[sflag:s1] =	ssyncadd.s32 $0xFFFFD800  }
0x8c: {  	[spmem:s2] =	stream.indirect.scatter.add.f32 [tilespmem:s21], [sflag:$0x6], $0x80, s26, s28, $0xb8;
	[tilespmem:$0x1FF80] =	vst v63  }
0x8d: {  	_ =	swait.ge [sflag:s23], $0x2800  }
0x8e: {  	[sflag:s23] =	ssyncset.done $0x0  }
0x8f: {  	s10 =	simm.s32 $0x2D0;
	[sflag:s23] =	ssyncadd.s32 $0xFFFFD800  }
0x90: {  	[tilespmem:s21], [sflag:$0x1] =	stream.indirect.gather [hbm4b:s4+s28], $0x80, s10, s28, $0xb8;
	[tilespmem:$0x1FF80] =	vst v63  }
0x91: {  	_ =	swait.ge [sflag:s30], $0x2800  }
0x92: {  	[sflag:s30] =	ssyncset.done $0x0  }
0x93: {  	s11 =	simm.s32 $0x2B00;
	[sflag:s30] =	ssyncadd.s32 $0xFFFFD800  }
0x94: {  	[spmem:s2] =	stream.indirect.scatter.add.f32 [tilespmem:s29], [sflag:$0x6], $0x80, s11, s28, $0xb8;
	[tilespmem:$0x1FF80] =	vst v63  }
0x95: {  	_ =	swait.ge [sflag:s23], $0x2800  }
0x96: {  	[sflag:s23] =	ssyncset.done $0x0  }
0x97: {  	s26 =	simm.s32 $0x320;
	[sflag:s23] =	ssyncadd.s32 $0xFFFFD800  }
0x98: {  	[tilespmem:s29], [sflag:$0x2] =	stream.indirect.gather [hbm4b:s4+s28], $0x80, s26, s28, $0xb8;
	[tilespmem:$0x1FF80] =	vst v63  }
0x99: {  	_ =	swait.ge [sflag:s24], $0x2800  }
0x9a: {  	[sflag:s24] =	ssyncset.done $0x0  }
0x9b: {  	s10 =	simm.s32 $0x2B80;
	[sflag:s24] =	ssyncadd.s32 $0xFFFFD800  }
0x9c: {  	[spmem:s2] =	stream.indirect.scatter.add.f32 [tilespmem:s31], [sflag:$0x5], $0x80, s10, s28, $0xb8;
	[tilespmem:$0x1FF80] =	vst v63  }
0x9d: {  	_ =	swait.ge [sflag:s22], $0x2800  }
0x9e: {  	[sflag:s22] =	ssyncset.done $0x0  }
0x9f: {  	s11 =	simm.s32 $0x370;
	[sflag:s22] =	ssyncadd.s32 $0xFFFFD800  }
0xa0: {  	[tilespmem:s31], [sflag:$0x3] =	stream.indirect.gather [hbm4b:s4+s28], $0x80, s11, s28, $0xb8;
	[tilespmem:$0x1FF80] =	vst v63  }
0xa1: {  	_ =	swait.ge [sflag:s1], $0x2800  }
0xa2: {  	[sflag:s1] =	ssyncset.done $0x0  }
0xa3: {  	s26 =	simm.s32 $0x2C00;
	[sflag:s1] =	ssyncadd.s32 $0xFFFFD800  }
0xa4: {  	[spmem:s2] =	stream.indirect.scatter.add.f32 [tilespmem:s21], [sflag:$0x6], $0x80, s26, s28, $0xb8;
	[tilespmem:$0x1FF80] =	vst v63  }
0xa5: {  	_ =	swait.ge [sflag:s23], $0x2800  }
0xa6: {  	[sflag:s23] =	ssyncset.done $0x0  }
0xa7: {  	s10 =	simm.s32 $0x3C0;
	[sflag:s23] =	ssyncadd.s32 $0xFFFFD800  }
0xa8: {  	[tilespmem:s21], [sflag:$0x1] =	stream.indirect.gather [hbm4b:s4+s28], $0x80, s10, s28, $0xb8;
	[tilespmem:$0x1FF80] =	vst v63  }
0xa9: {  	_ =	swait.ge [sflag:s30], $0x2800  }
0xaa: {  	[sflag:s30] =	ssyncset.done $0x0  }
0xab: {  	s11 =	simm.s32 $0x2C80;
	[sflag:s30] =	ssyncadd.s32 $0xFFFFD800  }
0xac: {  	[spmem:s2] =	stream.indirect.scatter.add.f32 [tilespmem:s29], [sflag:$0x6], $0x80, s11, s28, $0xb8;
	[tilespmem:$0x1FF80] =	vst v63  }
0xad: {  	_ =	swait.ge [sflag:s23], $0x2800  }
0xae: {  	[sflag:s23] =	ssyncset.done $0x0  }
0xaf: {  	s26 =	simm.s32 $0x410;
	[sflag:s23] =	ssyncadd.s32 $0xFFFFD800  }
0xb0: {  	[tilespmem:s29], [sflag:$0x2] =	stream.indirect.gather [hbm4b:s4+s28], $0x80, s26, s28, $0xb8;
	[tilespmem:$0x1FF80] =	vst v63  }
0xb1: {  	_ =	swait.ge [sflag:s24], $0x2800  }
0xb2: {  	[sflag:s24] =	ssyncset.done $0x0  }
0xb3: {  	s10 =	simm.s32 $0x2D00;
	[sflag:s24] =	ssyncadd.s32 $0xFFFFD800  }
0xb4: {  	[spmem:s2] =	stream.indirect.scatter.add.f32 [tilespmem:s31], [sflag:$0x5], $0x80, s10, s28, $0xb8;
	[tilespmem:$0x1FF80] =	vst v63  }
0xb5: {  	_ =	swait.ge [sflag:s22], $0x2800  }
0xb6: {  	[sflag:s22] =	ssyncset.done $0x0  }
0xb7: {  	s11 =	simm.s32 $0x460;
	[sflag:s22] =	ssyncadd.s32 $0xFFFFD800  }
0xb8: {  	[tilespmem:s31], [sflag:$0x3] =	stream.indirect.gather [hbm4b:s4+s28], $0x80, s11, s28, $0xb8;
	[tilespmem:$0x1FF80] =	vst v63  }
0xb9: {  	_ =	swait.ge [sflag:s1], $0x2800  }
0xba: {  	[sflag:s1] =	ssyncset.done $0x0  }
0xbb: {  	s26 =	simm.s32 $0x2D80;
	[sflag:s1] =	ssyncadd.s32 $0xFFFFD800  }
0xbc: {  	[spmem:s2] =	stream.indirect.scatter.add.f32 [tilespmem:s21], [sflag:$0x6], $0x80, s26, s28, $0xb8;
	[tilespmem:$0x1FF80] =	vst v63  }
0xbd: {  	_ =	swait.ge [sflag:s23], $0x2800  }
0xbe: {  	[sflag:s23] =	ssyncset.done $0x0  }
0xbf: {  	s10 =	simm.s32 $0x4B0;
	[sflag:s23] =	ssyncadd.s32 $0xFFFFD800  }
0xc0: {  	[tilespmem:s21], [sflag:$0x1] =	stream.indirect.gather [hbm4b:s4+s28], $0x80, s10, s28, $0xb8;
	[tilespmem:$0x1FF80] =	vst v63  }
0xc1: {  	_ =	swait.ge [sflag:s30], $0x2800  }
0xc2: {  	[sflag:s30] =	ssyncset.done $0x0  }
0xc3: {  	s11 =	simm.s32 $0x2E00;
	[sflag:s30] =	ssyncadd.s32 $0xFFFFD800  }
0xc4: {  	[spmem:s2] =	stream.indirect.scatter.add.f32 [tilespmem:s29], [sflag:$0x6], $0x80, s11, s28, $0xb8;
	[tilespmem:$0x1FF80] =	vst v63  }
0xc5: {  	_ =	swait.ge [sflag:s23], $0x2800  }
0xc6: {  	[sflag:s23] =	ssyncset.done $0x0  }
0xc7: {  	s26 =	simm.s32 $0x500;
	[sflag:s23] =	ssyncadd.s32 $0xFFFFD800  }
0xc8: {  	[tilespmem:s29], [sflag:$0x2] =	stream.indirect.gather [hbm4b:s4+s28], $0x80, s26, s28, $0xb8;
	[tilespmem:$0x1FF80] =	vst v63  }
0xc9: {  	_ =	swait.ge [sflag:s24], $0x2800  }
0xca: {  	[sflag:s24] =	ssyncset.done $0x0  }
0xcb: {  	s10 =	simm.s32 $0x2E80;
	[sflag:s24] =	ssyncadd.s32 $0xFFFFD800  }
0xcc: {  	[spmem:s2] =	stream.indirect.scatter.add.f32 [tilespmem:s31], [sflag:$0x5], $0x80, s10, s28, $0xb8;
	[tilespmem:$0x1FF80] =	vst v63  }
0xcd: {  	_ =	swait.ge [sflag:s22], $0x2800  }
0xce: {  	[sflag:s22] =	ssyncset.done $0x0  }
0xcf: {  	s11 =	simm.s32 $0x550;
	[sflag:s22] =	ssyncadd.s32 $0xFFFFD800  }
0xd0: {  	[tilespmem:s31], [sflag:$0x3] =	stream.indirect.gather [hbm4b:s4+s28], $0x80, s11, s28, $0xb8;
	[tilespmem:$0x1FF80] =	vst v63  }
0xd1: {  	_ =	swait.ge [sflag:s1], $0x2800  }
0xd2: {  	[sflag:s1] =	ssyncset.done $0x0  }
0xd3: {  	s26 =	simm.s32 $0x2F00;
	[sflag:s1] =	ssyncadd.s32 $0xFFFFD800  }
0xd4: {  	[spmem:s2] =	stream.indirect.scatter.add.f32 [tilespmem:s21], [sflag:$0x6], $0x80, s26, s28, $0xb8;
	[tilespmem:$0x1FF80] =	vst v63  }
0xd5: {  	_ =	swait.ge [sflag:s23], $0x2800  }
0xd6: {  	[sflag:s23] =	ssyncset.done $0x0  }
0xd7: {  	s10 =	simm.s32 $0x5A0;
	[sflag:s23] =	ssyncadd.s32 $0xFFFFD800  }
0xd8: {  	[tilespmem:s21], [sflag:$0x1] =	stream.indirect.gather [hbm4b:s4+s28], $0x80, s10, s28, $0xb8;
	[tilespmem:$0x1FF80] =	vst v63  }
0xd9: {  	_ =	swait.ge [sflag:s30], $0x2800  }
0xda: {  	[sflag:s30] =	ssyncset.done $0x0  }
0xdb: {  	s11 =	simm.s32 $0x2F80;
	[sflag:s30] =	ssyncadd.s32 $0xFFFFD800  }
0xdc: {  	[spmem:s2] =	stream.indirect.scatter.add.f32 [tilespmem:s29], [sflag:$0x6], $0x80, s11, s28, $0xb8;
	[tilespmem:$0x1FF80] =	vst v63  }
0xdd: {  	_ =	swait.ge [sflag:s23], $0x2800  }
0xde: {  	[sflag:s23] =	ssyncset.done $0x0  }
0xdf: {  	s26 =	simm.s32 $0x5F0;
	[sflag:s23] =	ssyncadd.s32 $0xFFFFD800  }
0xe0: {  	[tilespmem:s29], [sflag:$0x2] =	stream.indirect.gather [hbm4b:s4+s28], $0x80, s26, s28, $0xb8;
	[tilespmem:$0x1FF80] =	vst v63  }
0xe1: {  	_ =	swait.ge [sflag:s24], $0x2800  }
0xe2: {  	[sflag:s24] =	ssyncset.done $0x0  }
0xe3: {  	s10 =	simm.s32 $0x3000;
	[sflag:s24] =	ssyncadd.s32 $0xFFFFD800  }
0xe4: {  	[spmem:s2] =	stream.indirect.scatter.add.f32 [tilespmem:s31], [sflag:$0x5], $0x80, s10, s28, $0xb8;
	[tilespmem:$0x1FF80] =	vst v63  }
0xe5: {  	_ =	swait.ge [sflag:s22], $0x2800  }
0xe6: {  	[sflag:s22] =	ssyncset.done $0x0  }
0xe7: {  	s11 =	simm.s32 $0x640;
	[sflag:s22] =	ssyncadd.s32 $0xFFFFD800  }
0xe8: {  	[tilespmem:s31], [sflag:$0x3] =	stream.indirect.gather [hbm4b:s4+s28], $0x80, s11, s28, $0xb8;
	[tilespmem:$0x1FF80] =	vst v63  }
0xe9: {  	_ =	swait.ge [sflag:s1], $0x2800  }
0xea: {  	[sflag:s1] =	ssyncset.done $0x0  }
0xeb: {  	s26 =	simm.s32 $0x3080;
	[sflag:s1] =	ssyncadd.s32 $0xFFFFD800  }
0xec: {  	[spmem:s2] =	stream.indirect.scatter.add.f32 [tilespmem:s21], [sflag:$0x6], $0x80, s26, s28, $0xb8;
	[tilespmem:$0x1FF80] =	vst v63  }
0xed: {  	_ =	swait.ge [sflag:s23], $0x2800  }
0xee: {  	[sflag:s23] =	ssyncset.done $0x0  }
0xef: {  	s10 =	simm.s32 $0x690;
	[sflag:s23] =	ssyncadd.s32 $0xFFFFD800  }
0xf0: {  	[tilespmem:s21], [sflag:$0x1] =	stream.indirect.gather [hbm4b:s4+s28], $0x80, s10, s28, $0xb8;
	[tilespmem:$0x1FF80] =	vst v63  }
0xf1: {  	_ =	swait.ge [sflag:s30], $0x2800  }
0xf2: {  	[sflag:s30] =	ssyncset.done $0x0  }
0xf3: {  	s11 =	simm.s32 $0x3100;
	[sflag:s30] =	ssyncadd.s32 $0xFFFFD800  }
0xf4: {  	[spmem:s2] =	stream.indirect.scatter.add.f32 [tilespmem:s29], [sflag:$0x6], $0x80, s11, s28, $0xb8;
	[tilespmem:$0x1FF80] =	vst v63  }
0xf5: {  	_ =	swait.ge [sflag:s23], $0x2800  }
0xf6: {  	[sflag:s23] =	ssyncset.done $0x0  }
0xf7: {  	s26 =	simm.s32 $0x6E0;
	[sflag:s23] =	ssyncadd.s32 $0xFFFFD800  }
0xf8: {  	[tilespmem:s29], [sflag:$0x2] =	stream.indirect.gather [hbm4b:s4+s28], $0x80, s26, s28, $0xb8;
	[tilespmem:$0x1FF80] =	vst v63  }
0xf9: {  	_ =	swait.ge [sflag:s24], $0x2800  }
0xfa: {  	[sflag:s24] =	ssyncset.done $0x0  }
0xfb: {  	s10 =	simm.s32 $0x3180;
	[sflag:s24] =	ssyncadd.s32 $0xFFFFD800  }
0xfc: {  	[spmem:s2] =	stream.indirect.scatter.add.f32 [tilespmem:s31], [sflag:$0x5], $0x80, s10, s28, $0xb8;
	[tilespmem:$0x1FF80] =	vst v63  }
0xfd: {  	_ =	swait.ge [sflag:s22], $0x2800  }
0xfe: {  	[sflag:s22] =	ssyncset.done $0x0  }
0xff: {  	s11 =	simm.s32 $0x730;
	[sflag:s22] =	ssyncadd.s32 $0xFFFFD800  }
0x100: {  	[tilespmem:s31], [sflag:$0x3] =	stream.indirect.gather [hbm4b:s4+s28], $0x80, s11, s28, $0xb8;
	[tilespmem:$0x1FF80] =	vst v63  }
0x101: {  	_ =	swait.ge [sflag:s1], $0x2800  }
0x102: {  	[sflag:s1] =	ssyncset.done $0x0  }
0x103: {  	s26 =	simm.s32 $0x3200;
	[sflag:s1] =	ssyncadd.s32 $0xFFFFD800  }
0x104: {  	[spmem:s2] =	stream.indirect.scatter.add.f32 [tilespmem:s21], [sflag:$0x6], $0x80, s26, s28, $0xb8;
	[tilespmem:$0x1FF80] =	vst v63  }
0x105: {  	_ =	swait.ge [sflag:s23], $0x2800  }
0x106: {  	[sflag:s23] =	ssyncset.done $0x0  }
0x107: {  	s10 =	simm.s32 $0x780;
	[sflag:s23] =	ssyncadd.s32 $0xFFFFD800  }
0x108: {  	[tilespmem:s21], [sflag:$0x1] =	stream.indirect.gather [hbm4b:s4+s28], $0x80, s10, s28, $0xb8;
	[tilespmem:$0x1FF80] =	vst v63  }
0x109: {  	_ =	swait.ge [sflag:s30], $0x2800  }
0x10a: {  	[sflag:s30] =	ssyncset.done $0x0  }
0x10b: {  	s11 =	simm.s32 $0x3280;
	[sflag:s30] =	ssyncadd.s32 $0xFFFFD800  }
0x10c: {  	[spmem:s2] =	stream.indirect.scatter.add.f32 [tilespmem:s29], [sflag:$0x6], $0x80, s11, s28, $0xb8;
	[tilespmem:$0x1FF80] =	vst v63  }
0x10d: {  	_ =	swait.ge [sflag:s23], $0x2800  }
0x10e: {  	[sflag:s23] =	ssyncset.done $0x0  }
0x10f: {  	[sflag:s23] =	ssyncadd.s32 $0xFFFFD800  }
0x110: {  	_ =	swait.ge [sflag:s24], $0x2800  }
0x111: {  	[sflag:s24] =	ssyncset.done $0x0  }
0x112: {  	s26 =	simm.s32 $0x3300;
	[sflag:s24] =	ssyncadd.s32 $0xFFFFD800  }
0x113: {  	[spmem:s2] =	stream.indirect.scatter.add.f32 [tilespmem:s31], [sflag:$0x5], $0x80, s26, s28, $0xb8;
	[tilespmem:$0x1FF80] =	vst v63  }
0x114: {  	_ =	swait.ge [sflag:s22], $0x2800  }
0x115: {  	[sflag:s22] =	ssyncset.done $0x0  }
0x116: {  	[sflag:s22] =	ssyncadd.s32 $0xFFFFD800  }
0x117: {  	_ =	swait.ge [sflag:s1], $0x2800  }
0x118: {  	[sflag:s1] =	ssyncset.done $0x0  }
0x119: {  	[sflag:s1] =	ssyncadd.s32 $0xFFFFD800  }
0x11a: {  	[spmem:s2] =	stream.indirect.scatter.add.f32 [tilespmem:s21], [sflag:$0x6], $0x80, s0, s28, $0xb8;
	[tilespmem:$0x1FF80] =	vst v63  }
0x11b: {  	_ =	swait.ge [sflag:s23], $0x2800  }
0x11c: {  	[sflag:s23] =	ssyncset.done $0x0  }
0x11d: {  	[sflag:s23] =	ssyncadd.s32 $0xFFFFD800  }
0x11e: {  	_ =	swait.ge [sflag:s6], $0xC80  }
0x11f: {  	[sflag:s6] =	ssyncset.done $0x0  }
0x120: {  	[sflag:s6] =	ssyncadd.s32 $0xFFFFF380  }
0x121: {  	[tilespmem:s25], [sflag:$0x4] =	stream.linear.gather [hbm4b:s16+s8], $0xC80, $0x38;
	[tilespmem:$0x1FF80] =	vst v63  }
0x122: {  	s9 =	simm.s32 $0x7D0  }
0x123: {  	[tilespmem:s21], [sflag:$0x1] =	stream.indirect.gather [hbm4b:s4+s28], $0x80, s9, s28, $0xb8;
	[tilespmem:$0x1FF80] =	vst v63  }
0x124: {  	s10 =	simm.s32 $0x820  }
0x125: {  	[tilespmem:s29], [sflag:$0x2] =	stream.indirect.gather [hbm4b:s4+s28], $0x80, s10, s28, $0xb8;
	[tilespmem:$0x1FF80] =	vst v63  }
0x126: {  	s11 =	simm.s32 $0x870  }
0x127: {  	[tilespmem:s31], [sflag:$0x3] =	stream.indirect.gather [hbm4b:s4+s28], $0x80, s11, s28, $0xb8;
	[tilespmem:$0x1FF80] =	vst v63  }
0x128: {  	_ =	swait.ge [sflag:s1], $0x2800  }
0x129: {  	[sflag:s1] =	ssyncset.done $0x0  }
0x12a: {  	s26 =	simm.s32 $0x3780;
	[sflag:s1] =	ssyncadd.s32 $0xFFFFD800  }
0x12b: {  	[spmem:s2] =	stream.indirect.scatter.add.f32 [tilespmem:s21], [sflag:$0x6], $0x80, s26, s28, $0xb8;
	[tilespmem:$0x1FF80] =	vst v63  }
0x12c: {  	_ =	swait.ge [sflag:s23], $0x2800  }
0x12d: {  	[sflag:s23] =	ssyncset.done $0x0  }
0x12e: {  	s9 =	simm.s32 $0x8C0;
	[sflag:s23] =	ssyncadd.s32 $0xFFFFD800  }
0x12f: {  	[tilespmem:s21], [sflag:$0x1] =	stream.indirect.gather [hbm4b:s4+s28], $0x80, s9, s28, $0xb8;
	[tilespmem:$0x1FF80] =	vst v63  }
0x130: {  	_ =	swait.ge [sflag:s30], $0x2800  }
0x131: {  	[sflag:s30] =	ssyncset.done $0x0  }
0x132: {  	s10 =	simm.s32 $0x3800;
	[sflag:s30] =	ssyncadd.s32 $0xFFFFD800  }
0x133: {  	[spmem:s2] =	stream.indirect.scatter.add.f32 [tilespmem:s29], [sflag:$0x6], $0x80, s10, s28, $0xb8;
	[tilespmem:$0x1FF80] =	vst v63  }
0x134: {  	_ =	swait.ge [sflag:s23], $0x2800  }
0x135: {  	[sflag:s23] =	ssyncset.done $0x0  }
0x136: {  	s11 =	simm.s32 $0x910;
	[sflag:s23] =	ssyncadd.s32 $0xFFFFD800  }
0x137: {  	[tilespmem:s29], [sflag:$0x2] =	stream.indirect.gather [hbm4b:s4+s28], $0x80, s11, s28, $0xb8;
	[tilespmem:$0x1FF80] =	vst v63  }
0x138: {  	_ =	swait.ge [sflag:s24], $0x2800  }
0x139: {  	[sflag:s24] =	ssyncset.done $0x0  }
0x13a: {  	s26 =	simm.s32 $0x3880;
	[sflag:s24] =	ssyncadd.s32 $0xFFFFD800  }
0x13b: {  	[spmem:s2] =	stream.indirect.scatter.add.f32 [tilespmem:s31], [sflag:$0x5], $0x80, s26, s28, $0xb8;
	[tilespmem:$0x1FF80] =	vst v63  }
0x13c: {  	s8 =	simm.s32 $0x3A00;
	_ =	swait.ge [sflag:s22], $0x2800  }
0x13d: {  	s9 =	simm.s32 $0x780;
	s26 =	simm.s32 $0xF0;
	[sflag:s22] =	ssyncset.done $0x0  }
.LBB2_4:
0x13e: {  	s10 =	sadd.s32 $0x870, s26  }
0x13f: {  	[sflag:s22] =	ssyncadd.s32 $0xFFFFD800;
	s11 =	smov.u32 s9;
	s9 =	sadd.s32 $0x3C0, s9  }
0x140: {  	[tilespmem:s31], [sflag:$0x3] =	stream.indirect.gather [hbm4b:s4+s28], $0x80, s10, s28, $0xb8;
	[tilespmem:$0x1FF80] =	vst v63  }
0x141: {  	p0 =	sne.s32 s9, $0x1A40;
	_ =	swait.ge [sflag:s1], $0x2800  }
0x142: {  	[sflag:s1] =	ssyncset.done $0x0  }
0x143: {  	s10 =	sadd.s32 $0xFFFFFF00, s8;
	[sflag:s1] =	ssyncadd.s32 $0xFFFFD800  }
0x144: {  	[spmem:s2] =	stream.indirect.scatter.add.f32 [tilespmem:s21], [sflag:$0x6], $0x80, s10, s28, $0xb8;
	[tilespmem:$0x1FF80] =	vst v63  }
0x145: {  	_ =	swait.ge [sflag:s23], $0x2800  }
0x146: {  	[sflag:s23] =	ssyncset.done $0x0  }
0x147: {  	s10 =	sadd.s32 $0x8C0, s26;
	[sflag:s23] =	ssyncadd.s32 $0xFFFFD800  }
0x148: {  	[tilespmem:s21], [sflag:$0x1] =	stream.indirect.gather [hbm4b:s4+s28], $0x80, s10, s28, $0xb8;
	[tilespmem:$0x1FF80] =	vst v63  }
0x149: {  	_ =	swait.ge [sflag:s30], $0x2800  }
0x14a: {  	[sflag:s30] =	ssyncset.done $0x0  }
0x14b: {  	s10 =	sadd.s32 $0xFFFFFF80, s8;
	[sflag:s30] =	ssyncadd.s32 $0xFFFFD800  }
0x14c: {  	[spmem:s2] =	stream.indirect.scatter.add.f32 [tilespmem:s29], [sflag:$0x6], $0x80, s10, s28, $0xb8;
	[tilespmem:$0x1FF80] =	vst v63  }
0x14d: {  	_ =	swait.ge [sflag:s23], $0x2800  }
0x14e: {  	[sflag:s23] =	ssyncset.done $0x0  }
0x14f: {  	s10 =	sadd.s32 $0x910, s26;
	[sflag:s23] =	ssyncadd.s32 $0xFFFFD800  }
0x150: {  	[tilespmem:s29], [sflag:$0x2] =	stream.indirect.gather [hbm4b:s4+s28], $0x80, s10, s28, $0xb8;
	[tilespmem:$0x1FF80] =	vst v63  }
0x151: {  	_ =	swait.ge [sflag:s24], $0x2800  }
.Ltmp1:
0x152: {  	[sflag:s24] =	ssyncset.done $0x0;
	(pc) =	sbr.rel @p0 .LBB2_4-.Ltmp1, $4  }
0x153: {  	[sflag:s24] =	ssyncadd.s32 $0xFFFFD800  }
0x154: {  	[spmem:s2] =	stream.indirect.scatter.add.f32 [tilespmem:s31], [sflag:$0x5], $0x80, s8, s28, $0xb8;
	[tilespmem:$0x1FF80] =	vst v63  }
0x155: {  	_ =	swait.ge [sflag:s22], $0x2800  }
0x156: {  	s26 =	sshra.s32 s11, $0x2;
	s8 =	sadd.s32 $0x180, s8;
	[sflag:s22] =	ssyncset.done $0x0  }
0x157: {  	s10 =	sadd.s32 $0x870, s26;
	[sflag:s22] =	ssyncadd.s32 $0xFFFFD800  }
0x158: {  	[tilespmem:s31], [sflag:$0x3] =	stream.indirect.gather [hbm4b:s4+s28], $0x80, s10, s28, $0xb8;
	[tilespmem:$0x1FF80] =	vst v63  }
0x159: {  	_ =	swait.ge [sflag:s1], $0x2800  }
0x15a: {  	[sflag:s1] =	ssyncset.done $0x0  }
0x15b: {  	s11 =	sadd.s32 $0xFFFFFF00, s8;
	[sflag:s1] =	ssyncadd.s32 $0xFFFFD800  }
0x15c: {  	[spmem:s2] =	stream.indirect.scatter.add.f32 [tilespmem:s21], [sflag:$0x6], $0x80, s11, s28, $0xb8;
	[tilespmem:$0x1FF80] =	vst v63  }
0x15d: {  	_ =	swait.ge [sflag:s23], $0x2800  }
0x15e: {  	[sflag:s23] =	ssyncset.done $0x0  }
0x15f: {  	s11 =	sadd.s32 $0x8C0, s26;
	[sflag:s23] =	ssyncadd.s32 $0xFFFFD800  }
0x160: {  	[tilespmem:s21], [sflag:$0x1] =	stream.indirect.gather [hbm4b:s4+s28], $0x80, s11, s28, $0xb8;
	[tilespmem:$0x1FF80] =	vst v63  }
0x161: {  	_ =	swait.ge [sflag:s30], $0x2800  }
0x162: {  	[sflag:s30] =	ssyncset.done $0x0  }
0x163: {  	s11 =	sadd.s32 $0xFFFFFF80, s8;
	[sflag:s30] =	ssyncadd.s32 $0xFFFFD800  }
0x164: {  	[spmem:s2] =	stream.indirect.scatter.add.f32 [tilespmem:s29], [sflag:$0x6], $0x80, s11, s28, $0xb8;
	[tilespmem:$0x1FF80] =	vst v63  }
0x165: {  	_ =	swait.ge [sflag:s23], $0x2800  }
0x166: {  	[sflag:s23] =	ssyncset.done $0x0  }
0x167: {  	s11 =	sadd.s32 $0x910, s26;
	[sflag:s23] =	ssyncadd.s32 $0xFFFFD800  }
0x168: {  	[tilespmem:s29], [sflag:$0x2] =	stream.indirect.gather [hbm4b:s4+s28], $0x80, s11, s28, $0xb8;
	[tilespmem:$0x1FF80] =	vst v63  }
0x169: {  	_ =	swait.ge [sflag:s24], $0x2800  }
0x16a: {  	[sflag:s24] =	ssyncset.done $0x0  }
0x16b: {  	[sflag:s24] =	ssyncadd.s32 $0xFFFFD800  }
0x16c: {  	[spmem:s2] =	stream.indirect.scatter.add.f32 [tilespmem:s31], [sflag:$0x5], $0x80, s8, s28, $0xb8;
	[tilespmem:$0x1FF80] =	vst v63  }
0x16d: {  	_ =	swait.ge [sflag:s22], $0x2800  }
0x16e: {  	s9 =	sshra.s32 s9, $0x2;
	[sflag:s22] =	ssyncset.done $0x0  }
0x16f: {  	s26 =	sadd.s32 $0x870, s9;
	[sflag:s22] =	ssyncadd.s32 $0xFFFFD800  }
0x170: {  	[tilespmem:s31], [sflag:$0x3] =	stream.indirect.gather [hbm4b:s4+s28], $0x80, s26, s28, $0xb8;
	[tilespmem:$0x1FF80] =	vst v63  }
0x171: {  	_ =	swait.ge [sflag:s1], $0x2800  }
0x172: {  	[sflag:s1] =	ssyncset.done $0x0  }
0x173: {  	s11 =	sadd.s32 $0x80, s8;
	[sflag:s1] =	ssyncadd.s32 $0xFFFFD800  }
0x174: {  	[spmem:s2] =	stream.indirect.scatter.add.f32 [tilespmem:s21], [sflag:$0x6], $0x80, s11, s28, $0xb8;
	[tilespmem:$0x1FF80] =	vst v63  }
0x175: {  	_ =	swait.ge [sflag:s23], $0x2800  }
0x176: {  	[sflag:s23] =	ssyncset.done $0x0  }
0x177: {  	s9 =	sadd.s32 $0x8C0, s9;
	[sflag:s23] =	ssyncadd.s32 $0xFFFFD800  }
0x178: {  	[tilespmem:s21], [sflag:$0x1] =	stream.indirect.gather [hbm4b:s4+s28], $0x80, s9, s28, $0xb8;
	[tilespmem:$0x1FF80] =	vst v63  }
0x179: {  	_ =	swait.ge [sflag:s30], $0x2800  }
0x17a: {  	[sflag:s30] =	ssyncset.done $0x0  }
0x17b: {  	s26 =	sadd.s32 $0x100, s8;
	[sflag:s30] =	ssyncadd.s32 $0xFFFFD800  }
0x17c: {  	[spmem:s2] =	stream.indirect.scatter.add.f32 [tilespmem:s29], [sflag:$0x6], $0x80, s26, s28, $0xb8;
	[tilespmem:$0x1FF80] =	vst v63  }
0x17d: {  	_ =	swait.ge [sflag:s23], $0x2800  }
0x17e: {  	[sflag:s23] =	ssyncset.done $0x0  }
0x17f: {  	[sflag:s23] =	ssyncadd.s32 $0xFFFFD800  }
0x180: {  	_ =	swait.ge [sflag:s24], $0x2800  }
0x181: {  	[sflag:s24] =	ssyncset.done $0x0  }
0x182: {  	s10 =	sadd.s32 $0x180, s8;
	[sflag:s24] =	ssyncadd.s32 $0xFFFFD800  }
0x183: {  	[spmem:s2] =	stream.indirect.scatter.add.f32 [tilespmem:s31], [sflag:$0x5], $0x80, s10, s28, $0xb8;
	[tilespmem:$0x1FF80] =	vst v63  }
0x184: {  	_ =	swait.ge [sflag:s22], $0x2800  }
0x185: {  	[sflag:s22] =	ssyncset.done $0x0  }
0x186: {  	[sflag:s22] =	ssyncadd.s32 $0xFFFFD800  }
0x187: {  	_ =	swait.ge [sflag:s1], $0x2800  }
0x188: {  	[sflag:s1] =	ssyncset.done $0x0  }
0x189: {  	[sflag:s1] =	ssyncadd.s32 $0xFFFFD800  }
0x18a: {  	[spmem:s2] =	stream.indirect.scatter.add.f32 [tilespmem:s21], [sflag:$0x6], $0x80, s7, s28, $0xb8;
	[tilespmem:$0x1FF80] =	vst v63  }
0x18b: {  	_ =	swait.ge [sflag:s23], $0x2800  }
0x18c: {  	[sflag:s23] =	ssyncset.done $0x0  }
0x18d: {  	[sflag:s23] =	ssyncadd.s32 $0xFFFFD800  }
0x18e: {  	_ =	swait.ge [sflag:s6], $0xC80  }
0x18f: {  	[sflag:s6] =	ssyncset.done $0x0  }
0x190: {  	s11 =	simm.s32 $0x0;
	s26 =	simm.s32 $0x3780;
	[sflag:s6] =	ssyncadd.s32 $0xFFFFF380  }
0x191: {  	[tilespmem:s26], [sflag:$0x4] =	stream.linear.gather [hbm4b:s17+s11], $0xC80, $0x38;
	[tilespmem:$0x1FF80] =	vst v63  }
0x192: {  	s9 =	simm.s32 $0xFA0  }
0x193: {  	[tilespmem:s21], [sflag:$0x1] =	stream.indirect.gather [hbm4b:s4+s28], $0x80, s9, s28, $0xb8;
	[tilespmem:$0x1FF80] =	vst v63  }
0x194: {  	s10 =	simm.s32 $0xFF0  }
0x195: {  	[tilespmem:s29], [sflag:$0x2] =	stream.indirect.gather [hbm4b:s4+s28], $0x80, s10, s28, $0xb8;
	[tilespmem:$0x1FF80] =	vst v63  }
0x196: {  	s11 =	simm.s32 $0x1040  }
0x197: {  	[tilespmem:s31], [sflag:$0x3] =	stream.indirect.gather [hbm4b:s4+s28], $0x80, s11, s28, $0xb8;
	[tilespmem:$0x1FF80] =	vst v63  }
0x198: {  	_ =	swait.ge [sflag:s1], $0x2800  }
0x199: {  	[sflag:s1] =	ssyncset.done $0x0  }
0x19a: {  	s26 =	simm.s32 $0x2780;
	[sflag:s1] =	ssyncadd.s32 $0xFFFFD800  }
0x19b: {  	[spmem:s2] =	stream.indirect.scatter.add.f32 [tilespmem:s21], [sflag:$0x6], $0x80, s26, s28, $0xb8;
	[tilespmem:$0x1FF80] =	vst v63  }
0x19c: {  	_ =	swait.ge [sflag:s23], $0x2800  }
0x19d: {  	[sflag:s23] =	ssyncset.done $0x0  }
0x19e: {  	s9 =	simm.s32 $0x1090;
	[sflag:s23] =	ssyncadd.s32 $0xFFFFD800  }
0x19f: {  	[tilespmem:s21], [sflag:$0x1] =	stream.indirect.gather [hbm4b:s4+s28], $0x80, s9, s28, $0xb8;
	[tilespmem:$0x1FF80] =	vst v63  }
0x1a0: {  	_ =	swait.ge [sflag:s30], $0x2800  }
0x1a1: {  	[sflag:s30] =	ssyncset.done $0x0  }
0x1a2: {  	s10 =	simm.s32 $0x2800;
	[sflag:s30] =	ssyncadd.s32 $0xFFFFD800  }
0x1a3: {  	[spmem:s2] =	stream.indirect.scatter.add.f32 [tilespmem:s29], [sflag:$0x6], $0x80, s10, s28, $0xb8;
	[tilespmem:$0x1FF80] =	vst v63  }
0x1a4: {  	_ =	swait.ge [sflag:s23], $0x2800  }
0x1a5: {  	[sflag:s23] =	ssyncset.done $0x0  }
0x1a6: {  	s11 =	simm.s32 $0x10E0;
	[sflag:s23] =	ssyncadd.s32 $0xFFFFD800  }
0x1a7: {  	[tilespmem:s29], [sflag:$0x2] =	stream.indirect.gather [hbm4b:s4+s28], $0x80, s11, s28, $0xb8;
	[tilespmem:$0x1FF80] =	vst v63  }
0x1a8: {  	_ =	swait.ge [sflag:s24], $0x2800  }
0x1a9: {  	[sflag:s24] =	ssyncset.done $0x0  }
0x1aa: {  	s26 =	simm.s32 $0x2880;
	[sflag:s24] =	ssyncadd.s32 $0xFFFFD800  }
0x1ab: {  	[spmem:s2] =	stream.indirect.scatter.add.f32 [tilespmem:s31], [sflag:$0x5], $0x80, s26, s28, $0xb8;
	[tilespmem:$0x1FF80] =	vst v63  }
0x1ac: {  	s8 =	simm.s32 $0x2A00;
	_ =	swait.ge [sflag:s22], $0x2800  }
0x1ad: {  	s9 =	simm.s32 $0x780;
	s26 =	simm.s32 $0xF0;
	[sflag:s22] =	ssyncset.done $0x0  }
.LBB2_6:
0x1ae: {  	s10 =	sadd.s32 $0x1040, s26  }
0x1af: {  	[sflag:s22] =	ssyncadd.s32 $0xFFFFD800;
	s11 =	smov.u32 s9;
	s9 =	sadd.s32 $0x3C0, s9  }
0x1b0: {  	[tilespmem:s31], [sflag:$0x3] =	stream.indirect.gather [hbm4b:s4+s28], $0x80, s10, s28, $0xb8;
	[tilespmem:$0x1FF80] =	vst v63  }
0x1b1: {  	p0 =	sne.s32 s9, $0x1A40;
	_ =	swait.ge [sflag:s1], $0x2800  }
0x1b2: {  	[sflag:s1] =	ssyncset.done $0x0  }
0x1b3: {  	s10 =	sadd.s32 $0xFFFFFF00, s8;
	[sflag:s1] =	ssyncadd.s32 $0xFFFFD800  }
0x1b4: {  	[spmem:s2] =	stream.indirect.scatter.add.f32 [tilespmem:s21], [sflag:$0x6], $0x80, s10, s28, $0xb8;
	[tilespmem:$0x1FF80] =	vst v63  }
0x1b5: {  	_ =	swait.ge [sflag:s23], $0x2800  }
0x1b6: {  	[sflag:s23] =	ssyncset.done $0x0  }
0x1b7: {  	s10 =	sadd.s32 $0x1090, s26;
	[sflag:s23] =	ssyncadd.s32 $0xFFFFD800  }
0x1b8: {  	[tilespmem:s21], [sflag:$0x1] =	stream.indirect.gather [hbm4b:s4+s28], $0x80, s10, s28, $0xb8;
	[tilespmem:$0x1FF80] =	vst v63  }
0x1b9: {  	_ =	swait.ge [sflag:s30], $0x2800  }
0x1ba: {  	[sflag:s30] =	ssyncset.done $0x0  }
0x1bb: {  	s10 =	sadd.s32 $0xFFFFFF80, s8;
	[sflag:s30] =	ssyncadd.s32 $0xFFFFD800  }
0x1bc: {  	[spmem:s2] =	stream.indirect.scatter.add.f32 [tilespmem:s29], [sflag:$0x6], $0x80, s10, s28, $0xb8;
	[tilespmem:$0x1FF80] =	vst v63  }
0x1bd: {  	_ =	swait.ge [sflag:s23], $0x2800  }
0x1be: {  	[sflag:s23] =	ssyncset.done $0x0  }
0x1bf: {  	s10 =	sadd.s32 $0x10E0, s26;
	[sflag:s23] =	ssyncadd.s32 $0xFFFFD800  }
0x1c0: {  	[tilespmem:s29], [sflag:$0x2] =	stream.indirect.gather [hbm4b:s4+s28], $0x80, s10, s28, $0xb8;
	[tilespmem:$0x1FF80] =	vst v63  }
0x1c1: {  	_ =	swait.ge [sflag:s24], $0x2800  }
.Ltmp2:
0x1c2: {  	[sflag:s24] =	ssyncset.done $0x0;
	(pc) =	sbr.rel @p0 .LBB2_6-.Ltmp2, $4  }
0x1c3: {  	[sflag:s24] =	ssyncadd.s32 $0xFFFFD800  }
0x1c4: {  	[spmem:s2] =	stream.indirect.scatter.add.f32 [tilespmem:s31], [sflag:$0x5], $0x80, s8, s28, $0xb8;
	[tilespmem:$0x1FF80] =	vst v63  }
0x1c5: {  	_ =	swait.ge [sflag:s22], $0x2800  }
0x1c6: {  	s26 =	sshra.s32 s11, $0x2;
	s8 =	sadd.s32 $0x180, s8;
	[sflag:s22] =	ssyncset.done $0x0  }
0x1c7: {  	s10 =	sadd.s32 $0x1040, s26;
	[sflag:s22] =	ssyncadd.s32 $0xFFFFD800  }
0x1c8: {  	[tilespmem:s31], [sflag:$0x3] =	stream.indirect.gather [hbm4b:s4+s28], $0x80, s10, s28, $0xb8;
	[tilespmem:$0x1FF80] =	vst v63  }
0x1c9: {  	_ =	swait.ge [sflag:s1], $0x2800  }
0x1ca: {  	[sflag:s1] =	ssyncset.done $0x0  }
0x1cb: {  	s11 =	sadd.s32 $0xFFFFFF00, s8;
	[sflag:s1] =	ssyncadd.s32 $0xFFFFD800  }
0x1cc: {  	[spmem:s2] =	stream.indirect.scatter.add.f32 [tilespmem:s21], [sflag:$0x6], $0x80, s11, s28, $0xb8;
	[tilespmem:$0x1FF80] =	vst v63  }
0x1cd: {  	_ =	swait.ge [sflag:s23], $0x2800  }
0x1ce: {  	[sflag:s23] =	ssyncset.done $0x0  }
0x1cf: {  	s11 =	sadd.s32 $0x1090, s26;
	[sflag:s23] =	ssyncadd.s32 $0xFFFFD800  }
0x1d0: {  	[tilespmem:s21], [sflag:$0x1] =	stream.indirect.gather [hbm4b:s4+s28], $0x80, s11, s28, $0xb8;
	[tilespmem:$0x1FF80] =	vst v63  }
0x1d1: {  	_ =	swait.ge [sflag:s30], $0x2800  }
0x1d2: {  	[sflag:s30] =	ssyncset.done $0x0  }
0x1d3: {  	s11 =	sadd.s32 $0xFFFFFF80, s8;
	[sflag:s30] =	ssyncadd.s32 $0xFFFFD800  }
0x1d4: {  	[spmem:s2] =	stream.indirect.scatter.add.f32 [tilespmem:s29], [sflag:$0x6], $0x80, s11, s28, $0xb8;
	[tilespmem:$0x1FF80] =	vst v63  }
0x1d5: {  	_ =	swait.ge [sflag:s23], $0x2800  }
0x1d6: {  	[sflag:s23] =	ssyncset.done $0x0  }
0x1d7: {  	s26 =	sadd.s32 $0x10E0, s26;
	[sflag:s23] =	ssyncadd.s32 $0xFFFFD800  }
0x1d8: {  	[tilespmem:s29], [sflag:$0x2] =	stream.indirect.gather [hbm4b:s4+s28], $0x80, s26, s28, $0xb8;
	[tilespmem:$0x1FF80] =	vst v63  }
0x1d9: {  	_ =	swait.ge [sflag:s24], $0x2800  }
0x1da: {  	[sflag:s24] =	ssyncset.done $0x0  }
0x1db: {  	[sflag:s24] =	ssyncadd.s32 $0xFFFFD800  }
0x1dc: {  	[spmem:s2] =	stream.indirect.scatter.add.f32 [tilespmem:s31], [sflag:$0x5], $0x80, s8, s28, $0xb8;
	[tilespmem:$0x1FF80] =	vst v63  }
0x1dd: {  	_ =	swait.ge [sflag:s22], $0x2800  }
0x1de: {  	s9 =	sshra.s32 s9, $0x2;
	[sflag:s22] =	ssyncset.done $0x0  }
0x1df: {  	s11 =	sadd.s32 $0x1040, s9;
	[sflag:s22] =	ssyncadd.s32 $0xFFFFD800  }
0x1e0: {  	[tilespmem:s31], [sflag:$0x3] =	stream.indirect.gather [hbm4b:s4+s28], $0x80, s11, s28, $0xb8;
	[tilespmem:$0x1FF80] =	vst v63  }
0x1e1: {  	_ =	swait.ge [sflag:s1], $0x2800  }
0x1e2: {  	[sflag:s1] =	ssyncset.done $0x0  }
0x1e3: {  	s26 =	sadd.s32 $0x80, s8;
	[sflag:s1] =	ssyncadd.s32 $0xFFFFD800  }
0x1e4: {  	[spmem:s2] =	stream.indirect.scatter.add.f32 [tilespmem:s21], [sflag:$0x6], $0x80, s26, s28, $0xb8;
	[tilespmem:$0x1FF80] =	vst v63  }
0x1e5: {  	_ =	swait.ge [sflag:s23], $0x2800  }
0x1e6: {  	[sflag:s23] =	ssyncset.done $0x0  }
0x1e7: {  	s9 =	sadd.s32 $0x1090, s9;
	[sflag:s23] =	ssyncadd.s32 $0xFFFFD800  }
0x1e8: {  	[tilespmem:s21], [sflag:$0x1] =	stream.indirect.gather [hbm4b:s4+s28], $0x80, s9, s28, $0xb8;
	[tilespmem:$0x1FF80] =	vst v63  }
0x1e9: {  	_ =	swait.ge [sflag:s30], $0x2800  }
0x1ea: {  	[sflag:s30] =	ssyncset.done $0x0  }
0x1eb: {  	s10 =	sadd.s32 $0x100, s8;
	[sflag:s30] =	ssyncadd.s32 $0xFFFFD800  }
0x1ec: {  	[spmem:s2] =	stream.indirect.scatter.add.f32 [tilespmem:s29], [sflag:$0x6], $0x80, s10, s28, $0xb8;
	[tilespmem:$0x1FF80] =	vst v63  }
0x1ed: {  	_ =	swait.ge [sflag:s23], $0x2800  }
0x1ee: {  	[sflag:s23] =	ssyncset.done $0x0  }
0x1ef: {  	[sflag:s23] =	ssyncadd.s32 $0xFFFFD800  }
0x1f0: {  	_ =	swait.ge [sflag:s24], $0x2800  }
0x1f1: {  	[sflag:s24] =	ssyncset.done $0x0  }
0x1f2: {  	s11 =	sadd.s32 $0x180, s8;
	[sflag:s24] =	ssyncadd.s32 $0xFFFFD800  }
0x1f3: {  	[spmem:s2] =	stream.indirect.scatter.add.f32 [tilespmem:s31], [sflag:$0x5], $0x80, s11, s28, $0xb8;
	[tilespmem:$0x1FF80] =	vst v63  }
0x1f4: {  	_ =	swait.ge [sflag:s22], $0x2800  }
0x1f5: {  	[sflag:s22] =	ssyncset.done $0x0  }
0x1f6: {  	[sflag:s22] =	ssyncadd.s32 $0xFFFFD800  }
0x1f7: {  	_ =	swait.ge [sflag:s1], $0x2800  }
0x1f8: {  	[sflag:s1] =	ssyncset.done $0x0  }
0x1f9: {  	[sflag:s1] =	ssyncadd.s32 $0xFFFFD800  }
0x1fa: {  	[spmem:s2] =	stream.indirect.scatter.add.f32 [tilespmem:s21], [sflag:$0x6], $0x80, s0, s28, $0xb8;
	[tilespmem:$0x1FF80] =	vst v63  }
0x1fb: {  	_ =	swait.ge [sflag:s23], $0x2800  }
0x1fc: {  	[sflag:s23] =	ssyncset.done $0x0  }
0x1fd: {  	[sflag:s23] =	ssyncadd.s32 $0xFFFFD800  }
0x1fe: {  	_ =	swait.ge [sflag:s6], $0xC80  }
0x1ff: {  	[sflag:s6] =	ssyncset.done $0x0  }
0x200: {  	s26 =	simm.s32 $0x0;
	[sflag:s6] =	ssyncadd.s32 $0xFFFFF380  }
0x201: {  	[tilespmem:s25], [sflag:$0x4] =	stream.linear.gather [hbm4b:s18+s26], $0xC80, $0x38;
	[tilespmem:$0x1FF80] =	vst v63  }
0x202: {  	s9 =	simm.s32 $0x1770  }
0x203: {  	[tilespmem:s21], [sflag:$0x1] =	stream.indirect.gather [hbm4b:s4+s28], $0x80, s9, s28, $0xb8;
	[tilespmem:$0x1FF80] =	vst v63  }
0x204: {  	s10 =	simm.s32 $0x17C0  }
0x205: {  	[tilespmem:s29], [sflag:$0x2] =	stream.indirect.gather [hbm4b:s4+s28], $0x80, s10, s28, $0xb8;
	[tilespmem:$0x1FF80] =	vst v63  }
0x206: {  	s11 =	simm.s32 $0x1810  }
0x207: {  	[tilespmem:s31], [sflag:$0x3] =	stream.indirect.gather [hbm4b:s4+s28], $0x80, s11, s28, $0xb8;
	[tilespmem:$0x1FF80] =	vst v63  }
0x208: {  	_ =	swait.ge [sflag:s1], $0x2800  }
0x209: {  	[sflag:s1] =	ssyncset.done $0x0  }
0x20a: {  	s26 =	simm.s32 $0x3780;
	[sflag:s1] =	ssyncadd.s32 $0xFFFFD800  }
0x20b: {  	[spmem:s2] =	stream.indirect.scatter.add.f32 [tilespmem:s21], [sflag:$0x6], $0x80, s26, s28, $0xb8;
	[tilespmem:$0x1FF80] =	vst v63  }
0x20c: {  	_ =	swait.ge [sflag:s23], $0x2800  }
0x20d: {  	[sflag:s23] =	ssyncset.done $0x0  }
0x20e: {  	s9 =	simm.s32 $0x1860;
	[sflag:s23] =	ssyncadd.s32 $0xFFFFD800  }
0x20f: {  	[tilespmem:s21], [sflag:$0x1] =	stream.indirect.gather [hbm4b:s4+s28], $0x80, s9, s28, $0xb8;
	[tilespmem:$0x1FF80] =	vst v63  }
0x210: {  	_ =	swait.ge [sflag:s30], $0x2800  }
0x211: {  	[sflag:s30] =	ssyncset.done $0x0  }
0x212: {  	s10 =	simm.s32 $0x3800;
	[sflag:s30] =	ssyncadd.s32 $0xFFFFD800  }
0x213: {  	[spmem:s2] =	stream.indirect.scatter.add.f32 [tilespmem:s29], [sflag:$0x6], $0x80, s10, s28, $0xb8;
	[tilespmem:$0x1FF80] =	vst v63  }
0x214: {  	_ =	swait.ge [sflag:s23], $0x2800  }
0x215: {  	[sflag:s23] =	ssyncset.done $0x0  }
0x216: {  	s11 =	simm.s32 $0x18B0;
	[sflag:s23] =	ssyncadd.s32 $0xFFFFD800  }
0x217: {  	[tilespmem:s29], [sflag:$0x2] =	stream.indirect.gather [hbm4b:s4+s28], $0x80, s11, s28, $0xb8;
	[tilespmem:$0x1FF80] =	vst v63  }
0x218: {  	_ =	swait.ge [sflag:s24], $0x2800  }
0x219: {  	[sflag:s24] =	ssyncset.done $0x0  }
0x21a: {  	s26 =	simm.s32 $0x3880;
	[sflag:s24] =	ssyncadd.s32 $0xFFFFD800  }
0x21b: {  	[spmem:s2] =	stream.indirect.scatter.add.f32 [tilespmem:s31], [sflag:$0x5], $0x80, s26, s28, $0xb8;
	[tilespmem:$0x1FF80] =	vst v63  }
0x21c: {  	s8 =	simm.s32 $0x3A00;
	_ =	swait.ge [sflag:s22], $0x2800  }
0x21d: {  	s9 =	simm.s32 $0x780;
	s26 =	simm.s32 $0xF0;
	[sflag:s22] =	ssyncset.done $0x0  }
.LBB2_8:
0x21e: {  	s10 =	sadd.s32 $0x1810, s26  }
0x21f: {  	[sflag:s22] =	ssyncadd.s32 $0xFFFFD800;
	s11 =	smov.u32 s9;
	s9 =	sadd.s32 $0x3C0, s9  }
0x220: {  	[tilespmem:s31], [sflag:$0x3] =	stream.indirect.gather [hbm4b:s4+s28], $0x80, s10, s28, $0xb8;
	[tilespmem:$0x1FF80] =	vst v63  }
0x221: {  	p0 =	sne.s32 s9, $0x1A40;
	_ =	swait.ge [sflag:s1], $0x2800  }
0x222: {  	[sflag:s1] =	ssyncset.done $0x0  }
0x223: {  	s10 =	sadd.s32 $0xFFFFFF00, s8;
	[sflag:s1] =	ssyncadd.s32 $0xFFFFD800  }
0x224: {  	[spmem:s2] =	stream.indirect.scatter.add.f32 [tilespmem:s21], [sflag:$0x6], $0x80, s10, s28, $0xb8;
	[tilespmem:$0x1FF80] =	vst v63  }
0x225: {  	_ =	swait.ge [sflag:s23], $0x2800  }
0x226: {  	[sflag:s23] =	ssyncset.done $0x0  }
0x227: {  	s10 =	sadd.s32 $0x1860, s26;
	[sflag:s23] =	ssyncadd.s32 $0xFFFFD800  }
0x228: {  	[tilespmem:s21], [sflag:$0x1] =	stream.indirect.gather [hbm4b:s4+s28], $0x80, s10, s28, $0xb8;
	[tilespmem:$0x1FF80] =	vst v63  }
0x229: {  	_ =	swait.ge [sflag:s30], $0x2800  }
0x22a: {  	[sflag:s30] =	ssyncset.done $0x0  }
0x22b: {  	s10 =	sadd.s32 $0xFFFFFF80, s8;
	[sflag:s30] =	ssyncadd.s32 $0xFFFFD800  }
0x22c: {  	[spmem:s2] =	stream.indirect.scatter.add.f32 [tilespmem:s29], [sflag:$0x6], $0x80, s10, s28, $0xb8;
	[tilespmem:$0x1FF80] =	vst v63  }
0x22d: {  	_ =	swait.ge [sflag:s23], $0x2800  }
0x22e: {  	[sflag:s23] =	ssyncset.done $0x0  }
0x22f: {  	s10 =	sadd.s32 $0x18B0, s26;
	[sflag:s23] =	ssyncadd.s32 $0xFFFFD800  }
0x230: {  	[tilespmem:s29], [sflag:$0x2] =	stream.indirect.gather [hbm4b:s4+s28], $0x80, s10, s28, $0xb8;
	[tilespmem:$0x1FF80] =	vst v63  }
0x231: {  	_ =	swait.ge [sflag:s24], $0x2800  }
.Ltmp3:
0x232: {  	[sflag:s24] =	ssyncset.done $0x0;
	(pc) =	sbr.rel @p0 .LBB2_8-.Ltmp3, $4  }
0x233: {  	[sflag:s24] =	ssyncadd.s32 $0xFFFFD800  }
0x234: {  	[spmem:s2] =	stream.indirect.scatter.add.f32 [tilespmem:s31], [sflag:$0x5], $0x80, s8, s28, $0xb8;
	[tilespmem:$0x1FF80] =	vst v63  }
0x235: {  	_ =	swait.ge [sflag:s22], $0x2800  }
0x236: {  	s26 =	sshra.s32 s11, $0x2;
	s8 =	sadd.s32 $0x180, s8;
	[sflag:s22] =	ssyncset.done $0x0  }
0x237: {  	s10 =	sadd.s32 $0x1810, s26;
	[sflag:s22] =	ssyncadd.s32 $0xFFFFD800  }
0x238: {  	[tilespmem:s31], [sflag:$0x3] =	stream.indirect.gather [hbm4b:s4+s28], $0x80, s10, s28, $0xb8;
	[tilespmem:$0x1FF80] =	vst v63  }
0x239: {  	_ =	swait.ge [sflag:s1], $0x2800  }
0x23a: {  	[sflag:s1] =	ssyncset.done $0x0  }
0x23b: {  	s11 =	sadd.s32 $0xFFFFFF00, s8;
	[sflag:s1] =	ssyncadd.s32 $0xFFFFD800  }
0x23c: {  	[spmem:s2] =	stream.indirect.scatter.add.f32 [tilespmem:s21], [sflag:$0x6], $0x80, s11, s28, $0xb8;
	[tilespmem:$0x1FF80] =	vst v63  }
0x23d: {  	_ =	swait.ge [sflag:s23], $0x2800  }
0x23e: {  	[sflag:s23] =	ssyncset.done $0x0  }
0x23f: {  	s11 =	sadd.s32 $0x1860, s26;
	[sflag:s23] =	ssyncadd.s32 $0xFFFFD800  }
0x240: {  	[tilespmem:s21], [sflag:$0x1] =	stream.indirect.gather [hbm4b:s4+s28], $0x80, s11, s28, $0xb8;
	[tilespmem:$0x1FF80] =	vst v63  }
0x241: {  	_ =	swait.ge [sflag:s30], $0x2800  }
0x242: {  	[sflag:s30] =	ssyncset.done $0x0  }
0x243: {  	s11 =	sadd.s32 $0xFFFFFF80, s8;
	[sflag:s30] =	ssyncadd.s32 $0xFFFFD800  }
0x244: {  	[spmem:s2] =	stream.indirect.scatter.add.f32 [tilespmem:s29], [sflag:$0x6], $0x80, s11, s28, $0xb8;
	[tilespmem:$0x1FF80] =	vst v63  }
0x245: {  	_ =	swait.ge [sflag:s23], $0x2800  }
0x246: {  	[sflag:s23] =	ssyncset.done $0x0  }
0x247: {  	s26 =	sadd.s32 $0x18B0, s26;
	[sflag:s23] =	ssyncadd.s32 $0xFFFFD800  }
0x248: {  	[tilespmem:s29], [sflag:$0x2] =	stream.indirect.gather [hbm4b:s4+s28], $0x80, s26, s28, $0xb8;
	[tilespmem:$0x1FF80] =	vst v63  }
0x249: {  	_ =	swait.ge [sflag:s24], $0x2800  }
0x24a: {  	[sflag:s24] =	ssyncset.done $0x0  }
0x24b: {  	[sflag:s24] =	ssyncadd.s32 $0xFFFFD800  }
0x24c: {  	[spmem:s2] =	stream.indirect.scatter.add.f32 [tilespmem:s31], [sflag:$0x5], $0x80, s8, s28, $0xb8;
	[tilespmem:$0x1FF80] =	vst v63  }
0x24d: {  	_ =	swait.ge [sflag:s22], $0x2800  }
0x24e: {  	s9 =	sshra.s32 s9, $0x2;
	[sflag:s22] =	ssyncset.done $0x0  }
0x24f: {  	s11 =	sadd.s32 $0x1810, s9;
	[sflag:s22] =	ssyncadd.s32 $0xFFFFD800  }
0x250: {  	[tilespmem:s31], [sflag:$0x3] =	stream.indirect.gather [hbm4b:s4+s28], $0x80, s11, s28, $0xb8;
	[tilespmem:$0x1FF80] =	vst v63  }
0x251: {  	_ =	swait.ge [sflag:s1], $0x2800  }
0x252: {  	[sflag:s1] =	ssyncset.done $0x0  }
0x253: {  	s26 =	sadd.s32 $0x80, s8;
	[sflag:s1] =	ssyncadd.s32 $0xFFFFD800  }
0x254: {  	[spmem:s2] =	stream.indirect.scatter.add.f32 [tilespmem:s21], [sflag:$0x6], $0x80, s26, s28, $0xb8;
	[tilespmem:$0x1FF80] =	vst v63  }
0x255: {  	_ =	swait.ge [sflag:s23], $0x2800  }
0x256: {  	[sflag:s23] =	ssyncset.done $0x0  }
0x257: {  	s9 =	sadd.s32 $0x1860, s9;
	[sflag:s23] =	ssyncadd.s32 $0xFFFFD800  }
0x258: {  	[tilespmem:s21], [sflag:$0x1] =	stream.indirect.gather [hbm4b:s4+s28], $0x80, s9, s28, $0xb8;
	[tilespmem:$0x1FF80] =	vst v63  }
0x259: {  	_ =	swait.ge [sflag:s30], $0x2800  }
0x25a: {  	[sflag:s30] =	ssyncset.done $0x0  }
0x25b: {  	s11 =	sadd.s32 $0x100, s8;
	[sflag:s30] =	ssyncadd.s32 $0xFFFFD800  }
0x25c: {  	[spmem:s2] =	stream.indirect.scatter.add.f32 [tilespmem:s29], [sflag:$0x6], $0x80, s11, s28, $0xb8;
	[tilespmem:$0x1FF80] =	vst v63  }
0x25d: {  	_ =	swait.ge [sflag:s23], $0x2800  }
0x25e: {  	[sflag:s23] =	ssyncset.done $0x0  }
0x25f: {  	[sflag:s23] =	ssyncadd.s32 $0xFFFFD800  }
0x260: {  	_ =	swait.ge [sflag:s24], $0x2800  }
0x261: {  	[sflag:s24] =	ssyncset.done $0x0  }
0x262: {  	s26 =	sadd.s32 $0x180, s8;
	[sflag:s24] =	ssyncadd.s32 $0xFFFFD800  }
0x263: {  	[spmem:s2] =	stream.indirect.scatter.add.f32 [tilespmem:s31], [sflag:$0x5], $0x80, s26, s28, $0xb8;
	[tilespmem:$0x1FF80] =	vst v63  }
0x264: {  	_ =	swait.ge [sflag:s22], $0x2800  }
0x265: {  	[sflag:s22] =	ssyncset.done $0x0  }
0x266: {  	[sflag:s22] =	ssyncadd.s32 $0xFFFFD800  }
0x267: {  	_ =	swait.ge [sflag:s1], $0x2800  }
0x268: {  	[sflag:s1] =	ssyncset.done $0x0  }
0x269: {  	[sflag:s1] =	ssyncadd.s32 $0xFFFFD800  }
0x26a: {  	[spmem:s2] =	stream.indirect.scatter.add.f32 [tilespmem:s21], [sflag:$0x6], $0x80, s7, s28, $0xb8;
	[tilespmem:$0x1FF80] =	vst v63  }
0x26b: {  	_ =	swait.ge [sflag:s23], $0x2800  }
0x26c: {  	[sflag:s23] =	ssyncset.done $0x0  }
0x26d: {  	[sflag:s23] =	ssyncadd.s32 $0xFFFFD800  }
0x26e: {  	_ =	swait.ge [sflag:s6], $0xC80  }
0x26f: {  	[sflag:s6] =	ssyncset.done $0x0  }
0x270: {  	s9 =	simm.s32 $0x1F40;
	[sflag:s6] =	ssyncadd.s32 $0xFFFFF380  }
0x271: {  	[tilespmem:s21], [sflag:$0x1] =	stream.indirect.gather [hbm4b:s4+s28], $0x80, s9, s28, $0xb8;
	[tilespmem:$0x1FF80] =	vst v63  }
0x272: {  	s10 =	simm.s32 $0x1F90  }
0x273: {  	[tilespmem:s29], [sflag:$0x2] =	stream.indirect.gather [hbm4b:s4+s28], $0x80, s10, s28, $0xb8;
	[tilespmem:$0x1FF80] =	vst v63  }
0x274: {  	s11 =	simm.s32 $0x1FE0  }
0x275: {  	[tilespmem:s31], [sflag:$0x3] =	stream.indirect.gather [hbm4b:s4+s28], $0x80, s11, s28, $0xb8;
	[tilespmem:$0x1FF80] =	vst v63  }
0x276: {  	_ =	swait.ge [sflag:s1], $0x2800  }
0x277: {  	[sflag:s1] =	ssyncset.done $0x0  }
0x278: {  	s26 =	simm.s32 $0x2780;
	[sflag:s1] =	ssyncadd.s32 $0xFFFFD800  }
0x279: {  	[spmem:s2] =	stream.indirect.scatter.add.f32 [tilespmem:s21], [sflag:$0x6], $0x80, s26, s28, $0xb8;
	[tilespmem:$0x1FF80] =	vst v63  }
0x27a: {  	_ =	swait.ge [sflag:s23], $0x2800  }
0x27b: {  	[sflag:s23] =	ssyncset.done $0x0  }
0x27c: {  	s9 =	simm.s32 $0x2030;
	[sflag:s23] =	ssyncadd.s32 $0xFFFFD800  }
0x27d: {  	[tilespmem:s21], [sflag:$0x1] =	stream.indirect.gather [hbm4b:s4+s28], $0x80, s9, s28, $0xb8;
	[tilespmem:$0x1FF80] =	vst v63  }
0x27e: {  	_ =	swait.ge [sflag:s30], $0x2800  }
0x27f: {  	[sflag:s30] =	ssyncset.done $0x0  }
0x280: {  	s10 =	simm.s32 $0x2800;
	[sflag:s30] =	ssyncadd.s32 $0xFFFFD800  }
0x281: {  	[spmem:s2] =	stream.indirect.scatter.add.f32 [tilespmem:s29], [sflag:$0x6], $0x80, s10, s28, $0xb8;
	[tilespmem:$0x1FF80] =	vst v63  }
0x282: {  	_ =	swait.ge [sflag:s23], $0x2800  }
0x283: {  	[sflag:s23] =	ssyncset.done $0x0  }
0x284: {  	s11 =	simm.s32 $0x2080;
	[sflag:s23] =	ssyncadd.s32 $0xFFFFD800  }
0x285: {  	[tilespmem:s29], [sflag:$0x2] =	stream.indirect.gather [hbm4b:s4+s28], $0x80, s11, s28, $0xb8;
	[tilespmem:$0x1FF80] =	vst v63  }
0x286: {  	_ =	swait.ge [sflag:s24], $0x2800  }
0x287: {  	[sflag:s24] =	ssyncset.done $0x0  }
0x288: {  	s26 =	simm.s32 $0x2880;
	[sflag:s24] =	ssyncadd.s32 $0xFFFFD800  }
0x289: {  	[spmem:s2] =	stream.indirect.scatter.add.f32 [tilespmem:s31], [sflag:$0x5], $0x80, s26, s28, $0xb8;
	[tilespmem:$0x1FF80] =	vst v63  }
0x28a: {  	s8 =	simm.s32 $0x2A00;
	_ =	swait.ge [sflag:s22], $0x2800  }
0x28b: {  	s9 =	simm.s32 $0x780;
	s26 =	simm.s32 $0xF0;
	[sflag:s22] =	ssyncset.done $0x0  }
.LBB2_10:
0x28c: {  	s10 =	sadd.s32 $0x1FE0, s26  }
0x28d: {  	[sflag:s22] =	ssyncadd.s32 $0xFFFFD800;
	s11 =	smov.u32 s9;
	s9 =	sadd.s32 $0x3C0, s9  }
0x28e: {  	[tilespmem:s31], [sflag:$0x3] =	stream.indirect.gather [hbm4b:s4+s28], $0x80, s10, s28, $0xb8;
	[tilespmem:$0x1FF80] =	vst v63  }
0x28f: {  	p0 =	sne.s32 s9, $0x1A40;
	_ =	swait.ge [sflag:s1], $0x2800  }
0x290: {  	[sflag:s1] =	ssyncset.done $0x0  }
0x291: {  	s10 =	sadd.s32 $0xFFFFFF00, s8;
	[sflag:s1] =	ssyncadd.s32 $0xFFFFD800  }
0x292: {  	[spmem:s2] =	stream.indirect.scatter.add.f32 [tilespmem:s21], [sflag:$0x6], $0x80, s10, s28, $0xb8;
	[tilespmem:$0x1FF80] =	vst v63  }
0x293: {  	_ =	swait.ge [sflag:s23], $0x2800  }
0x294: {  	[sflag:s23] =	ssyncset.done $0x0  }
0x295: {  	s10 =	sadd.s32 $0x2030, s26;
	[sflag:s23] =	ssyncadd.s32 $0xFFFFD800  }
0x296: {  	[tilespmem:s21], [sflag:$0x1] =	stream.indirect.gather [hbm4b:s4+s28], $0x80, s10, s28, $0xb8;
	[tilespmem:$0x1FF80] =	vst v63  }
0x297: {  	_ =	swait.ge [sflag:s30], $0x2800  }
0x298: {  	[sflag:s30] =	ssyncset.done $0x0  }
0x299: {  	s10 =	sadd.s32 $0xFFFFFF80, s8;
	[sflag:s30] =	ssyncadd.s32 $0xFFFFD800  }
0x29a: {  	[spmem:s2] =	stream.indirect.scatter.add.f32 [tilespmem:s29], [sflag:$0x6], $0x80, s10, s28, $0xb8;
	[tilespmem:$0x1FF80] =	vst v63  }
0x29b: {  	_ =	swait.ge [sflag:s23], $0x2800  }
0x29c: {  	[sflag:s23] =	ssyncset.done $0x0  }
0x29d: {  	s10 =	sadd.s32 $0x2080, s26;
	[sflag:s23] =	ssyncadd.s32 $0xFFFFD800  }
0x29e: {  	[tilespmem:s29], [sflag:$0x2] =	stream.indirect.gather [hbm4b:s4+s28], $0x80, s10, s28, $0xb8;
	[tilespmem:$0x1FF80] =	vst v63  }
0x29f: {  	_ =	swait.ge [sflag:s24], $0x2800  }
.Ltmp4:
0x2a0: {  	[sflag:s24] =	ssyncset.done $0x0;
	(pc) =	sbr.rel @p0 .LBB2_10-.Ltmp4, $4  }
0x2a1: {  	[sflag:s24] =	ssyncadd.s32 $0xFFFFD800  }
0x2a2: {  	[spmem:s2] =	stream.indirect.scatter.add.f32 [tilespmem:s31], [sflag:$0x5], $0x80, s8, s28, $0xb8;
	[tilespmem:$0x1FF80] =	vst v63  }
0x2a3: {  	_ =	swait.ge [sflag:s22], $0x2800  }
0x2a4: {  	s26 =	sshra.s32 s11, $0x2;
	s8 =	sadd.s32 $0x180, s8;
	[sflag:s22] =	ssyncset.done $0x0  }
0x2a5: {  	s10 =	sadd.s32 $0x1FE0, s26;
	[sflag:s22] =	ssyncadd.s32 $0xFFFFD800  }
0x2a6: {  	[tilespmem:s31], [sflag:$0x3] =	stream.indirect.gather [hbm4b:s4+s28], $0x80, s10, s28, $0xb8;
	[tilespmem:$0x1FF80] =	vst v63  }
0x2a7: {  	_ =	swait.ge [sflag:s1], $0x2800  }
0x2a8: {  	[sflag:s1] =	ssyncset.done $0x0  }
0x2a9: {  	s11 =	sadd.s32 $0xFFFFFF00, s8;
	[sflag:s1] =	ssyncadd.s32 $0xFFFFD800  }
0x2aa: {  	[spmem:s2] =	stream.indirect.scatter.add.f32 [tilespmem:s21], [sflag:$0x6], $0x80, s11, s28, $0xb8;
	[tilespmem:$0x1FF80] =	vst v63  }
0x2ab: {  	_ =	swait.ge [sflag:s23], $0x2800  }
0x2ac: {  	[sflag:s23] =	ssyncset.done $0x0  }
0x2ad: {  	s11 =	sadd.s32 $0x2030, s26;
	[sflag:s23] =	ssyncadd.s32 $0xFFFFD800  }
0x2ae: {  	[tilespmem:s21], [sflag:$0x1] =	stream.indirect.gather [hbm4b:s4+s28], $0x80, s11, s28, $0xb8;
	[tilespmem:$0x1FF80] =	vst v63  }
0x2af: {  	_ =	swait.ge [sflag:s30], $0x2800  }
0x2b0: {  	[sflag:s30] =	ssyncset.done $0x0  }
0x2b1: {  	s11 =	sadd.s32 $0xFFFFFF80, s8;
	[sflag:s30] =	ssyncadd.s32 $0xFFFFD800  }
0x2b2: {  	[spmem:s2] =	stream.indirect.scatter.add.f32 [tilespmem:s29], [sflag:$0x6], $0x80, s11, s28, $0xb8;
	[tilespmem:$0x1FF80] =	vst v63  }
0x2b3: {  	_ =	swait.ge [sflag:s23], $0x2800  }
0x2b4: {  	[sflag:s23] =	ssyncset.done $0x0  }
0x2b5: {  	s11 =	sadd.s32 $0x2080, s26;
	[sflag:s23] =	ssyncadd.s32 $0xFFFFD800  }
0x2b6: {  	[tilespmem:s29], [sflag:$0x2] =	stream.indirect.gather [hbm4b:s4+s28], $0x80, s11, s28, $0xb8;
	[tilespmem:$0x1FF80] =	vst v63  }
0x2b7: {  	_ =	swait.ge [sflag:s24], $0x2800  }
0x2b8: {  	[sflag:s24] =	ssyncset.done $0x0  }
0x2b9: {  	[sflag:s24] =	ssyncadd.s32 $0xFFFFD800  }
0x2ba: {  	[spmem:s2] =	stream.indirect.scatter.add.f32 [tilespmem:s31], [sflag:$0x5], $0x80, s8, s28, $0xb8;
	[tilespmem:$0x1FF80] =	vst v63  }
0x2bb: {  	_ =	swait.ge [sflag:s22], $0x2800  }
0x2bc: {  	s9 =	sshra.s32 s9, $0x2;
	[sflag:s22] =	ssyncset.done $0x0  }
0x2bd: {  	s26 =	sadd.s32 $0x1FE0, s9;
	[sflag:s22] =	ssyncadd.s32 $0xFFFFD800  }
0x2be: {  	[tilespmem:s31], [sflag:$0x3] =	stream.indirect.gather [hbm4b:s4+s28], $0x80, s26, s28, $0xb8;
	[tilespmem:$0x1FF80] =	vst v63  }
0x2bf: {  	_ =	swait.ge [sflag:s1], $0x2800  }
0x2c0: {  	[sflag:s1] =	ssyncset.done $0x0  }
0x2c1: {  	s11 =	sadd.s32 $0x80, s8;
	[sflag:s1] =	ssyncadd.s32 $0xFFFFD800  }
0x2c2: {  	[spmem:s2] =	stream.indirect.scatter.add.f32 [tilespmem:s21], [sflag:$0x6], $0x80, s11, s28, $0xb8;
	[tilespmem:$0x1FF80] =	vst v63  }
0x2c3: {  	_ =	swait.ge [sflag:s23], $0x2800  }
0x2c4: {  	[sflag:s23] =	ssyncset.done $0x0  }
0x2c5: {  	s9 =	sadd.s32 $0x2030, s9;
	[sflag:s23] =	ssyncadd.s32 $0xFFFFD800  }
0x2c6: {  	[tilespmem:s21], [sflag:$0x1] =	stream.indirect.gather [hbm4b:s4+s28], $0x80, s9, s28, $0xb8;
	[tilespmem:$0x1FF80] =	vst v63  }
0x2c7: {  	_ =	swait.ge [sflag:s30], $0x2800  }
0x2c8: {  	[sflag:s30] =	ssyncset.done $0x0  }
0x2c9: {  	s26 =	sadd.s32 $0x100, s8;
	[sflag:s30] =	ssyncadd.s32 $0xFFFFD800  }
0x2ca: {  	[spmem:s2] =	stream.indirect.scatter.add.f32 [tilespmem:s29], [sflag:$0x6], $0x80, s26, s28, $0xb8;
	[tilespmem:$0x1FF80] =	vst v63  }
0x2cb: {  	_ =	swait.ge [sflag:s23], $0x2800  }
0x2cc: {  	[sflag:s23] =	ssyncset.done $0x0  }
0x2cd: {  	[sflag:s23] =	ssyncadd.s32 $0xFFFFD800  }
0x2ce: {  	_ =	swait.ge [sflag:s24], $0x2800  }
0x2cf: {  	[sflag:s24] =	ssyncset.done $0x0  }
0x2d0: {  	s10 =	sadd.s32 $0x180, s8;
	[sflag:s24] =	ssyncadd.s32 $0xFFFFD800  }
0x2d1: {  	[spmem:s2] =	stream.indirect.scatter.add.f32 [tilespmem:s31], [sflag:$0x5], $0x80, s10, s28, $0xb8;
	[tilespmem:$0x1FF80] =	vst v63  }
0x2d2: {  	_ =	swait.ge [sflag:s22], $0x2800  }
0x2d3: {  	[sflag:s22] =	ssyncset.done $0x0  }
0x2d4: {  	[sflag:s22] =	ssyncadd.s32 $0xFFFFD800  }
0x2d5: {  	_ =	swait.ge [sflag:s1], $0x2800  }
0x2d6: {  	[sflag:s1] =	ssyncset.done $0x0  }
0x2d7: {  	[sflag:s1] =	ssyncadd.s32 $0xFFFFD800  }
0x2d8: {  	[spmem:s2] =	stream.indirect.scatter.add.f32 [tilespmem:s21], [sflag:$0x6], $0x80, s0, s28, $0xb8;
	[tilespmem:$0x1FF80] =	vst v63  }
0x2d9: {  	s11 =	stileid.u32;
	_ =	swait.ge [sflag:s23], $0x2800  }
0x2da: {  	s3 =	sadd.s32 $0x1, s3;
	s8 =	sshll.u32 s11, $0x6;
	[sflag:s23] =	ssyncset.done $0x0  }
0x2db: {  	p0 =	sne.s32 s3, s20;
	s8 =	sor.u32 $0x1C05, s8;
	[sflag:s23] =	ssyncadd.s32 $0xFFFFD800  }
.Ltmp5:
0x2dc: {  	s26 =	sshrl.u32 s5, $0x3;
	[bflag:$0x0] =	sbarrier.arrive $0xFFFF;
	(pc) =	sbr.rel @p0 .LBB2_1-.Ltmp5, $4  }
0x2dd: {  	[hbm:s19], [sflag:s8] =	dma.local [spmem:s26], $0x2800  }
0x2de: {  	_ =	swait.ge [sflag:s22], $0x2800  }
0x2df: {  	[sflag:s22] =	ssyncset.done $0x0  }
0x2e0: {  	[sflag:s22] =	ssyncadd.s32 $0xFFFFD800  }
0x2e1: {  	_ =	sfence.sel $0x180000  }
0x2e2: {  	[bflag:$0x0] =	sbarrier.arrive $0xFFFF  }
0x2e3: {  	_ =	strace $0x9000004D  }
0x2e4: {  	s0 =	stileid.u32;
	[bflag:$0x2] =	sbarrier.arrive $0xFFFF  }
0x2e5: {  	p0 =	sne.s32 s0, $0x0;
	s0 =	rddreg [dreg:$0x2]  }
0x2e6: {  	s0 =	sadd.s32 @!p0 $0x100000, s0  }
0x2e7: {  	[sflag:s0] =	ssyncadd.tile.s32 @!p0 $0x1;
	_ =	shalt  }
.Lfunc_end2:
_tile_overlayer_lowered:
.L_overlay_start_2:
0x2e8: {  	(tag) =	ssettag $0x2  }
0x2e9: {  	s0 =	rddreg [dreg:$0x0];
	s2 =	stileid.u32  }
0x2ea: {  	s1 =	rddreg [dreg:$0x1];
	p0 =	sne.s32 s2, $0x0  }
0x2eb: {  	s3 =	rddreg [dreg:$0x2];
	[bflag:$0x3] =	sbarrier.arrive $0xFFFF;
	s2 =	simm.s32 @!p0 $0x1C05  }
0x2ec: {  	[timem:s3], [sflag:s2] =	dma.local @!p0 [hbm:s0], s1  }
0x2ed: {  	s0 =	simm.s32 @!p0 $0x5  }
0x2ee: {  	_ =	swait.ge @!p0 [sflag:s0], s1  }
0x2ef: {  	s1 =	ssub.s32 @!p0 $0x0, s1;
	[sflag:s0] =	ssyncset.done @!p0 $0x0  }
0x2f0: {  	[sflag:s0] =	ssyncadd.s32 @!p0 s1  }
0x2f1: {  	[bflag:$0x3] =	sbarrier.arrive $0xFFFF  }
0x2f2: {  	_ =	shalt  }

// kernel: kernel.8.cloned.1.call-start
scs
__scs_entry_jumppad:
0x0: {  	(pc) =	sbr.rel $0x88, $3  }
0x1: {  	(tag) =	ssettag $0x0;
	lr =	simm.s32 $0x1  }
0x2: {  	[smem:$0x3F9B] =	sst lr;
	_ =	strace $0xD0000000  }
0x3: {  	_ = 	snop  }
0x4: {  	_ = 	snop  }
0x5: {  	_ = 	snop  }
0x6: {  	_ = 	snop  }
0x7: {  	_ = 	snop  }
__scs_overlays_trampoline_lowered:
0x8: {  	[smem:$0x3FAA] =	sst s0  }
0x9: {  	[smem:$0x3FAB] =	sst s1  }
0xa: {  	[smem:$0x3FAC] =	sst s2  }
0xb: {  	[smem:$0x3FAD] =	sst s3  }
0xc: {  	[smem:$0x3FAE] =	sst s4  }
0xd: {  	[smem:$0x3FAF] =	sst s5  }
0xe: {  	[smem:$0x3FB0] =	sst s6  }
0xf: {  	[smem:$0x3FB1] =	sst s7  }
0x10: {  	[smem:$0x3FB2] =	sst s8  }
0x11: {  	[smem:$0x3FB3] =	sst s9;
	s0 =	simm.s32 @!p0 $0x0  }
0x12: {  	s1 =	sld [smem:$0x3F99];
	s0 =	simm.s32 @p0 $0x1  }
0x13: {  	[smem:$0x3FB4] =	sst s0;
	s0 =	simm.s32 @!p1 $0x0  }
0x14: {  	s2 =	sld [smem:$0x3F98];
	s0 =	simm.s32 @p1 $0x1  }
0x15: {  	[smem:$0x3FB5] =	sst s0;
	s0 =	simm.s32 @!p2 $0x0  }
0x16: {  	s3 =	sld [smem:$0x3FDB];
	s0 =	simm.s32 @p2 $0x1  }
0x17: {  	s4 =	simm.s32 $0x1BF5;
	[smem:$0x3FB7] =	sst s0  }
0x18: {  	s0 =	sld [smem:$0x3F9A];
	_ =	swait.ge [sflag:s4], $0x0  }
0x19: {  	s7 =	sld [smem:$0x3F9B]  }
0x1a: {  	s8 =	sadd.s32 $0xFFFFE003, lr  }
0x1b: {  	s9 =	sadd.s32 $0xFFFFFEF7, lr;
	s5 =	simm.s32 $0xFFFFFFFF;
	p2 =	slt.u32 s8, $0xFFFFF086  }
0x1c: {  	p1 =	slt.u32 s9, $0xF7A;
	s5 =	simm.s32 @!p2 $0x0  }
0x1d: {  	s5 =	simm.s32 @p1 $0x1;
	p0 =	seq.s32 s7, s2  }
0x1e: {  	s7 =	smul.u32 @!p0 $0xF7A, s2;
	p2 =	seq.s32 @!p0 s5, $0x0  }
0x1f: {  	s9 =	smul.u32 $0xF7A, s1;
	s8 =	simm.s32 @!p0 $0x1BF5;
	p2 =	por !p2, p0  }
0x20: {  	[sflag:s8] =	ssyncset.s32 @!p0 $0xFFFFF086;
	s6 =	sadd.s32 @!p0 s3, s7;
	s7 =	simm.s32 @!p0 $0x108  }
0x21: {  	s3 =	sadd.s32 s3, s9;
	s6 =	sadd.s32 @!p0 $0x88, s6;
	s7 =	simm.s32 @p2 $0x1082  }
0x22: {  	[simem:s7], [sflag:s8] =	dma.local @!p0 [hbm:s6], $0xF7A  }
0x23: {  	s9 =	sor.u32 $0xD0000000, s2;
	s6 =	simm.s32 $0x108;
	_ =	swait.ge @!p0 [sflag:s8], $0x0  }
0x24: {  	s3 =	sadd.s32 $0x88, s3;
	s6 =	simm.s32 @!p1 $0x1082;
	[sflag:s4] =	ssyncset.s32 $0xFFFFF086  }
0x25: {  	[simem:s6], [sflag:s4] =	dma.local [hbm:s3], $0xF7A  }
0x26: {  	[smem:$0x3F9B] =	sst s1;
	(tag) =	ssettag s2;
	_ =	strace s9  }
0x27: {  	s1 =	sld [smem:$0x3FAB]  }
0x28: {  	s2 =	sld [smem:$0x3FAC]  }
0x29: {  	s4 =	sld [smem:$0x3FAE]  }
0x2a: {  	p0 =	seq.s32 s5, $0x0;
	s5 =	sld [smem:$0x3FAF]  }
0x2b: {  	s6 =	sld [smem:$0x3FB0]  }
0x2c: {  	s7 =	sld [smem:$0x3FB1]  }
0x2d: {  	s3 =	simm.s32 $0x108;
	s8 =	sld [smem:$0x3FB2]  }
0x2e: {  	s3 =	simm.s32 @!p0 $0x1082;
	s9 =	sld [smem:$0x3FB3]  }
0x2f: {  	lr =	sadd.s32 s0, s3;
	s0 =	sld [smem:$0x3FAA]  }
0x30: {  	s3 =	sld [smem:$0x3FAD]  }
0x31: {  	[smem:$0x3FB6] =	sst s10  }
0x32: {  	s10 =	sld [smem:$0x3FB4];
	_ =	sdelay $0x3  }
0x33: {  	p0 =	seq.s32 s10, $0x1;
	s10 =	sld [smem:$0x3FB6];
	_ =	sdelay $0x3  }
0x34: {  	[smem:$0x3FB6] =	sst s10  }
0x35: {  	s10 =	sld [smem:$0x3FB5];
	_ =	sdelay $0x3  }
0x36: {  	p1 =	seq.s32 s10, $0x1;
	s10 =	sld [smem:$0x3FB6];
	_ =	sdelay $0x3  }
0x37: {  	[smem:$0x3FB6] =	sst s10  }
0x38: {  	s10 =	sld [smem:$0x3FB7]  }
0x39: {  	_ = 	snop;
	(pc) =	sbr.ind lr, $3  }
0x3a: {  	_ = 	snop  }
0x3b: {  	_ = 	snop  }
0x3c: {  	p2 =	seq.s32 s10, $0x1;
	s10 =	sld [smem:$0x3FB6]  }
0x3d: {  	_ =	shalt  }
0x3e: {  	_ =	shalt  }
0x3f: {  	_ =	shalt  }
0x40: {  	_ =	shalt  }
0x41: {  	_ =	shalt  }
0x42: {  	_ =	shalt  }
0x43: {  	_ =	shalt  }
0x44: {  	_ =	shalt  }
0x45: {  	_ =	shalt  }
0x46: {  	_ =	shalt  }
0x47: {  	_ =	shalt  }
0x48: {  	_ =	shalt  }
0x49: {  	_ =	shalt  }
0x4a: {  	_ =	shalt  }
0x4b: {  	_ =	shalt  }
0x4c: {  	_ =	shalt  }
0x4d: {  	_ =	shalt  }
0x4e: {  	_ =	shalt  }
0x4f: {  	_ =	shalt  }
0x50: {  	_ =	shalt  }
0x51: {  	_ =	shalt  }
0x52: {  	_ =	shalt  }
0x53: {  	_ =	shalt  }
0x54: {  	_ =	shalt  }
0x55: {  	_ =	shalt  }
0x56: {  	_ =	shalt  }
0x57: {  	_ =	shalt  }
0x58: {  	_ =	shalt  }
0x59: {  	_ =	shalt  }
0x5a: {  	_ =	shalt  }
0x5b: {  	_ =	shalt  }
0x5c: {  	_ =	shalt  }
0x5d: {  	_ =	shalt  }
0x5e: {  	_ =	shalt  }
0x5f: {  	_ =	shalt  }
0x60: {  	_ =	shalt  }
0x61: {  	_ =	shalt  }
0x62: {  	_ =	shalt  }
0x63: {  	_ =	shalt  }
0x64: {  	_ =	shalt  }
0x65: {  	_ =	shalt  }
0x66: {  	_ =	shalt  }
0x67: {  	_ =	shalt  }
0x68: {  	_ =	shalt  }
0x69: {  	_ =	shalt  }
0x6a: {  	_ =	shalt  }
0x6b: {  	_ =	shalt  }
0x6c: {  	_ =	shalt  }
0x6d: {  	_ =	shalt  }
0x6e: {  	_ =	shalt  }
0x6f: {  	_ =	shalt  }
0x70: {  	_ =	shalt  }
0x71: {  	_ =	shalt  }
0x72: {  	_ =	shalt  }
0x73: {  	_ =	shalt  }
0x74: {  	_ =	shalt  }
0x75: {  	_ =	shalt  }
0x76: {  	_ =	shalt  }
0x77: {  	_ =	shalt  }
0x78: {  	_ =	shalt  }
0x79: {  	_ =	shalt  }
0x7a: {  	_ =	shalt  }
0x7b: {  	_ =	shalt  }
0x7c: {  	_ =	shalt  }
0x7d: {  	_ =	shalt  }
0x7e: {  	_ =	shalt  }
0x7f: {  	_ =	shalt  }
0x80: {  	_ =	shalt  }
0x81: {  	_ =	shalt  }
0x82: {  	_ =	shalt  }
0x83: {  	_ =	shalt  }
0x84: {  	_ =	shalt  }
0x85: {  	_ =	shalt  }
0x86: {  	_ =	shalt  }
0x87: {  	_ =	shalt  }
.Lfunc_end0:
.L_simem_size_0:
called_computation_lowered:
.L_overlay_start_0:
0x88: {  	s2 =	sld [smem:$0x3FD9]  }
0x89: {  	s3 =	sld [smem:$0x3FFE];
	_ =	sdelay $0x1  }
0x8a: {  	s1 =	srdreg.scid  }
0x8b: {  	s0 =	sand.u32 $0x1, s1  }
0x8c: {  	s17 =	sshll.u32 s0, $0xA;
	s2 =	sadd.s32 s3, s2  }
0x8d: {  	s2 =	sadd.s32 s2, s17  }
0x8e: {  	[smem:$0x3FC2] =	sst s2  }
0x8f: {  	_ = 	snop  }
0x90: {  	s2 =	sld [smem:$0x3FD0];
	(tm) =	ssettm $0x1  }
0x91: {  	s18 =	sld [smem:$0x3FFB];
	_ =	sdelay $0x3  }
0x92: {  	_ =	strace s18  }
0x93: {  	s3 =	sld [smem:$0x3FFC];
	_ =	sdelay $0x3  }
0x94: {  	_ =	strace s3  }
0x95: {  	s3 =	sld [smem:$0x3FFD];
	_ =	sdelay $0x3  }
0x96: {  	_ =	strace s3  }
0x97: {  	_ =	strace $0x8FFFFFFF  }
0x98: {  	s19 =	sld [smem:$0x3FDB];
	_ =	sdelay $0x1  }
0x99: {  	s4 =	simm.s32 $_scs_section_size  }
0x9a: {  	s5 =	simm.s32 $_size__tile_overlayer_lowered;
	s6 =	simm.s32 $_tile_overlayer_lowered  }
0x9b: {  	s22 =	simm.s32 $0x1BFF;
	s21 =	sshll.u32 s6, $0x1;
	s3 =	sadd.s32 s4, s19  }
0x9c: {  	s7 =	simm.s32 $0x0;
	s20 =	sshll.u32 s5, $0x1;
	s5 =	sadd.s32 s21, s3  }
0x9d: {  	[timem:s7], [sflag:s22] =	dma.local [hbm:s5], s20  }
0x9e: {  	_ =	swait.ge [sflag:s22], s20  }
0x9f: {  	s4 =	ssub.s32 $0x0, s20;
	[sflag:s22] =	ssyncset.done $0x0  }
0xa0: {  	[sflag:s22] =	ssyncadd.s32 s4;
	_ =	sdelay $0x1  }
0xa1: {  	s23 =	simm.s32 $0x1B8B  }
0xa2: {  	_ =	swait.ge [sflag:s23], $0x1  }
0xa3: {  	[sflag:s23] =	ssyncset.done $0x0  }
0xa4: {  	s25 =	simm.s32 $0x1B8E;
	s24 =	sld [smem:$0x3FFE];
	[sflag:s23] =	ssyncadd.s32 $0xFFFFFFFF  }
0xa5: {  	s26 =	simm.s32 $execute0_lowered;
	[smem:$0x3FD2] =	sst s25  }
0xa6: {  	s5 =	sshll.u32 s26, $0x1;
	_ =	strace $0x80000046;
	[dreg:$0x1] =	wrdreg $0xFFFFFFFF  }
0xa7: {  	s28 =	simm.s32 $_size_execute0_lowered;
	s3 =	sadd.s32 s3, s5;
	[dreg:$0x0] =	wrdreg $0x0  }
0xa8: {  	s5 =	sshll.u32 s28, $0x1;
	[dreg:$0x2] =	wrdreg s3  }
0xa9: {  	[dreg:$0x3] =	wrdreg s5  }
0xaa: {  	[dreg:$0x4] =	wrdreg $0xC0  }
0xab: {  	_ =	task [dreg:s7], $0x5FFFF  }
0xac: {  	[dreg:$0x1] =	wrdreg $0xFFFFFFFF  }
0xad: {  	[dreg:$0x0] =	wrdreg $0x60  }
0xae: {  	[dreg:$0x2] =	wrdreg s2  }
0xaf: {  	[dreg:$0x3] =	wrdreg s24  }
0xb0: {  	[dreg:$0x4] =	wrdreg $0x43000  }
0xb1: {  	[dreg:$0x5] =	wrdreg $0x9  }
0xb2: {  	_ =	task.clear_ibuf [dreg:s7], $0x6FFFF;
	_ =	strace $0x90000046  }
0xb3: {  	s29 =	simm.s32 $0x9;
	_ =	strace $0x80000048  }
0xb4: {  	_ =	swait.ge [sflag:s29], $0x1  }
0xb5: {  	[sflag:s29] =	ssyncadd.s32 $0xFFFFFFFF  }
0xb6: {  	_ =	strace $0x90000048  }
0xb7: {  	_ =	sfence  }
0xb8: {  	s30 =	sld [smem:$0x0];
	_ =	sdelay $0x2  }
0xb9: {  	s31 =	sshll.u32 s1, $0xD;
	s1 =	sshrl.u32 s1, $0x2  }
0xba: {  	s3 =	sand.u32 $0x4000, s31;
	s1 =	sadd.s32 s1, s30  }
0xbb: {  	s0 =	sor.u32 s3, s0;
	s1 =	sshll.u32 s1, $0x11  }
0xbc: {  	s0 =	sor.u32 s1, s0  }
0xbd: {  	s0 =	sadd.s32 $0x8F2B, s0  }
0xbe: {  	[sflag:s0] =	ssyncadd.remote.s32 $0x1  }
0xbf: {  	_ =	sfence.sel $0xFFFF  }
0xc0: {  	[dreg:$0x0] =	wrdreg $0xFFFFFFFF;
	(pc) =	sbr.abs _section_cstart, $3  }
0xc1: {  	[dreg:$0x1] =	wrdreg $0xFFFFFFFF  }
0xc2: {  	_ =	task.clear_ibuf [dreg:s7], $0x2FFFF;
	_ =	strace $0x9FFFFFFF  }
0xc3: {  	(tm) =	ssettm $0x7FFFFFFF  }
tec
execute0_lowered:
.L_overlay_start_1:
0x0: {  	(tag) =	ssettag $0x1  }
0x1: {  	s4 =	rddreg [dreg:$0x0]  }
0x2: {  	s5 =	rddreg [dreg:$0x1]  }
0x3: {  	s2 =	rddreg [dreg:$0x2]  }
0x4: {  	s0 =	rddreg [dreg:$0x3]  }
0x5: {  	s6 =	srdreg.scid;
	s1 =	stileid.u32;
	s3 =	simm.s32 $0x0  }
0x6: {  	s11 =	simm.s32 $0x50;
	s14 =	simm.s32 $0x20;
	s15 =	simm.s32 $0x10  }
0x7: {  	s16 =	simm.s32 $0x0;
	s6 =	sand.u32 $0x1, s6;
	s7 =	smul.u32 $0x500, s1  }
0x8: {  	[smem:$0x7FF] =	sst s3;
	s9 =	smul.u32 $0xA00, s1;
	s10 =	sshll.u32 s1, $0xB  }
0x9: {  	s12 =	sshll.u32 s1, $0x6;
	s8 =	sshll.u32 s6, $0x7;
	_ =	strace $0x80000047  }
0xa: {  	s30 =	ssub.s32 $0x2, s6;
	s6 =	sshll.u32 s6, $0xF;
	s10 =	sadd.s32 s4, s10  }
0xb: {  	s12 =	sor.u32 $0x1C01, s12;
	s7 =	sor.u32 s8, s7;
	s31 =	sshrl.u32 s30, $0x1  }
0xc: {  	s9 =	sshrl.u32 s9, $0x2;
	s7 =	sshrl.u32 s7, $0x3;
	s8 =	ssub.s32 s30, s31  }
0xd: {  	s4 =	sadd.s32 s9, s2;
	s9 =	simm.s32 $0x1;
	s7 =	sadd.s32 s7, s5  }
0xe: {  	s5 =	sadd.s32 s6, s10;
	s10 =	simm.s32 $0x80;
	s13 =	sshrl.u32 s4, $0x3  }
0xf: {  	v0 =	vimm.f32 $1.000000000e+00;
	v1 =	vimm.f32 $0.0e+00;
	s6 =	sadd.s32 $0x1C00, s7;
	s7 =	smax.u32 s8, $0x1;
	s8 =	simm.s32 $0x4080  }
.LBB2_1:
0x10: {  	[tilespmem:$0x0] =	vst v0  }
0x11: {  	[tilespmem:$0x10] =	vst v0  }
0x12: {  	[tilespmem:$0x20] =	vst v0  }
0x13: {  	[tilespmem:$0x30] =	vst v0  }
0x14: {  	[tilespmem:$0x40] =	vst v0  }
0x15: {  	[tilespmem:$0x4080] =	vst v1  }
0x16: {  	[tilespmem:$0x4090] =	vst v1  }
0x17: {  	[tilespmem:$0x40A0] =	vst v1  }
0x18: {  	[tilespmem:$0x40B0] =	vst v1  }
0x19: {  	[tilespmem:$0x40C0] =	vst v1  }
0x1a: {  	[tilespmem:$0x40D0] =	vst v1  }
0x1b: {  	[tilespmem:$0x40E0] =	vst v1  }
0x1c: {  	[tilespmem:$0x40F0] =	vst v1  }
0x1d: {  	[tilespmem:$0x4100] =	vst v1  }
0x1e: {  	[tilespmem:$0x4110] =	vst v1  }
0x1f: {  	[tilespmem:$0x4120] =	vst v1  }
0x20: {  	[tilespmem:$0x4130] =	vst v1  }
0x21: {  	[tilespmem:$0x4140] =	vst v1  }
0x22: {  	[tilespmem:$0x4150] =	vst v1  }
0x23: {  	[tilespmem:$0x4160] =	vst v1  }
0x24: {  	[tilespmem:$0x4170] =	vst v1  }
0x25: {  	[tilespmem:$0x4180] =	vst v1  }
0x26: {  	[tilespmem:$0x4190] =	vst v1  }
0x27: {  	[tilespmem:$0x41A0] =	vst v1  }
0x28: {  	[tilespmem:$0x41B0] =	vst v1  }
0x29: {  	[tilespmem:$0x41C0] =	vst v1  }
0x2a: {  	[tilespmem:$0x41D0] =	vst v1  }
0x2b: {  	[tilespmem:$0x41E0] =	vst v1  }
0x2c: {  	[tilespmem:$0x41F0] =	vst v1  }
0x2d: {  	[tilespmem:$0x4200] =	vst v1  }
0x2e: {  	[tilespmem:$0x4210] =	vst v1  }
0x2f: {  	[tilespmem:$0x4220] =	vst v1  }
0x30: {  	[tilespmem:$0x4230] =	vst v1  }
0x31: {  	[tilespmem:$0x4240] =	vst v1  }
0x32: {  	[tilespmem:$0x4250] =	vst v1  }
0x33: {  	[tilespmem:$0x4260] =	vst v1  }
0x34: {  	[tilespmem:$0x4270] =	vst v1  }
0x35: {  	[tilespmem:$0x4280] =	vst v1  }
0x36: {  	[tilespmem:$0x4290] =	vst v1  }
0x37: {  	[tilespmem:$0x42A0] =	vst v1  }
0x38: {  	[tilespmem:$0x42B0] =	vst v1  }
0x39: {  	[tilespmem:$0x42C0] =	vst v1  }
0x3a: {  	[tilespmem:$0x42D0] =	vst v1  }
0x3b: {  	[tilespmem:$0x42E0] =	vst v1  }
0x3c: {  	[tilespmem:$0x42F0] =	vst v1  }
0x3d: {  	[spmem:s4] =	stream.linear.scatter [tilespmem:s8], [sflag:$0x1], $0x280, $0x38;
	[tilespmem:$0x4580] =	vst v63  }
0x3e: {  	_ =	swait.ge [sflag:s9], $0x280  }
0x3f: {  	[sflag:s9] =	ssyncset.done $0x0  }
0x40: {  	[sflag:s9] =	ssyncadd.s32 $0xFFFFFD80  }
0x41: {  	[bflag:$0x0] =	sbarrier.arrive $0xFFFF  }
0x42: {  	[tilespmem:s10], [sflag:$0x1] =	stream.linear.gather [hbm4b:s5+s3], $0x3E80, $0x38;
	[tilespmem:$0x4580] =	vst v63  }
0x43: {  	_ =	swait.ge [sflag:s9], $0x3E80  }
0x44: {  	[sflag:s9] =	ssyncset.done $0x0  }
0x45: {  	s17 =	simm.s32 $0x80;
	[sflag:s9] =	ssyncadd.s32 $0xFFFFC180  }
0x46: {  	[spmem:s2] =	stream.indirect.scatter.add.f32 [tilespmem:s3], [sflag:$0x1], $0x1, s17, s11, $0xb8;
	[tilespmem:$0x4580] =	vst v63  }
0x47: {  	s17 =	simm.s32 $0x200;
	_ =	swait.ge [sflag:s9], $0x50  }
.LBB2_2:
0x48: {  	s18 =	sshra.s32 s17, $0x2;
	[sflag:s9] =	ssyncset.done $0x0;
	p0 =	sne.s32 s17, $0xF800  }
.Ltmp0:
0x49: {  	s18 =	sadd.s32 $0x80, s18;
	[sflag:s9] =	ssyncadd.s32 $0xFFFFFFB0;
	(pc) =	sbr.rel @p0 .LBB2_2-.Ltmp0, $3  }
0x4a: {  	[spmem:s2] =	stream.indirect.scatter.add.f32 [tilespmem:s3], [sflag:$0x1], $0x1, s18, s11, $0xb8;
	[tilespmem:$0x4580] =	vst v63  }
0x4b: {  	s17 =	sadd.s32 $0x200, s17;
	_ =	sdelay $0x1  }
0x4c: {  	_ =	swait.ge [sflag:s9], $0x50  }
0x4d: {  	[sflag:s9] =	ssyncset.done $0x0;
	s16 =	sadd.s32 $0x1, s16  }
0x4e: {  	[sflag:s9] =	ssyncadd.s32 $0xFFFFFFB0;
	p0 =	sne.s32 s16, s7  }
.Ltmp1:
0x4f: {  	[bflag:$0x0] =	sbarrier.arrive $0xFFFF;
	(pc) =	sbr.rel @p0 .LBB2_1-.Ltmp1, $4  }
0x50: {  	[hbm:s6@s14], [sflag:s12] =	dma.strided [spmem:s13@s15], $0x50, s9, $0x10   }
0x51: {  	_ =	swait.ge [sflag:s9], $0x50  }
0x52: {  	[sflag:s9] =	ssyncset.done $0x0  }
0x53: {  	[sflag:s9] =	ssyncadd.s32 $0xFFFFFFB0  }
0x54: {  	_ =	sfence.sel $0x180000  }
0x55: {  	[bflag:$0x0] =	sbarrier.arrive $0xFFFF  }
0x56: {  	p0 =	sne.s32 s1, $0x0;
	_ =	strace $0x90000047  }
0x57: {  	s0 =	sadd.s32 @!p0 $0x100000, s0;
	[bflag:$0x2] =	sbarrier.arrive $0xFFFF  }
0x58: {  	[sflag:s0] =	ssyncadd.tile.s32 @!p0 $0x1;
	_ =	shalt  }
.Lfunc_end2:
_tile_overlayer_lowered:
.L_overlay_start_2:
0x59: {  	(tag) =	ssettag $0x2  }
0x5a: {  	s0 =	rddreg [dreg:$0x0];
	s2 =	stileid.u32  }
0x5b: {  	s1 =	rddreg [dreg:$0x1];
	p0 =	sne.s32 s2, $0x0  }
0x5c: {  	s3 =	rddreg [dreg:$0x2];
	[bflag:$0x3] =	sbarrier.arrive $0xFFFF;
	s2 =	simm.s32 @!p0 $0x1C01  }
0x5d: {  	[timem:s3], [sflag:s2] =	dma.local @!p0 [hbm:s0], s1  }
0x5e: {  	s0 =	simm.s32 @!p0 $0x1  }
0x5f: {  	_ =	swait.ge @!p0 [sflag:s0], s1  }
0x60: {  	s1 =	ssub.s32 @!p0 $0x0, s1;
	[sflag:s0] =	ssyncset.done @!p0 $0x0  }
0x61: {  	[sflag:s0] =	ssyncadd.s32 @!p0 s1  }
0x62: {  	[bflag:$0x3] =	sbarrier.arrive $0xFFFF  }
0x63: {  	_ =	shalt  }

</sc_bundles>
